<compile_context>
chip_gen: v7x
topology: tpu7x:2x2x1
jax: 0.10.2.dev20260603
libtpu: 0.0.44.dev20260713+nightly
codegen_flags: <defaults>
</compile_context>

<pallas_src>
import functools

import jax
import jax.numpy as jnp
from jax import lax
from jax.experimental import pallas as pl
from jax.experimental.pallas import tpu as pltpu
from jax.experimental.pallas import tpu_sc as plsc

N = 4096
K = 16
DH = 64
EPS = 1e-5
NK = N * K
BIG = 1e30
BIG2 = 2e30

R_KNN = 512
NB_KNN = N // R_KNN


CW = 128
_WIDTHS = (1280, 2304, 4096)


def _select_topk(W, d_ref, idx_ref, lo):
    cols = lax.broadcasted_iota(jnp.int32, (R_KNN, W), 1)
    lanes = lax.broadcasted_iota(jnp.int32, (R_KNN, K), 1)

    def step(k, idxacc):
        dd = d_ref[:, :W]
        m = jnp.min(dd, axis=1, keepdims=True)
        cand = jnp.where(dd == m, cols, jnp.int32(N))
        a = jnp.min(cand, axis=1, keepdims=True)
        d_ref[:, :W] = jnp.where(cols == a, BIG2, dd)
        return jnp.where(lanes == k, a, idxacc)

    idxacc = lax.fori_loop(0, K, step, jnp.zeros((R_KNN, K), jnp.int32))
    idx_ref[...] = jnp.minimum(idxacc + lo, N - 1)


def _knn_uv_body(C, x_ref, xt_ref, br_ref, bc_ref, desc_ref, w1_ref, b1_ref,
                 idx_ref, u_ref, v_ref, d_ref):
    i = pl.program_id(0)
    lo = desc_ref[i, 0]
    nch = desc_ref[i, 1]
    xb = x_ref[...]
    br = br_ref[...]
    sq_r = jnp.sum(xb * xb, axis=1, keepdims=True)
    def fill_and_select(W):
        ls = pl.multiple_of(jnp.minimum(lo, N - W), CW)
        shift = lo - ls
        xtw = xt_ref[:, pl.ds(ls, W)]
        p = lax.dot_general(xb, xtw, (((1,), (0,)), ((), ())),
                            preferred_element_type=jnp.float32)
        sq_c = jnp.sum(xtw * xtw, axis=0, keepdims=True)
        d = (sq_r + sq_c) - 2.0 * p
        cols = lax.broadcasted_iota(jnp.int32, (R_KNN, W), 1)
        valid = ((cols >= shift) & (cols < shift + nch * CW)
                 & (br == bc_ref[:, pl.ds(ls, W)]))
        d_ref[:, :W] = jnp.where(valid, d, BIG)
        _select_topk(W, d_ref, idx_ref, ls)

    @pl.when(nch <= _WIDTHS[0] // CW)
    def _():
        fill_and_select(_WIDTHS[0])

    @pl.when((nch > _WIDTHS[0] // CW) & (nch <= _WIDTHS[1] // CW))
    def _():
        fill_and_select(_WIDTHS[1])

    @pl.when(nch > _WIDTHS[1] // CW)
    def _():
        fill_and_select(_WIDTHS[2])

    w1 = w1_ref[...]
    wa = w1[0:C, :] - w1[C:2 * C, :]
    wb = w1[C:2 * C, :]
    u_ref[...] = lax.dot_general(xb, wa, (((1,), (0,)), ((), ())),
                                 preferred_element_type=jnp.float32) + b1_ref[...]
    v_ref[...] = lax.dot_general(xb, wb, (((1,), (0,)), ((), ())),
                                 preferred_element_type=jnp.float32)


def _knn_uv(x, xt, batch_r, batch_c, desc, w1, b1, C):
    return pl.pallas_call(
        functools.partial(_knn_uv_body, C),
        grid=(NB_KNN,),
        in_specs=[
            pl.BlockSpec((R_KNN, C), lambda i: (i, 0)),
            pl.BlockSpec((C, N), lambda i: (0, 0)),
            pl.BlockSpec((R_KNN, 1), lambda i: (i, 0)),
            pl.BlockSpec((1, N), lambda i: (0, 0)),
            pl.BlockSpec(memory_space=pltpu.SMEM),
            pl.BlockSpec((2 * C, DH), lambda i: (0, 0)),
            pl.BlockSpec((1, DH), lambda i: (0, 0)),
        ],
        out_specs=[
            pl.BlockSpec((R_KNN, K), lambda i: (i, 0)),
            pl.BlockSpec((R_KNN, DH), lambda i: (i, 0)),
            pl.BlockSpec((R_KNN, DH), lambda i: (i, 0)),
        ],
        out_shape=[
            jax.ShapeDtypeStruct((N, K), jnp.int32),
            jax.ShapeDtypeStruct((N, DH), jnp.float32),
            jax.ShapeDtypeStruct((N, DH), jnp.float32),
        ],
        scratch_shapes=[pltpu.VMEM((R_KNN, N), jnp.float32)],
    )(x, xt, batch_r, batch_c, desc, w1, b1)


SC_NC = 2
SC_NS = 16
SC_NW = SC_NC * SC_NS
GCH = 128
ROWS_PER_W = NK // SC_NW
N_CHUNKS = ROWS_PER_W // GCH


def _gather_body(v_hbm, idx_hbm, out_hbm, idx_v, rows_v0, rows_v1, rows_v2,
                 rows_v3, gsem0, gsem1, gsem2, gsem3, ssem0, ssem1, ssem2,
                 ssem3):
    wid = lax.axis_index("s") * SC_NC + lax.axis_index("c")
    rows_v = (rows_v0, rows_v1, rows_v2, rows_v3)
    gsem = (gsem0, gsem1, gsem2, gsem3)
    ssem = (ssem0, ssem1, ssem2, ssem3)
    base0 = wid * ROWS_PER_W
    pltpu.sync_copy(idx_hbm.at[pl.ds(base0, ROWS_PER_W)], idx_v)

    def start_gather(c):
        b = c % 4
        return pltpu.async_copy(
            v_hbm.at[idx_v.at[pl.ds(c * GCH, GCH)]], rows_v[b], gsem[b])

    gathers = [start_gather(0), start_gather(1)]
    stores = [None, None, None, None]
    for c in range(N_CHUNKS):
        b = c % 4
        if c + 2 < N_CHUNKS:
            b2 = (c + 2) % 4
            if stores[b2] is not None:
                stores[b2].wait()
            gathers.append(start_gather(c + 2))
        gathers[c].wait()
        stores[b] = pltpu.async_copy(
            rows_v[b], out_hbm.at[pl.ds(base0 + c * GCH, GCH)], ssem[b])
    for st in stores:
        st.wait()


@functools.lru_cache(maxsize=1)
def _build_gather():
    return functools.partial(
        pl.kernel,
        out_type=jax.ShapeDtypeStruct((NK, DH), jnp.float32),
        mesh=plsc.VectorSubcoreMesh(core_axis_name="c", subcore_axis_name="s"),
        scratch_types=[
            pltpu.VMEM((ROWS_PER_W,), jnp.int32),
            pltpu.VMEM((GCH, DH), jnp.float32),
            pltpu.VMEM((GCH, DH), jnp.float32),
            pltpu.VMEM((GCH, DH), jnp.float32),
            pltpu.VMEM((GCH, DH), jnp.float32),
            pltpu.SemaphoreType.DMA,
            pltpu.SemaphoreType.DMA,
            pltpu.SemaphoreType.DMA,
            pltpu.SemaphoreType.DMA,
            pltpu.SemaphoreType.DMA,
            pltpu.SemaphoreType.DMA,
            pltpu.SemaphoreType.DMA,
            pltpu.SemaphoreType.DMA,
        ],
        compiler_params=pltpu.CompilerParams(use_tc_tiling_on_sc=False),
    )(_gather_body)


def _gather_rows(v, idx_flat):
    return _build_gather()(v, idx_flat)


R_BN = 512
NB_BN = N // R_BN


def _bn_body(vg_ref, u_ref, g_ref, be_ref, w2_ref, b2_ref, out_ref, outt_ref,
             acc_ref, hbuf_ref):
    i = pl.program_id(0)

    @pl.when(i == 0)
    def _():
        acc_ref[...] = jnp.zeros_like(acc_ref)

    @pl.when(i < NB_BN)
    def _():
        u = u_ref[...]
        s = jnp.zeros((1, DH), jnp.float32)
        ss = jnp.zeros((1, DH), jnp.float32)
        for k in range(K):
            hk = u + vg_ref[:, k * DH:(k + 1) * DH]
            s = s + jnp.sum(hk, axis=0, keepdims=True)
            ss = ss + jnp.sum(hk * hk, axis=0, keepdims=True)
        acc_ref[0:1, 0:DH] = acc_ref[0:1, 0:DH] + s
        acc_ref[1:2, 0:DH] = acc_ref[1:2, 0:DH] + ss

    @pl.when(i >= NB_BN)
    def _():
        s = acc_ref[0:1, 0:DH]
        ss = acc_ref[1:2, 0:DH]
        m = s * (1.0 / NK)
        var = ss * (1.0 / NK) - m * m
        scale = g_ref[...] / jnp.sqrt(var + EPS)
        bias = be_ref[...] - m * scale
        u = u_ref[...]
        for k in range(K):
            hk = u + vg_ref[:, k * DH:(k + 1) * DH]
            hbuf_ref[k * R_BN:(k + 1) * R_BN, :] = jnp.maximum(
                hk * scale + bias, 0.0)
        z = lax.dot_general(hbuf_ref[...], w2_ref[...],
                            (((1,), (0,)), ((), ())),
                            preferred_element_type=jnp.float32) + b2_ref[...]
        r = z[0:R_BN, :]
        for k in range(1, K):
            r = jnp.maximum(r, z[k * R_BN:(k + 1) * R_BN, :])
        out_ref[...] = r
        outt_ref[...] = r.T


def _bn_mlp_max(vg, u, g1, be1, w2, b2):
    return pl.pallas_call(
        _bn_body,
        grid=(2 * NB_BN,),
        in_specs=[
            pl.BlockSpec((R_BN, K * DH), lambda i: (i % NB_BN, 0)),
            pl.BlockSpec((R_BN, DH), lambda i: (i % NB_BN, 0)),
            pl.BlockSpec((1, DH), lambda i: (0, 0)),
            pl.BlockSpec((1, DH), lambda i: (0, 0)),
            pl.BlockSpec((DH, DH), lambda i: (0, 0)),
            pl.BlockSpec((1, DH), lambda i: (0, 0)),
        ],
        out_specs=[
            pl.BlockSpec((R_BN, DH), lambda i: (i % NB_BN, 0)),
            pl.BlockSpec((DH, R_BN), lambda i: (0, i % NB_BN)),
        ],
        out_shape=[
            jax.ShapeDtypeStruct((N, DH), jnp.float32),
            jax.ShapeDtypeStruct((DH, N), jnp.float32),
        ],
        scratch_shapes=[
            pltpu.VMEM((8, 128), jnp.float32),
            pltpu.VMEM((K * R_BN, DH), jnp.float32),
        ],
    )(vg, u, g1, be1, w2, b2)


R_HD = 512
NB_HD = N // R_HD


def _head_body(x1_ref, x2_ref, x3_ref, w1_ref, b1_ref, w2_ref, b2_ref,
               w3_ref, b3_ref, w4_ref, b4_ref, out_ref):
    h = jnp.concatenate([x1_ref[...], x2_ref[...], x3_ref[...]], axis=1)
    h = jnp.maximum(lax.dot_general(h, w1_ref[...], (((1,), (0,)), ((), ())),
                                    preferred_element_type=jnp.float32)
                    + b1_ref[...], 0.0)
    h = jnp.maximum(lax.dot_general(h, w2_ref[...], (((1,), (0,)), ((), ())),
                                    preferred_element_type=jnp.float32)
                    + b2_ref[...], 0.0)
    h = jnp.maximum(lax.dot_general(h, w3_ref[...], (((1,), (0,)), ((), ())),
                                    preferred_element_type=jnp.float32)
                    + b3_ref[...], 0.0)
    h = lax.dot_general(h, w4_ref[...], (((1,), (0,)), ((), ())),
                        preferred_element_type=jnp.float32) + b4_ref[...]
    m = jnp.max(h, axis=1, keepdims=True)
    sh = h - m
    lse = jnp.log(jnp.sum(jnp.exp(sh), axis=1, keepdims=True))
    out_ref[...] = sh - lse


def _head(x1, x2, x3, w1, b1, w2, b2, w3, b3, w4, b4):
    dims = [192, 256, 128, 64, 16]
    full = lambda shape: pl.BlockSpec(shape, lambda i: (0, 0))
    return pl.pallas_call(
        _head_body,
        grid=(NB_HD,),
        in_specs=[
            pl.BlockSpec((R_HD, DH), lambda i: (i, 0)),
            pl.BlockSpec((R_HD, DH), lambda i: (i, 0)),
            pl.BlockSpec((R_HD, DH), lambda i: (i, 0)),
            full((dims[0], dims[1])), full((1, dims[1])),
            full((dims[1], dims[2])), full((1, dims[2])),
            full((dims[2], dims[3])), full((1, dims[3])),
            full((dims[3], dims[4])), full((1, dims[4])),
        ],
        out_specs=pl.BlockSpec((R_HD, dims[4]), lambda i: (i, 0)),
        out_shape=jax.ShapeDtypeStruct((N, dims[4]), jnp.float32),
    )(x1, x2, x3, w1, b1, w2, b2, w3, b3, w4, b4)


def _block_windows(batch):
    g_first = batch[R_KNN * jnp.arange(NB_KNN)]
    g_last = batch[R_KNN * jnp.arange(NB_KNN) + (R_KNN - 1)]
    starts = jnp.searchsorted(batch, g_first, side="left").astype(jnp.int32)
    ends = jnp.searchsorted(batch, g_last, side="right").astype(jnp.int32)
    lo = (starts // CW) * CW
    nch = (ends - lo + CW - 1) // CW
    return jnp.stack([lo, nch], axis=1)


def _edge_conv_layer(x, xt, batch_r, batch_c, desc, W1, b1, g1, be1, W2, b2):
    C = x.shape[1]
    idx, u, v = _knn_uv(x, xt, batch_r, batch_c, desc, W1, b1.reshape(1, DH), C)
    vg = _gather_rows(v, idx.reshape(-1))
    vg = vg.reshape(N, K * DH)
    return _bn_mlp_max(vg, u, g1.reshape(1, DH), be1.reshape(1, DH),
                       W2, b2.reshape(1, DH))


def kernel(x, batch, c1_W1, c1_b1, c1_g1, c1_be1, c1_W2, c1_b2,
           c2_W1, c2_b1, c2_g1, c2_be1, c2_W2, c2_b2,
           c3_W1, c3_b1, c3_g1, c3_be1, c3_W2, c3_b2,
           m_W1, m_b1, m_W2, m_b2, m_W3, m_b3, m_W4, m_b4):
    batch = batch.astype(jnp.int32)
    batch_r = batch.reshape(N, 1)
    batch_c = batch.reshape(1, N)
    desc = _block_windows(batch)
    x1, x1t = _edge_conv_layer(x, x.T, batch_r, batch_c, desc, c1_W1, c1_b1,
                               c1_g1, c1_be1, c1_W2, c1_b2)
    x2, x2t = _edge_conv_layer(x1, x1t, batch_r, batch_c, desc, c2_W1, c2_b1,
                               c2_g1, c2_be1, c2_W2, c2_b2)
    x3, _ = _edge_conv_layer(x2, x2t, batch_r, batch_c, desc, c3_W1, c3_b1,
                             c3_g1, c3_be1, c3_W2, c3_b2)
    return _head(x1, x2, x3, m_W1, m_b1.reshape(1, -1), m_W2,
                 m_b2.reshape(1, -1), m_W3, m_b3.reshape(1, -1),
                 m_W4, m_b4.reshape(1, -1))

# --- scband reference (transcript-rebuilt; emitter-appended) ---
"""Pipeline reference for scband-dgcnn-17746804867293 (READ-ONLY COPY).

The authoritative reference and input builder live on the scoring server;
editing this copy changes nothing except your own understanding.
"""

import jax, jax.numpy as jnp
import numpy as np

K = 16
EPS = 1e-5
N = 4096
N_GRAPHS = 4

def _init(key, shape, scale=0.05):
    return scale * jax.random.normal(key, shape, dtype=jnp.float32)

def setup_inputs(seed: int = 0):
    key = jax.random.key(seed)
    ks = jax.random.split(key, 32)
    inp = {}
    inp["x"] = jax.random.normal(ks[0], (N, 1), dtype=jnp.float32)
    inp["batch"] = jnp.sort(jax.random.randint(ks[1], (N,), 0, N_GRAPHS))
    dims = [(2, 64), (128, 64), (128, 64)]
    for i, (din, dh) in enumerate(dims, start=1):
        inp[f"c{i}_W1"] = _init(ks[2 + 4 * i], (din, dh))
        inp[f"c{i}_b1"] = jnp.zeros((dh,), dtype=jnp.float32)
        inp[f"c{i}_g1"] = jnp.ones((dh,), dtype=jnp.float32)
        inp[f"c{i}_be1"] = jnp.zeros((dh,), dtype=jnp.float32)
        inp[f"c{i}_W2"] = _init(ks[3 + 4 * i], (dh, dh))
        inp[f"c{i}_b2"] = jnp.zeros((dh,), dtype=jnp.float32)
    mdims = [192, 256, 128, 64, 16]
    for i in range(4):
        inp[f"m_W{i + 1}"] = _init(ks[20 + i], (mdims[i], mdims[i + 1]))
        inp[f"m_b{i + 1}"] = jnp.zeros((mdims[i + 1],), dtype=jnp.float32)
    return inp

def _bn_relu(h, g, b):
    m = jnp.mean(h, axis=(0, 1), keepdims=True)
    v = jnp.var(h, axis=(0, 1), keepdims=True)
    return jax.nn.relu(g * (h - m) / jnp.sqrt(v + EPS) + b)

def _edge_conv(x, batch, W1, b1, g1, be1, W2, b2):
    # dynamic kNN graph in feature space, restricted to same-graph points
    sq = jnp.sum(x * x, axis=1)
    d = sq[:, None] + sq[None, :] - 2.0 * (x @ x.T)
    mask = batch[:, None] != batch[None, :]
    d = jnp.where(mask, jnp.inf, d)
    _, idx = jax.lax.top_k(-d, K)  # [N, K] neighbor indices (includes self)
    xj = jnp.take(x, idx, axis=0)  # [N, K, C] gather
    xi = jnp.broadcast_to(x[:, None, :], xj.shape)
    h = jnp.concatenate([xi, xj - xi], axis=-1)  # EdgeConv message input
    h = h @ W1 + b1
    h = _bn_relu(h, g1, be1)
    h = h @ W2 + b2
    return jnp.max(h, axis=1)  # aggr='max'

def reference(x, batch, c1_W1, c1_b1, c1_g1, c1_be1, c1_W2, c1_b2, c2_W1, c2_b1, c2_g1, c2_be1, c2_W2, c2_b2, c3_W1, c3_b1, c3_g1, c3_be1, c3_W2, c3_b2, m_W1, m_b1, m_W2, m_b2, m_W3, m_b3, m_W4, m_b4):
    x1 = _edge_conv(x, batch, c1_W1, c1_b1, c1_g1, c1_be1, c1_W2, c1_b2)
    x2 = _edge_conv(x1, batch, c2_W1, c2_b1, c2_g1, c2_be1, c2_W2, c2_b2)
    x3 = _edge_conv(x2, batch, c3_W1, c3_b1, c3_g1, c3_be1, c3_W2, c3_b2)
    h = jnp.concatenate([x1, x2, x3], axis=1)
    h = jax.nn.relu(h @ m_W1 + m_b1)
    h = jax.nn.relu(h @ m_W2 + m_b2)
    h = jax.nn.relu(h @ m_W3 + m_b3)
    h = h @ m_W4 + m_b4
    return jax.nn.log_softmax(h, axis=1)

if __name__ == "__main__":
    import jax
    _d = setup_inputs()
    print(jax.jit(kernel)(*tuple(_d.values())))

</pallas_src>

<mosaic_0001>
#map = affine_map<(d0, d1) -> (0, 0)>
#map1 = affine_map<(d0, d1) -> (0)>
module attributes {stable_mosaic.version = 14 : i64} {
  func.func @_gather_body(%arg0: i32, %arg1: i32, %arg2: memref<4096x64xf32, #tpu.memory_space<hbm>>, %arg3: memref<65536xi32, #tpu.memory_space<hbm>>, %arg4: memref<65536x64xf32, #tpu.memory_space<hbm>>, %arg5: memref<2048xi32, #tpu.memory_space<vmem>>, %arg6: memref<128x64xf32, #tpu.memory_space<vmem>>, %arg7: memref<128x64xf32, #tpu.memory_space<vmem>>, %arg8: memref<128x64xf32, #tpu.memory_space<vmem>>, %arg9: memref<128x64xf32, #tpu.memory_space<vmem>>, %arg10: memref<!tpu.dma_semaphore, #tpu.memory_space<semaphore_mem>>, %arg11: memref<!tpu.dma_semaphore, #tpu.memory_space<semaphore_mem>>, %arg12: memref<!tpu.dma_semaphore, #tpu.memory_space<semaphore_mem>>, %arg13: memref<!tpu.dma_semaphore, #tpu.memory_space<semaphore_mem>>, %arg14: memref<!tpu.dma_semaphore, #tpu.memory_space<semaphore_mem>>, %arg15: memref<!tpu.dma_semaphore, #tpu.memory_space<semaphore_mem>>, %arg16: memref<!tpu.dma_semaphore, #tpu.memory_space<semaphore_mem>>, %arg17: memref<!tpu.dma_semaphore, #tpu.memory_space<semaphore_mem>>) attributes {dimension_semantics = [#tpu.dimension_semantics<core_parallel>, #tpu.dimension_semantics<subcore_parallel>], iteration_bounds = array<i64: 2, 16>, scalar_prefetch = 0 : i64, scratch_operands = 13 : i64, tpu.core_type = #tpu.core_type<sc_vector_subcore>, window_params = [{transform_indices = #map}, {transform_indices = #map1}, {transform_indices = #map}]} {
    %mul3A = arith.constant 2 : i32
    %mul3A_0 = arith.muli %arg1, %mul3A : i32
    %add3A = arith.addi %mul3A_0, %arg0 : i32
    %mul3A_1 = arith.constant 2048 : i32
    %mul3A_2 = arith.muli %add3A, %mul3A_1 : i32
    "tpu.region"() ({
      %run_scoped3A = tpu.sem_alloc : memref<!tpu.dma_semaphore, #tpu.memory_space<semaphore_mem>>
      %dma_start3A_321 = tpu.memref_slice %arg3[%mul3A_2] : memref<65536xi32, #tpu.memory_space<hbm>> -> memref<2048xi32, #tpu.memory_space<hbm>>
      %dma_start3A_322 = tpu.memref_slice %arg3[%mul3A_2] : memref<65536xi32, #tpu.memory_space<hbm>> -> memref<2048xi32, #tpu.memory_space<hbm>>
      tpu.enqueue_dma source(%dma_start3A_322 : memref<2048xi32, #tpu.memory_space<hbm>>) target(%arg5 : memref<2048xi32, #tpu.memory_space<vmem>>) target_semaphore(%run_scoped3A : memref<!tpu.dma_semaphore, #tpu.memory_space<semaphore_mem>>)
      %dma_wait3A_323 = tpu.memref_slice %arg3[%mul3A_2] : memref<65536xi32, #tpu.memory_space<hbm>> -> memref<2048xi32, #tpu.memory_space<hbm>>
      %dma_wait3A_324 = tpu.memref_slice %arg3[%mul3A_2] : memref<65536xi32, #tpu.memory_space<hbm>> -> memref<2048xi32, #tpu.memory_space<hbm>>
      tpu.wait_dma2 semaphore(%run_scoped3A : memref<!tpu.dma_semaphore, #tpu.memory_space<semaphore_mem>>) src(%dma_wait3A_324 : memref<2048xi32, #tpu.memory_space<hbm>>) dst(%arg5 : memref<2048xi32, #tpu.memory_space<vmem>>)
      tpu.yield
    }) : () -> ()
    %dma_start3A = arith.constant 0 : i32
    %dma_start3A_3 = tpu.memref_slice %arg5[%dma_start3A] : memref<2048xi32, #tpu.memory_space<vmem>> -> memref<128xi32, #tpu.memory_space<vmem>>
    %dma_start3A_4 = arith.constant 0 : i32
    %dma_start3A_5 = arith.constant 0 : i32
    %dma_start3A_6 = tpu.memref_slice %arg2[%dma_start3A_4, %dma_start3A_5] : memref<4096x64xf32, #tpu.memory_space<hbm>> -> memref<4096x64xf32, #tpu.memory_space<hbm>>
    tpu.enqueue_indirect_dma source(%dma_start3A_6 : memref<4096x64xf32, #tpu.memory_space<hbm>>) target(%arg6 : memref<128x64xf32, #tpu.memory_space<vmem>>) offsets(%dma_start3A_3 : memref<128xi32, #tpu.memory_space<vmem>>) semaphore(%arg10 : memref<!tpu.dma_semaphore, #tpu.memory_space<semaphore_mem>>)
    %dma_start3A_7 = arith.constant 128 : i32
    %dma_start3A_8 = tpu.memref_slice %arg5[%dma_start3A_7] : memref<2048xi32, #tpu.memory_space<vmem>> -> memref<128xi32, #tpu.memory_space<vmem>>
    %dma_start3A_9 = arith.constant 0 : i32
    %dma_start3A_10 = arith.constant 0 : i32
    %dma_start3A_11 = tpu.memref_slice %arg2[%dma_start3A_9, %dma_start3A_10] : memref<4096x64xf32, #tpu.memory_space<hbm>> -> memref<4096x64xf32, #tpu.memory_space<hbm>>
    tpu.enqueue_indirect_dma source(%dma_start3A_11 : memref<4096x64xf32, #tpu.memory_space<hbm>>) target(%arg7 : memref<128x64xf32, #tpu.memory_space<vmem>>) offsets(%dma_start3A_8 : memref<128xi32, #tpu.memory_space<vmem>>) semaphore(%arg11 : memref<!tpu.dma_semaphore, #tpu.memory_space<semaphore_mem>>)
    %dma_start3A_12 = arith.constant 256 : i32
    %dma_start3A_13 = tpu.memref_slice %arg5[%dma_start3A_12] : memref<2048xi32, #tpu.memory_space<vmem>> -> memref<128xi32, #tpu.memory_space<vmem>>
    %dma_start3A_14 = arith.constant 0 : i32
    %dma_start3A_15 = arith.constant 0 : i32
    %dma_start3A_16 = tpu.memref_slice %arg2[%dma_start3A_14, %dma_start3A_15] : memref<4096x64xf32, #tpu.memory_space<hbm>> -> memref<4096x64xf32, #tpu.memory_space<hbm>>
    tpu.enqueue_indirect_dma source(%dma_start3A_16 : memref<4096x64xf32, #tpu.memory_space<hbm>>) target(%arg8 : memref<128x64xf32, #tpu.memory_space<vmem>>) offsets(%dma_start3A_13 : memref<128xi32, #tpu.memory_space<vmem>>) semaphore(%arg12 : memref<!tpu.dma_semaphore, #tpu.memory_space<semaphore_mem>>)
    %dma_wait3A = arith.constant 0 : i32
    %dma_wait3A_17 = tpu.memref_slice %arg5[%dma_wait3A] : memref<2048xi32, #tpu.memory_space<vmem>> -> memref<128xi32, #tpu.memory_space<vmem>>
    %dma_wait3A_18 = arith.constant 0 : i32
    %dma_wait3A_19 = arith.constant 0 : i32
    %dma_wait3A_20 = tpu.memref_slice %arg2[%dma_wait3A_18, %dma_wait3A_19] : memref<4096x64xf32, #tpu.memory_space<hbm>> -> memref<4096x64xf32, #tpu.memory_space<hbm>>
    tpu.wait_indirect_dma semaphore(%arg10 : memref<!tpu.dma_semaphore, #tpu.memory_space<semaphore_mem>>) src(%dma_wait3A_20 : memref<4096x64xf32, #tpu.memory_space<hbm>>) dst(%arg6 : memref<128x64xf32, #tpu.memory_space<vmem>>)
    %add3A_21 = arith.constant 0 : i32
    %add3A_22 = arith.addi %mul3A_2, %add3A_21 : i32
    %dma_start3A_23 = arith.constant 0 : i32
    %dma_start3A_24 = tpu.memref_slice %arg4[%add3A_22, %dma_start3A_23] : memref<65536x64xf32, #tpu.memory_space<hbm>> -> memref<128x64xf32, #tpu.memory_space<hbm>>
    %dma_start3A_25 = arith.constant 0 : i32
    %dma_start3A_26 = tpu.memref_slice %arg4[%add3A_22, %dma_start3A_25] : memref<65536x64xf32, #tpu.memory_space<hbm>> -> memref<128x64xf32, #tpu.memory_space<hbm>>
    tpu.enqueue_dma source(%arg6 : memref<128x64xf32, #tpu.memory_space<vmem>>) target(%dma_start3A_26 : memref<128x64xf32, #tpu.memory_space<hbm>>) target_semaphore(%arg14 : memref<!tpu.dma_semaphore, #tpu.memory_space<semaphore_mem>>)
    %dma_start3A_27 = arith.constant 384 : i32
    %dma_start3A_28 = tpu.memref_slice %arg5[%dma_start3A_27] : memref<2048xi32, #tpu.memory_space<vmem>> -> memref<128xi32, #tpu.memory_space<vmem>>
    %dma_start3A_29 = arith.constant 0 : i32
    %dma_start3A_30 = arith.constant 0 : i32
    %dma_start3A_31 = tpu.memref_slice %arg2[%dma_start3A_29, %dma_start3A_30] : memref<4096x64xf32, #tpu.memory_space<hbm>> -> memref<4096x64xf32, #tpu.memory_space<hbm>>
    tpu.enqueue_indirect_dma source(%dma_start3A_31 : memref<4096x64xf32, #tpu.memory_space<hbm>>) target(%arg9 : memref<128x64xf32, #tpu.memory_space<vmem>>) offsets(%dma_start3A_28 : memref<128xi32, #tpu.memory_space<vmem>>) semaphore(%arg13 : memref<!tpu.dma_semaphore, #tpu.memory_space<semaphore_mem>>)
    %dma_wait3A_32 = arith.constant 128 : i32
    %dma_wait3A_33 = tpu.memref_slice %arg5[%dma_wait3A_32] : memref<2048xi32, #tpu.memory_space<vmem>> -> memref<128xi32, #tpu.memory_space<vmem>>
    %dma_wait3A_34 = arith.constant 0 : i32
    %dma_wait3A_35 = arith.constant 0 : i32
    %dma_wait3A_36 = tpu.memref_slice %arg2[%dma_wait3A_34, %dma_wait3A_35] : memref<4096x64xf32, #tpu.memory_space<hbm>> -> memref<4096x64xf32, #tpu.memory_space<hbm>>
    tpu.wait_indirect_dma semaphore(%arg11 : memref<!tpu.dma_semaphore, #tpu.memory_space<semaphore_mem>>) src(%dma_wait3A_36 : memref<4096x64xf32, #tpu.memory_space<hbm>>) dst(%arg7 : memref<128x64xf32, #tpu.memory_space<vmem>>)
    %add3A_37 = arith.constant 128 : i32
    %add3A_38 = arith.addi %mul3A_2, %add3A_37 : i32
    %dma_start3A_39 = arith.constant 0 : i32
    %dma_start3A_40 = tpu.memref_slice %arg4[%add3A_38, %dma_start3A_39] : memref<65536x64xf32, #tpu.memory_space<hbm>> -> memref<128x64xf32, #tpu.memory_space<hbm>>
    %dma_start3A_41 = arith.constant 0 : i32
    %dma_start3A_42 = tpu.memref_slice %arg4[%add3A_38, %dma_start3A_41] : memref<65536x64xf32, #tpu.memory_space<hbm>> -> memref<128x64xf32, #tpu.memory_space<hbm>>
    tpu.enqueue_dma source(%arg7 : memref<128x64xf32, #tpu.memory_space<vmem>>) target(%dma_start3A_42 : memref<128x64xf32, #tpu.memory_space<hbm>>) target_semaphore(%arg15 : memref<!tpu.dma_semaphore, #tpu.memory_space<semaphore_mem>>)
    %dma_wait3A_43 = arith.constant 0 : i32
    %dma_wait3A_44 = tpu.memref_slice %arg4[%add3A_22, %dma_wait3A_43] : memref<65536x64xf32, #tpu.memory_space<hbm>> -> memref<128x64xf32, #tpu.memory_space<hbm>>
    %dma_wait3A_45 = arith.constant 0 : i32
    %dma_wait3A_46 = tpu.memref_slice %arg4[%add3A_22, %dma_wait3A_45] : memref<65536x64xf32, #tpu.memory_space<hbm>> -> memref<128x64xf32, #tpu.memory_space<hbm>>
    tpu.wait_dma2 semaphore(%arg14 : memref<!tpu.dma_semaphore, #tpu.memory_space<semaphore_mem>>) src(%arg6 : memref<128x64xf32, #tpu.memory_space<vmem>>) dst(%dma_wait3A_46 : memref<128x64xf32, #tpu.memory_space<hbm>>)
    %dma_start3A_47 = arith.constant 512 : i32
    %dma_start3A_48 = tpu.memref_slice %arg5[%dma_start3A_47] : memref<2048xi32, #tpu.memory_space<vmem>> -> memref<128xi32, #tpu.memory_space<vmem>>
    %dma_start3A_49 = arith.constant 0 : i32
    %dma_start3A_50 = arith.constant 0 : i32
    %dma_start3A_51 = tpu.memref_slice %arg2[%dma_start3A_49, %dma_start3A_50] : memref<4096x64xf32, #tpu.memory_space<hbm>> -> memref<4096x64xf32, #tpu.memory_space<hbm>>
    tpu.enqueue_indirect_dma source(%dma_start3A_51 : memref<4096x64xf32, #tpu.memory_space<hbm>>) target(%arg6 : memref<128x64xf32, #tpu.memory_space<vmem>>) offsets(%dma_start3A_48 : memref<128xi32, #tpu.memory_space<vmem>>) semaphore(%arg10 : memref<!tpu.dma_semaphore, #tpu.memory_space<semaphore_mem>>)
    %dma_wait3A_52 = arith.constant 256 : i32
    %dma_wait3A_53 = tpu.memref_slice %arg5[%dma_wait3A_52] : memref<2048xi32, #tpu.memory_space<vmem>> -> memref<128xi32, #tpu.memory_space<vmem>>
    %dma_wait3A_54 = arith.constant 0 : i32
    %dma_wait3A_55 = arith.constant 0 : i32
    %dma_wait3A_56 = tpu.memref_slice %arg2[%dma_wait3A_54, %dma_wait3A_55] : memref<4096x64xf32, #tpu.memory_space<hbm>> -> memref<4096x64xf32, #tpu.memory_space<hbm>>
    tpu.wait_indirect_dma semaphore(%arg12 : memref<!tpu.dma_semaphore, #tpu.memory_space<semaphore_mem>>) src(%dma_wait3A_56 : memref<4096x64xf32, #tpu.memory_space<hbm>>) dst(%arg8 : memref<128x64xf32, #tpu.memory_space<vmem>>)
    %add3A_57 = arith.constant 256 : i32
    %add3A_58 = arith.addi %mul3A_2, %add3A_57 : i32
    %dma_start3A_59 = arith.constant 0 : i32
    %dma_start3A_60 = tpu.memref_slice %arg4[%add3A_58, %dma_start3A_59] : memref<65536x64xf32, #tpu.memory_space<hbm>> -> memref<128x64xf32, #tpu.memory_space<hbm>>
    %dma_start3A_61 = arith.constant 0 : i32
    %dma_start3A_62 = tpu.memref_slice %arg4[%add3A_58, %dma_start3A_61] : memref<65536x64xf32, #tpu.memory_space<hbm>> -> memref<128x64xf32, #tpu.memory_space<hbm>>
    tpu.enqueue_dma source(%arg8 : memref<128x64xf32, #tpu.memory_space<vmem>>) target(%dma_start3A_62 : memref<128x64xf32, #tpu.memory_space<hbm>>) target_semaphore(%arg16 : memref<!tpu.dma_semaphore, #tpu.memory_space<semaphore_mem>>)
    %dma_wait3A_63 = arith.constant 0 : i32
    %dma_wait3A_64 = tpu.memref_slice %arg4[%add3A_38, %dma_wait3A_63] : memref<65536x64xf32, #tpu.memory_space<hbm>> -> memref<128x64xf32, #tpu.memory_space<hbm>>
    %dma_wait3A_65 = arith.constant 0 : i32
    %dma_wait3A_66 = tpu.memref_slice %arg4[%add3A_38, %dma_wait3A_65] : memref<65536x64xf32, #tpu.memory_space<hbm>> -> memref<128x64xf32, #tpu.memory_space<hbm>>
    tpu.wait_dma2 semaphore(%arg15 : memref<!tpu.dma_semaphore, #tpu.memory_space<semaphore_mem>>) src(%arg7 : memref<128x64xf32, #tpu.memory_space<vmem>>) dst(%dma_wait3A_66 : memref<128x64xf32, #tpu.memory_space<hbm>>)
    %dma_start3A_67 = arith.constant 640 : i32
    %dma_start3A_68 = tpu.memref_slice %arg5[%dma_start3A_67] : memref<2048xi32, #tpu.memory_space<vmem>> -> memref<128xi32, #tpu.memory_space<vmem>>
    %dma_start3A_69 = arith.constant 0 : i32
    %dma_start3A_70 = arith.constant 0 : i32
    %dma_start3A_71 = tpu.memref_slice %arg2[%dma_start3A_69, %dma_start3A_70] : memref<4096x64xf32, #tpu.memory_space<hbm>> -> memref<4096x64xf32, #tpu.memory_space<hbm>>
    tpu.enqueue_indirect_dma source(%dma_start3A_71 : memref<4096x64xf32, #tpu.memory_space<hbm>>) target(%arg7 : memref<128x64xf32, #tpu.memory_space<vmem>>) offsets(%dma_start3A_68 : memref<128xi32, #tpu.memory_space<vmem>>) semaphore(%arg11 : memref<!tpu.dma_semaphore, #tpu.memory_space<semaphore_mem>>)
    %dma_wait3A_72 = arith.constant 384 : i32
    %dma_wait3A_73 = tpu.memref_slice %arg5[%dma_wait3A_72] : memref<2048xi32, #tpu.memory_space<vmem>> -> memref<128xi32, #tpu.memory_space<vmem>>
    %dma_wait3A_74 = arith.constant 0 : i32
    %dma_wait3A_75 = arith.constant 0 : i32
    %dma_wait3A_76 = tpu.memref_slice %arg2[%dma_wait3A_74, %dma_wait3A_75] : memref<4096x64xf32, #tpu.memory_space<hbm>> -> memref<4096x64xf32, #tpu.memory_space<hbm>>
    tpu.wait_indirect_dma semaphore(%arg13 : memref<!tpu.dma_semaphore, #tpu.memory_space<semaphore_mem>>) src(%dma_wait3A_76 : memref<4096x64xf32, #tpu.memory_space<hbm>>) dst(%arg9 : memref<128x64xf32, #tpu.memory_space<vmem>>)
    %add3A_77 = arith.constant 384 : i32
    %add3A_78 = arith.addi %mul3A_2, %add3A_77 : i32
    %dma_start3A_79 = arith.constant 0 : i32
    %dma_start3A_80 = tpu.memref_slice %arg4[%add3A_78, %dma_start3A_79] : memref<65536x64xf32, #tpu.memory_space<hbm>> -> memref<128x64xf32, #tpu.memory_space<hbm>>
    %dma_start3A_81 = arith.constant 0 : i32
    %dma_start3A_82 = tpu.memref_slice %arg4[%add3A_78, %dma_start3A_81] : memref<65536x64xf32, #tpu.memory_space<hbm>> -> memref<128x64xf32, #tpu.memory_space<hbm>>
    tpu.enqueue_dma source(%arg9 : memref<128x64xf32, #tpu.memory_space<vmem>>) target(%dma_start3A_82 : memref<128x64xf32, #tpu.memory_space<hbm>>) target_semaphore(%arg17 : memref<!tpu.dma_semaphore, #tpu.memory_space<semaphore_mem>>)
    %dma_wait3A_83 = arith.constant 0 : i32
    %dma_wait3A_84 = tpu.memref_slice %arg4[%add3A_58, %dma_wait3A_83] : memref<65536x64xf32, #tpu.memory_space<hbm>> -> memref<128x64xf32, #tpu.memory_space<hbm>>
    %dma_wait3A_85 = arith.constant 0 : i32
    %dma_wait3A_86 = tpu.memref_slice %arg4[%add3A_58, %dma_wait3A_85] : memref<65536x64xf32, #tpu.memory_space<hbm>> -> memref<128x64xf32, #tpu.memory_space<hbm>>
    tpu.wait_dma2 semaphore(%arg16 : memref<!tpu.dma_semaphore, #tpu.memory_space<semaphore_mem>>) src(%arg8 : memref<128x64xf32, #tpu.memory_space<vmem>>) dst(%dma_wait3A_86 : memref<128x64xf32, #tpu.memory_space<hbm>>)
    %dma_start3A_87 = arith.constant 768 : i32
    %dma_start3A_88 = tpu.memref_slice %arg5[%dma_start3A_87] : memref<2048xi32, #tpu.memory_space<vmem>> -> memref<128xi32, #tpu.memory_space<vmem>>
    %dma_start3A_89 = arith.constant 0 : i32
    %dma_start3A_90 = arith.constant 0 : i32
    %dma_start3A_91 = tpu.memref_slice %arg2[%dma_start3A_89, %dma_start3A_90] : memref<4096x64xf32, #tpu.memory_space<hbm>> -> memref<4096x64xf32, #tpu.memory_space<hbm>>
    tpu.enqueue_indirect_dma source(%dma_start3A_91 : memref<4096x64xf32, #tpu.memory_space<hbm>>) target(%arg8 : memref<128x64xf32, #tpu.memory_space<vmem>>) offsets(%dma_start3A_88 : memref<128xi32, #tpu.memory_space<vmem>>) semaphore(%arg12 : memref<!tpu.dma_semaphore, #tpu.memory_space<semaphore_mem>>)
    %dma_wait3A_92 = arith.constant 512 : i32
    %dma_wait3A_93 = tpu.memref_slice %arg5[%dma_wait3A_92] : memref<2048xi32, #tpu.memory_space<vmem>> -> memref<128xi32, #tpu.memory_space<vmem>>
    %dma_wait3A_94 = arith.constant 0 : i32
    %dma_wait3A_95 = arith.constant 0 : i32
    %dma_wait3A_96 = tpu.memref_slice %arg2[%dma_wait3A_94, %dma_wait3A_95] : memref<4096x64xf32, #tpu.memory_space<hbm>> -> memref<4096x64xf32, #tpu.memory_space<hbm>>
    tpu.wait_indirect_dma semaphore(%arg10 : memref<!tpu.dma_semaphore, #tpu.memory_space<semaphore_mem>>) src(%dma_wait3A_96 : memref<4096x64xf32, #tpu.memory_space<hbm>>) dst(%arg6 : memref<128x64xf32, #tpu.memory_space<vmem>>)
    %add3A_97 = arith.constant 512 : i32
    %add3A_98 = arith.addi %mul3A_2, %add3A_97 : i32
    %dma_start3A_99 = arith.constant 0 : i32
    %dma_start3A_100 = tpu.memref_slice %arg4[%add3A_98, %dma_start3A_99] : memref<65536x64xf32, #tpu.memory_space<hbm>> -> memref<128x64xf32, #tpu.memory_space<hbm>>
    %dma_start3A_101 = arith.constant 0 : i32
    %dma_start3A_102 = tpu.memref_slice %arg4[%add3A_98, %dma_start3A_101] : memref<65536x64xf32, #tpu.memory_space<hbm>> -> memref<128x64xf32, #tpu.memory_space<hbm>>
    tpu.enqueue_dma source(%arg6 : memref<128x64xf32, #tpu.memory_space<vmem>>) target(%dma_start3A_102 : memref<128x64xf32, #tpu.memory_space<hbm>>) target_semaphore(%arg14 : memref<!tpu.dma_semaphore, #tpu.memory_space<semaphore_mem>>)
    %dma_wait3A_103 = arith.constant 0 : i32
    %dma_wait3A_104 = tpu.memref_slice %arg4[%add3A_78, %dma_wait3A_103] : memref<65536x64xf32, #tpu.memory_space<hbm>> -> memref<128x64xf32, #tpu.memory_space<hbm>>
    %dma_wait3A_105 = arith.constant 0 : i32
    %dma_wait3A_106 = tpu.memref_slice %arg4[%add3A_78, %dma_wait3A_105] : memref<65536x64xf32, #tpu.memory_space<hbm>> -> memref<128x64xf32, #tpu.memory_space<hbm>>
    tpu.wait_dma2 semaphore(%arg17 : memref<!tpu.dma_semaphore, #tpu.memory_space<semaphore_mem>>) src(%arg9 : memref<128x64xf32, #tpu.memory_space<vmem>>) dst(%dma_wait3A_106 : memref<128x64xf32, #tpu.memory_space<hbm>>)
    %dma_start3A_107 = arith.constant 896 : i32
    %dma_start3A_108 = tpu.memref_slice %arg5[%dma_start3A_107] : memref<2048xi32, #tpu.memory_space<vmem>> -> memref<128xi32, #tpu.memory_space<vmem>>
    %dma_start3A_109 = arith.constant 0 : i32
    %dma_start3A_110 = arith.constant 0 : i32
    %dma_start3A_111 = tpu.memref_slice %arg2[%dma_start3A_109, %dma_start3A_110] : memref<4096x64xf32, #tpu.memory_space<hbm>> -> memref<4096x64xf32, #tpu.memory_space<hbm>>
    tpu.enqueue_indirect_dma source(%dma_start3A_111 : memref<4096x64xf32, #tpu.memory_space<hbm>>) target(%arg9 : memref<128x64xf32, #tpu.memory_space<vmem>>) offsets(%dma_start3A_108 : memref<128xi32, #tpu.memory_space<vmem>>) semaphore(%arg13 : memref<!tpu.dma_semaphore, #tpu.memory_space<semaphore_mem>>)
    %dma_wait3A_112 = arith.constant 640 : i32
    %dma_wait3A_113 = tpu.memref_slice %arg5[%dma_wait3A_112] : memref<2048xi32, #tpu.memory_space<vmem>> -> memref<128xi32, #tpu.memory_space<vmem>>
    %dma_wait3A_114 = arith.constant 0 : i32
    %dma_wait3A_115 = arith.constant 0 : i32
    %dma_wait3A_116 = tpu.memref_slice %arg2[%dma_wait3A_114, %dma_wait3A_115] : memref<4096x64xf32, #tpu.memory_space<hbm>> -> memref<4096x64xf32, #tpu.memory_space<hbm>>
    tpu.wait_indirect_dma semaphore(%arg11 : memref<!tpu.dma_semaphore, #tpu.memory_space<semaphore_mem>>) src(%dma_wait3A_116 : memref<4096x64xf32, #tpu.memory_space<hbm>>) dst(%arg7 : memref<128x64xf32, #tpu.memory_space<vmem>>)
    %add3A_117 = arith.constant 640 : i32
    %add3A_118 = arith.addi %mul3A_2, %add3A_117 : i32
    %dma_start3A_119 = arith.constant 0 : i32
    %dma_start3A_120 = tpu.memref_slice %arg4[%add3A_118, %dma_start3A_119] : memref<65536x64xf32, #tpu.memory_space<hbm>> -> memref<128x64xf32, #tpu.memory_space<hbm>>
    %dma_start3A_121 = arith.constant 0 : i32
    %dma_start3A_122 = tpu.memref_slice %arg4[%add3A_118, %dma_start3A_121] : memref<65536x64xf32, #tpu.memory_space<hbm>> -> memref<128x64xf32, #tpu.memory_space<hbm>>
    tpu.enqueue_dma source(%arg7 : memref<128x64xf32, #tpu.memory_space<vmem>>) target(%dma_start3A_122 : memref<128x64xf32, #tpu.memory_space<hbm>>) target_semaphore(%arg15 : memref<!tpu.dma_semaphore, #tpu.memory_space<semaphore_mem>>)
    %dma_wait3A_123 = arith.constant 0 : i32
    %dma_wait3A_124 = tpu.memref_slice %arg4[%add3A_98, %dma_wait3A_123] : memref<65536x64xf32, #tpu.memory_space<hbm>> -> memref<128x64xf32, #tpu.memory_space<hbm>>
    %dma_wait3A_125 = arith.constant 0 : i32
    %dma_wait3A_126 = tpu.memref_slice %arg4[%add3A_98, %dma_wait3A_125] : memref<65536x64xf32, #tpu.memory_space<hbm>> -> memref<128x64xf32, #tpu.memory_space<hbm>>
    tpu.wait_dma2 semaphore(%arg14 : memref<!tpu.dma_semaphore, #tpu.memory_space<semaphore_mem>>) src(%arg6 : memref<128x64xf32, #tpu.memory_space<vmem>>) dst(%dma_wait3A_126 : memref<128x64xf32, #tpu.memory_space<hbm>>)
    %dma_start3A_127 = arith.constant 1024 : i32
    %dma_start3A_128 = tpu.memref_slice %arg5[%dma_start3A_127] : memref<2048xi32, #tpu.memory_space<vmem>> -> memref<128xi32, #tpu.memory_space<vmem>>
    %dma_start3A_129 = arith.constant 0 : i32
    %dma_start3A_130 = arith.constant 0 : i32
    %dma_start3A_131 = tpu.memref_slice %arg2[%dma_start3A_129, %dma_start3A_130] : memref<4096x64xf32, #tpu.memory_space<hbm>> -> memref<4096x64xf32, #tpu.memory_space<hbm>>
    tpu.enqueue_indirect_dma source(%dma_start3A_131 : memref<4096x64xf32, #tpu.memory_space<hbm>>) target(%arg6 : memref<128x64xf32, #tpu.memory_space<vmem>>) offsets(%dma_start3A_128 : memref<128xi32, #tpu.memory_space<vmem>>) semaphore(%arg10 : memref<!tpu.dma_semaphore, #tpu.memory_space<semaphore_mem>>)
    %dma_wait3A_132 = arith.constant 768 : i32
    %dma_wait3A_133 = tpu.memref_slice %arg5[%dma_wait3A_132] : memref<2048xi32, #tpu.memory_space<vmem>> -> memref<128xi32, #tpu.memory_space<vmem>>
    %dma_wait3A_134 = arith.constant 0 : i32
    %dma_wait3A_135 = arith.constant 0 : i32
    %dma_wait3A_136 = tpu.memref_slice %arg2[%dma_wait3A_134, %dma_wait3A_135] : memref<4096x64xf32, #tpu.memory_space<hbm>> -> memref<4096x64xf32, #tpu.memory_space<hbm>>
    tpu.wait_indirect_dma semaphore(%arg12 : memref<!tpu.dma_semaphore, #tpu.memory_space<semaphore_mem>>) src(%dma_wait3A_136 : memref<4096x64xf32, #tpu.memory_space<hbm>>) dst(%arg8 : memref<128x64xf32, #tpu.memory_space<vmem>>)
    %add3A_137 = arith.constant 768 : i32
    %add3A_138 = arith.addi %mul3A_2, %add3A_137 : i32
    %dma_start3A_139 = arith.constant 0 : i32
    %dma_start3A_140 = tpu.memref_slice %arg4[%add3A_138, %dma_start3A_139] : memref<65536x64xf32, #tpu.memory_space<hbm>> -> memref<128x64xf32, #tpu.memory_space<hbm>>
    %dma_start3A_141 = arith.constant 0 : i32
    %dma_start3A_142 = tpu.memref_slice %arg4[%add3A_138, %dma_start3A_141] : memref<65536x64xf32, #tpu.memory_space<hbm>> -> memref<128x64xf32, #tpu.memory_space<hbm>>
    tpu.enqueue_dma source(%arg8 : memref<128x64xf32, #tpu.memory_space<vmem>>) target(%dma_start3A_142 : memref<128x64xf32, #tpu.memory_space<hbm>>) target_semaphore(%arg16 : memref<!tpu.dma_semaphore, #tpu.memory_space<semaphore_mem>>)
    %dma_wait3A_143 = arith.constant 0 : i32
    %dma_wait3A_144 = tpu.memref_slice %arg4[%add3A_118, %dma_wait3A_143] : memref<65536x64xf32, #tpu.memory_space<hbm>> -> memref<128x64xf32, #tpu.memory_space<hbm>>
    %dma_wait3A_145 = arith.constant 0 : i32
    %dma_wait3A_146 = tpu.memref_slice %arg4[%add3A_118, %dma_wait3A_145] : memref<65536x64xf32, #tpu.memory_space<hbm>> -> memref<128x64xf32, #tpu.memory_space<hbm>>
    tpu.wait_dma2 semaphore(%arg15 : memref<!tpu.dma_semaphore, #tpu.memory_space<semaphore_mem>>) src(%arg7 : memref<128x64xf32, #tpu.memory_space<vmem>>) dst(%dma_wait3A_146 : memref<128x64xf32, #tpu.memory_space<hbm>>)
    %dma_start3A_147 = arith.constant 1152 : i32
    %dma_start3A_148 = tpu.memref_slice %arg5[%dma_start3A_147] : memref<2048xi32, #tpu.memory_space<vmem>> -> memref<128xi32, #tpu.memory_space<vmem>>
    %dma_start3A_149 = arith.constant 0 : i32
    %dma_start3A_150 = arith.constant 0 : i32
    %dma_start3A_151 = tpu.memref_slice %arg2[%dma_start3A_149, %dma_start3A_150] : memref<4096x64xf32, #tpu.memory_space<hbm>> -> memref<4096x64xf32, #tpu.memory_space<hbm>>
    tpu.enqueue_indirect_dma source(%dma_start3A_151 : memref<4096x64xf32, #tpu.memory_space<hbm>>) target(%arg7 : memref<128x64xf32, #tpu.memory_space<vmem>>) offsets(%dma_start3A_148 : memref<128xi32, #tpu.memory_space<vmem>>) semaphore(%arg11 : memref<!tpu.dma_semaphore, #tpu.memory_space<semaphore_mem>>)
    %dma_wait3A_152 = arith.constant 896 : i32
    %dma_wait3A_153 = tpu.memref_slice %arg5[%dma_wait3A_152] : memref<2048xi32, #tpu.memory_space<vmem>> -> memref<128xi32, #tpu.memory_space<vmem>>
    %dma_wait3A_154 = arith.constant 0 : i32
    %dma_wait3A_155 = arith.constant 0 : i32
    %dma_wait3A_156 = tpu.memref_slice %arg2[%dma_wait3A_154, %dma_wait3A_155] : memref<4096x64xf32, #tpu.memory_space<hbm>> -> memref<4096x64xf32, #tpu.memory_space<hbm>>
    tpu.wait_indirect_dma semaphore(%arg13 : memref<!tpu.dma_semaphore, #tpu.memory_space<semaphore_mem>>) src(%dma_wait3A_156 : memref<4096x64xf32, #tpu.memory_space<hbm>>) dst(%arg9 : memref<128x64xf32, #tpu.memory_space<vmem>>)
    %add3A_157 = arith.constant 896 : i32
    %add3A_158 = arith.addi %mul3A_2, %add3A_157 : i32
    %dma_start3A_159 = arith.constant 0 : i32
    %dma_start3A_160 = tpu.memref_slice %arg4[%add3A_158, %dma_start3A_159] : memref<65536x64xf32, #tpu.memory_space<hbm>> -> memref<128x64xf32, #tpu.memory_space<hbm>>
    %dma_start3A_161 = arith.constant 0 : i32
    %dma_start3A_162 = tpu.memref_slice %arg4[%add3A_158, %dma_start3A_161] : memref<65536x64xf32, #tpu.memory_space<hbm>> -> memref<128x64xf32, #tpu.memory_space<hbm>>
    tpu.enqueue_dma source(%arg9 : memref<128x64xf32, #tpu.memory_space<vmem>>) target(%dma_start3A_162 : memref<128x64xf32, #tpu.memory_space<hbm>>) target_semaphore(%arg17 : memref<!tpu.dma_semaphore, #tpu.memory_space<semaphore_mem>>)
    %dma_wait3A_163 = arith.constant 0 : i32
    %dma_wait3A_164 = tpu.memref_slice %arg4[%add3A_138, %dma_wait3A_163] : memref<65536x64xf32, #tpu.memory_space<hbm>> -> memref<128x64xf32, #tpu.memory_space<hbm>>
    %dma_wait3A_165 = arith.constant 0 : i32
    %dma_wait3A_166 = tpu.memref_slice %arg4[%add3A_138, %dma_wait3A_165] : memref<65536x64xf32, #tpu.memory_space<hbm>> -> memref<128x64xf32, #tpu.memory_space<hbm>>
    tpu.wait_dma2 semaphore(%arg16 : memref<!tpu.dma_semaphore, #tpu.memory_space<semaphore_mem>>) src(%arg8 : memref<128x64xf32, #tpu.memory_space<vmem>>) dst(%dma_wait3A_166 : memref<128x64xf32, #tpu.memory_space<hbm>>)
    %dma_start3A_167 = arith.constant 1280 : i32
    %dma_start3A_168 = tpu.memref_slice %arg5[%dma_start3A_167] : memref<2048xi32, #tpu.memory_space<vmem>> -> memref<128xi32, #tpu.memory_space<vmem>>
    %dma_start3A_169 = arith.constant 0 : i32
    %dma_start3A_170 = arith.constant 0 : i32
    %dma_start3A_171 = tpu.memref_slice %arg2[%dma_start3A_169, %dma_start3A_170] : memref<4096x64xf32, #tpu.memory_space<hbm>> -> memref<4096x64xf32, #tpu.memory_space<hbm>>
    tpu.enqueue_indirect_dma source(%dma_start3A_171 : memref<4096x64xf32, #tpu.memory_space<hbm>>) target(%arg8 : memref<128x64xf32, #tpu.memory_space<vmem>>) offsets(%dma_start3A_168 : memref<128xi32, #tpu.memory_space<vmem>>) semaphore(%arg12 : memref<!tpu.dma_semaphore, #tpu.memory_space<semaphore_mem>>)
    %dma_wait3A_172 = arith.constant 1024 : i32
    %dma_wait3A_173 = tpu.memref_slice %arg5[%dma_wait3A_172] : memref<2048xi32, #tpu.memory_space<vmem>> -> memref<128xi32, #tpu.memory_space<vmem>>
    %dma_wait3A_174 = arith.constant 0 : i32
    %dma_wait3A_175 = arith.constant 0 : i32
    %dma_wait3A_176 = tpu.memref_slice %arg2[%dma_wait3A_174, %dma_wait3A_175] : memref<4096x64xf32, #tpu.memory_space<hbm>> -> memref<4096x64xf32, #tpu.memory_space<hbm>>
    tpu.wait_indirect_dma semaphore(%arg10 : memref<!tpu.dma_semaphore, #tpu.memory_space<semaphore_mem>>) src(%dma_wait3A_176 : memref<4096x64xf32, #tpu.memory_space<hbm>>) dst(%arg6 : memref<128x64xf32, #tpu.memory_space<vmem>>)
    %add3A_177 = arith.constant 1024 : i32
    %add3A_178 = arith.addi %mul3A_2, %add3A_177 : i32
    %dma_start3A_179 = arith.constant 0 : i32
    %dma_start3A_180 = tpu.memref_slice %arg4[%add3A_178, %dma_start3A_179] : memref<65536x64xf32, #tpu.memory_space<hbm>> -> memref<128x64xf32, #tpu.memory_space<hbm>>
    %dma_start3A_181 = arith.constant 0 : i32
    %dma_start3A_182 = tpu.memref_slice %arg4[%add3A_178, %dma_start3A_181] : memref<65536x64xf32, #tpu.memory_space<hbm>> -> memref<128x64xf32, #tpu.memory_space<hbm>>
    tpu.enqueue_dma source(%arg6 : memref<128x64xf32, #tpu.memory_space<vmem>>) target(%dma_start3A_182 : memref<128x64xf32, #tpu.memory_space<hbm>>) target_semaphore(%arg14 : memref<!tpu.dma_semaphore, #tpu.memory_space<semaphore_mem>>)
    %dma_wait3A_183 = arith.constant 0 : i32
    %dma_wait3A_184 = tpu.memref_slice %arg4[%add3A_158, %dma_wait3A_183] : memref<65536x64xf32, #tpu.memory_space<hbm>> -> memref<128x64xf32, #tpu.memory_space<hbm>>
    %dma_wait3A_185 = arith.constant 0 : i32
    %dma_wait3A_186 = tpu.memref_slice %arg4[%add3A_158, %dma_wait3A_185] : memref<65536x64xf32, #tpu.memory_space<hbm>> -> memref<128x64xf32, #tpu.memory_space<hbm>>
    tpu.wait_dma2 semaphore(%arg17 : memref<!tpu.dma_semaphore, #tpu.memory_space<semaphore_mem>>) src(%arg9 : memref<128x64xf32, #tpu.memory_space<vmem>>) dst(%dma_wait3A_186 : memref<128x64xf32, #tpu.memory_space<hbm>>)
    %dma_start3A_187 = arith.constant 1408 : i32
    %dma_start3A_188 = tpu.memref_slice %arg5[%dma_start3A_187] : memref<2048xi32, #tpu.memory_space<vmem>> -> memref<128xi32, #tpu.memory_space<vmem>>
    %dma_start3A_189 = arith.constant 0 : i32
    %dma_start3A_190 = arith.constant 0 : i32
    %dma_start3A_191 = tpu.memref_slice %arg2[%dma_start3A_189, %dma_start3A_190] : memref<4096x64xf32, #tpu.memory_space<hbm>> -> memref<4096x64xf32, #tpu.memory_space<hbm>>
    tpu.enqueue_indirect_dma source(%dma_start3A_191 : memref<4096x64xf32, #tpu.memory_space<hbm>>) target(%arg9 : memref<128x64xf32, #tpu.memory_space<vmem>>) offsets(%dma_start3A_188 : memref<128xi32, #tpu.memory_space<vmem>>) semaphore(%arg13 : memref<!tpu.dma_semaphore, #tpu.memory_space<semaphore_mem>>)
    %dma_wait3A_192 = arith.constant 1152 : i32
    %dma_wait3A_193 = tpu.memref_slice %arg5[%dma_wait3A_192] : memref<2048xi32, #tpu.memory_space<vmem>> -> memref<128xi32, #tpu.memory_space<vmem>>
    %dma_wait3A_194 = arith.constant 0 : i32
    %dma_wait3A_195 = arith.constant 0 : i32
    %dma_wait3A_196 = tpu.memref_slice %arg2[%dma_wait3A_194, %dma_wait3A_195] : memref<4096x64xf32, #tpu.memory_space<hbm>> -> memref<4096x64xf32, #tpu.memory_space<hbm>>
    tpu.wait_indirect_dma semaphore(%arg11 : memref<!tpu.dma_semaphore, #tpu.memory_space<semaphore_mem>>) src(%dma_wait3A_196 : memref<4096x64xf32, #tpu.memory_space<hbm>>) dst(%arg7 : memref<128x64xf32, #tpu.memory_space<vmem>>)
    %add3A_197 = arith.constant 1152 : i32
    %add3A_198 = arith.addi %mul3A_2, %add3A_197 : i32
    %dma_start3A_199 = arith.constant 0 : i32
    %dma_start3A_200 = tpu.memref_slice %arg4[%add3A_198, %dma_start3A_199] : memref<65536x64xf32, #tpu.memory_space<hbm>> -> memref<128x64xf32, #tpu.memory_space<hbm>>
    %dma_start3A_201 = arith.constant 0 : i32
    %dma_start3A_202 = tpu.memref_slice %arg4[%add3A_198, %dma_start3A_201] : memref<65536x64xf32, #tpu.memory_space<hbm>> -> memref<128x64xf32, #tpu.memory_space<hbm>>
    tpu.enqueue_dma source(%arg7 : memref<128x64xf32, #tpu.memory_space<vmem>>) target(%dma_start3A_202 : memref<128x64xf32, #tpu.memory_space<hbm>>) target_semaphore(%arg15 : memref<!tpu.dma_semaphore, #tpu.memory_space<semaphore_mem>>)
    %dma_wait3A_203 = arith.constant 0 : i32
    %dma_wait3A_204 = tpu.memref_slice %arg4[%add3A_178, %dma_wait3A_203] : memref<65536x64xf32, #tpu.memory_space<hbm>> -> memref<128x64xf32, #tpu.memory_space<hbm>>
    %dma_wait3A_205 = arith.constant 0 : i32
    %dma_wait3A_206 = tpu.memref_slice %arg4[%add3A_178, %dma_wait3A_205] : memref<65536x64xf32, #tpu.memory_space<hbm>> -> memref<128x64xf32, #tpu.memory_space<hbm>>
    tpu.wait_dma2 semaphore(%arg14 : memref<!tpu.dma_semaphore, #tpu.memory_space<semaphore_mem>>) src(%arg6 : memref<128x64xf32, #tpu.memory_space<vmem>>) dst(%dma_wait3A_206 : memref<128x64xf32, #tpu.memory_space<hbm>>)
    %dma_start3A_207 = arith.constant 1536 : i32
    %dma_start3A_208 = tpu.memref_slice %arg5[%dma_start3A_207] : memref<2048xi32, #tpu.memory_space<vmem>> -> memref<128xi32, #tpu.memory_space<vmem>>
    %dma_start3A_209 = arith.constant 0 : i32
    %dma_start3A_210 = arith.constant 0 : i32
    %dma_start3A_211 = tpu.memref_slice %arg2[%dma_start3A_209, %dma_start3A_210] : memref<4096x64xf32, #tpu.memory_space<hbm>> -> memref<4096x64xf32, #tpu.memory_space<hbm>>
    tpu.enqueue_indirect_dma source(%dma_start3A_211 : memref<4096x64xf32, #tpu.memory_space<hbm>>) target(%arg6 : memref<128x64xf32, #tpu.memory_space<vmem>>) offsets(%dma_start3A_208 : memref<128xi32, #tpu.memory_space<vmem>>) semaphore(%arg10 : memref<!tpu.dma_semaphore, #tpu.memory_space<semaphore_mem>>)
    %dma_wait3A_212 = arith.constant 1280 : i32
    %dma_wait3A_213 = tpu.memref_slice %arg5[%dma_wait3A_212] : memref<2048xi32, #tpu.memory_space<vmem>> -> memref<128xi32, #tpu.memory_space<vmem>>
    %dma_wait3A_214 = arith.constant 0 : i32
    %dma_wait3A_215 = arith.constant 0 : i32
    %dma_wait3A_216 = tpu.memref_slice %arg2[%dma_wait3A_214, %dma_wait3A_215] : memref<4096x64xf32, #tpu.memory_space<hbm>> -> memref<4096x64xf32, #tpu.memory_space<hbm>>
    tpu.wait_indirect_dma semaphore(%arg12 : memref<!tpu.dma_semaphore, #tpu.memory_space<semaphore_mem>>) src(%dma_wait3A_216 : memref<4096x64xf32, #tpu.memory_space<hbm>>) dst(%arg8 : memref<128x64xf32, #tpu.memory_space<vmem>>)
    %add3A_217 = arith.constant 1280 : i32
    %add3A_218 = arith.addi %mul3A_2, %add3A_217 : i32
    %dma_start3A_219 = arith.constant 0 : i32
    %dma_start3A_220 = tpu.memref_slice %arg4[%add3A_218, %dma_start3A_219] : memref<65536x64xf32, #tpu.memory_space<hbm>> -> memref<128x64xf32, #tpu.memory_space<hbm>>
    %dma_start3A_221 = arith.constant 0 : i32
    %dma_start3A_222 = tpu.memref_slice %arg4[%add3A_218, %dma_start3A_221] : memref<65536x64xf32, #tpu.memory_space<hbm>> -> memref<128x64xf32, #tpu.memory_space<hbm>>
    tpu.enqueue_dma source(%arg8 : memref<128x64xf32, #tpu.memory_space<vmem>>) target(%dma_start3A_222 : memref<128x64xf32, #tpu.memory_space<hbm>>) target_semaphore(%arg16 : memref<!tpu.dma_semaphore, #tpu.memory_space<semaphore_mem>>)
    %dma_wait3A_223 = arith.constant 0 : i32
    %dma_wait3A_224 = tpu.memref_slice %arg4[%add3A_198, %dma_wait3A_223] : memref<65536x64xf32, #tpu.memory_space<hbm>> -> memref<128x64xf32, #tpu.memory_space<hbm>>
    %dma_wait3A_225 = arith.constant 0 : i32
    %dma_wait3A_226 = tpu.memref_slice %arg4[%add3A_198, %dma_wait3A_225] : memref<65536x64xf32, #tpu.memory_space<hbm>> -> memref<128x64xf32, #tpu.memory_space<hbm>>
    tpu.wait_dma2 semaphore(%arg15 : memref<!tpu.dma_semaphore, #tpu.memory_space<semaphore_mem>>) src(%arg7 : memref<128x64xf32, #tpu.memory_space<vmem>>) dst(%dma_wait3A_226 : memref<128x64xf32, #tpu.memory_space<hbm>>)
    %dma_start3A_227 = arith.constant 1664 : i32
    %dma_start3A_228 = tpu.memref_slice %arg5[%dma_start3A_227] : memref<2048xi32, #tpu.memory_space<vmem>> -> memref<128xi32, #tpu.memory_space<vmem>>
    %dma_start3A_229 = arith.constant 0 : i32
    %dma_start3A_230 = arith.constant 0 : i32
    %dma_start3A_231 = tpu.memref_slice %arg2[%dma_start3A_229, %dma_start3A_230] : memref<4096x64xf32, #tpu.memory_space<hbm>> -> memref<4096x64xf32, #tpu.memory_space<hbm>>
    tpu.enqueue_indirect_dma source(%dma_start3A_231 : memref<4096x64xf32, #tpu.memory_space<hbm>>) target(%arg7 : memref<128x64xf32, #tpu.memory_space<vmem>>) offsets(%dma_start3A_228 : memref<128xi32, #tpu.memory_space<vmem>>) semaphore(%arg11 : memref<!tpu.dma_semaphore, #tpu.memory_space<semaphore_mem>>)
    %dma_wait3A_232 = arith.constant 1408 : i32
    %dma_wait3A_233 = tpu.memref_slice %arg5[%dma_wait3A_232] : memref<2048xi32, #tpu.memory_space<vmem>> -> memref<128xi32, #tpu.memory_space<vmem>>
    %dma_wait3A_234 = arith.constant 0 : i32
    %dma_wait3A_235 = arith.constant 0 : i32
    %dma_wait3A_236 = tpu.memref_slice %arg2[%dma_wait3A_234, %dma_wait3A_235] : memref<4096x64xf32, #tpu.memory_space<hbm>> -> memref<4096x64xf32, #tpu.memory_space<hbm>>
    tpu.wait_indirect_dma semaphore(%arg13 : memref<!tpu.dma_semaphore, #tpu.memory_space<semaphore_mem>>) src(%dma_wait3A_236 : memref<4096x64xf32, #tpu.memory_space<hbm>>) dst(%arg9 : memref<128x64xf32, #tpu.memory_space<vmem>>)
    %add3A_237 = arith.constant 1408 : i32
    %add3A_238 = arith.addi %mul3A_2, %add3A_237 : i32
    %dma_start3A_239 = arith.constant 0 : i32
    %dma_start3A_240 = tpu.memref_slice %arg4[%add3A_238, %dma_start3A_239] : memref<65536x64xf32, #tpu.memory_space<hbm>> -> memref<128x64xf32, #tpu.memory_space<hbm>>
    %dma_start3A_241 = arith.constant 0 : i32
    %dma_start3A_242 = tpu.memref_slice %arg4[%add3A_238, %dma_start3A_241] : memref<65536x64xf32, #tpu.memory_space<hbm>> -> memref<128x64xf32, #tpu.memory_space<hbm>>
    tpu.enqueue_dma source(%arg9 : memref<128x64xf32, #tpu.memory_space<vmem>>) target(%dma_start3A_242 : memref<128x64xf32, #tpu.memory_space<hbm>>) target_semaphore(%arg17 : memref<!tpu.dma_semaphore, #tpu.memory_space<semaphore_mem>>)
    %dma_wait3A_243 = arith.constant 0 : i32
    %dma_wait3A_244 = tpu.memref_slice %arg4[%add3A_218, %dma_wait3A_243] : memref<65536x64xf32, #tpu.memory_space<hbm>> -> memref<128x64xf32, #tpu.memory_space<hbm>>
    %dma_wait3A_245 = arith.constant 0 : i32
    %dma_wait3A_246 = tpu.memref_slice %arg4[%add3A_218, %dma_wait3A_245] : memref<65536x64xf32, #tpu.memory_space<hbm>> -> memref<128x64xf32, #tpu.memory_space<hbm>>
    tpu.wait_dma2 semaphore(%arg16 : memref<!tpu.dma_semaphore, #tpu.memory_space<semaphore_mem>>) src(%arg8 : memref<128x64xf32, #tpu.memory_space<vmem>>) dst(%dma_wait3A_246 : memref<128x64xf32, #tpu.memory_space<hbm>>)
    %dma_start3A_247 = arith.constant 1792 : i32
    %dma_start3A_248 = tpu.memref_slice %arg5[%dma_start3A_247] : memref<2048xi32, #tpu.memory_space<vmem>> -> memref<128xi32, #tpu.memory_space<vmem>>
    %dma_start3A_249 = arith.constant 0 : i32
    %dma_start3A_250 = arith.constant 0 : i32
    %dma_start3A_251 = tpu.memref_slice %arg2[%dma_start3A_249, %dma_start3A_250] : memref<4096x64xf32, #tpu.memory_space<hbm>> -> memref<4096x64xf32, #tpu.memory_space<hbm>>
    tpu.enqueue_indirect_dma source(%dma_start3A_251 : memref<4096x64xf32, #tpu.memory_space<hbm>>) target(%arg8 : memref<128x64xf32, #tpu.memory_space<vmem>>) offsets(%dma_start3A_248 : memref<128xi32, #tpu.memory_space<vmem>>) semaphore(%arg12 : memref<!tpu.dma_semaphore, #tpu.memory_space<semaphore_mem>>)
    %dma_wait3A_252 = arith.constant 1536 : i32
    %dma_wait3A_253 = tpu.memref_slice %arg5[%dma_wait3A_252] : memref<2048xi32, #tpu.memory_space<vmem>> -> memref<128xi32, #tpu.memory_space<vmem>>
    %dma_wait3A_254 = arith.constant 0 : i32
    %dma_wait3A_255 = arith.constant 0 : i32
    %dma_wait3A_256 = tpu.memref_slice %arg2[%dma_wait3A_254, %dma_wait3A_255] : memref<4096x64xf32, #tpu.memory_space<hbm>> -> memref<4096x64xf32, #tpu.memory_space<hbm>>
    tpu.wait_indirect_dma semaphore(%arg10 : memref<!tpu.dma_semaphore, #tpu.memory_space<semaphore_mem>>) src(%dma_wait3A_256 : memref<4096x64xf32, #tpu.memory_space<hbm>>) dst(%arg6 : memref<128x64xf32, #tpu.memory_space<vmem>>)
    %add3A_257 = arith.constant 1536 : i32
    %add3A_258 = arith.addi %mul3A_2, %add3A_257 : i32
    %dma_start3A_259 = arith.constant 0 : i32
    %dma_start3A_260 = tpu.memref_slice %arg4[%add3A_258, %dma_start3A_259] : memref<65536x64xf32, #tpu.memory_space<hbm>> -> memref<128x64xf32, #tpu.memory_space<hbm>>
    %dma_start3A_261 = arith.constant 0 : i32
    %dma_start3A_262 = tpu.memref_slice %arg4[%add3A_258, %dma_start3A_261] : memref<65536x64xf32, #tpu.memory_space<hbm>> -> memref<128x64xf32, #tpu.memory_space<hbm>>
    tpu.enqueue_dma source(%arg6 : memref<128x64xf32, #tpu.memory_space<vmem>>) target(%dma_start3A_262 : memref<128x64xf32, #tpu.memory_space<hbm>>) target_semaphore(%arg14 : memref<!tpu.dma_semaphore, #tpu.memory_space<semaphore_mem>>)
    %dma_wait3A_263 = arith.constant 0 : i32
    %dma_wait3A_264 = tpu.memref_slice %arg4[%add3A_238, %dma_wait3A_263] : memref<65536x64xf32, #tpu.memory_space<hbm>> -> memref<128x64xf32, #tpu.memory_space<hbm>>
    %dma_wait3A_265 = arith.constant 0 : i32
    %dma_wait3A_266 = tpu.memref_slice %arg4[%add3A_238, %dma_wait3A_265] : memref<65536x64xf32, #tpu.memory_space<hbm>> -> memref<128x64xf32, #tpu.memory_space<hbm>>
    tpu.wait_dma2 semaphore(%arg17 : memref<!tpu.dma_semaphore, #tpu.memory_space<semaphore_mem>>) src(%arg9 : memref<128x64xf32, #tpu.memory_space<vmem>>) dst(%dma_wait3A_266 : memref<128x64xf32, #tpu.memory_space<hbm>>)
    %dma_start3A_267 = arith.constant 1920 : i32
    %dma_start3A_268 = tpu.memref_slice %arg5[%dma_start3A_267] : memref<2048xi32, #tpu.memory_space<vmem>> -> memref<128xi32, #tpu.memory_space<vmem>>
    %dma_start3A_269 = arith.constant 0 : i32
    %dma_start3A_270 = arith.constant 0 : i32
    %dma_start3A_271 = tpu.memref_slice %arg2[%dma_start3A_269, %dma_start3A_270] : memref<4096x64xf32, #tpu.memory_space<hbm>> -> memref<4096x64xf32, #tpu.memory_space<hbm>>
    tpu.enqueue_indirect_dma source(%dma_start3A_271 : memref<4096x64xf32, #tpu.memory_space<hbm>>) target(%arg9 : memref<128x64xf32, #tpu.memory_space<vmem>>) offsets(%dma_start3A_268 : memref<128xi32, #tpu.memory_space<vmem>>) semaphore(%arg13 : memref<!tpu.dma_semaphore, #tpu.memory_space<semaphore_mem>>)
    %dma_wait3A_272 = arith.constant 1664 : i32
    %dma_wait3A_273 = tpu.memref_slice %arg5[%dma_wait3A_272] : memref<2048xi32, #tpu.memory_space<vmem>> -> memref<128xi32, #tpu.memory_space<vmem>>
    %dma_wait3A_274 = arith.constant 0 : i32
    %dma_wait3A_275 = arith.constant 0 : i32
    %dma_wait3A_276 = tpu.memref_slice %arg2[%dma_wait3A_274, %dma_wait3A_275] : memref<4096x64xf32, #tpu.memory_space<hbm>> -> memref<4096x64xf32, #tpu.memory_space<hbm>>
    tpu.wait_indirect_dma semaphore(%arg11 : memref<!tpu.dma_semaphore, #tpu.memory_space<semaphore_mem>>) src(%dma_wait3A_276 : memref<4096x64xf32, #tpu.memory_space<hbm>>) dst(%arg7 : memref<128x64xf32, #tpu.memory_space<vmem>>)
    %add3A_277 = arith.constant 1664 : i32
    %add3A_278 = arith.addi %mul3A_2, %add3A_277 : i32
    %dma_start3A_279 = arith.constant 0 : i32
    %dma_start3A_280 = tpu.memref_slice %arg4[%add3A_278, %dma_start3A_279] : memref<65536x64xf32, #tpu.memory_space<hbm>> -> memref<128x64xf32, #tpu.memory_space<hbm>>
    %dma_start3A_281 = arith.constant 0 : i32
    %dma_start3A_282 = tpu.memref_slice %arg4[%add3A_278, %dma_start3A_281] : memref<65536x64xf32, #tpu.memory_space<hbm>> -> memref<128x64xf32, #tpu.memory_space<hbm>>
    tpu.enqueue_dma source(%arg7 : memref<128x64xf32, #tpu.memory_space<vmem>>) target(%dma_start3A_282 : memref<128x64xf32, #tpu.memory_space<hbm>>) target_semaphore(%arg15 : memref<!tpu.dma_semaphore, #tpu.memory_space<semaphore_mem>>)
    %dma_wait3A_283 = arith.constant 1792 : i32
    %dma_wait3A_284 = tpu.memref_slice %arg5[%dma_wait3A_283] : memref<2048xi32, #tpu.memory_space<vmem>> -> memref<128xi32, #tpu.memory_space<vmem>>
    %dma_wait3A_285 = arith.constant 0 : i32
    %dma_wait3A_286 = arith.constant 0 : i32
    %dma_wait3A_287 = tpu.memref_slice %arg2[%dma_wait3A_285, %dma_wait3A_286] : memref<4096x64xf32, #tpu.memory_space<hbm>> -> memref<4096x64xf32, #tpu.memory_space<hbm>>
    tpu.wait_indirect_dma semaphore(%arg12 : memref<!tpu.dma_semaphore, #tpu.memory_space<semaphore_mem>>) src(%dma_wait3A_287 : memref<4096x64xf32, #tpu.memory_space<hbm>>) dst(%arg8 : memref<128x64xf32, #tpu.memory_space<vmem>>)
    %add3A_288 = arith.constant 1792 : i32
    %add3A_289 = arith.addi %mul3A_2, %add3A_288 : i32
    %dma_start3A_290 = arith.constant 0 : i32
    %dma_start3A_291 = tpu.memref_slice %arg4[%add3A_289, %dma_start3A_290] : memref<65536x64xf32, #tpu.memory_space<hbm>> -> memref<128x64xf32, #tpu.memory_space<hbm>>
    %dma_start3A_292 = arith.constant 0 : i32
    %dma_start3A_293 = tpu.memref_slice %arg4[%add3A_289, %dma_start3A_292] : memref<65536x64xf32, #tpu.memory_space<hbm>> -> memref<128x64xf32, #tpu.memory_space<hbm>>
    tpu.enqueue_dma source(%arg8 : memref<128x64xf32, #tpu.memory_space<vmem>>) target(%dma_start3A_293 : memref<128x64xf32, #tpu.memory_space<hbm>>) target_semaphore(%arg16 : memref<!tpu.dma_semaphore, #tpu.memory_space<semaphore_mem>>)
    %dma_wait3A_294 = arith.constant 1920 : i32
    %dma_wait3A_295 = tpu.memref_slice %arg5[%dma_wait3A_294] : memref<2048xi32, #tpu.memory_space<vmem>> -> memref<128xi32, #tpu.memory_space<vmem>>
    %dma_wait3A_296 = arith.constant 0 : i32
    %dma_wait3A_297 = arith.constant 0 : i32
    %dma_wait3A_298 = tpu.memref_slice %arg2[%dma_wait3A_296, %dma_wait3A_297] : memref<4096x64xf32, #tpu.memory_space<hbm>> -> memref<4096x64xf32, #tpu.memory_space<hbm>>
    tpu.wait_indirect_dma semaphore(%arg13 : memref<!tpu.dma_semaphore, #tpu.memory_space<semaphore_mem>>) src(%dma_wait3A_298 : memref<4096x64xf32, #tpu.memory_space<hbm>>) dst(%arg9 : memref<128x64xf32, #tpu.memory_space<vmem>>)
    %add3A_299 = arith.constant 1920 : i32
    %add3A_300 = arith.addi %mul3A_2, %add3A_299 : i32
    %dma_start3A_301 = arith.constant 0 : i32
    %dma_start3A_302 = tpu.memref_slice %arg4[%add3A_300, %dma_start3A_301] : memref<65536x64xf32, #tpu.memory_space<hbm>> -> memref<128x64xf32, #tpu.memory_space<hbm>>
    %dma_start3A_303 = arith.constant 0 : i32
    %dma_start3A_304 = tpu.memref_slice %arg4[%add3A_300, %dma_start3A_303] : memref<65536x64xf32, #tpu.memory_space<hbm>> -> memref<128x64xf32, #tpu.memory_space<hbm>>
    tpu.enqueue_dma source(%arg9 : memref<128x64xf32, #tpu.memory_space<vmem>>) target(%dma_start3A_304 : memref<128x64xf32, #tpu.memory_space<hbm>>) target_semaphore(%arg17 : memref<!tpu.dma_semaphore, #tpu.memory_space<semaphore_mem>>)
    %dma_wait3A_305 = arith.constant 0 : i32
    %dma_wait3A_306 = tpu.memref_slice %arg4[%add3A_258, %dma_wait3A_305] : memref<65536x64xf32, #tpu.memory_space<hbm>> -> memref<128x64xf32, #tpu.memory_space<hbm>>
    %dma_wait3A_307 = arith.constant 0 : i32
    %dma_wait3A_308 = tpu.memref_slice %arg4[%add3A_258, %dma_wait3A_307] : memref<65536x64xf32, #tpu.memory_space<hbm>> -> memref<128x64xf32, #tpu.memory_space<hbm>>
    tpu.wait_dma2 semaphore(%arg14 : memref<!tpu.dma_semaphore, #tpu.memory_space<semaphore_mem>>) src(%arg6 : memref<128x64xf32, #tpu.memory_space<vmem>>) dst(%dma_wait3A_308 : memref<128x64xf32, #tpu.memory_space<hbm>>)
    %dma_wait3A_309 = arith.constant 0 : i32
    %dma_wait3A_310 = tpu.memref_slice %arg4[%add3A_278, %dma_wait3A_309] : memref<65536x64xf32, #tpu.memory_space<hbm>> -> memref<128x64xf32, #tpu.memory_space<hbm>>
    %dma_wait3A_311 = arith.constant 0 : i32
    %dma_wait3A_312 = tpu.memref_slice %arg4[%add3A_278, %dma_wait3A_311] : memref<65536x64xf32, #tpu.memory_space<hbm>> -> memref<128x64xf32, #tpu.memory_space<hbm>>
    tpu.wait_dma2 semaphore(%arg15 : memref<!tpu.dma_semaphore, #tpu.memory_space<semaphore_mem>>) src(%arg7 : memref<128x64xf32, #tpu.memory_space<vmem>>) dst(%dma_wait3A_312 : memref<128x64xf32, #tpu.memory_space<hbm>>)
    %dma_wait3A_313 = arith.constant 0 : i32
    %dma_wait3A_314 = tpu.memref_slice %arg4[%add3A_289, %dma_wait3A_313] : memref<65536x64xf32, #tpu.memory_space<hbm>> -> memref<128x64xf32, #tpu.memory_space<hbm>>
    %dma_wait3A_315 = arith.constant 0 : i32
    %dma_wait3A_316 = tpu.memref_slice %arg4[%add3A_289, %dma_wait3A_315] : memref<65536x64xf32, #tpu.memory_space<hbm>> -> memref<128x64xf32, #tpu.memory_space<hbm>>
    tpu.wait_dma2 semaphore(%arg16 : memref<!tpu.dma_semaphore, #tpu.memory_space<semaphore_mem>>) src(%arg8 : memref<128x64xf32, #tpu.memory_space<vmem>>) dst(%dma_wait3A_316 : memref<128x64xf32, #tpu.memory_space<hbm>>)
    %dma_wait3A_317 = arith.constant 0 : i32
    %dma_wait3A_318 = tpu.memref_slice %arg4[%add3A_300, %dma_wait3A_317] : memref<65536x64xf32, #tpu.memory_space<hbm>> -> memref<128x64xf32, #tpu.memory_space<hbm>>
    %dma_wait3A_319 = arith.constant 0 : i32
    %dma_wait3A_320 = tpu.memref_slice %arg4[%add3A_300, %dma_wait3A_319] : memref<65536x64xf32, #tpu.memory_space<hbm>> -> memref<128x64xf32, #tpu.memory_space<hbm>>
    tpu.wait_dma2 semaphore(%arg17 : memref<!tpu.dma_semaphore, #tpu.memory_space<semaphore_mem>>) src(%arg9 : memref<128x64xf32, #tpu.memory_space<vmem>>) dst(%dma_wait3A_320 : memref<128x64xf32, #tpu.memory_space<hbm>>)
    return
  }
}

#map = affine_map<(d0, d1) -> (0, 0)>
#map1 = affine_map<(d0, d1) -> (0)>
module attributes {stable_mosaic.version = 14 : i64} {
  func.func @_gather_body(%arg0: i32, %arg1: i32, %arg2: memref<4096x64xf32, #tpu.memory_space<hbm>>, %arg3: memref<65536xi32, #tpu.memory_space<hbm>>, %arg4: memref<65536x64xf32, #tpu.memory_space<hbm>>, %arg5: memref<2048xi32, #tpu.memory_space<vmem>>, %arg6: memref<128x64xf32, #tpu.memory_space<vmem>>, %arg7: memref<128x64xf32, #tpu.memory_space<vmem>>, %arg8: memref<128x64xf32, #tpu.memory_space<vmem>>, %arg9: memref<128x64xf32, #tpu.memory_space<vmem>>, %arg10: memref<!tpu.dma_semaphore, #tpu.memory_space<semaphore_mem>>, %arg11: memref<!tpu.dma_semaphore, #tpu.memory_space<semaphore_mem>>, %arg12: memref<!tpu.dma_semaphore, #tpu.memory_space<semaphore_mem>>, %arg13: memref<!tpu.dma_semaphore, #tpu.memory_space<semaphore_mem>>, %arg14: memref<!tpu.dma_semaphore, #tpu.memory_space<semaphore_mem>>, %arg15: memref<!tpu.dma_semaphore, #tpu.memory_space<semaphore_mem>>, %arg16: memref<!tpu.dma_semaphore, #tpu.memory_space<semaphore_mem>>, %arg17: memref<!tpu.dma_semaphore, #tpu.memory_space<semaphore_mem>>) attributes {dimension_semantics = [#tpu.dimension_semantics<core_parallel>, #tpu.dimension_semantics<subcore_parallel>], iteration_bounds = array<i64: 2, 16>, scalar_prefetch = 0 : i64, scratch_operands = 13 : i64, tpu.core_type = #tpu.core_type<sc_vector_subcore>, window_params = [{transform_indices = #map}, {transform_indices = #map1}, {transform_indices = #map}]} {
    %mul3A = arith.constant 2 : i32
    %mul3A_0 = arith.muli %arg1, %mul3A : i32
    %add3A = arith.addi %mul3A_0, %arg0 : i32
    %mul3A_1 = arith.constant 2048 : i32
    %mul3A_2 = arith.muli %add3A, %mul3A_1 : i32
    "tpu.region"() ({
      %run_scoped3A = tpu.sem_alloc : memref<!tpu.dma_semaphore, #tpu.memory_space<semaphore_mem>>
      %dma_start3A_321 = tpu.memref_slice %arg3[%mul3A_2] : memref<65536xi32, #tpu.memory_space<hbm>> -> memref<2048xi32, #tpu.memory_space<hbm>>
      %dma_start3A_322 = tpu.memref_slice %arg3[%mul3A_2] : memref<65536xi32, #tpu.memory_space<hbm>> -> memref<2048xi32, #tpu.memory_space<hbm>>
      tpu.enqueue_dma source(%dma_start3A_322 : memref<2048xi32, #tpu.memory_space<hbm>>) target(%arg5 : memref<2048xi32, #tpu.memory_space<vmem>>) target_semaphore(%run_scoped3A : memref<!tpu.dma_semaphore, #tpu.memory_space<semaphore_mem>>)
      %dma_wait3A_323 = tpu.memref_slice %arg3[%mul3A_2] : memref<65536xi32, #tpu.memory_space<hbm>> -> memref<2048xi32, #tpu.memory_space<hbm>>
      %dma_wait3A_324 = tpu.memref_slice %arg3[%mul3A_2] : memref<65536xi32, #tpu.memory_space<hbm>> -> memref<2048xi32, #tpu.memory_space<hbm>>
      tpu.wait_dma2 semaphore(%run_scoped3A : memref<!tpu.dma_semaphore, #tpu.memory_space<semaphore_mem>>) src(%dma_wait3A_324 : memref<2048xi32, #tpu.memory_space<hbm>>) dst(%arg5 : memref<2048xi32, #tpu.memory_space<vmem>>)
      tpu.yield
    }) : () -> ()
    %dma_start3A = arith.constant 0 : i32
    %dma_start3A_3 = tpu.memref_slice %arg5[%dma_start3A] : memref<2048xi32, #tpu.memory_space<vmem>> -> memref<128xi32, #tpu.memory_space<vmem>>
    %dma_start3A_4 = arith.constant 0 : i32
    %dma_start3A_5 = arith.constant 0 : i32
    %dma_start3A_6 = tpu.memref_slice %arg2[%dma_start3A_4, %dma_start3A_5] : memref<4096x64xf32, #tpu.memory_space<hbm>> -> memref<4096x64xf32, #tpu.memory_space<hbm>>
    tpu.enqueue_indirect_dma source(%dma_start3A_6 : memref<4096x64xf32, #tpu.memory_space<hbm>>) target(%arg6 : memref<128x64xf32, #tpu.memory_space<vmem>>) offsets(%dma_start3A_3 : memref<128xi32, #tpu.memory_space<vmem>>) semaphore(%arg10 : memref<!tpu.dma_semaphore, #tpu.memory_space<semaphore_mem>>)
    %dma_start3A_7 = arith.constant 128 : i32
    %dma_start3A_8 = tpu.memref_slice %arg5[%dma_start3A_7] : memref<2048xi32, #tpu.memory_space<vmem>> -> memref<128xi32, #tpu.memory_space<vmem>>
    %dma_start3A_9 = arith.constant 0 : i32
    %dma_start3A_10 = arith.constant 0 : i32
    %dma_start3A_11 = tpu.memref_slice %arg2[%dma_start3A_9, %dma_start3A_10] : memref<4096x64xf32, #tpu.memory_space<hbm>> -> memref<4096x64xf32, #tpu.memory_space<hbm>>
    tpu.enqueue_indirect_dma source(%dma_start3A_11 : memref<4096x64xf32, #tpu.memory_space<hbm>>) target(%arg7 : memref<128x64xf32, #tpu.memory_space<vmem>>) offsets(%dma_start3A_8 : memref<128xi32, #tpu.memory_space<vmem>>) semaphore(%arg11 : memref<!tpu.dma_semaphore, #tpu.memory_space<semaphore_mem>>)
    %dma_start3A_12 = arith.constant 256 : i32
    %dma_start3A_13 = tpu.memref_slice %arg5[%dma_start3A_12] : memref<2048xi32, #tpu.memory_space<vmem>> -> memref<128xi32, #tpu.memory_space<vmem>>
    %dma_start3A_14 = arith.constant 0 : i32
    %dma_start3A_15 = arith.constant 0 : i32
    %dma_start3A_16 = tpu.memref_slice %arg2[%dma_start3A_14, %dma_start3A_15] : memref<4096x64xf32, #tpu.memory_space<hbm>> -> memref<4096x64xf32, #tpu.memory_space<hbm>>
    tpu.enqueue_indirect_dma source(%dma_start3A_16 : memref<4096x64xf32, #tpu.memory_space<hbm>>) target(%arg8 : memref<128x64xf32, #tpu.memory_space<vmem>>) offsets(%dma_start3A_13 : memref<128xi32, #tpu.memory_space<vmem>>) semaphore(%arg12 : memref<!tpu.dma_semaphore, #tpu.memory_space<semaphore_mem>>)
    %dma_wait3A = arith.constant 0 : i32
    %dma_wait3A_17 = tpu.memref_slice %arg5[%dma_wait3A] : memref<2048xi32, #tpu.memory_space<vmem>> -> memref<128xi32, #tpu.memory_space<vmem>>
    %dma_wait3A_18 = arith.constant 0 : i32
    %dma_wait3A_19 = arith.constant 0 : i32
    %dma_wait3A_20 = tpu.memref_slice %arg2[%dma_wait3A_18, %dma_wait3A_19] : memref<4096x64xf32, #tpu.memory_space<hbm>> -> memref<4096x64xf32, #tpu.memory_space<hbm>>
    tpu.wait_indirect_dma semaphore(%arg10 : memref<!tpu.dma_semaphore, #tpu.memory_space<semaphore_mem>>) src(%dma_wait3A_20 : memref<4096x64xf32, #tpu.memory_space<hbm>>) dst(%arg6 : memref<128x64xf32, #tpu.memory_space<vmem>>)
    %add3A_21 = arith.constant 0 : i32
    %add3A_22 = arith.addi %mul3A_2, %add3A_21 : i32
    %dma_start3A_23 = arith.constant 0 : i32
    %dma_start3A_24 = tpu.memref_slice %arg4[%add3A_22, %dma_start3A_23] : memref<65536x64xf32, #tpu.memory_space<hbm>> -> memref<128x64xf32, #tpu.memory_space<hbm>>
    %dma_start3A_25 = arith.constant 0 : i32
    %dma_start3A_26 = tpu.memref_slice %arg4[%add3A_22, %dma_start3A_25] : memref<65536x64xf32, #tpu.memory_space<hbm>> -> memref<128x64xf32, #tpu.memory_space<hbm>>
    tpu.enqueue_dma source(%arg6 : memref<128x64xf32, #tpu.memory_space<vmem>>) target(%dma_start3A_26 : memref<128x64xf32, #tpu.memory_space<hbm>>) target_semaphore(%arg14 : memref<!tpu.dma_semaphore, #tpu.memory_space<semaphore_mem>>)
    %dma_start3A_27 = arith.constant 384 : i32
    %dma_start3A_28 = tpu.memref_slice %arg5[%dma_start3A_27] : memref<2048xi32, #tpu.memory_space<vmem>> -> memref<128xi32, #tpu.memory_space<vmem>>
    %dma_start3A_29 = arith.constant 0 : i32
    %dma_start3A_30 = arith.constant 0 : i32
    %dma_start3A_31 = tpu.memref_slice %arg2[%dma_start3A_29, %dma_start3A_30] : memref<4096x64xf32, #tpu.memory_space<hbm>> -> memref<4096x64xf32, #tpu.memory_space<hbm>>
    tpu.enqueue_indirect_dma source(%dma_start3A_31 : memref<4096x64xf32, #tpu.memory_space<hbm>>) target(%arg9 : memref<128x64xf32, #tpu.memory_space<vmem>>) offsets(%dma_start3A_28 : memref<128xi32, #tpu.memory_space<vmem>>) semaphore(%arg13 : memref<!tpu.dma_semaphore, #tpu.memory_space<semaphore_mem>>)
    %dma_wait3A_32 = arith.constant 128 : i32
    %dma_wait3A_33 = tpu.memref_slice %arg5[%dma_wait3A_32] : memref<2048xi32, #tpu.memory_space<vmem>> -> memref<128xi32, #tpu.memory_space<vmem>>
    %dma_wait3A_34 = arith.constant 0 : i32
    %dma_wait3A_35 = arith.constant 0 : i32
    %dma_wait3A_36 = tpu.memref_slice %arg2[%dma_wait3A_34, %dma_wait3A_35] : memref<4096x64xf32, #tpu.memory_space<hbm>> -> memref<4096x64xf32, #tpu.memory_space<hbm>>
    tpu.wait_indirect_dma semaphore(%arg11 : memref<!tpu.dma_semaphore, #tpu.memory_space<semaphore_mem>>) src(%dma_wait3A_36 : memref<4096x64xf32, #tpu.memory_space<hbm>>) dst(%arg7 : memref<128x64xf32, #tpu.memory_space<vmem>>)
    %add3A_37 = arith.constant 128 : i32
    %add3A_38 = arith.addi %mul3A_2, %add3A_37 : i32
    %dma_start3A_39 = arith.constant 0 : i32
    %dma_start3A_40 = tpu.memref_slice %arg4[%add3A_38, %dma_start3A_39] : memref<65536x64xf32, #tpu.memory_space<hbm>> -> memref<128x64xf32, #tpu.memory_space<hbm>>
    %dma_start3A_41 = arith.constant 0 : i32
    %dma_start3A_42 = tpu.memref_slice %arg4[%add3A_38, %dma_start3A_41] : memref<65536x64xf32, #tpu.memory_space<hbm>> -> memref<128x64xf32, #tpu.memory_space<hbm>>
    tpu.enqueue_dma source(%arg7 : memref<128x64xf32, #tpu.memory_space<vmem>>) target(%dma_start3A_42 : memref<128x64xf32, #tpu.memory_space<hbm>>) target_semaphore(%arg15 : memref<!tpu.dma_semaphore, #tpu.memory_space<semaphore_mem>>)
    %dma_wait3A_43 = arith.constant 0 : i32
    %dma_wait3A_44 = tpu.memref_slice %arg4[%add3A_22, %dma_wait3A_43] : memref<65536x64xf32, #tpu.memory_space<hbm>> -> memref<128x64xf32, #tpu.memory_space<hbm>>
    %dma_wait3A_45 = arith.constant 0 : i32
    %dma_wait3A_46 = tpu.memref_slice %arg4[%add3A_22, %dma_wait3A_45] : memref<65536x64xf32, #tpu.memory_space<hbm>> -> memref<128x64xf32, #tpu.memory_space<hbm>>
    tpu.wait_dma2 semaphore(%arg14 : memref<!tpu.dma_semaphore, #tpu.memory_space<semaphore_mem>>) src(%arg6 : memref<128x64xf32, #tpu.memory_space<vmem>>) dst(%dma_wait3A_46 : memref<128x64xf32, #tpu.memory_space<hbm>>)
    %dma_start3A_47 = arith.constant 512 : i32
    %dma_start3A_48 = tpu.memref_slice %arg5[%dma_start3A_47] : memref<2048xi32, #tpu.memory_space<vmem>> -> memref<128xi32, #tpu.memory_space<vmem>>
    %dma_start3A_49 = arith.constant 0 : i32
    %dma_start3A_50 = arith.constant 0 : i32
    %dma_start3A_51 = tpu.memref_slice %arg2[%dma_start3A_49, %dma_start3A_50] : memref<4096x64xf32, #tpu.memory_space<hbm>> -> memref<4096x64xf32, #tpu.memory_space<hbm>>
    tpu.enqueue_indirect_dma source(%dma_start3A_51 : memref<4096x64xf32, #tpu.memory_space<hbm>>) target(%arg6 : memref<128x64xf32, #tpu.memory_space<vmem>>) offsets(%dma_start3A_48 : memref<128xi32, #tpu.memory_space<vmem>>) semaphore(%arg10 : memref<!tpu.dma_semaphore, #tpu.memory_space<semaphore_mem>>)
    %dma_wait3A_52 = arith.constant 256 : i32
    %dma_wait3A_53 = tpu.memref_slice %arg5[%dma_wait3A_52] : memref<2048xi32, #tpu.memory_space<vmem>> -> memref<128xi32, #tpu.memory_space<vmem>>
    %dma_wait3A_54 = arith.constant 0 : i32
    %dma_wait3A_55 = arith.constant 0 : i32
    %dma_wait3A_56 = tpu.memref_slice %arg2[%dma_wait3A_54, %dma_wait3A_55] : memref<4096x64xf32, #tpu.memory_space<hbm>> -> memref<4096x64xf32, #tpu.memory_space<hbm>>
    tpu.wait_indirect_dma semaphore(%arg12 : memref<!tpu.dma_semaphore, #tpu.memory_space<semaphore_mem>>) src(%dma_wait3A_56 : memref<4096x64xf32, #tpu.memory_space<hbm>>) dst(%arg8 : memref<128x64xf32, #tpu.memory_space<vmem>>)
    %add3A_57 = arith.constant 256 : i32
    %add3A_58 = arith.addi %mul3A_2, %add3A_57 : i32
    %dma_start3A_59 = arith.constant 0 : i32
    %dma_start3A_60 = tpu.memref_slice %arg4[%add3A_58, %dma_start3A_59] : memref<65536x64xf32, #tpu.memory_space<hbm>> -> memref<128x64xf32, #tpu.memory_space<hbm>>
    %dma_start3A_61 = arith.constant 0 : i32
    %dma_start3A_62 = tpu.memref_slice %arg4[%add3A_58, %dma_start3A_61] : memref<65536x64xf32, #tpu.memory_space<hbm>> -> memref<128x64xf32, #tpu.memory_space<hbm>>
    tpu.enqueue_dma source(%arg8 : memref<128x64xf32, #tpu.memory_space<vmem>>) target(%dma_start3A_62 : memref<128x64xf32, #tpu.memory_space<hbm>>) target_semaphore(%arg16 : memref<!tpu.dma_semaphore, #tpu.memory_space<semaphore_mem>>)
    %dma_wait3A_63 = arith.constant 0 : i32
    %dma_wait3A_64 = tpu.memref_slice %arg4[%add3A_38, %dma_wait3A_63] : memref<65536x64xf32, #tpu.memory_space<hbm>> -> memref<128x64xf32, #tpu.memory_space<hbm>>
    %dma_wait3A_65 = arith.constant 0 : i32
    %dma_wait3A_66 = tpu.memref_slice %arg4[%add3A_38, %dma_wait3A_65] : memref<65536x64xf32, #tpu.memory_space<hbm>> -> memref<128x64xf32, #tpu.memory_space<hbm>>
    tpu.wait_dma2 semaphore(%arg15 : memref<!tpu.dma_semaphore, #tpu.memory_space<semaphore_mem>>) src(%arg7 : memref<128x64xf32, #tpu.memory_space<vmem>>) dst(%dma_wait3A_66 : memref<128x64xf32, #tpu.memory_space<hbm>>)
    %dma_start3A_67 = arith.constant 640 : i32
    %dma_start3A_68 = tpu.memref_slice %arg5[%dma_start3A_67] : memref<2048xi32, #tpu.memory_space<vmem>> -> memref<128xi32, #tpu.memory_space<vmem>>
    %dma_start3A_69 = arith.constant 0 : i32
    %dma_start3A_70 = arith.constant 0 : i32
    %dma_start3A_71 = tpu.memref_slice %arg2[%dma_start3A_69, %dma_start3A_70] : memref<4096x64xf32, #tpu.memory_space<hbm>> -> memref<4096x64xf32, #tpu.memory_space<hbm>>
    tpu.enqueue_indirect_dma source(%dma_start3A_71 : memref<4096x64xf32, #tpu.memory_space<hbm>>) target(%arg7 : memref<128x64xf32, #tpu.memory_space<vmem>>) offsets(%dma_start3A_68 : memref<128xi32, #tpu.memory_space<vmem>>) semaphore(%arg11 : memref<!tpu.dma_semaphore, #tpu.memory_space<semaphore_mem>>)
    %dma_wait3A_72 = arith.constant 384 : i32
    %dma_wait3A_73 = tpu.memref_slice %arg5[%dma_wait3A_72] : memref<2048xi32, #tpu.memory_space<vmem>> -> memref<128xi32, #tpu.memory_space<vmem>>
    %dma_wait3A_74 = arith.constant 0 : i32
    %dma_wait3A_75 = arith.constant 0 : i32
    %dma_wait3A_76 = tpu.memref_slice %arg2[%dma_wait3A_74, %dma_wait3A_75] : memref<4096x64xf32, #tpu.memory_space<hbm>> -> memref<4096x64xf32, #tpu.memory_space<hbm>>
    tpu.wait_indirect_dma semaphore(%arg13 : memref<!tpu.dma_semaphore, #tpu.memory_space<semaphore_mem>>) src(%dma_wait3A_76 : memref<4096x64xf32, #tpu.memory_space<hbm>>) dst(%arg9 : memref<128x64xf32, #tpu.memory_space<vmem>>)
    %add3A_77 = arith.constant 384 : i32
    %add3A_78 = arith.addi %mul3A_2, %add3A_77 : i32
    %dma_start3A_79 = arith.constant 0 : i32
    %dma_start3A_80 = tpu.memref_slice %arg4[%add3A_78, %dma_start3A_79] : memref<65536x64xf32, #tpu.memory_space<hbm>> -> memref<128x64xf32, #tpu.memory_space<hbm>>
    %dma_start3A_81 = arith.constant 0 : i32
    %dma_start3A_82 = tpu.memref_slice %arg4[%add3A_78, %dma_start3A_81] : memref<65536x64xf32, #tpu.memory_space<hbm>> -> memref<128x64xf32, #tpu.memory_space<hbm>>
    tpu.enqueue_dma source(%arg9 : memref<128x64xf32, #tpu.memory_space<vmem>>) target(%dma_start3A_82 : memref<128x64xf32, #tpu.memory_space<hbm>>) target_semaphore(%arg17 : memref<!tpu.dma_semaphore, #tpu.memory_space<semaphore_mem>>)
    %dma_wait3A_83 = arith.constant 0 : i32
    %dma_wait3A_84 = tpu.memref_slice %arg4[%add3A_58, %dma_wait3A_83] : memref<65536x64xf32, #tpu.memory_space<hbm>> -> memref<128x64xf32, #tpu.memory_space<hbm>>
    %dma_wait3A_85 = arith.constant 0 : i32
    %dma_wait3A_86 = tpu.memref_slice %arg4[%add3A_58, %dma_wait3A_85] : memref<65536x64xf32, #tpu.memory_space<hbm>> -> memref<128x64xf32, #tpu.memory_space<hbm>>
    tpu.wait_dma2 semaphore(%arg16 : memref<!tpu.dma_semaphore, #tpu.memory_space<semaphore_mem>>) src(%arg8 : memref<128x64xf32, #tpu.memory_space<vmem>>) dst(%dma_wait3A_86 : memref<128x64xf32, #tpu.memory_space<hbm>>)
    %dma_start3A_87 = arith.constant 768 : i32
    %dma_start3A_88 = tpu.memref_slice %arg5[%dma_start3A_87] : memref<2048xi32, #tpu.memory_space<vmem>> -> memref<128xi32, #tpu.memory_space<vmem>>
    %dma_start3A_89 = arith.constant 0 : i32
    %dma_start3A_90 = arith.constant 0 : i32
    %dma_start3A_91 = tpu.memref_slice %arg2[%dma_start3A_89, %dma_start3A_90] : memref<4096x64xf32, #tpu.memory_space<hbm>> -> memref<4096x64xf32, #tpu.memory_space<hbm>>
    tpu.enqueue_indirect_dma source(%dma_start3A_91 : memref<4096x64xf32, #tpu.memory_space<hbm>>) target(%arg8 : memref<128x64xf32, #tpu.memory_space<vmem>>) offsets(%dma_start3A_88 : memref<128xi32, #tpu.memory_space<vmem>>) semaphore(%arg12 : memref<!tpu.dma_semaphore, #tpu.memory_space<semaphore_mem>>)
    %dma_wait3A_92 = arith.constant 512 : i32
    %dma_wait3A_93 = tpu.memref_slice %arg5[%dma_wait3A_92] : memref<2048xi32, #tpu.memory_space<vmem>> -> memref<128xi32, #tpu.memory_space<vmem>>
    %dma_wait3A_94 = arith.constant 0 : i32
    %dma_wait3A_95 = arith.constant 0 : i32
    %dma_wait3A_96 = tpu.memref_slice %arg2[%dma_wait3A_94, %dma_wait3A_95] : memref<4096x64xf32, #tpu.memory_space<hbm>> -> memref<4096x64xf32, #tpu.memory_space<hbm>>
    tpu.wait_indirect_dma semaphore(%arg10 : memref<!tpu.dma_semaphore, #tpu.memory_space<semaphore_mem>>) src(%dma_wait3A_96 : memref<4096x64xf32, #tpu.memory_space<hbm>>) dst(%arg6 : memref<128x64xf32, #tpu.memory_space<vmem>>)
    %add3A_97 = arith.constant 512 : i32
    %add3A_98 = arith.addi %mul3A_2, %add3A_97 : i32
    %dma_start3A_99 = arith.constant 0 : i32
    %dma_start3A_100 = tpu.memref_slice %arg4[%add3A_98, %dma_start3A_99] : memref<65536x64xf32, #tpu.memory_space<hbm>> -> memref<128x64xf32, #tpu.memory_space<hbm>>
    %dma_start3A_101 = arith.constant 0 : i32
    %dma_start3A_102 = tpu.memref_slice %arg4[%add3A_98, %dma_start3A_101] : memref<65536x64xf32, #tpu.memory_space<hbm>> -> memref<128x64xf32, #tpu.memory_space<hbm>>
    tpu.enqueue_dma source(%arg6 : memref<128x64xf32, #tpu.memory_space<vmem>>) target(%dma_start3A_102 : memref<128x64xf32, #tpu.memory_space<hbm>>) target_semaphore(%arg14 : memref<!tpu.dma_semaphore, #tpu.memory_space<semaphore_mem>>)
    %dma_wait3A_103 = arith.constant 0 : i32
    %dma_wait3A_104 = tpu.memref_slice %arg4[%add3A_78, %dma_wait3A_103] : memref<65536x64xf32, #tpu.memory_space<hbm>> -> memref<128x64xf32, #tpu.memory_space<hbm>>
    %dma_wait3A_105 = arith.constant 0 : i32
    %dma_wait3A_106 = tpu.memref_slice %arg4[%add3A_78, %dma_wait3A_105] : memref<65536x64xf32, #tpu.memory_space<hbm>> -> memref<128x64xf32, #tpu.memory_space<hbm>>
    tpu.wait_dma2 semaphore(%arg17 : memref<!tpu.dma_semaphore, #tpu.memory_space<semaphore_mem>>) src(%arg9 : memref<128x64xf32, #tpu.memory_space<vmem>>) dst(%dma_wait3A_106 : memref<128x64xf32, #tpu.memory_space<hbm>>)
    %dma_start3A_107 = arith.constant 896 : i32
    %dma_start3A_108 = tpu.memref_slice %arg5[%dma_start3A_107] : memref<2048xi32, #tpu.memory_space<vmem>> -> memref<128xi32, #tpu.memory_space<vmem>>
    %dma_start3A_109 = arith.constant 0 : i32
    %dma_start3A_110 = arith.constant 0 : i32
    %dma_start3A_111 = tpu.memref_slice %arg2[%dma_start3A_109, %dma_start3A_110] : memref<4096x64xf32, #tpu.memory_space<hbm>> -> memref<4096x64xf32, #tpu.memory_space<hbm>>
    tpu.enqueue_indirect_dma source(%dma_start3A_111 : memref<4096x64xf32, #tpu.memory_space<hbm>>) target(%arg9 : memref<128x64xf32, #tpu.memory_space<vmem>>) offsets(%dma_start3A_108 : memref<128xi32, #tpu.memory_space<vmem>>) semaphore(%arg13 : memref<!tpu.dma_semaphore, #tpu.memory_space<semaphore_mem>>)
    %dma_wait3A_112 = arith.constant 640 : i32
    %dma_wait3A_113 = tpu.memref_slice %arg5[%dma_wait3A_112] : memref<2048xi32, #tpu.memory_space<vmem>> -> memref<128xi32, #tpu.memory_space<vmem>>
    %dma_wait3A_114 = arith.constant 0 : i32
    %dma_wait3A_115 = arith.constant 0 : i32
    %dma_wait3A_116 = tpu.memref_slice %arg2[%dma_wait3A_114, %dma_wait3A_115] : memref<4096x64xf32, #tpu.memory_space<hbm>> -> memref<4096x64xf32, #tpu.memory_space<hbm>>
    tpu.wait_indirect_dma semaphore(%arg11 : memref<!tpu.dma_semaphore, #tpu.memory_space<semaphore_mem>>) src(%dma_wait3A_116 : memref<4096x64xf32, #tpu.memory_space<hbm>>) dst(%arg7 : memref<128x64xf32, #tpu.memory_space<vmem>>)
    %add3A_117 = arith.constant 640 : i32
    %add3A_118 = arith.addi %mul3A_2, %add3A_117 : i32
    %dma_start3A_119 = arith.constant 0 : i32
    %dma_start3A_120 = tpu.memref_slice %arg4[%add3A_118, %dma_start3A_119] : memref<65536x64xf32, #tpu.memory_space<hbm>> -> memref<128x64xf32, #tpu.memory_space<hbm>>
    %dma_start3A_121 = arith.constant 0 : i32
    %dma_start3A_122 = tpu.memref_slice %arg4[%add3A_118, %dma_start3A_121] : memref<65536x64xf32, #tpu.memory_space<hbm>> -> memref<128x64xf32, #tpu.memory_space<hbm>>
    tpu.enqueue_dma source(%arg7 : memref<128x64xf32, #tpu.memory_space<vmem>>) target(%dma_start3A_122 : memref<128x64xf32, #tpu.memory_space<hbm>>) target_semaphore(%arg15 : memref<!tpu.dma_semaphore, #tpu.memory_space<semaphore_mem>>)
    %dma_wait3A_123 = arith.constant 0 : i32
    %dma_wait3A_124 = tpu.memref_slice %arg4[%add3A_98, %dma_wait3A_123] : memref<65536x64xf32, #tpu.memory_space<hbm>> -> memref<128x64xf32, #tpu.memory_space<hbm>>
    %dma_wait3A_125 = arith.constant 0 : i32
    %dma_wait3A_126 = tpu.memref_slice %arg4[%add3A_98, %dma_wait3A_125] : memref<65536x64xf32, #tpu.memory_space<hbm>> -> memref<128x64xf32, #tpu.memory_space<hbm>>
    tpu.wait_dma2 semaphore(%arg14 : memref<!tpu.dma_semaphore, #tpu.memory_space<semaphore_mem>>) src(%arg6 : memref<128x64xf32, #tpu.memory_space<vmem>>) dst(%dma_wait3A_126 : memref<128x64xf32, #tpu.memory_space<hbm>>)
    %dma_start3A_127 = arith.constant 1024 : i32
    %dma_start3A_128 = tpu.memref_slice %arg5[%dma_start3A_127] : memref<2048xi32, #tpu.memory_space<vmem>> -> memref<128xi32, #tpu.memory_space<vmem>>
    %dma_start3A_129 = arith.constant 0 : i32
    %dma_start3A_130 = arith.constant 0 : i32
    %dma_start3A_131 = tpu.memref_slice %arg2[%dma_start3A_129, %dma_start3A_130] : memref<4096x64xf32, #tpu.memory_space<hbm>> -> memref<4096x64xf32, #tpu.memory_space<hbm>>
    tpu.enqueue_indirect_dma source(%dma_start3A_131 : memref<4096x64xf32, #tpu.memory_space<hbm>>) target(%arg6 : memref<128x64xf32, #tpu.memory_space<vmem>>) offsets(%dma_start3A_128 : memref<128xi32, #tpu.memory_space<vmem>>) semaphore(%arg10 : memref<!tpu.dma_semaphore, #tpu.memory_space<semaphore_mem>>)
    %dma_wait3A_132 = arith.constant 768 : i32
    %dma_wait3A_133 = tpu.memref_slice %arg5[%dma_wait3A_132] : memref<2048xi32, #tpu.memory_space<vmem>> -> memref<128xi32, #tpu.memory_space<vmem>>
    %dma_wait3A_134 = arith.constant 0 : i32
    %dma_wait3A_135 = arith.constant 0 : i32
    %dma_wait3A_136 = tpu.memref_slice %arg2[%dma_wait3A_134, %dma_wait3A_135] : memref<4096x64xf32, #tpu.memory_space<hbm>> -> memref<4096x64xf32, #tpu.memory_space<hbm>>
    tpu.wait_indirect_dma semaphore(%arg12 : memref<!tpu.dma_semaphore, #tpu.memory_space<semaphore_mem>>) src(%dma_wait3A_136 : memref<4096x64xf32, #tpu.memory_space<hbm>>) dst(%arg8 : memref<128x64xf32, #tpu.memory_space<vmem>>)
    %add3A_137 = arith.constant 768 : i32
    %add3A_138 = arith.addi %mul3A_2, %add3A_137 : i32
    %dma_start3A_139 = arith.constant 0 : i32
    %dma_start3A_140 = tpu.memref_slice %arg4[%add3A_138, %dma_start3A_139] : memref<65536x64xf32, #tpu.memory_space<hbm>> -> memref<128x64xf32, #tpu.memory_space<hbm>>
    %dma_start3A_141 = arith.constant 0 : i32
    %dma_start3A_142 = tpu.memref_slice %arg4[%add3A_138, %dma_start3A_141] : memref<65536x64xf32, #tpu.memory_space<hbm>> -> memref<128x64xf32, #tpu.memory_space<hbm>>
    tpu.enqueue_dma source(%arg8 : memref<128x64xf32, #tpu.memory_space<vmem>>) target(%dma_start3A_142 : memref<128x64xf32, #tpu.memory_space<hbm>>) target_semaphore(%arg16 : memref<!tpu.dma_semaphore, #tpu.memory_space<semaphore_mem>>)
    %dma_wait3A_143 = arith.constant 0 : i32
    %dma_wait3A_144 = tpu.memref_slice %arg4[%add3A_118, %dma_wait3A_143] : memref<65536x64xf32, #tpu.memory_space<hbm>> -> memref<128x64xf32, #tpu.memory_space<hbm>>
    %dma_wait3A_145 = arith.constant 0 : i32
    %dma_wait3A_146 = tpu.memref_slice %arg4[%add3A_118, %dma_wait3A_145] : memref<65536x64xf32, #tpu.memory_space<hbm>> -> memref<128x64xf32, #tpu.memory_space<hbm>>
    tpu.wait_dma2 semaphore(%arg15 : memref<!tpu.dma_semaphore, #tpu.memory_space<semaphore_mem>>) src(%arg7 : memref<128x64xf32, #tpu.memory_space<vmem>>) dst(%dma_wait3A_146 : memref<128x64xf32, #tpu.memory_space<hbm>>)
    %dma_start3A_147 = arith.constant 1152 : i32
    %dma_start3A_148 = tpu.memref_slice %arg5[%dma_start3A_147] : memref<2048xi32, #tpu.memory_space<vmem>> -> memref<128xi32, #tpu.memory_space<vmem>>
    %dma_start3A_149 = arith.constant 0 : i32
    %dma_start3A_150 = arith.constant 0 : i32
    %dma_start3A_151 = tpu.memref_slice %arg2[%dma_start3A_149, %dma_start3A_150] : memref<4096x64xf32, #tpu.memory_space<hbm>> -> memref<4096x64xf32, #tpu.memory_space<hbm>>
    tpu.enqueue_indirect_dma source(%dma_start3A_151 : memref<4096x64xf32, #tpu.memory_space<hbm>>) target(%arg7 : memref<128x64xf32, #tpu.memory_space<vmem>>) offsets(%dma_start3A_148 : memref<128xi32, #tpu.memory_space<vmem>>) semaphore(%arg11 : memref<!tpu.dma_semaphore, #tpu.memory_space<semaphore_mem>>)
    %dma_wait3A_152 = arith.constant 896 : i32
    %dma_wait3A_153 = tpu.memref_slice %arg5[%dma_wait3A_152] : memref<2048xi32, #tpu.memory_space<vmem>> -> memref<128xi32, #tpu.memory_space<vmem>>
    %dma_wait3A_154 = arith.constant 0 : i32
    %dma_wait3A_155 = arith.constant 0 : i32
    %dma_wait3A_156 = tpu.memref_slice %arg2[%dma_wait3A_154, %dma_wait3A_155] : memref<4096x64xf32, #tpu.memory_space<hbm>> -> memref<4096x64xf32, #tpu.memory_space<hbm>>
    tpu.wait_indirect_dma semaphore(%arg13 : memref<!tpu.dma_semaphore, #tpu.memory_space<semaphore_mem>>) src(%dma_wait3A_156 : memref<4096x64xf32, #tpu.memory_space<hbm>>) dst(%arg9 : memref<128x64xf32, #tpu.memory_space<vmem>>)
    %add3A_157 = arith.constant 896 : i32
    %add3A_158 = arith.addi %mul3A_2, %add3A_157 : i32
    %dma_start3A_159 = arith.constant 0 : i32
    %dma_start3A_160 = tpu.memref_slice %arg4[%add3A_158, %dma_start3A_159] : memref<65536x64xf32, #tpu.memory_space<hbm>> -> memref<128x64xf32, #tpu.memory_space<hbm>>
    %dma_start3A_161 = arith.constant 0 : i32
    %dma_start3A_162 = tpu.memref_slice %arg4[%add3A_158, %dma_start3A_161] : memref<65536x64xf32, #tpu.memory_space<hbm>> -> memref<128x64xf32, #tpu.memory_space<hbm>>
    tpu.enqueue_dma source(%arg9 : memref<128x64xf32, #tpu.memory_space<vmem>>) target(%dma_start3A_162 : memref<128x64xf32, #tpu.memory_space<hbm>>) target_semaphore(%arg17 : memref<!tpu.dma_semaphore, #tpu.memory_space<semaphore_mem>>)
    %dma_wait3A_163 = arith.constant 0 : i32
    %dma_wait3A_164 = tpu.memref_slice %arg4[%add3A_138, %dma_wait3A_163] : memref<65536x64xf32, #tpu.memory_space<hbm>> -> memref<128x64xf32, #tpu.memory_space<hbm>>
    %dma_wait3A_165 = arith.constant 0 : i32
    %dma_wait3A_166 = tpu.memref_slice %arg4[%add3A_138, %dma_wait3A_165] : memref<65536x64xf32, #tpu.memory_space<hbm>> -> memref<128x64xf32, #tpu.memory_space<hbm>>
    tpu.wait_dma2 semaphore(%arg16 : memref<!tpu.dma_semaphore, #tpu.memory_space<semaphore_mem>>) src(%arg8 : memref<128x64xf32, #tpu.memory_space<vmem>>) dst(%dma_wait3A_166 : memref<128x64xf32, #tpu.memory_space<hbm>>)
    %dma_start3A_167 = arith.constant 1280 : i32
    %dma_start3A_168 = tpu.memref_slice %arg5[%dma_start3A_167] : memref<2048xi32, #tpu.memory_space<vmem>> -> memref<128xi32, #tpu.memory_space<vmem>>
    %dma_start3A_169 = arith.constant 0 : i32
    %dma_start3A_170 = arith.constant 0 : i32
    %dma_start3A_171 = tpu.memref_slice %arg2[%dma_start3A_169, %dma_start3A_170] : memref<4096x64xf32, #tpu.memory_space<hbm>> -> memref<4096x64xf32, #tpu.memory_space<hbm>>
    tpu.enqueue_indirect_dma source(%dma_start3A_171 : memref<4096x64xf32, #tpu.memory_space<hbm>>) target(%arg8 : memref<128x64xf32, #tpu.memory_space<vmem>>) offsets(%dma_start3A_168 : memref<128xi32, #tpu.memory_space<vmem>>) semaphore(%arg12 : memref<!tpu.dma_semaphore, #tpu.memory_space<semaphore_mem>>)
    %dma_wait3A_172 = arith.constant 1024 : i32
    %dma_wait3A_173 = tpu.memref_slice %arg5[%dma_wait3A_172] : memref<2048xi32, #tpu.memory_space<vmem>> -> memref<128xi32, #tpu.memory_space<vmem>>
    %dma_wait3A_174 = arith.constant 0 : i32
    %dma_wait3A_175 = arith.constant 0 : i32
    %dma_wait3A_176 = tpu.memref_slice %arg2[%dma_wait3A_174, %dma_wait3A_175] : memref<4096x64xf32, #tpu.memory_space<hbm>> -> memref<4096x64xf32, #tpu.memory_space<hbm>>
    tpu.wait_indirect_dma semaphore(%arg10 : memref<!tpu.dma_semaphore, #tpu.memory_space<semaphore_mem>>) src(%dma_wait3A_176 : memref<4096x64xf32, #tpu.memory_space<hbm>>) dst(%arg6 : memref<128x64xf32, #tpu.memory_space<vmem>>)
    %add3A_177 = arith.constant 1024 : i32
    %add3A_178 = arith.addi %mul3A_2, %add3A_177 : i32
    %dma_start3A_179 = arith.constant 0 : i32
    %dma_start3A_180 = tpu.memref_slice %arg4[%add3A_178, %dma_start3A_179] : memref<65536x64xf32, #tpu.memory_space<hbm>> -> memref<128x64xf32, #tpu.memory_space<hbm>>
    %dma_start3A_181 = arith.constant 0 : i32
    %dma_start3A_182 = tpu.memref_slice %arg4[%add3A_178, %dma_start3A_181] : memref<65536x64xf32, #tpu.memory_space<hbm>> -> memref<128x64xf32, #tpu.memory_space<hbm>>
    tpu.enqueue_dma source(%arg6 : memref<128x64xf32, #tpu.memory_space<vmem>>) target(%dma_start3A_182 : memref<128x64xf32, #tpu.memory_space<hbm>>) target_semaphore(%arg14 : memref<!tpu.dma_semaphore, #tpu.memory_space<semaphore_mem>>)
    %dma_wait3A_183 = arith.constant 0 : i32
    %dma_wait3A_184 = tpu.memref_slice %arg4[%add3A_158, %dma_wait3A_183] : memref<65536x64xf32, #tpu.memory_space<hbm>> -> memref<128x64xf32, #tpu.memory_space<hbm>>
    %dma_wait3A_185 = arith.constant 0 : i32
    %dma_wait3A_186 = tpu.memref_slice %arg4[%add3A_158, %dma_wait3A_185] : memref<65536x64xf32, #tpu.memory_space<hbm>> -> memref<128x64xf32, #tpu.memory_space<hbm>>
    tpu.wait_dma2 semaphore(%arg17 : memref<!tpu.dma_semaphore, #tpu.memory_space<semaphore_mem>>) src(%arg9 : memref<128x64xf32, #tpu.memory_space<vmem>>) dst(%dma_wait3A_186 : memref<128x64xf32, #tpu.memory_space<hbm>>)
    %dma_start3A_187 = arith.constant 1408 : i32
    %dma_start3A_188 = tpu.memref_slice %arg5[%dma_start3A_187] : memref<2048xi32, #tpu.memory_space<vmem>> -> memref<128xi32, #tpu.memory_space<vmem>>
    %dma_start3A_189 = arith.constant 0 : i32
    %dma_start3A_190 = arith.constant 0 : i32
    %dma_start3A_191 = tpu.memref_slice %arg2[%dma_start3A_189, %dma_start3A_190] : memref<4096x64xf32, #tpu.memory_space<hbm>> -> memref<4096x64xf32, #tpu.memory_space<hbm>>
    tpu.enqueue_indirect_dma source(%dma_start3A_191 : memref<4096x64xf32, #tpu.memory_space<hbm>>) target(%arg9 : memref<128x64xf32, #tpu.memory_space<vmem>>) offsets(%dma_start3A_188 : memref<128xi32, #tpu.memory_space<vmem>>) semaphore(%arg13 : memref<!tpu.dma_semaphore, #tpu.memory_space<semaphore_mem>>)
    %dma_wait3A_192 = arith.constant 1152 : i32
    %dma_wait3A_193 = tpu.memref_slice %arg5[%dma_wait3A_192] : memref<2048xi32, #tpu.memory_space<vmem>> -> memref<128xi32, #tpu.memory_space<vmem>>
    %dma_wait3A_194 = arith.constant 0 : i32
    %dma_wait3A_195 = arith.constant 0 : i32
    %dma_wait3A_196 = tpu.memref_slice %arg2[%dma_wait3A_194, %dma_wait3A_195] : memref<4096x64xf32, #tpu.memory_space<hbm>> -> memref<4096x64xf32, #tpu.memory_space<hbm>>
    tpu.wait_indirect_dma semaphore(%arg11 : memref<!tpu.dma_semaphore, #tpu.memory_space<semaphore_mem>>) src(%dma_wait3A_196 : memref<4096x64xf32, #tpu.memory_space<hbm>>) dst(%arg7 : memref<128x64xf32, #tpu.memory_space<vmem>>)
    %add3A_197 = arith.constant 1152 : i32
    %add3A_198 = arith.addi %mul3A_2, %add3A_197 : i32
    %dma_start3A_199 = arith.constant 0 : i32
    %dma_start3A_200 = tpu.memref_slice %arg4[%add3A_198, %dma_start3A_199] : memref<65536x64xf32, #tpu.memory_space<hbm>> -> memref<128x64xf32, #tpu.memory_space<hbm>>
    %dma_start3A_201 = arith.constant 0 : i32
    %dma_start3A_202 = tpu.memref_slice %arg4[%add3A_198, %dma_start3A_201] : memref<65536x64xf32, #tpu.memory_space<hbm>> -> memref<128x64xf32, #tpu.memory_space<hbm>>
    tpu.enqueue_dma source(%arg7 : memref<128x64xf32, #tpu.memory_space<vmem>>) target(%dma_start3A_202 : memref<128x64xf32, #tpu.memory_space<hbm>>) target_semaphore(%arg15 : memref<!tpu.dma_semaphore, #tpu.memory_space<semaphore_mem>>)
    %dma_wait3A_203 = arith.constant 0 : i32
    %dma_wait3A_204 = tpu.memref_slice %arg4[%add3A_178, %dma_wait3A_203] : memref<65536x64xf32, #tpu.memory_space<hbm>> -> memref<128x64xf32, #tpu.memory_space<hbm>>
    %dma_wait3A_205 = arith.constant 0 : i32
    %dma_wait3A_206 = tpu.memref_slice %arg4[%add3A_178, %dma_wait3A_205] : memref<65536x64xf32, #tpu.memory_space<hbm>> -> memref<128x64xf32, #tpu.memory_space<hbm>>
    tpu.wait_dma2 semaphore(%arg14 : memref<!tpu.dma_semaphore, #tpu.memory_space<semaphore_mem>>) src(%arg6 : memref<128x64xf32, #tpu.memory_space<vmem>>) dst(%dma_wait3A_206 : memref<128x64xf32, #tpu.memory_space<hbm>>)
    %dma_start3A_207 = arith.constant 1536 : i32
    %dma_start3A_208 = tpu.memref_slice %arg5[%dma_start3A_207] : memref<2048xi32, #tpu.memory_space<vmem>> -> memref<128xi32, #tpu.memory_space<vmem>>
    %dma_start3A_209 = arith.constant 0 : i32
    %dma_start3A_210 = arith.constant 0 : i32
    %dma_start3A_211 = tpu.memref_slice %arg2[%dma_start3A_209, %dma_start3A_210] : memref<4096x64xf32, #tpu.memory_space<hbm>> -> memref<4096x64xf32, #tpu.memory_space<hbm>>
    tpu.enqueue_indirect_dma source(%dma_start3A_211 : memref<4096x64xf32, #tpu.memory_space<hbm>>) target(%arg6 : memref<128x64xf32, #tpu.memory_space<vmem>>) offsets(%dma_start3A_208 : memref<128xi32, #tpu.memory_space<vmem>>) semaphore(%arg10 : memref<!tpu.dma_semaphore, #tpu.memory_space<semaphore_mem>>)
    %dma_wait3A_212 = arith.constant 1280 : i32
    %dma_wait3A_213 = tpu.memref_slice %arg5[%dma_wait3A_212] : memref<2048xi32, #tpu.memory_space<vmem>> -> memref<128xi32, #tpu.memory_space<vmem>>
    %dma_wait3A_214 = arith.constant 0 : i32
    %dma_wait3A_215 = arith.constant 0 : i32
    %dma_wait3A_216 = tpu.memref_slice %arg2[%dma_wait3A_214, %dma_wait3A_215] : memref<4096x64xf32, #tpu.memory_space<hbm>> -> memref<4096x64xf32, #tpu.memory_space<hbm>>
    tpu.wait_indirect_dma semaphore(%arg12 : memref<!tpu.dma_semaphore, #tpu.memory_space<semaphore_mem>>) src(%dma_wait3A_216 : memref<4096x64xf32, #tpu.memory_space<hbm>>) dst(%arg8 : memref<128x64xf32, #tpu.memory_space<vmem>>)
    %add3A_217 = arith.constant 1280 : i32
    %add3A_218 = arith.addi %mul3A_2, %add3A_217 : i32
    %dma_start3A_219 = arith.constant 0 : i32
    %dma_start3A_220 = tpu.memref_slice %arg4[%add3A_218, %dma_start3A_219] : memref<65536x64xf32, #tpu.memory_space<hbm>> -> memref<128x64xf32, #tpu.memory_space<hbm>>
    %dma_start3A_221 = arith.constant 0 : i32
    %dma_start3A_222 = tpu.memref_slice %arg4[%add3A_218, %dma_start3A_221] : memref<65536x64xf32, #tpu.memory_space<hbm>> -> memref<128x64xf32, #tpu.memory_space<hbm>>
    tpu.enqueue_dma source(%arg8 : memref<128x64xf32, #tpu.memory_space<vmem>>) target(%dma_start3A_222 : memref<128x64xf32, #tpu.memory_space<hbm>>) target_semaphore(%arg16 : memref<!tpu.dma_semaphore, #tpu.memory_space<semaphore_mem>>)
    %dma_wait3A_223 = arith.constant 0 : i32
    %dma_wait3A_224 = tpu.memref_slice %arg4[%add3A_198, %dma_wait3A_223] : memref<65536x64xf32, #tpu.memory_space<hbm>> -> memref<128x64xf32, #tpu.memory_space<hbm>>
    %dma_wait3A_225 = arith.constant 0 : i32
    %dma_wait3A_226 = tpu.memref_slice %arg4[%add3A_198, %dma_wait3A_225] : memref<65536x64xf32, #tpu.memory_space<hbm>> -> memref<128x64xf32, #tpu.memory_space<hbm>>
    tpu.wait_dma2 semaphore(%arg15 : memref<!tpu.dma_semaphore, #tpu.memory_space<semaphore_mem>>) src(%arg7 : memref<128x64xf32, #tpu.memory_space<vmem>>) dst(%dma_wait3A_226 : memref<128x64xf32, #tpu.memory_space<hbm>>)
    %dma_start3A_227 = arith.constant 1664 : i32
    %dma_start3A_228 = tpu.memref_slice %arg5[%dma_start3A_227] : memref<2048xi32, #tpu.memory_space<vmem>> -> memref<128xi32, #tpu.memory_space<vmem>>
    %dma_start3A_229 = arith.constant 0 : i32
    %dma_start3A_230 = arith.constant 0 : i32
    %dma_start3A_231 = tpu.memref_slice %arg2[%dma_start3A_229, %dma_start3A_230] : memref<4096x64xf32, #tpu.memory_space<hbm>> -> memref<4096x64xf32, #tpu.memory_space<hbm>>
    tpu.enqueue_indirect_dma source(%dma_start3A_231 : memref<4096x64xf32, #tpu.memory_space<hbm>>) target(%arg7 : memref<128x64xf32, #tpu.memory_space<vmem>>) offsets(%dma_start3A_228 : memref<128xi32, #tpu.memory_space<vmem>>) semaphore(%arg11 : memref<!tpu.dma_semaphore, #tpu.memory_space<semaphore_mem>>)
    %dma_wait3A_232 = arith.constant 1408 : i32
    %dma_wait3A_233 = tpu.memref_slice %arg5[%dma_wait3A_232] : memref<2048xi32, #tpu.memory_space<vmem>> -> memref<128xi32, #tpu.memory_space<vmem>>
    %dma_wait3A_234 = arith.constant 0 : i32
    %dma_wait3A_235 = arith.constant 0 : i32
    %dma_wait3A_236 = tpu.memref_slice %arg2[%dma_wait3A_234, %dma_wait3A_235] : memref<4096x64xf32, #tpu.memory_space<hbm>> -> memref<4096x64xf32, #tpu.memory_space<hbm>>
    tpu.wait_indirect_dma semaphore(%arg13 : memref<!tpu.dma_semaphore, #tpu.memory_space<semaphore_mem>>) src(%dma_wait3A_236 : memref<4096x64xf32, #tpu.memory_space<hbm>>) dst(%arg9 : memref<128x64xf32, #tpu.memory_space<vmem>>)
    %add3A_237 = arith.constant 1408 : i32
    %add3A_238 = arith.addi %mul3A_2, %add3A_237 : i32
    %dma_start3A_239 = arith.constant 0 : i32
    %dma_start3A_240 = tpu.memref_slice %arg4[%add3A_238, %dma_start3A_239] : memref<65536x64xf32, #tpu.memory_space<hbm>> -> memref<128x64xf32, #tpu.memory_space<hbm>>
    %dma_start3A_241 = arith.constant 0 : i32
    %dma_start3A_242 = tpu.memref_slice %arg4[%add3A_238, %dma_start3A_241] : memref<65536x64xf32, #tpu.memory_space<hbm>> -> memref<128x64xf32, #tpu.memory_space<hbm>>
    tpu.enqueue_dma source(%arg9 : memref<128x64xf32, #tpu.memory_space<vmem>>) target(%dma_start3A_242 : memref<128x64xf32, #tpu.memory_space<hbm>>) target_semaphore(%arg17 : memref<!tpu.dma_semaphore, #tpu.memory_space<semaphore_mem>>)
    %dma_wait3A_243 = arith.constant 0 : i32
    %dma_wait3A_244 = tpu.memref_slice %arg4[%add3A_218, %dma_wait3A_243] : memref<65536x64xf32, #tpu.memory_space<hbm>> -> memref<128x64xf32, #tpu.memory_space<hbm>>
    %dma_wait3A_245 = arith.constant 0 : i32
    %dma_wait3A_246 = tpu.memref_slice %arg4[%add3A_218, %dma_wait3A_245] : memref<65536x64xf32, #tpu.memory_space<hbm>> -> memref<128x64xf32, #tpu.memory_space<hbm>>
    tpu.wait_dma2 semaphore(%arg16 : memref<!tpu.dma_semaphore, #tpu.memory_space<semaphore_mem>>) src(%arg8 : memref<128x64xf32, #tpu.memory_space<vmem>>) dst(%dma_wait3A_246 : memref<128x64xf32, #tpu.memory_space<hbm>>)
    %dma_start3A_247 = arith.constant 1792 : i32
    %dma_start3A_248 = tpu.memref_slice %arg5[%dma_start3A_247] : memref<2048xi32, #tpu.memory_space<vmem>> -> memref<128xi32, #tpu.memory_space<vmem>>
    %dma_start3A_249 = arith.constant 0 : i32
    %dma_start3A_250 = arith.constant 0 : i32
    %dma_start3A_251 = tpu.memref_slice %arg2[%dma_start3A_249, %dma_start3A_250] : memref<4096x64xf32, #tpu.memory_space<hbm>> -> memref<4096x64xf32, #tpu.memory_space<hbm>>
    tpu.enqueue_indirect_dma source(%dma_start3A_251 : memref<4096x64xf32, #tpu.memory_space<hbm>>) target(%arg8 : memref<128x64xf32, #tpu.memory_space<vmem>>) offsets(%dma_start3A_248 : memref<128xi32, #tpu.memory_space<vmem>>) semaphore(%arg12 : memref<!tpu.dma_semaphore, #tpu.memory_space<semaphore_mem>>)
    %dma_wait3A_252 = arith.constant 1536 : i32
    %dma_wait3A_253 = tpu.memref_slice %arg5[%dma_wait3A_252] : memref<2048xi32, #tpu.memory_space<vmem>> -> memref<128xi32, #tpu.memory_space<vmem>>
    %dma_wait3A_254 = arith.constant 0 : i32
    %dma_wait3A_255 = arith.constant 0 : i32
    %dma_wait3A_256 = tpu.memref_slice %arg2[%dma_wait3A_254, %dma_wait3A_255] : memref<4096x64xf32, #tpu.memory_space<hbm>> -> memref<4096x64xf32, #tpu.memory_space<hbm>>
    tpu.wait_indirect_dma semaphore(%arg10 : memref<!tpu.dma_semaphore, #tpu.memory_space<semaphore_mem>>) src(%dma_wait3A_256 : memref<4096x64xf32, #tpu.memory_space<hbm>>) dst(%arg6 : memref<128x64xf32, #tpu.memory_space<vmem>>)
    %add3A_257 = arith.constant 1536 : i32
    %add3A_258 = arith.addi %mul3A_2, %add3A_257 : i32
    %dma_start3A_259 = arith.constant 0 : i32
    %dma_start3A_260 = tpu.memref_slice %arg4[%add3A_258, %dma_start3A_259] : memref<65536x64xf32, #tpu.memory_space<hbm>> -> memref<128x64xf32, #tpu.memory_space<hbm>>
    %dma_start3A_261 = arith.constant 0 : i32
    %dma_start3A_262 = tpu.memref_slice %arg4[%add3A_258, %dma_start3A_261] : memref<65536x64xf32, #tpu.memory_space<hbm>> -> memref<128x64xf32, #tpu.memory_space<hbm>>
    tpu.enqueue_dma source(%arg6 : memref<128x64xf32, #tpu.memory_space<vmem>>) target(%dma_start3A_262 : memref<128x64xf32, #tpu.memory_space<hbm>>) target_semaphore(%arg14 : memref<!tpu.dma_semaphore, #tpu.memory_space<semaphore_mem>>)
    %dma_wait3A_263 = arith.constant 0 : i32
    %dma_wait3A_264 = tpu.memref_slice %arg4[%add3A_238, %dma_wait3A_263] : memref<65536x64xf32, #tpu.memory_space<hbm>> -> memref<128x64xf32, #tpu.memory_space<hbm>>
    %dma_wait3A_265 = arith.constant 0 : i32
    %dma_wait3A_266 = tpu.memref_slice %arg4[%add3A_238, %dma_wait3A_265] : memref<65536x64xf32, #tpu.memory_space<hbm>> -> memref<128x64xf32, #tpu.memory_space<hbm>>
    tpu.wait_dma2 semaphore(%arg17 : memref<!tpu.dma_semaphore, #tpu.memory_space<semaphore_mem>>) src(%arg9 : memref<128x64xf32, #tpu.memory_space<vmem>>) dst(%dma_wait3A_266 : memref<128x64xf32, #tpu.memory_space<hbm>>)
    %dma_start3A_267 = arith.constant 1920 : i32
    %dma_start3A_268 = tpu.memref_slice %arg5[%dma_start3A_267] : memref<2048xi32, #tpu.memory_space<vmem>> -> memref<128xi32, #tpu.memory_space<vmem>>
    %dma_start3A_269 = arith.constant 0 : i32
    %dma_start3A_270 = arith.constant 0 : i32
    %dma_start3A_271 = tpu.memref_slice %arg2[%dma_start3A_269, %dma_start3A_270] : memref<4096x64xf32, #tpu.memory_space<hbm>> -> memref<4096x64xf32, #tpu.memory_space<hbm>>
    tpu.enqueue_indirect_dma source(%dma_start3A_271 : memref<4096x64xf32, #tpu.memory_space<hbm>>) target(%arg9 : memref<128x64xf32, #tpu.memory_space<vmem>>) offsets(%dma_start3A_268 : memref<128xi32, #tpu.memory_space<vmem>>) semaphore(%arg13 : memref<!tpu.dma_semaphore, #tpu.memory_space<semaphore_mem>>)
    %dma_wait3A_272 = arith.constant 1664 : i32
    %dma_wait3A_273 = tpu.memref_slice %arg5[%dma_wait3A_272] : memref<2048xi32, #tpu.memory_space<vmem>> -> memref<128xi32, #tpu.memory_space<vmem>>
    %dma_wait3A_274 = arith.constant 0 : i32
    %dma_wait3A_275 = arith.constant 0 : i32
    %dma_wait3A_276 = tpu.memref_slice %arg2[%dma_wait3A_274, %dma_wait3A_275] : memref<4096x64xf32, #tpu.memory_space<hbm>> -> memref<4096x64xf32, #tpu.memory_space<hbm>>
    tpu.wait_indirect_dma semaphore(%arg11 : memref<!tpu.dma_semaphore, #tpu.memory_space<semaphore_mem>>) src(%dma_wait3A_276 : memref<4096x64xf32, #tpu.memory_space<hbm>>) dst(%arg7 : memref<128x64xf32, #tpu.memory_space<vmem>>)
    %add3A_277 = arith.constant 1664 : i32
    %add3A_278 = arith.addi %mul3A_2, %add3A_277 : i32
    %dma_start3A_279 = arith.constant 0 : i32
    %dma_start3A_280 = tpu.memref_slice %arg4[%add3A_278, %dma_start3A_279] : memref<65536x64xf32, #tpu.memory_space<hbm>> -> memref<128x64xf32, #tpu.memory_space<hbm>>
    %dma_start3A_281 = arith.constant 0 : i32
    %dma_start3A_282 = tpu.memref_slice %arg4[%add3A_278, %dma_start3A_281] : memref<65536x64xf32, #tpu.memory_space<hbm>> -> memref<128x64xf32, #tpu.memory_space<hbm>>
    tpu.enqueue_dma source(%arg7 : memref<128x64xf32, #tpu.memory_space<vmem>>) target(%dma_start3A_282 : memref<128x64xf32, #tpu.memory_space<hbm>>) target_semaphore(%arg15 : memref<!tpu.dma_semaphore, #tpu.memory_space<semaphore_mem>>)
    %dma_wait3A_283 = arith.constant 1792 : i32
    %dma_wait3A_284 = tpu.memref_slice %arg5[%dma_wait3A_283] : memref<2048xi32, #tpu.memory_space<vmem>> -> memref<128xi32, #tpu.memory_space<vmem>>
    %dma_wait3A_285 = arith.constant 0 : i32
    %dma_wait3A_286 = arith.constant 0 : i32
    %dma_wait3A_287 = tpu.memref_slice %arg2[%dma_wait3A_285, %dma_wait3A_286] : memref<4096x64xf32, #tpu.memory_space<hbm>> -> memref<4096x64xf32, #tpu.memory_space<hbm>>
    tpu.wait_indirect_dma semaphore(%arg12 : memref<!tpu.dma_semaphore, #tpu.memory_space<semaphore_mem>>) src(%dma_wait3A_287 : memref<4096x64xf32, #tpu.memory_space<hbm>>) dst(%arg8 : memref<128x64xf32, #tpu.memory_space<vmem>>)
    %add3A_288 = arith.constant 1792 : i32
    %add3A_289 = arith.addi %mul3A_2, %add3A_288 : i32
    %dma_start3A_290 = arith.constant 0 : i32
    %dma_start3A_291 = tpu.memref_slice %arg4[%add3A_289, %dma_start3A_290] : memref<65536x64xf32, #tpu.memory_space<hbm>> -> memref<128x64xf32, #tpu.memory_space<hbm>>
    %dma_start3A_292 = arith.constant 0 : i32
    %dma_start3A_293 = tpu.memref_slice %arg4[%add3A_289, %dma_start3A_292] : memref<65536x64xf32, #tpu.memory_space<hbm>> -> memref<128x64xf32, #tpu.memory_space<hbm>>
    tpu.enqueue_dma source(%arg8 : memref<128x64xf32, #tpu.memory_space<vmem>>) target(%dma_start3A_293 : memref<128x64xf32, #tpu.memory_space<hbm>>) target_semaphore(%arg16 : memref<!tpu.dma_semaphore, #tpu.memory_space<semaphore_mem>>)
    %dma_wait3A_294 = arith.constant 1920 : i32
    %dma_wait3A_295 = tpu.memref_slice %arg5[%dma_wait3A_294] : memref<2048xi32, #tpu.memory_space<vmem>> -> memref<128xi32, #tpu.memory_space<vmem>>
    %dma_wait3A_296 = arith.constant 0 : i32
    %dma_wait3A_297 = arith.constant 0 : i32
    %dma_wait3A_298 = tpu.memref_slice %arg2[%dma_wait3A_296, %dma_wait3A_297] : memref<4096x64xf32, #tpu.memory_space<hbm>> -> memref<4096x64xf32, #tpu.memory_space<hbm>>
    tpu.wait_indirect_dma semaphore(%arg13 : memref<!tpu.dma_semaphore, #tpu.memory_space<semaphore_mem>>) src(%dma_wait3A_298 : memref<4096x64xf32, #tpu.memory_space<hbm>>) dst(%arg9 : memref<128x64xf32, #tpu.memory_space<vmem>>)
    %add3A_299 = arith.constant 1920 : i32
    %add3A_300 = arith.addi %mul3A_2, %add3A_299 : i32
    %dma_start3A_301 = arith.constant 0 : i32
    %dma_start3A_302 = tpu.memref_slice %arg4[%add3A_300, %dma_start3A_301] : memref<65536x64xf32, #tpu.memory_space<hbm>> -> memref<128x64xf32, #tpu.memory_space<hbm>>
    %dma_start3A_303 = arith.constant 0 : i32
    %dma_start3A_304 = tpu.memref_slice %arg4[%add3A_300, %dma_start3A_303] : memref<65536x64xf32, #tpu.memory_space<hbm>> -> memref<128x64xf32, #tpu.memory_space<hbm>>
    tpu.enqueue_dma source(%arg9 : memref<128x64xf32, #tpu.memory_space<vmem>>) target(%dma_start3A_304 : memref<128x64xf32, #tpu.memory_space<hbm>>) target_semaphore(%arg17 : memref<!tpu.dma_semaphore, #tpu.memory_space<semaphore_mem>>)
    %dma_wait3A_305 = arith.constant 0 : i32
    %dma_wait3A_306 = tpu.memref_slice %arg4[%add3A_258, %dma_wait3A_305] : memref<65536x64xf32, #tpu.memory_space<hbm>> -> memref<128x64xf32, #tpu.memory_space<hbm>>
    %dma_wait3A_307 = arith.constant 0 : i32
    %dma_wait3A_308 = tpu.memref_slice %arg4[%add3A_258, %dma_wait3A_307] : memref<65536x64xf32, #tpu.memory_space<hbm>> -> memref<128x64xf32, #tpu.memory_space<hbm>>
    tpu.wait_dma2 semaphore(%arg14 : memref<!tpu.dma_semaphore, #tpu.memory_space<semaphore_mem>>) src(%arg6 : memref<128x64xf32, #tpu.memory_space<vmem>>) dst(%dma_wait3A_308 : memref<128x64xf32, #tpu.memory_space<hbm>>)
    %dma_wait3A_309 = arith.constant 0 : i32
    %dma_wait3A_310 = tpu.memref_slice %arg4[%add3A_278, %dma_wait3A_309] : memref<65536x64xf32, #tpu.memory_space<hbm>> -> memref<128x64xf32, #tpu.memory_space<hbm>>
    %dma_wait3A_311 = arith.constant 0 : i32
    %dma_wait3A_312 = tpu.memref_slice %arg4[%add3A_278, %dma_wait3A_311] : memref<65536x64xf32, #tpu.memory_space<hbm>> -> memref<128x64xf32, #tpu.memory_space<hbm>>
    tpu.wait_dma2 semaphore(%arg15 : memref<!tpu.dma_semaphore, #tpu.memory_space<semaphore_mem>>) src(%arg7 : memref<128x64xf32, #tpu.memory_space<vmem>>) dst(%dma_wait3A_312 : memref<128x64xf32, #tpu.memory_space<hbm>>)
    %dma_wait3A_313 = arith.constant 0 : i32
    %dma_wait3A_314 = tpu.memref_slice %arg4[%add3A_289, %dma_wait3A_313] : memref<65536x64xf32, #tpu.memory_space<hbm>> -> memref<128x64xf32, #tpu.memory_space<hbm>>
    %dma_wait3A_315 = arith.constant 0 : i32
    %dma_wait3A_316 = tpu.memref_slice %arg4[%add3A_289, %dma_wait3A_315] : memref<65536x64xf32, #tpu.memory_space<hbm>> -> memref<128x64xf32, #tpu.memory_space<hbm>>
    tpu.wait_dma2 semaphore(%arg16 : memref<!tpu.dma_semaphore, #tpu.memory_space<semaphore_mem>>) src(%arg8 : memref<128x64xf32, #tpu.memory_space<vmem>>) dst(%dma_wait3A_316 : memref<128x64xf32, #tpu.memory_space<hbm>>)
    %dma_wait3A_317 = arith.constant 0 : i32
    %dma_wait3A_318 = tpu.memref_slice %arg4[%add3A_300, %dma_wait3A_317] : memref<65536x64xf32, #tpu.memory_space<hbm>> -> memref<128x64xf32, #tpu.memory_space<hbm>>
    %dma_wait3A_319 = arith.constant 0 : i32
    %dma_wait3A_320 = tpu.memref_slice %arg4[%add3A_300, %dma_wait3A_319] : memref<65536x64xf32, #tpu.memory_space<hbm>> -> memref<128x64xf32, #tpu.memory_space<hbm>>
    tpu.wait_dma2 semaphore(%arg17 : memref<!tpu.dma_semaphore, #tpu.memory_space<semaphore_mem>>) src(%arg9 : memref<128x64xf32, #tpu.memory_space<vmem>>) dst(%dma_wait3A_320 : memref<128x64xf32, #tpu.memory_space<hbm>>)
    return
  }
}

#map = affine_map<(d0, d1) -> (0, 0)>
#map1 = affine_map<(d0, d1) -> (0)>
module attributes {stable_mosaic.version = 14 : i64} {
  func.func @_gather_body(%arg0: i32, %arg1: i32, %arg2: memref<4096x64xf32, #tpu.memory_space<hbm>>, %arg3: memref<65536xi32, #tpu.memory_space<hbm>>, %arg4: memref<65536x64xf32, #tpu.memory_space<hbm>>, %arg5: memref<2048xi32, #tpu.memory_space<vmem>>, %arg6: memref<128x64xf32, #tpu.memory_space<vmem>>, %arg7: memref<128x64xf32, #tpu.memory_space<vmem>>, %arg8: memref<128x64xf32, #tpu.memory_space<vmem>>, %arg9: memref<128x64xf32, #tpu.memory_space<vmem>>, %arg10: memref<!tpu.dma_semaphore, #tpu.memory_space<semaphore_mem>>, %arg11: memref<!tpu.dma_semaphore, #tpu.memory_space<semaphore_mem>>, %arg12: memref<!tpu.dma_semaphore, #tpu.memory_space<semaphore_mem>>, %arg13: memref<!tpu.dma_semaphore, #tpu.memory_space<semaphore_mem>>, %arg14: memref<!tpu.dma_semaphore, #tpu.memory_space<semaphore_mem>>, %arg15: memref<!tpu.dma_semaphore, #tpu.memory_space<semaphore_mem>>, %arg16: memref<!tpu.dma_semaphore, #tpu.memory_space<semaphore_mem>>, %arg17: memref<!tpu.dma_semaphore, #tpu.memory_space<semaphore_mem>>) attributes {dimension_semantics = [#tpu.dimension_semantics<core_parallel>, #tpu.dimension_semantics<subcore_parallel>], iteration_bounds = array<i64: 2, 16>, scalar_prefetch = 0 : i64, scratch_operands = 13 : i64, tpu.core_type = #tpu.core_type<sc_vector_subcore>, window_params = [{transform_indices = #map}, {transform_indices = #map1}, {transform_indices = #map}]} {
    %mul3A = arith.constant 2 : i32
    %mul3A_0 = arith.muli %arg1, %mul3A : i32
    %add3A = arith.addi %mul3A_0, %arg0 : i32
    %mul3A_1 = arith.constant 2048 : i32
    %mul3A_2 = arith.muli %add3A, %mul3A_1 : i32
    "tpu.region"() ({
      %run_scoped3A = tpu.sem_alloc : memref<!tpu.dma_semaphore, #tpu.memory_space<semaphore_mem>>
      %dma_start3A_321 = tpu.memref_slice %arg3[%mul3A_2] : memref<65536xi32, #tpu.memory_space<hbm>> -> memref<2048xi32, #tpu.memory_space<hbm>>
      %dma_start3A_322 = tpu.memref_slice %arg3[%mul3A_2] : memref<65536xi32, #tpu.memory_space<hbm>> -> memref<2048xi32, #tpu.memory_space<hbm>>
      tpu.enqueue_dma source(%dma_start3A_322 : memref<2048xi32, #tpu.memory_space<hbm>>) target(%arg5 : memref<2048xi32, #tpu.memory_space<vmem>>) target_semaphore(%run_scoped3A : memref<!tpu.dma_semaphore, #tpu.memory_space<semaphore_mem>>)
      %dma_wait3A_323 = tpu.memref_slice %arg3[%mul3A_2] : memref<65536xi32, #tpu.memory_space<hbm>> -> memref<2048xi32, #tpu.memory_space<hbm>>
      %dma_wait3A_324 = tpu.memref_slice %arg3[%mul3A_2] : memref<65536xi32, #tpu.memory_space<hbm>> -> memref<2048xi32, #tpu.memory_space<hbm>>
      tpu.wait_dma2 semaphore(%run_scoped3A : memref<!tpu.dma_semaphore, #tpu.memory_space<semaphore_mem>>) src(%dma_wait3A_324 : memref<2048xi32, #tpu.memory_space<hbm>>) dst(%arg5 : memref<2048xi32, #tpu.memory_space<vmem>>)
      tpu.yield
    }) : () -> ()
    %dma_start3A = arith.constant 0 : i32
    %dma_start3A_3 = tpu.memref_slice %arg5[%dma_start3A] : memref<2048xi32, #tpu.memory_space<vmem>> -> memref<128xi32, #tpu.memory_space<vmem>>
    %dma_start3A_4 = arith.constant 0 : i32
    %dma_start3A_5 = arith.constant 0 : i32
    %dma_start3A_6 = tpu.memref_slice %arg2[%dma_start3A_4, %dma_start3A_5] : memref<4096x64xf32, #tpu.memory_space<hbm>> -> memref<4096x64xf32, #tpu.memory_space<hbm>>
    tpu.enqueue_indirect_dma source(%dma_start3A_6 : memref<4096x64xf32, #tpu.memory_space<hbm>>) target(%arg6 : memref<128x64xf32, #tpu.memory_space<vmem>>) offsets(%dma_start3A_3 : memref<128xi32, #tpu.memory_space<vmem>>) semaphore(%arg10 : memref<!tpu.dma_semaphore, #tpu.memory_space<semaphore_mem>>)
    %dma_start3A_7 = arith.constant 128 : i32
    %dma_start3A_8 = tpu.memref_slice %arg5[%dma_start3A_7] : memref<2048xi32, #tpu.memory_space<vmem>> -> memref<128xi32, #tpu.memory_space<vmem>>
    %dma_start3A_9 = arith.constant 0 : i32
    %dma_start3A_10 = arith.constant 0 : i32
    %dma_start3A_11 = tpu.memref_slice %arg2[%dma_start3A_9, %dma_start3A_10] : memref<4096x64xf32, #tpu.memory_space<hbm>> -> memref<4096x64xf32, #tpu.memory_space<hbm>>
    tpu.enqueue_indirect_dma source(%dma_start3A_11 : memref<4096x64xf32, #tpu.memory_space<hbm>>) target(%arg7 : memref<128x64xf32, #tpu.memory_space<vmem>>) offsets(%dma_start3A_8 : memref<128xi32, #tpu.memory_space<vmem>>) semaphore(%arg11 : memref<!tpu.dma_semaphore, #tpu.memory_space<semaphore_mem>>)
    %dma_start3A_12 = arith.constant 256 : i32
    %dma_start3A_13 = tpu.memref_slice %arg5[%dma_start3A_12] : memref<2048xi32, #tpu.memory_space<vmem>> -> memref<128xi32, #tpu.memory_space<vmem>>
    %dma_start3A_14 = arith.constant 0 : i32
    %dma_start3A_15 = arith.constant 0 : i32
    %dma_start3A_16 = tpu.memref_slice %arg2[%dma_start3A_14, %dma_start3A_15] : memref<4096x64xf32, #tpu.memory_space<hbm>> -> memref<4096x64xf32, #tpu.memory_space<hbm>>
    tpu.enqueue_indirect_dma source(%dma_start3A_16 : memref<4096x64xf32, #tpu.memory_space<hbm>>) target(%arg8 : memref<128x64xf32, #tpu.memory_space<vmem>>) offsets(%dma_start3A_13 : memref<128xi32, #tpu.memory_space<vmem>>) semaphore(%arg12 : memref<!tpu.dma_semaphore, #tpu.memory_space<semaphore_mem>>)
    %dma_wait3A = arith.constant 0 : i32
    %dma_wait3A_17 = tpu.memref_slice %arg5[%dma_wait3A] : memref<2048xi32, #tpu.memory_space<vmem>> -> memref<128xi32, #tpu.memory_space<vmem>>
    %dma_wait3A_18 = arith.constant 0 : i32
    %dma_wait3A_19 = arith.constant 0 : i32
    %dma_wait3A_20 = tpu.memref_slice %arg2[%dma_wait3A_18, %dma_wait3A_19] : memref<4096x64xf32, #tpu.memory_space<hbm>> -> memref<4096x64xf32, #tpu.memory_space<hbm>>
    tpu.wait_indirect_dma semaphore(%arg10 : memref<!tpu.dma_semaphore, #tpu.memory_space<semaphore_mem>>) src(%dma_wait3A_20 : memref<4096x64xf32, #tpu.memory_space<hbm>>) dst(%arg6 : memref<128x64xf32, #tpu.memory_space<vmem>>)
    %add3A_21 = arith.constant 0 : i32
    %add3A_22 = arith.addi %mul3A_2, %add3A_21 : i32
    %dma_start3A_23 = arith.constant 0 : i32
    %dma_start3A_24 = tpu.memref_slice %arg4[%add3A_22, %dma_start3A_23] : memref<65536x64xf32, #tpu.memory_space<hbm>> -> memref<128x64xf32, #tpu.memory_space<hbm>>
    %dma_start3A_25 = arith.constant 0 : i32
    %dma_start3A_26 = tpu.memref_slice %arg4[%add3A_22, %dma_start3A_25] : memref<65536x64xf32, #tpu.memory_space<hbm>> -> memref<128x64xf32, #tpu.memory_space<hbm>>
    tpu.enqueue_dma source(%arg6 : memref<128x64xf32, #tpu.memory_space<vmem>>) target(%dma_start3A_26 : memref<128x64xf32, #tpu.memory_space<hbm>>) target_semaphore(%arg14 : memref<!tpu.dma_semaphore, #tpu.memory_space<semaphore_mem>>)
    %dma_start3A_27 = arith.constant 384 : i32
    %dma_start3A_28 = tpu.memref_slice %arg5[%dma_start3A_27] : memref<2048xi32, #tpu.memory_space<vmem>> -> memref<128xi32, #tpu.memory_space<vmem>>
    %dma_start3A_29 = arith.constant 0 : i32
    %dma_start3A_30 = arith.constant 0 : i32
    %dma_start3A_31 = tpu.memref_slice %arg2[%dma_start3A_29, %dma_start3A_30] : memref<4096x64xf32, #tpu.memory_space<hbm>> -> memref<4096x64xf32, #tpu.memory_space<hbm>>
    tpu.enqueue_indirect_dma source(%dma_start3A_31 : memref<4096x64xf32, #tpu.memory_space<hbm>>) target(%arg9 : memref<128x64xf32, #tpu.memory_space<vmem>>) offsets(%dma_start3A_28 : memref<128xi32, #tpu.memory_space<vmem>>) semaphore(%arg13 : memref<!tpu.dma_semaphore, #tpu.memory_space<semaphore_mem>>)
    %dma_wait3A_32 = arith.constant 128 : i32
    %dma_wait3A_33 = tpu.memref_slice %arg5[%dma_wait3A_32] : memref<2048xi32, #tpu.memory_space<vmem>> -> memref<128xi32, #tpu.memory_space<vmem>>
    %dma_wait3A_34 = arith.constant 0 : i32
    %dma_wait3A_35 = arith.constant 0 : i32
    %dma_wait3A_36 = tpu.memref_slice %arg2[%dma_wait3A_34, %dma_wait3A_35] : memref<4096x64xf32, #tpu.memory_space<hbm>> -> memref<4096x64xf32, #tpu.memory_space<hbm>>
    tpu.wait_indirect_dma semaphore(%arg11 : memref<!tpu.dma_semaphore, #tpu.memory_space<semaphore_mem>>) src(%dma_wait3A_36 : memref<4096x64xf32, #tpu.memory_space<hbm>>) dst(%arg7 : memref<128x64xf32, #tpu.memory_space<vmem>>)
    %add3A_37 = arith.constant 128 : i32
    %add3A_38 = arith.addi %mul3A_2, %add3A_37 : i32
    %dma_start3A_39 = arith.constant 0 : i32
    %dma_start3A_40 = tpu.memref_slice %arg4[%add3A_38, %dma_start3A_39] : memref<65536x64xf32, #tpu.memory_space<hbm>> -> memref<128x64xf32, #tpu.memory_space<hbm>>
    %dma_start3A_41 = arith.constant 0 : i32
    %dma_start3A_42 = tpu.memref_slice %arg4[%add3A_38, %dma_start3A_41] : memref<65536x64xf32, #tpu.memory_space<hbm>> -> memref<128x64xf32, #tpu.memory_space<hbm>>
    tpu.enqueue_dma source(%arg7 : memref<128x64xf32, #tpu.memory_space<vmem>>) target(%dma_start3A_42 : memref<128x64xf32, #tpu.memory_space<hbm>>) target_semaphore(%arg15 : memref<!tpu.dma_semaphore, #tpu.memory_space<semaphore_mem>>)
    %dma_wait3A_43 = arith.constant 0 : i32
    %dma_wait3A_44 = tpu.memref_slice %arg4[%add3A_22, %dma_wait3A_43] : memref<65536x64xf32, #tpu.memory_space<hbm>> -> memref<128x64xf32, #tpu.memory_space<hbm>>
    %dma_wait3A_45 = arith.constant 0 : i32
    %dma_wait3A_46 = tpu.memref_slice %arg4[%add3A_22, %dma_wait3A_45] : memref<65536x64xf32, #tpu.memory_space<hbm>> -> memref<128x64xf32, #tpu.memory_space<hbm>>
    tpu.wait_dma2 semaphore(%arg14 : memref<!tpu.dma_semaphore, #tpu.memory_space<semaphore_mem>>) src(%arg6 : memref<128x64xf32, #tpu.memory_space<vmem>>) dst(%dma_wait3A_46 : memref<128x64xf32, #tpu.memory_space<hbm>>)
    %dma_start3A_47 = arith.constant 512 : i32
    %dma_start3A_48 = tpu.memref_slice %arg5[%dma_start3A_47] : memref<2048xi32, #tpu.memory_space<vmem>> -> memref<128xi32, #tpu.memory_space<vmem>>
    %dma_start3A_49 = arith.constant 0 : i32
    %dma_start3A_50 = arith.constant 0 : i32
    %dma_start3A_51 = tpu.memref_slice %arg2[%dma_start3A_49, %dma_start3A_50] : memref<4096x64xf32, #tpu.memory_space<hbm>> -> memref<4096x64xf32, #tpu.memory_space<hbm>>
    tpu.enqueue_indirect_dma source(%dma_start3A_51 : memref<4096x64xf32, #tpu.memory_space<hbm>>) target(%arg6 : memref<128x64xf32, #tpu.memory_space<vmem>>) offsets(%dma_start3A_48 : memref<128xi32, #tpu.memory_space<vmem>>) semaphore(%arg10 : memref<!tpu.dma_semaphore, #tpu.memory_space<semaphore_mem>>)
    %dma_wait3A_52 = arith.constant 256 : i32
    %dma_wait3A_53 = tpu.memref_slice %arg5[%dma_wait3A_52] : memref<2048xi32, #tpu.memory_space<vmem>> -> memref<128xi32, #tpu.memory_space<vmem>>
    %dma_wait3A_54 = arith.constant 0 : i32
    %dma_wait3A_55 = arith.constant 0 : i32
    %dma_wait3A_56 = tpu.memref_slice %arg2[%dma_wait3A_54, %dma_wait3A_55] : memref<4096x64xf32, #tpu.memory_space<hbm>> -> memref<4096x64xf32, #tpu.memory_space<hbm>>
    tpu.wait_indirect_dma semaphore(%arg12 : memref<!tpu.dma_semaphore, #tpu.memory_space<semaphore_mem>>) src(%dma_wait3A_56 : memref<4096x64xf32, #tpu.memory_space<hbm>>) dst(%arg8 : memref<128x64xf32, #tpu.memory_space<vmem>>)
    %add3A_57 = arith.constant 256 : i32
    %add3A_58 = arith.addi %mul3A_2, %add3A_57 : i32
    %dma_start3A_59 = arith.constant 0 : i32
    %dma_start3A_60 = tpu.memref_slice %arg4[%add3A_58, %dma_start3A_59] : memref<65536x64xf32, #tpu.memory_space<hbm>> -> memref<128x64xf32, #tpu.memory_space<hbm>>
    %dma_start3A_61 = arith.constant 0 : i32
    %dma_start3A_62 = tpu.memref_slice %arg4[%add3A_58, %dma_start3A_61] : memref<65536x64xf32, #tpu.memory_space<hbm>> -> memref<128x64xf32, #tpu.memory_space<hbm>>
    tpu.enqueue_dma source(%arg8 : memref<128x64xf32, #tpu.memory_space<vmem>>) target(%dma_start3A_62 : memref<128x64xf32, #tpu.memory_space<hbm>>) target_semaphore(%arg16 : memref<!tpu.dma_semaphore, #tpu.memory_space<semaphore_mem>>)
    %dma_wait3A_63 = arith.constant 0 : i32
    %dma_wait3A_64 = tpu.memref_slice %arg4[%add3A_38, %dma_wait3A_63] : memref<65536x64xf32, #tpu.memory_space<hbm>> -> memref<128x64xf32, #tpu.memory_space<hbm>>
    %dma_wait3A_65 = arith.constant 0 : i32
    %dma_wait3A_66 = tpu.memref_slice %arg4[%add3A_38, %dma_wait3A_65] : memref<65536x64xf32, #tpu.memory_space<hbm>> -> memref<128x64xf32, #tpu.memory_space<hbm>>
    tpu.wait_dma2 semaphore(%arg15 : memref<!tpu.dma_semaphore, #tpu.memory_space<semaphore_mem>>) src(%arg7 : memref<128x64xf32, #tpu.memory_space<vmem>>) dst(%dma_wait3A_66 : memref<128x64xf32, #tpu.memory_space<hbm>>)
    %dma_start3A_67 = arith.constant 640 : i32
    %dma_start3A_68 = tpu.memref_slice %arg5[%dma_start3A_67] : memref<2048xi32, #tpu.memory_space<vmem>> -> memref<128xi32, #tpu.memory_space<vmem>>
    %dma_start3A_69 = arith.constant 0 : i32
    %dma_start3A_70 = arith.constant 0 : i32
    %dma_start3A_71 = tpu.memref_slice %arg2[%dma_start3A_69, %dma_start3A_70] : memref<4096x64xf32, #tpu.memory_space<hbm>> -> memref<4096x64xf32, #tpu.memory_space<hbm>>
    tpu.enqueue_indirect_dma source(%dma_start3A_71 : memref<4096x64xf32, #tpu.memory_space<hbm>>) target(%arg7 : memref<128x64xf32, #tpu.memory_space<vmem>>) offsets(%dma_start3A_68 : memref<128xi32, #tpu.memory_space<vmem>>) semaphore(%arg11 : memref<!tpu.dma_semaphore, #tpu.memory_space<semaphore_mem>>)
    %dma_wait3A_72 = arith.constant 384 : i32
    %dma_wait3A_73 = tpu.memref_slice %arg5[%dma_wait3A_72] : memref<2048xi32, #tpu.memory_space<vmem>> -> memref<128xi32, #tpu.memory_space<vmem>>
    %dma_wait3A_74 = arith.constant 0 : i32
    %dma_wait3A_75 = arith.constant 0 : i32
    %dma_wait3A_76 = tpu.memref_slice %arg2[%dma_wait3A_74, %dma_wait3A_75] : memref<4096x64xf32, #tpu.memory_space<hbm>> -> memref<4096x64xf32, #tpu.memory_space<hbm>>
    tpu.wait_indirect_dma semaphore(%arg13 : memref<!tpu.dma_semaphore, #tpu.memory_space<semaphore_mem>>) src(%dma_wait3A_76 : memref<4096x64xf32, #tpu.memory_space<hbm>>) dst(%arg9 : memref<128x64xf32, #tpu.memory_space<vmem>>)
    %add3A_77 = arith.constant 384 : i32
    %add3A_78 = arith.addi %mul3A_2, %add3A_77 : i32
    %dma_start3A_79 = arith.constant 0 : i32
    %dma_start3A_80 = tpu.memref_slice %arg4[%add3A_78, %dma_start3A_79] : memref<65536x64xf32, #tpu.memory_space<hbm>> -> memref<128x64xf32, #tpu.memory_space<hbm>>
    %dma_start3A_81 = arith.constant 0 : i32
    %dma_start3A_82 = tpu.memref_slice %arg4[%add3A_78, %dma_start3A_81] : memref<65536x64xf32, #tpu.memory_space<hbm>> -> memref<128x64xf32, #tpu.memory_space<hbm>>
    tpu.enqueue_dma source(%arg9 : memref<128x64xf32, #tpu.memory_space<vmem>>) target(%dma_start3A_82 : memref<128x64xf32, #tpu.memory_space<hbm>>) target_semaphore(%arg17 : memref<!tpu.dma_semaphore, #tpu.memory_space<semaphore_mem>>)
    %dma_wait3A_83 = arith.constant 0 : i32
    %dma_wait3A_84 = tpu.memref_slice %arg4[%add3A_58, %dma_wait3A_83] : memref<65536x64xf32, #tpu.memory_space<hbm>> -> memref<128x64xf32, #tpu.memory_space<hbm>>
    %dma_wait3A_85 = arith.constant 0 : i32
    %dma_wait3A_86 = tpu.memref_slice %arg4[%add3A_58, %dma_wait3A_85] : memref<65536x64xf32, #tpu.memory_space<hbm>> -> memref<128x64xf32, #tpu.memory_space<hbm>>
    tpu.wait_dma2 semaphore(%arg16 : memref<!tpu.dma_semaphore, #tpu.memory_space<semaphore_mem>>) src(%arg8 : memref<128x64xf32, #tpu.memory_space<vmem>>) dst(%dma_wait3A_86 : memref<128x64xf32, #tpu.memory_space<hbm>>)
    %dma_start3A_87 = arith.constant 768 : i32
    %dma_start3A_88 = tpu.memref_slice %arg5[%dma_start3A_87] : memref<2048xi32, #tpu.memory_space<vmem>> -> memref<128xi32, #tpu.memory_space<vmem>>
    %dma_start3A_89 = arith.constant 0 : i32
    %dma_start3A_90 = arith.constant 0 : i32
    %dma_start3A_91 = tpu.memref_slice %arg2[%dma_start3A_89, %dma_start3A_90] : memref<4096x64xf32, #tpu.memory_space<hbm>> -> memref<4096x64xf32, #tpu.memory_space<hbm>>
    tpu.enqueue_indirect_dma source(%dma_start3A_91 : memref<4096x64xf32, #tpu.memory_space<hbm>>) target(%arg8 : memref<128x64xf32, #tpu.memory_space<vmem>>) offsets(%dma_start3A_88 : memref<128xi32, #tpu.memory_space<vmem>>) semaphore(%arg12 : memref<!tpu.dma_semaphore, #tpu.memory_space<semaphore_mem>>)
    %dma_wait3A_92 = arith.constant 512 : i32
    %dma_wait3A_93 = tpu.memref_slice %arg5[%dma_wait3A_92] : memref<2048xi32, #tpu.memory_space<vmem>> -> memref<128xi32, #tpu.memory_space<vmem>>
    %dma_wait3A_94 = arith.constant 0 : i32
    %dma_wait3A_95 = arith.constant 0 : i32
    %dma_wait3A_96 = tpu.memref_slice %arg2[%dma_wait3A_94, %dma_wait3A_95] : memref<4096x64xf32, #tpu.memory_space<hbm>> -> memref<4096x64xf32, #tpu.memory_space<hbm>>
    tpu.wait_indirect_dma semaphore(%arg10 : memref<!tpu.dma_semaphore, #tpu.memory_space<semaphore_mem>>) src(%dma_wait3A_96 : memref<4096x64xf32, #tpu.memory_space<hbm>>) dst(%arg6 : memref<128x64xf32, #tpu.memory_space<vmem>>)
    %add3A_97 = arith.constant 512 : i32
    %add3A_98 = arith.addi %mul3A_2, %add3A_97 : i32
    %dma_start3A_99 = arith.constant 0 : i32
    %dma_start3A_100 = tpu.memref_slice %arg4[%add3A_98, %dma_start3A_99] : memref<65536x64xf32, #tpu.memory_space<hbm>> -> memref<128x64xf32, #tpu.memory_space<hbm>>
    %dma_start3A_101 = arith.constant 0 : i32
    %dma_start3A_102 = tpu.memref_slice %arg4[%add3A_98, %dma_start3A_101] : memref<65536x64xf32, #tpu.memory_space<hbm>> -> memref<128x64xf32, #tpu.memory_space<hbm>>
    tpu.enqueue_dma source(%arg6 : memref<128x64xf32, #tpu.memory_space<vmem>>) target(%dma_start3A_102 : memref<128x64xf32, #tpu.memory_space<hbm>>) target_semaphore(%arg14 : memref<!tpu.dma_semaphore, #tpu.memory_space<semaphore_mem>>)
    %dma_wait3A_103 = arith.constant 0 : i32
    %dma_wait3A_104 = tpu.memref_slice %arg4[%add3A_78, %dma_wait3A_103] : memref<65536x64xf32, #tpu.memory_space<hbm>> -> memref<128x64xf32, #tpu.memory_space<hbm>>
    %dma_wait3A_105 = arith.constant 0 : i32
    %dma_wait3A_106 = tpu.memref_slice %arg4[%add3A_78, %dma_wait3A_105] : memref<65536x64xf32, #tpu.memory_space<hbm>> -> memref<128x64xf32, #tpu.memory_space<hbm>>
    tpu.wait_dma2 semaphore(%arg17 : memref<!tpu.dma_semaphore, #tpu.memory_space<semaphore_mem>>) src(%arg9 : memref<128x64xf32, #tpu.memory_space<vmem>>) dst(%dma_wait3A_106 : memref<128x64xf32, #tpu.memory_space<hbm>>)
    %dma_start3A_107 = arith.constant 896 : i32
    %dma_start3A_108 = tpu.memref_slice %arg5[%dma_start3A_107] : memref<2048xi32, #tpu.memory_space<vmem>> -> memref<128xi32, #tpu.memory_space<vmem>>
    %dma_start3A_109 = arith.constant 0 : i32
    %dma_start3A_110 = arith.constant 0 : i32
    %dma_start3A_111 = tpu.memref_slice %arg2[%dma_start3A_109, %dma_start3A_110] : memref<4096x64xf32, #tpu.memory_space<hbm>> -> memref<4096x64xf32, #tpu.memory_space<hbm>>
    tpu.enqueue_indirect_dma source(%dma_start3A_111 : memref<4096x64xf32, #tpu.memory_space<hbm>>) target(%arg9 : memref<128x64xf32, #tpu.memory_space<vmem>>) offsets(%dma_start3A_108 : memref<128xi32, #tpu.memory_space<vmem>>) semaphore(%arg13 : memref<!tpu.dma_semaphore, #tpu.memory_space<semaphore_mem>>)
    %dma_wait3A_112 = arith.constant 640 : i32
    %dma_wait3A_113 = tpu.memref_slice %arg5[%dma_wait3A_112] : memref<2048xi32, #tpu.memory_space<vmem>> -> memref<128xi32, #tpu.memory_space<vmem>>
    %dma_wait3A_114 = arith.constant 0 : i32
    %dma_wait3A_115 = arith.constant 0 : i32
    %dma_wait3A_116 = tpu.memref_slice %arg2[%dma_wait3A_114, %dma_wait3A_115] : memref<4096x64xf32, #tpu.memory_space<hbm>> -> memref<4096x64xf32, #tpu.memory_space<hbm>>
    tpu.wait_indirect_dma semaphore(%arg11 : memref<!tpu.dma_semaphore, #tpu.memory_space<semaphore_mem>>) src(%dma_wait3A_116 : memref<4096x64xf32, #tpu.memory_space<hbm>>) dst(%arg7 : memref<128x64xf32, #tpu.memory_space<vmem>>)
    %add3A_117 = arith.constant 640 : i32
    %add3A_118 = arith.addi %mul3A_2, %add3A_117 : i32
    %dma_start3A_119 = arith.constant 0 : i32
    %dma_start3A_120 = tpu.memref_slice %arg4[%add3A_118, %dma_start3A_119] : memref<65536x64xf32, #tpu.memory_space<hbm>> -> memref<128x64xf32, #tpu.memory_space<hbm>>
    %dma_start3A_121 = arith.constant 0 : i32
    %dma_start3A_122 = tpu.memref_slice %arg4[%add3A_118, %dma_start3A_121] : memref<65536x64xf32, #tpu.memory_space<hbm>> -> memref<128x64xf32, #tpu.memory_space<hbm>>
    tpu.enqueue_dma source(%arg7 : memref<128x64xf32, #tpu.memory_space<vmem>>) target(%dma_start3A_122 : memref<128x64xf32, #tpu.memory_space<hbm>>) target_semaphore(%arg15 : memref<!tpu.dma_semaphore, #tpu.memory_space<semaphore_mem>>)
    %dma_wait3A_123 = arith.constant 0 : i32
    %dma_wait3A_124 = tpu.memref_slice %arg4[%add3A_98, %dma_wait3A_123] : memref<65536x64xf32, #tpu.memory_space<hbm>> -> memref<128x64xf32, #tpu.memory_space<hbm>>
    %dma_wait3A_125 = arith.constant 0 : i32
    %dma_wait3A_126 = tpu.memref_slice %arg4[%add3A_98, %dma_wait3A_125] : memref<65536x64xf32, #tpu.memory_space<hbm>> -> memref<128x64xf32, #tpu.memory_space<hbm>>
    tpu.wait_dma2 semaphore(%arg14 : memref<!tpu.dma_semaphore, #tpu.memory_space<semaphore_mem>>) src(%arg6 : memref<128x64xf32, #tpu.memory_space<vmem>>) dst(%dma_wait3A_126 : memref<128x64xf32, #tpu.memory_space<hbm>>)
    %dma_start3A_127 = arith.constant 1024 : i32
    %dma_start3A_128 = tpu.memref_slice %arg5[%dma_start3A_127] : memref<2048xi32, #tpu.memory_space<vmem>> -> memref<128xi32, #tpu.memory_space<vmem>>
    %dma_start3A_129 = arith.constant 0 : i32
    %dma_start3A_130 = arith.constant 0 : i32
    %dma_start3A_131 = tpu.memref_slice %arg2[%dma_start3A_129, %dma_start3A_130] : memref<4096x64xf32, #tpu.memory_space<hbm>> -> memref<4096x64xf32, #tpu.memory_space<hbm>>
    tpu.enqueue_indirect_dma source(%dma_start3A_131 : memref<4096x64xf32, #tpu.memory_space<hbm>>) target(%arg6 : memref<128x64xf32, #tpu.memory_space<vmem>>) offsets(%dma_start3A_128 : memref<128xi32, #tpu.memory_space<vmem>>) semaphore(%arg10 : memref<!tpu.dma_semaphore, #tpu.memory_space<semaphore_mem>>)
    %dma_wait3A_132 = arith.constant 768 : i32
    %dma_wait3A_133 = tpu.memref_slice %arg5[%dma_wait3A_132] : memref<2048xi32, #tpu.memory_space<vmem>> -> memref<128xi32, #tpu.memory_space<vmem>>
    %dma_wait3A_134 = arith.constant 0 : i32
    %dma_wait3A_135 = arith.constant 0 : i32
    %dma_wait3A_136 = tpu.memref_slice %arg2[%dma_wait3A_134, %dma_wait3A_135] : memref<4096x64xf32, #tpu.memory_space<hbm>> -> memref<4096x64xf32, #tpu.memory_space<hbm>>
    tpu.wait_indirect_dma semaphore(%arg12 : memref<!tpu.dma_semaphore, #tpu.memory_space<semaphore_mem>>) src(%dma_wait3A_136 : memref<4096x64xf32, #tpu.memory_space<hbm>>) dst(%arg8 : memref<128x64xf32, #tpu.memory_space<vmem>>)
    %add3A_137 = arith.constant 768 : i32
    %add3A_138 = arith.addi %mul3A_2, %add3A_137 : i32
    %dma_start3A_139 = arith.constant 0 : i32
    %dma_start3A_140 = tpu.memref_slice %arg4[%add3A_138, %dma_start3A_139] : memref<65536x64xf32, #tpu.memory_space<hbm>> -> memref<128x64xf32, #tpu.memory_space<hbm>>
    %dma_start3A_141 = arith.constant 0 : i32
    %dma_start3A_142 = tpu.memref_slice %arg4[%add3A_138, %dma_start3A_141] : memref<65536x64xf32, #tpu.memory_space<hbm>> -> memref<128x64xf32, #tpu.memory_space<hbm>>
    tpu.enqueue_dma source(%arg8 : memref<128x64xf32, #tpu.memory_space<vmem>>) target(%dma_start3A_142 : memref<128x64xf32, #tpu.memory_space<hbm>>) target_semaphore(%arg16 : memref<!tpu.dma_semaphore, #tpu.memory_space<semaphore_mem>>)
    %dma_wait3A_143 = arith.constant 0 : i32
    %dma_wait3A_144 = tpu.memref_slice %arg4[%add3A_118, %dma_wait3A_143] : memref<65536x64xf32, #tpu.memory_space<hbm>> -> memref<128x64xf32, #tpu.memory_space<hbm>>
    %dma_wait3A_145 = arith.constant 0 : i32
    %dma_wait3A_146 = tpu.memref_slice %arg4[%add3A_118, %dma_wait3A_145] : memref<65536x64xf32, #tpu.memory_space<hbm>> -> memref<128x64xf32, #tpu.memory_space<hbm>>
    tpu.wait_dma2 semaphore(%arg15 : memref<!tpu.dma_semaphore, #tpu.memory_space<semaphore_mem>>) src(%arg7 : memref<128x64xf32, #tpu.memory_space<vmem>>) dst(%dma_wait3A_146 : memref<128x64xf32, #tpu.memory_space<hbm>>)
    %dma_start3A_147 = arith.constant 1152 : i32
    %dma_start3A_148 = tpu.memref_slice %arg5[%dma_start3A_147] : memref<2048xi32, #tpu.memory_space<vmem>> -> memref<128xi32, #tpu.memory_space<vmem>>
    %dma_start3A_149 = arith.constant 0 : i32
    %dma_start3A_150 = arith.constant 0 : i32
    %dma_start3A_151 = tpu.memref_slice %arg2[%dma_start3A_149, %dma_start3A_150] : memref<4096x64xf32, #tpu.memory_space<hbm>> -> memref<4096x64xf32, #tpu.memory_space<hbm>>
    tpu.enqueue_indirect_dma source(%dma_start3A_151 : memref<4096x64xf32, #tpu.memory_space<hbm>>) target(%arg7 : memref<128x64xf32, #tpu.memory_space<vmem>>) offsets(%dma_start3A_148 : memref<128xi32, #tpu.memory_space<vmem>>) semaphore(%arg11 : memref<!tpu.dma_semaphore, #tpu.memory_space<semaphore_mem>>)
    %dma_wait3A_152 = arith.constant 896 : i32
    %dma_wait3A_153 = tpu.memref_slice %arg5[%dma_wait3A_152] : memref<2048xi32, #tpu.memory_space<vmem>> -> memref<128xi32, #tpu.memory_space<vmem>>
    %dma_wait3A_154 = arith.constant 0 : i32
    %dma_wait3A_155 = arith.constant 0 : i32
    %dma_wait3A_156 = tpu.memref_slice %arg2[%dma_wait3A_154, %dma_wait3A_155] : memref<4096x64xf32, #tpu.memory_space<hbm>> -> memref<4096x64xf32, #tpu.memory_space<hbm>>
    tpu.wait_indirect_dma semaphore(%arg13 : memref<!tpu.dma_semaphore, #tpu.memory_space<semaphore_mem>>) src(%dma_wait3A_156 : memref<4096x64xf32, #tpu.memory_space<hbm>>) dst(%arg9 : memref<128x64xf32, #tpu.memory_space<vmem>>)
    %add3A_157 = arith.constant 896 : i32
    %add3A_158 = arith.addi %mul3A_2, %add3A_157 : i32
    %dma_start3A_159 = arith.constant 0 : i32
    %dma_start3A_160 = tpu.memref_slice %arg4[%add3A_158, %dma_start3A_159] : memref<65536x64xf32, #tpu.memory_space<hbm>> -> memref<128x64xf32, #tpu.memory_space<hbm>>
    %dma_start3A_161 = arith.constant 0 : i32
    %dma_start3A_162 = tpu.memref_slice %arg4[%add3A_158, %dma_start3A_161] : memref<65536x64xf32, #tpu.memory_space<hbm>> -> memref<128x64xf32, #tpu.memory_space<hbm>>
    tpu.enqueue_dma source(%arg9 : memref<128x64xf32, #tpu.memory_space<vmem>>) target(%dma_start3A_162 : memref<128x64xf32, #tpu.memory_space<hbm>>) target_semaphore(%arg17 : memref<!tpu.dma_semaphore, #tpu.memory_space<semaphore_mem>>)
    %dma_wait3A_163 = arith.constant 0 : i32
    %dma_wait3A_164 = tpu.memref_slice %arg4[%add3A_138, %dma_wait3A_163] : memref<65536x64xf32, #tpu.memory_space<hbm>> -> memref<128x64xf32, #tpu.memory_space<hbm>>
    %dma_wait3A_165 = arith.constant 0 : i32
    %dma_wait3A_166 = tpu.memref_slice %arg4[%add3A_138, %dma_wait3A_165] : memref<65536x64xf32, #tpu.memory_space<hbm>> -> memref<128x64xf32, #tpu.memory_space<hbm>>
    tpu.wait_dma2 semaphore(%arg16 : memref<!tpu.dma_semaphore, #tpu.memory_space<semaphore_mem>>) src(%arg8 : memref<128x64xf32, #tpu.memory_space<vmem>>) dst(%dma_wait3A_166 : memref<128x64xf32, #tpu.memory_space<hbm>>)
    %dma_start3A_167 = arith.constant 1280 : i32
    %dma_start3A_168 = tpu.memref_slice %arg5[%dma_start3A_167] : memref<2048xi32, #tpu.memory_space<vmem>> -> memref<128xi32, #tpu.memory_space<vmem>>
    %dma_start3A_169 = arith.constant 0 : i32
    %dma_start3A_170 = arith.constant 0 : i32
    %dma_start3A_171 = tpu.memref_slice %arg2[%dma_start3A_169, %dma_start3A_170] : memref<4096x64xf32, #tpu.memory_space<hbm>> -> memref<4096x64xf32, #tpu.memory_space<hbm>>
    tpu.enqueue_indirect_dma source(%dma_start3A_171 : memref<4096x64xf32, #tpu.memory_space<hbm>>) target(%arg8 : memref<128x64xf32, #tpu.memory_space<vmem>>) offsets(%dma_start3A_168 : memref<128xi32, #tpu.memory_space<vmem>>) semaphore(%arg12 : memref<!tpu.dma_semaphore, #tpu.memory_space<semaphore_mem>>)
    %dma_wait3A_172 = arith.constant 1024 : i32
    %dma_wait3A_173 = tpu.memref_slice %arg5[%dma_wait3A_172] : memref<2048xi32, #tpu.memory_space<vmem>> -> memref<128xi32, #tpu.memory_space<vmem>>
    %dma_wait3A_174 = arith.constant 0 : i32
    %dma_wait3A_175 = arith.constant 0 : i32
    %dma_wait3A_176 = tpu.memref_slice %arg2[%dma_wait3A_174, %dma_wait3A_175] : memref<4096x64xf32, #tpu.memory_space<hbm>> -> memref<4096x64xf32, #tpu.memory_space<hbm>>
    tpu.wait_indirect_dma semaphore(%arg10 : memref<!tpu.dma_semaphore, #tpu.memory_space<semaphore_mem>>) src(%dma_wait3A_176 : memref<4096x64xf32, #tpu.memory_space<hbm>>) dst(%arg6 : memref<128x64xf32, #tpu.memory_space<vmem>>)
    %add3A_177 = arith.constant 1024 : i32
    %add3A_178 = arith.addi %mul3A_2, %add3A_177 : i32
    %dma_start3A_179 = arith.constant 0 : i32
    %dma_start3A_180 = tpu.memref_slice %arg4[%add3A_178, %dma_start3A_179] : memref<65536x64xf32, #tpu.memory_space<hbm>> -> memref<128x64xf32, #tpu.memory_space<hbm>>
    %dma_start3A_181 = arith.constant 0 : i32
    %dma_start3A_182 = tpu.memref_slice %arg4[%add3A_178, %dma_start3A_181] : memref<65536x64xf32, #tpu.memory_space<hbm>> -> memref<128x64xf32, #tpu.memory_space<hbm>>
    tpu.enqueue_dma source(%arg6 : memref<128x64xf32, #tpu.memory_space<vmem>>) target(%dma_start3A_182 : memref<128x64xf32, #tpu.memory_space<hbm>>) target_semaphore(%arg14 : memref<!tpu.dma_semaphore, #tpu.memory_space<semaphore_mem>>)
    %dma_wait3A_183 = arith.constant 0 : i32
    %dma_wait3A_184 = tpu.memref_slice %arg4[%add3A_158, %dma_wait3A_183] : memref<65536x64xf32, #tpu.memory_space<hbm>> -> memref<128x64xf32, #tpu.memory_space<hbm>>
    %dma_wait3A_185 = arith.constant 0 : i32
    %dma_wait3A_186 = tpu.memref_slice %arg4[%add3A_158, %dma_wait3A_185] : memref<65536x64xf32, #tpu.memory_space<hbm>> -> memref<128x64xf32, #tpu.memory_space<hbm>>
    tpu.wait_dma2 semaphore(%arg17 : memref<!tpu.dma_semaphore, #tpu.memory_space<semaphore_mem>>) src(%arg9 : memref<128x64xf32, #tpu.memory_space<vmem>>) dst(%dma_wait3A_186 : memref<128x64xf32, #tpu.memory_space<hbm>>)
    %dma_start3A_187 = arith.constant 1408 : i32
    %dma_start3A_188 = tpu.memref_slice %arg5[%dma_start3A_187] : memref<2048xi32, #tpu.memory_space<vmem>> -> memref<128xi32, #tpu.memory_space<vmem>>
    %dma_start3A_189 = arith.constant 0 : i32
    %dma_start3A_190 = arith.constant 0 : i32
    %dma_start3A_191 = tpu.memref_slice %arg2[%dma_start3A_189, %dma_start3A_190] : memref<4096x64xf32, #tpu.memory_space<hbm>> -> memref<4096x64xf32, #tpu.memory_space<hbm>>
    tpu.enqueue_indirect_dma source(%dma_start3A_191 : memref<4096x64xf32, #tpu.memory_space<hbm>>) target(%arg9 : memref<128x64xf32, #tpu.memory_space<vmem>>) offsets(%dma_start3A_188 : memref<128xi32, #tpu.memory_space<vmem>>) semaphore(%arg13 : memref<!tpu.dma_semaphore, #tpu.memory_space<semaphore_mem>>)
    %dma_wait3A_192 = arith.constant 1152 : i32
    %dma_wait3A_193 = tpu.memref_slice %arg5[%dma_wait3A_192] : memref<2048xi32, #tpu.memory_space<vmem>> -> memref<128xi32, #tpu.memory_space<vmem>>
    %dma_wait3A_194 = arith.constant 0 : i32
    %dma_wait3A_195 = arith.constant 0 : i32
    %dma_wait3A_196 = tpu.memref_slice %arg2[%dma_wait3A_194, %dma_wait3A_195] : memref<4096x64xf32, #tpu.memory_space<hbm>> -> memref<4096x64xf32, #tpu.memory_space<hbm>>
    tpu.wait_indirect_dma semaphore(%arg11 : memref<!tpu.dma_semaphore, #tpu.memory_space<semaphore_mem>>) src(%dma_wait3A_196 : memref<4096x64xf32, #tpu.memory_space<hbm>>) dst(%arg7 : memref<128x64xf32, #tpu.memory_space<vmem>>)
    %add3A_197 = arith.constant 1152 : i32
    %add3A_198 = arith.addi %mul3A_2, %add3A_197 : i32
    %dma_start3A_199 = arith.constant 0 : i32
    %dma_start3A_200 = tpu.memref_slice %arg4[%add3A_198, %dma_start3A_199] : memref<65536x64xf32, #tpu.memory_space<hbm>> -> memref<128x64xf32, #tpu.memory_space<hbm>>
    %dma_start3A_201 = arith.constant 0 : i32
    %dma_start3A_202 = tpu.memref_slice %arg4[%add3A_198, %dma_start3A_201] : memref<65536x64xf32, #tpu.memory_space<hbm>> -> memref<128x64xf32, #tpu.memory_space<hbm>>
    tpu.enqueue_dma source(%arg7 : memref<128x64xf32, #tpu.memory_space<vmem>>) target(%dma_start3A_202 : memref<128x64xf32, #tpu.memory_space<hbm>>) target_semaphore(%arg15 : memref<!tpu.dma_semaphore, #tpu.memory_space<semaphore_mem>>)
    %dma_wait3A_203 = arith.constant 0 : i32
    %dma_wait3A_204 = tpu.memref_slice %arg4[%add3A_178, %dma_wait3A_203] : memref<65536x64xf32, #tpu.memory_space<hbm>> -> memref<128x64xf32, #tpu.memory_space<hbm>>
    %dma_wait3A_205 = arith.constant 0 : i32
    %dma_wait3A_206 = tpu.memref_slice %arg4[%add3A_178, %dma_wait3A_205] : memref<65536x64xf32, #tpu.memory_space<hbm>> -> memref<128x64xf32, #tpu.memory_space<hbm>>
    tpu.wait_dma2 semaphore(%arg14 : memref<!tpu.dma_semaphore, #tpu.memory_space<semaphore_mem>>) src(%arg6 : memref<128x64xf32, #tpu.memory_space<vmem>>) dst(%dma_wait3A_206 : memref<128x64xf32, #tpu.memory_space<hbm>>)
    %dma_start3A_207 = arith.constant 1536 : i32
    %dma_start3A_208 = tpu.memref_slice %arg5[%dma_start3A_207] : memref<2048xi32, #tpu.memory_space<vmem>> -> memref<128xi32, #tpu.memory_space<vmem>>
    %dma_start3A_209 = arith.constant 0 : i32
    %dma_start3A_210 = arith.constant 0 : i32
    %dma_start3A_211 = tpu.memref_slice %arg2[%dma_start3A_209, %dma_start3A_210] : memref<4096x64xf32, #tpu.memory_space<hbm>> -> memref<4096x64xf32, #tpu.memory_space<hbm>>
    tpu.enqueue_indirect_dma source(%dma_start3A_211 : memref<4096x64xf32, #tpu.memory_space<hbm>>) target(%arg6 : memref<128x64xf32, #tpu.memory_space<vmem>>) offsets(%dma_start3A_208 : memref<128xi32, #tpu.memory_space<vmem>>) semaphore(%arg10 : memref<!tpu.dma_semaphore, #tpu.memory_space<semaphore_mem>>)
    %dma_wait3A_212 = arith.constant 1280 : i32
    %dma_wait3A_213 = tpu.memref_slice %arg5[%dma_wait3A_212] : memref<2048xi32, #tpu.memory_space<vmem>> -> memref<128xi32, #tpu.memory_space<vmem>>
    %dma_wait3A_214 = arith.constant 0 : i32
    %dma_wait3A_215 = arith.constant 0 : i32
    %dma_wait3A_216 = tpu.memref_slice %arg2[%dma_wait3A_214, %dma_wait3A_215] : memref<4096x64xf32, #tpu.memory_space<hbm>> -> memref<4096x64xf32, #tpu.memory_space<hbm>>
    tpu.wait_indirect_dma semaphore(%arg12 : memref<!tpu.dma_semaphore, #tpu.memory_space<semaphore_mem>>) src(%dma_wait3A_216 : memref<4096x64xf32, #tpu.memory_space<hbm>>) dst(%arg8 : memref<128x64xf32, #tpu.memory_space<vmem>>)
    %add3A_217 = arith.constant 1280 : i32
    %add3A_218 = arith.addi %mul3A_2, %add3A_217 : i32
    %dma_start3A_219 = arith.constant 0 : i32
    %dma_start3A_220 = tpu.memref_slice %arg4[%add3A_218, %dma_start3A_219] : memref<65536x64xf32, #tpu.memory_space<hbm>> -> memref<128x64xf32, #tpu.memory_space<hbm>>
    %dma_start3A_221 = arith.constant 0 : i32
    %dma_start3A_222 = tpu.memref_slice %arg4[%add3A_218, %dma_start3A_221] : memref<65536x64xf32, #tpu.memory_space<hbm>> -> memref<128x64xf32, #tpu.memory_space<hbm>>
    tpu.enqueue_dma source(%arg8 : memref<128x64xf32, #tpu.memory_space<vmem>>) target(%dma_start3A_222 : memref<128x64xf32, #tpu.memory_space<hbm>>) target_semaphore(%arg16 : memref<!tpu.dma_semaphore, #tpu.memory_space<semaphore_mem>>)
    %dma_wait3A_223 = arith.constant 0 : i32
    %dma_wait3A_224 = tpu.memref_slice %arg4[%add3A_198, %dma_wait3A_223] : memref<65536x64xf32, #tpu.memory_space<hbm>> -> memref<128x64xf32, #tpu.memory_space<hbm>>
    %dma_wait3A_225 = arith.constant 0 : i32
    %dma_wait3A_226 = tpu.memref_slice %arg4[%add3A_198, %dma_wait3A_225] : memref<65536x64xf32, #tpu.memory_space<hbm>> -> memref<128x64xf32, #tpu.memory_space<hbm>>
    tpu.wait_dma2 semaphore(%arg15 : memref<!tpu.dma_semaphore, #tpu.memory_space<semaphore_mem>>) src(%arg7 : memref<128x64xf32, #tpu.memory_space<vmem>>) dst(%dma_wait3A_226 : memref<128x64xf32, #tpu.memory_space<hbm>>)
    %dma_start3A_227 = arith.constant 1664 : i32
    %dma_start3A_228 = tpu.memref_slice %arg5[%dma_start3A_227] : memref<2048xi32, #tpu.memory_space<vmem>> -> memref<128xi32, #tpu.memory_space<vmem>>
    %dma_start3A_229 = arith.constant 0 : i32
    %dma_start3A_230 = arith.constant 0 : i32
    %dma_start3A_231 = tpu.memref_slice %arg2[%dma_start3A_229, %dma_start3A_230] : memref<4096x64xf32, #tpu.memory_space<hbm>> -> memref<4096x64xf32, #tpu.memory_space<hbm>>
    tpu.enqueue_indirect_dma source(%dma_start3A_231 : memref<4096x64xf32, #tpu.memory_space<hbm>>) target(%arg7 : memref<128x64xf32, #tpu.memory_space<vmem>>) offsets(%dma_start3A_228 : memref<128xi32, #tpu.memory_space<vmem>>) semaphore(%arg11 : memref<!tpu.dma_semaphore, #tpu.memory_space<semaphore_mem>>)
    %dma_wait3A_232 = arith.constant 1408 : i32
    %dma_wait3A_233 = tpu.memref_slice %arg5[%dma_wait3A_232] : memref<2048xi32, #tpu.memory_space<vmem>> -> memref<128xi32, #tpu.memory_space<vmem>>
    %dma_wait3A_234 = arith.constant 0 : i32
    %dma_wait3A_235 = arith.constant 0 : i32
    %dma_wait3A_236 = tpu.memref_slice %arg2[%dma_wait3A_234, %dma_wait3A_235] : memref<4096x64xf32, #tpu.memory_space<hbm>> -> memref<4096x64xf32, #tpu.memory_space<hbm>>
    tpu.wait_indirect_dma semaphore(%arg13 : memref<!tpu.dma_semaphore, #tpu.memory_space<semaphore_mem>>) src(%dma_wait3A_236 : memref<4096x64xf32, #tpu.memory_space<hbm>>) dst(%arg9 : memref<128x64xf32, #tpu.memory_space<vmem>>)
    %add3A_237 = arith.constant 1408 : i32
    %add3A_238 = arith.addi %mul3A_2, %add3A_237 : i32
    %dma_start3A_239 = arith.constant 0 : i32
    %dma_start3A_240 = tpu.memref_slice %arg4[%add3A_238, %dma_start3A_239] : memref<65536x64xf32, #tpu.memory_space<hbm>> -> memref<128x64xf32, #tpu.memory_space<hbm>>
    %dma_start3A_241 = arith.constant 0 : i32
    %dma_start3A_242 = tpu.memref_slice %arg4[%add3A_238, %dma_start3A_241] : memref<65536x64xf32, #tpu.memory_space<hbm>> -> memref<128x64xf32, #tpu.memory_space<hbm>>
    tpu.enqueue_dma source(%arg9 : memref<128x64xf32, #tpu.memory_space<vmem>>) target(%dma_start3A_242 : memref<128x64xf32, #tpu.memory_space<hbm>>) target_semaphore(%arg17 : memref<!tpu.dma_semaphore, #tpu.memory_space<semaphore_mem>>)
    %dma_wait3A_243 = arith.constant 0 : i32
    %dma_wait3A_244 = tpu.memref_slice %arg4[%add3A_218, %dma_wait3A_243] : memref<65536x64xf32, #tpu.memory_space<hbm>> -> memref<128x64xf32, #tpu.memory_space<hbm>>
    %dma_wait3A_245 = arith.constant 0 : i32
    %dma_wait3A_246 = tpu.memref_slice %arg4[%add3A_218, %dma_wait3A_245] : memref<65536x64xf32, #tpu.memory_space<hbm>> -> memref<128x64xf32, #tpu.memory_space<hbm>>
    tpu.wait_dma2 semaphore(%arg16 : memref<!tpu.dma_semaphore, #tpu.memory_space<semaphore_mem>>) src(%arg8 : memref<128x64xf32, #tpu.memory_space<vmem>>) dst(%dma_wait3A_246 : memref<128x64xf32, #tpu.memory_space<hbm>>)
    %dma_start3A_247 = arith.constant 1792 : i32
    %dma_start3A_248 = tpu.memref_slice %arg5[%dma_start3A_247] : memref<2048xi32, #tpu.memory_space<vmem>> -> memref<128xi32, #tpu.memory_space<vmem>>
    %dma_start3A_249 = arith.constant 0 : i32
    %dma_start3A_250 = arith.constant 0 : i32
    %dma_start3A_251 = tpu.memref_slice %arg2[%dma_start3A_249, %dma_start3A_250] : memref<4096x64xf32, #tpu.memory_space<hbm>> -> memref<4096x64xf32, #tpu.memory_space<hbm>>
    tpu.enqueue_indirect_dma source(%dma_start3A_251 : memref<4096x64xf32, #tpu.memory_space<hbm>>) target(%arg8 : memref<128x64xf32, #tpu.memory_space<vmem>>) offsets(%dma_start3A_248 : memref<128xi32, #tpu.memory_space<vmem>>) semaphore(%arg12 : memref<!tpu.dma_semaphore, #tpu.memory_space<semaphore_mem>>)
    %dma_wait3A_252 = arith.constant 1536 : i32
    %dma_wait3A_253 = tpu.memref_slice %arg5[%dma_wait3A_252] : memref<2048xi32, #tpu.memory_space<vmem>> -> memref<128xi32, #tpu.memory_space<vmem>>
    %dma_wait3A_254 = arith.constant 0 : i32
    %dma_wait3A_255 = arith.constant 0 : i32
    %dma_wait3A_256 = tpu.memref_slice %arg2[%dma_wait3A_254, %dma_wait3A_255] : memref<4096x64xf32, #tpu.memory_space<hbm>> -> memref<4096x64xf32, #tpu.memory_space<hbm>>
    tpu.wait_indirect_dma semaphore(%arg10 : memref<!tpu.dma_semaphore, #tpu.memory_space<semaphore_mem>>) src(%dma_wait3A_256 : memref<4096x64xf32, #tpu.memory_space<hbm>>) dst(%arg6 : memref<128x64xf32, #tpu.memory_space<vmem>>)
    %add3A_257 = arith.constant 1536 : i32
    %add3A_258 = arith.addi %mul3A_2, %add3A_257 : i32
    %dma_start3A_259 = arith.constant 0 : i32
    %dma_start3A_260 = tpu.memref_slice %arg4[%add3A_258, %dma_start3A_259] : memref<65536x64xf32, #tpu.memory_space<hbm>> -> memref<128x64xf32, #tpu.memory_space<hbm>>
    %dma_start3A_261 = arith.constant 0 : i32
    %dma_start3A_262 = tpu.memref_slice %arg4[%add3A_258, %dma_start3A_261] : memref<65536x64xf32, #tpu.memory_space<hbm>> -> memref<128x64xf32, #tpu.memory_space<hbm>>
    tpu.enqueue_dma source(%arg6 : memref<128x64xf32, #tpu.memory_space<vmem>>) target(%dma_start3A_262 : memref<128x64xf32, #tpu.memory_space<hbm>>) target_semaphore(%arg14 : memref<!tpu.dma_semaphore, #tpu.memory_space<semaphore_mem>>)
    %dma_wait3A_263 = arith.constant 0 : i32
    %dma_wait3A_264 = tpu.memref_slice %arg4[%add3A_238, %dma_wait3A_263] : memref<65536x64xf32, #tpu.memory_space<hbm>> -> memref<128x64xf32, #tpu.memory_space<hbm>>
    %dma_wait3A_265 = arith.constant 0 : i32
    %dma_wait3A_266 = tpu.memref_slice %arg4[%add3A_238, %dma_wait3A_265] : memref<65536x64xf32, #tpu.memory_space<hbm>> -> memref<128x64xf32, #tpu.memory_space<hbm>>
    tpu.wait_dma2 semaphore(%arg17 : memref<!tpu.dma_semaphore, #tpu.memory_space<semaphore_mem>>) src(%arg9 : memref<128x64xf32, #tpu.memory_space<vmem>>) dst(%dma_wait3A_266 : memref<128x64xf32, #tpu.memory_space<hbm>>)
    %dma_start3A_267 = arith.constant 1920 : i32
    %dma_start3A_268 = tpu.memref_slice %arg5[%dma_start3A_267] : memref<2048xi32, #tpu.memory_space<vmem>> -> memref<128xi32, #tpu.memory_space<vmem>>
    %dma_start3A_269 = arith.constant 0 : i32
    %dma_start3A_270 = arith.constant 0 : i32
    %dma_start3A_271 = tpu.memref_slice %arg2[%dma_start3A_269, %dma_start3A_270] : memref<4096x64xf32, #tpu.memory_space<hbm>> -> memref<4096x64xf32, #tpu.memory_space<hbm>>
    tpu.enqueue_indirect_dma source(%dma_start3A_271 : memref<4096x64xf32, #tpu.memory_space<hbm>>) target(%arg9 : memref<128x64xf32, #tpu.memory_space<vmem>>) offsets(%dma_start3A_268 : memref<128xi32, #tpu.memory_space<vmem>>) semaphore(%arg13 : memref<!tpu.dma_semaphore, #tpu.memory_space<semaphore_mem>>)
    %dma_wait3A_272 = arith.constant 1664 : i32
    %dma_wait3A_273 = tpu.memref_slice %arg5[%dma_wait3A_272] : memref<2048xi32, #tpu.memory_space<vmem>> -> memref<128xi32, #tpu.memory_space<vmem>>
    %dma_wait3A_274 = arith.constant 0 : i32
    %dma_wait3A_275 = arith.constant 0 : i32
    %dma_wait3A_276 = tpu.memref_slice %arg2[%dma_wait3A_274, %dma_wait3A_275] : memref<4096x64xf32, #tpu.memory_space<hbm>> -> memref<4096x64xf32, #tpu.memory_space<hbm>>
    tpu.wait_indirect_dma semaphore(%arg11 : memref<!tpu.dma_semaphore, #tpu.memory_space<semaphore_mem>>) src(%dma_wait3A_276 : memref<4096x64xf32, #tpu.memory_space<hbm>>) dst(%arg7 : memref<128x64xf32, #tpu.memory_space<vmem>>)
    %add3A_277 = arith.constant 1664 : i32
    %add3A_278 = arith.addi %mul3A_2, %add3A_277 : i32
    %dma_start3A_279 = arith.constant 0 : i32
    %dma_start3A_280 = tpu.memref_slice %arg4[%add3A_278, %dma_start3A_279] : memref<65536x64xf32, #tpu.memory_space<hbm>> -> memref<128x64xf32, #tpu.memory_space<hbm>>
    %dma_start3A_281 = arith.constant 0 : i32
    %dma_start3A_282 = tpu.memref_slice %arg4[%add3A_278, %dma_start3A_281] : memref<65536x64xf32, #tpu.memory_space<hbm>> -> memref<128x64xf32, #tpu.memory_space<hbm>>
    tpu.enqueue_dma source(%arg7 : memref<128x64xf32, #tpu.memory_space<vmem>>) target(%dma_start3A_282 : memref<128x64xf32, #tpu.memory_space<hbm>>) target_semaphore(%arg15 : memref<!tpu.dma_semaphore, #tpu.memory_space<semaphore_mem>>)
    %dma_wait3A_283 = arith.constant 1792 : i32
    %dma_wait3A_284 = tpu.memref_slice %arg5[%dma_wait3A_283] : memref<2048xi32, #tpu.memory_space<vmem>> -> memref<128xi32, #tpu.memory_space<vmem>>
    %dma_wait3A_285 = arith.constant 0 : i32
    %dma_wait3A_286 = arith.constant 0 : i32
    %dma_wait3A_287 = tpu.memref_slice %arg2[%dma_wait3A_285, %dma_wait3A_286] : memref<4096x64xf32, #tpu.memory_space<hbm>> -> memref<4096x64xf32, #tpu.memory_space<hbm>>
    tpu.wait_indirect_dma semaphore(%arg12 : memref<!tpu.dma_semaphore, #tpu.memory_space<semaphore_mem>>) src(%dma_wait3A_287 : memref<4096x64xf32, #tpu.memory_space<hbm>>) dst(%arg8 : memref<128x64xf32, #tpu.memory_space<vmem>>)
    %add3A_288 = arith.constant 1792 : i32
    %add3A_289 = arith.addi %mul3A_2, %add3A_288 : i32
    %dma_start3A_290 = arith.constant 0 : i32
    %dma_start3A_291 = tpu.memref_slice %arg4[%add3A_289, %dma_start3A_290] : memref<65536x64xf32, #tpu.memory_space<hbm>> -> memref<128x64xf32, #tpu.memory_space<hbm>>
    %dma_start3A_292 = arith.constant 0 : i32
    %dma_start3A_293 = tpu.memref_slice %arg4[%add3A_289, %dma_start3A_292] : memref<65536x64xf32, #tpu.memory_space<hbm>> -> memref<128x64xf32, #tpu.memory_space<hbm>>
    tpu.enqueue_dma source(%arg8 : memref<128x64xf32, #tpu.memory_space<vmem>>) target(%dma_start3A_293 : memref<128x64xf32, #tpu.memory_space<hbm>>) target_semaphore(%arg16 : memref<!tpu.dma_semaphore, #tpu.memory_space<semaphore_mem>>)
    %dma_wait3A_294 = arith.constant 1920 : i32
    %dma_wait3A_295 = tpu.memref_slice %arg5[%dma_wait3A_294] : memref<2048xi32, #tpu.memory_space<vmem>> -> memref<128xi32, #tpu.memory_space<vmem>>
    %dma_wait3A_296 = arith.constant 0 : i32
    %dma_wait3A_297 = arith.constant 0 : i32
    %dma_wait3A_298 = tpu.memref_slice %arg2[%dma_wait3A_296, %dma_wait3A_297] : memref<4096x64xf32, #tpu.memory_space<hbm>> -> memref<4096x64xf32, #tpu.memory_space<hbm>>
    tpu.wait_indirect_dma semaphore(%arg13 : memref<!tpu.dma_semaphore, #tpu.memory_space<semaphore_mem>>) src(%dma_wait3A_298 : memref<4096x64xf32, #tpu.memory_space<hbm>>) dst(%arg9 : memref<128x64xf32, #tpu.memory_space<vmem>>)
    %add3A_299 = arith.constant 1920 : i32
    %add3A_300 = arith.addi %mul3A_2, %add3A_299 : i32
    %dma_start3A_301 = arith.constant 0 : i32
    %dma_start3A_302 = tpu.memref_slice %arg4[%add3A_300, %dma_start3A_301] : memref<65536x64xf32, #tpu.memory_space<hbm>> -> memref<128x64xf32, #tpu.memory_space<hbm>>
    %dma_start3A_303 = arith.constant 0 : i32
    %dma_start3A_304 = tpu.memref_slice %arg4[%add3A_300, %dma_start3A_303] : memref<65536x64xf32, #tpu.memory_space<hbm>> -> memref<128x64xf32, #tpu.memory_space<hbm>>
    tpu.enqueue_dma source(%arg9 : memref<128x64xf32, #tpu.memory_space<vmem>>) target(%dma_start3A_304 : memref<128x64xf32, #tpu.memory_space<hbm>>) target_semaphore(%arg17 : memref<!tpu.dma_semaphore, #tpu.memory_space<semaphore_mem>>)
    %dma_wait3A_305 = arith.constant 0 : i32
    %dma_wait3A_306 = tpu.memref_slice %arg4[%add3A_258, %dma_wait3A_305] : memref<65536x64xf32, #tpu.memory_space<hbm>> -> memref<128x64xf32, #tpu.memory_space<hbm>>
    %dma_wait3A_307 = arith.constant 0 : i32
    %dma_wait3A_308 = tpu.memref_slice %arg4[%add3A_258, %dma_wait3A_307] : memref<65536x64xf32, #tpu.memory_space<hbm>> -> memref<128x64xf32, #tpu.memory_space<hbm>>
    tpu.wait_dma2 semaphore(%arg14 : memref<!tpu.dma_semaphore, #tpu.memory_space<semaphore_mem>>) src(%arg6 : memref<128x64xf32, #tpu.memory_space<vmem>>) dst(%dma_wait3A_308 : memref<128x64xf32, #tpu.memory_space<hbm>>)
    %dma_wait3A_309 = arith.constant 0 : i32
    %dma_wait3A_310 = tpu.memref_slice %arg4[%add3A_278, %dma_wait3A_309] : memref<65536x64xf32, #tpu.memory_space<hbm>> -> memref<128x64xf32, #tpu.memory_space<hbm>>
    %dma_wait3A_311 = arith.constant 0 : i32
    %dma_wait3A_312 = tpu.memref_slice %arg4[%add3A_278, %dma_wait3A_311] : memref<65536x64xf32, #tpu.memory_space<hbm>> -> memref<128x64xf32, #tpu.memory_space<hbm>>
    tpu.wait_dma2 semaphore(%arg15 : memref<!tpu.dma_semaphore, #tpu.memory_space<semaphore_mem>>) src(%arg7 : memref<128x64xf32, #tpu.memory_space<vmem>>) dst(%dma_wait3A_312 : memref<128x64xf32, #tpu.memory_space<hbm>>)
    %dma_wait3A_313 = arith.constant 0 : i32
    %dma_wait3A_314 = tpu.memref_slice %arg4[%add3A_289, %dma_wait3A_313] : memref<65536x64xf32, #tpu.memory_space<hbm>> -> memref<128x64xf32, #tpu.memory_space<hbm>>
    %dma_wait3A_315 = arith.constant 0 : i32
    %dma_wait3A_316 = tpu.memref_slice %arg4[%add3A_289, %dma_wait3A_315] : memref<65536x64xf32, #tpu.memory_space<hbm>> -> memref<128x64xf32, #tpu.memory_space<hbm>>
    tpu.wait_dma2 semaphore(%arg16 : memref<!tpu.dma_semaphore, #tpu.memory_space<semaphore_mem>>) src(%arg8 : memref<128x64xf32, #tpu.memory_space<vmem>>) dst(%dma_wait3A_316 : memref<128x64xf32, #tpu.memory_space<hbm>>)
    %dma_wait3A_317 = arith.constant 0 : i32
    %dma_wait3A_318 = tpu.memref_slice %arg4[%add3A_300, %dma_wait3A_317] : memref<65536x64xf32, #tpu.memory_space<hbm>> -> memref<128x64xf32, #tpu.memory_space<hbm>>
    %dma_wait3A_319 = arith.constant 0 : i32
    %dma_wait3A_320 = tpu.memref_slice %arg4[%add3A_300, %dma_wait3A_319] : memref<65536x64xf32, #tpu.memory_space<hbm>> -> memref<128x64xf32, #tpu.memory_space<hbm>>
    tpu.wait_dma2 semaphore(%arg17 : memref<!tpu.dma_semaphore, #tpu.memory_space<semaphore_mem>>) src(%arg9 : memref<128x64xf32, #tpu.memory_space<vmem>>) dst(%dma_wait3A_320 : memref<128x64xf32, #tpu.memory_space<hbm>>)
    return
  }
}

module attributes {stable_mosaic.version = 14 : i64} {
  func.func @_knn_uv_body(%arg0: i32, %arg1: memref<512x1xf32, #tpu.memory_space<vmem>>, %arg2: memref<1x4096xf32, #tpu.memory_space<vmem>>, %arg3: memref<512x1xi32, #tpu.memory_space<vmem>>, %arg4: memref<1x4096xi32, #tpu.memory_space<vmem>>, %arg5: memref<8x2xi32, #tpu.memory_space<smem>>, %arg6: memref<2x64xf32, #tpu.memory_space<vmem>>, %arg7: memref<1x64xf32, #tpu.memory_space<vmem>>, %arg8: memref<512x16xi32, #tpu.memory_space<vmem>>, %arg9: memref<512x64xf32, #tpu.memory_space<vmem>>, %arg10: memref<512x64xf32, #tpu.memory_space<vmem>>, %arg11: memref<512x4096xf32, #tpu.memory_space<vmem>>) attributes {dimension_semantics = [#tpu.dimension_semantics<arbitrary>], iteration_bounds = array<i64: 8>, scalar_prefetch = 0 : i64, scratch_operands = 1 : i64, tpu.core_type = #tpu.core_type<tc>, window_params = [{transform_indices = @transform_0, window_bounds = array<i64: 512, 1>}, {pipeline_mode = #tpu.pipeline_mode<synchronous>, transform_indices = @transform_1, window_bounds = array<i64: 1, 4096>}, {transform_indices = @transform_2, window_bounds = array<i64: 512, 1>}, {pipeline_mode = #tpu.pipeline_mode<synchronous>, transform_indices = @transform_3, window_bounds = array<i64: 1, 4096>}, {transform_indices = @transform_4, window_bounds = array<i64: 8, 2>}, {pipeline_mode = #tpu.pipeline_mode<synchronous>, transform_indices = @transform_5, window_bounds = array<i64: 2, 64>}, {pipeline_mode = #tpu.pipeline_mode<synchronous>, transform_indices = @transform_6, window_bounds = array<i64: 1, 64>}, {transform_indices = @transform_7, window_bounds = array<i64: 512, 16>}, {transform_indices = @transform_8, window_bounds = array<i64: 512, 64>}, {transform_indices = @transform_9, window_bounds = array<i64: 512, 64>}]} {
    %get3A = arith.index_cast %arg0 : i32 to index
    %get3A_0 = arith.constant 0 : index
    %get3A_1 = memref.load %arg5[%get3A, %get3A_0] : memref<8x2xi32, #tpu.memory_space<smem>>
    %get3A_2 = arith.index_cast %arg0 : i32 to index
    %get3A_3 = arith.constant 1 : index
    %get3A_4 = memref.load %arg5[%get3A_2, %get3A_3] : memref<8x2xi32, #tpu.memory_space<smem>>
    %get3A_5 = arith.constant 0 : index
    %get3A_6 = arith.constant 0 : index
    %get3A_7 = vector.load %arg1[%get3A_5, %get3A_6] : memref<512x1xf32, #tpu.memory_space<vmem>>, vector<512x1xf32>
    %get3A_8 = arith.constant 0 : index
    %get3A_9 = arith.constant 0 : index
    %get3A_10 = vector.load %arg3[%get3A_8, %get3A_9] : memref<512x1xi32, #tpu.memory_space<vmem>>, vector<512x1xi32>
    %mul3A = arith.mulf %get3A_7, %get3A_7 : vector<512x1xf32>
    %reduce_sum3A = arith.constant dense<0.000000e+00> : vector<512xf32>
    %reduce_sum3A_11 = vector.multi_reduction <add>, %mul3A, %reduce_sum3A [1] : vector<512x1xf32> to vector<512xf32>
    %broadcast_in_dim3A = vector.shape_cast %reduce_sum3A_11 : vector<512xf32> to vector<512x1xf32>
    %le3A = arith.constant 10 : i32
    %le3A_12 = arith.cmpi sle, %get3A_4, %le3A : i32
    %convert_element_type3A = arith.extui %le3A_12 : i1 to i32
    %cond3A = arith.constant 0 : i32
    %cond3A_13 = arith.cmpi ne, %convert_element_type3A, %cond3A : i32
    scf.if %cond3A_13 {
      %min3A = arith.constant 2816 : i32
      %min3A_42 = arith.minsi %get3A_1, %min3A : i32
      %multiple_of3A = tpu.assume_multiple %min3A_42, 128 : i32
      %sub3A_43 = arith.subi %get3A_1, %multiple_of3A : i32
      %get3A_44 = arith.constant 0 : index
      %get3A_45 = arith.index_cast %multiple_of3A : i32 to index
      %get3A_46 = vector.load %arg2[%get3A_44, %get3A_45] : memref<1x4096xf32, #tpu.memory_space<vmem>>, vector<1x1280xf32>
      %dot_general3A_47 = arith.constant dense<0.000000e+00> : vector<512x1280xf32>
      %dot_general3A_48 = tpu.matmul %get3A_7, %get3A_46, %dot_general3A_47 {dimension_numbers = #tpu.dot_dimension_numbers<[1], [0], [0], [1], [0, 0, 1, 1], [], []>, transpose_lhs_hint = false} : vector<512x1xf32>, vector<1x1280xf32>, vector<512x1280xf32> -> vector<512x1280xf32>
      %mul3A_49 = arith.mulf %get3A_46, %get3A_46 : vector<1x1280xf32>
      %reduce_sum3A_50 = arith.constant dense<0.000000e+00> : vector<1280xf32>
      %reduce_sum3A_51 = vector.multi_reduction <add>, %mul3A_49, %reduce_sum3A_50 [0] : vector<1x1280xf32> to vector<1280xf32>
      %broadcast_in_dim3A_52 = vector.shape_cast %reduce_sum3A_51 : vector<1280xf32> to vector<1x1280xf32>
      %add3A_53 = vector.broadcast %broadcast_in_dim3A : vector<512x1xf32> to vector<512x1280xf32>
      %add3A_54 = vector.broadcast %broadcast_in_dim3A_52 : vector<1x1280xf32> to vector<512x1280xf32>
      %add3A_55 = arith.addf %add3A_53, %add3A_54 : vector<512x1280xf32>
      %mul3A_56 = arith.constant 2.000000e+00 : f32
      %mul3A_57 = vector.broadcast %mul3A_56 : f32 to vector<512x1280xf32>
      %mul3A_58 = arith.mulf %mul3A_57, %dot_general3A_48 : vector<512x1280xf32>
      %sub3A_59 = arith.subf %add3A_55, %mul3A_58 : vector<512x1280xf32>
      %iota3A = tpu.iota {dimensions = array<i32: 1>} : vector<512x1280xi32>
      %ge3A = vector.broadcast %sub3A_43 : i32 to vector<512x1280xi32>
      %ge3A_60 = arith.cmpi sge, %iota3A, %ge3A : vector<512x1280xi32>
      %mul3A_61 = arith.constant 128 : i32
      %mul3A_62 = arith.muli %get3A_4, %mul3A_61 : i32
      %add3A_63 = arith.addi %sub3A_43, %mul3A_62 : i32
      %lt3A = vector.broadcast %add3A_63 : i32 to vector<512x1280xi32>
      %lt3A_64 = arith.cmpi slt, %iota3A, %lt3A : vector<512x1280xi32>
      %and3A_65 = arith.andi %ge3A_60, %lt3A_64 : vector<512x1280xi1>
      %get3A_66 = arith.constant 0 : index
      %get3A_67 = arith.index_cast %multiple_of3A : i32 to index
      %get3A_68 = vector.load %arg4[%get3A_66, %get3A_67] : memref<1x4096xi32, #tpu.memory_space<vmem>>, vector<1x1280xi32>
      %eq3A = vector.broadcast %get3A_10 : vector<512x1xi32> to vector<512x1280xi32>
      %eq3A_69 = vector.broadcast %get3A_68 : vector<1x1280xi32> to vector<512x1280xi32>
      %eq3A_70 = arith.cmpi eq, %eq3A, %eq3A_69 : vector<512x1280xi32>
      %and3A_71 = arith.andi %and3A_65, %eq3A_70 : vector<512x1280xi1>
      %jit3A = arith.constant 1.000000e+30 : f32
      %broadcast_in_dim3A_72 = vector.broadcast %jit3A : f32 to vector<512x1280xf32>
      %select_n3A = arith.select %and3A_71, %sub3A_59, %broadcast_in_dim3A_72 : vector<512x1280xi1>, vector<512x1280xf32>
      %swap3A_73 = arith.constant 0 : index
      %swap3A_74 = arith.constant 0 : index
      %swap3A_75 = vector.load %arg11[%swap3A_73, %swap3A_74] : memref<512x4096xf32, #tpu.memory_space<vmem>>, vector<512x1280xf32>
      tpu.vector_store %arg11[%swap3A_73, %swap3A_74], %select_n3A {strides = array<i32>} : memref<512x4096xf32, #tpu.memory_space<vmem>>, vector<512x1280xf32>,
      %iota3A_76 = tpu.iota {dimensions = array<i32: 1>} : vector<512x1280xi32>
      %iota3A_77 = tpu.iota {dimensions = array<i32: 1>} : vector<512x16xi32>
      %broadcast_in_dim3A_78 = arith.constant 0 : i32
      %broadcast_in_dim3A_79 = vector.broadcast %broadcast_in_dim3A_78 : i32 to vector<512x16xi32>
      %scan3A = arith.constant 0 : i32
      %scan3A_80 = arith.constant 16 : i32
      %scan3A_81 = arith.addi %scan3A, %scan3A_80 : i32
      %scan3A_82 = arith.constant 1 : i32
      %scan3A_83 = scf.for %scan3A_93 = %scan3A to %scan3A_81 step %scan3A_82 iter_args(%scan3A_94 = %broadcast_in_dim3A_79) -> (vector<512x16xi32>)  : i32 {
        %get3A_95 = arith.constant 0 : index
        %get3A_96 = arith.constant 0 : index
        %get3A_97 = vector.load %arg11[%get3A_95, %get3A_96] : memref<512x4096xf32, #tpu.memory_space<vmem>>, vector<512x1280xf32>
        %reduce_min3A = arith.constant dense<0x7F800000> : vector<512xf32>
        %reduce_min3A_98 = vector.multi_reduction <minimumf>, %get3A_97, %reduce_min3A [1] : vector<512x1280xf32> to vector<512xf32>
        %broadcast_in_dim3A_99 = vector.shape_cast %reduce_min3A_98 : vector<512xf32> to vector<512x1xf32>
        %eq3A_100 = vector.broadcast %broadcast_in_dim3A_99 : vector<512x1xf32> to vector<512x1280xf32>
        %eq3A_101 = arith.cmpf oeq, %get3A_97, %eq3A_100 : vector<512x1280xf32>
        %jit3A_102 = arith.constant 4096 : i32
        %broadcast_in_dim3A_103 = vector.broadcast %jit3A_102 : i32 to vector<512x1280xi32>
        %select_n3A_104 = arith.select %eq3A_101, %iota3A_76, %broadcast_in_dim3A_103 : vector<512x1280xi1>, vector<512x1280xi32>
        %reduce_min3A_105 = arith.constant dense<2147483647> : vector<512xi32>
        %reduce_min3A_106 = vector.multi_reduction <minsi>, %select_n3A_104, %reduce_min3A_105 [1] : vector<512x1280xi32> to vector<512xi32>
        %broadcast_in_dim3A_107 = vector.shape_cast %reduce_min3A_106 : vector<512xi32> to vector<512x1xi32>
        %eq3A_108 = vector.broadcast %broadcast_in_dim3A_107 : vector<512x1xi32> to vector<512x1280xi32>
        %eq3A_109 = arith.cmpi eq, %iota3A_76, %eq3A_108 : vector<512x1280xi32>
        %jit3A_110 = arith.constant 2.000000e+30 : f32
        %broadcast_in_dim3A_111 = vector.broadcast %jit3A_110 : f32 to vector<512x1280xf32>
        %select_n3A_112 = arith.select %eq3A_109, %broadcast_in_dim3A_111, %get3A_97 : vector<512x1280xi1>, vector<512x1280xf32>
        %swap3A_113 = arith.constant 0 : index
        %swap3A_114 = arith.constant 0 : index
        %swap3A_115 = vector.load %arg11[%swap3A_113, %swap3A_114] : memref<512x4096xf32, #tpu.memory_space<vmem>>, vector<512x1280xf32>
        tpu.vector_store %arg11[%swap3A_113, %swap3A_114], %select_n3A_112 {strides = array<i32>} : memref<512x4096xf32, #tpu.memory_space<vmem>>, vector<512x1280xf32>,
        %eq3A_116 = vector.broadcast %scan3A_93 : i32 to vector<512x16xi32>
        %eq3A_117 = arith.cmpi eq, %iota3A_77, %eq3A_116 : vector<512x16xi32>
        %broadcast_in_dim3A_118 = vector.shape_cast %broadcast_in_dim3A_107 : vector<512x1xi32> to vector<512x1xi32>
        %broadcast_in_dim3A_119 = vector.broadcast %broadcast_in_dim3A_118 : vector<512x1xi32> to vector<512x16xi32>
        %select_n3A_120 = arith.select %eq3A_117, %broadcast_in_dim3A_119, %scan3A_94 : vector<512x16xi1>, vector<512x16xi32>
        scf.yield %select_n3A_120 : vector<512x16xi32>
      }
      %scan3A_84 = arith.constant 16 : i32
      %add3A_85 = vector.broadcast %multiple_of3A : i32 to vector<512x16xi32>
      %add3A_86 = arith.addi %scan3A_83, %add3A_85 : vector<512x16xi32>
      %min3A_87 = arith.constant 4095 : i32
      %min3A_88 = vector.broadcast %min3A_87 : i32 to vector<512x16xi32>
      %min3A_89 = arith.minsi %add3A_86, %min3A_88 : vector<512x16xi32>
      %swap3A_90 = arith.constant 0 : index
      %swap3A_91 = arith.constant 0 : index
      %swap3A_92 = vector.load %arg8[%swap3A_90, %swap3A_91] : memref<512x16xi32, #tpu.memory_space<vmem>>, vector<512x16xi32>
      tpu.vector_store %arg8[%swap3A_90, %swap3A_91], %min3A_89 {strides = array<i32>} : memref<512x16xi32, #tpu.memory_space<vmem>>, vector<512x16xi32>,
    } else {
    }
    %gt3A = arith.constant 10 : i32
    %gt3A_14 = arith.cmpi sgt, %get3A_4, %gt3A : i32
    %le3A_15 = arith.constant 18 : i32
    %le3A_16 = arith.cmpi sle, %get3A_4, %le3A_15 : i32
    %and3A = arith.andi %gt3A_14, %le3A_16 : i1
    %convert_element_type3A_17 = arith.extui %and3A : i1 to i32
    %cond3A_18 = arith.constant 0 : i32
    %cond3A_19 = arith.cmpi ne, %convert_element_type3A_17, %cond3A_18 : i32
    scf.if %cond3A_19 {
      %min3A = arith.constant 1792 : i32
      %min3A_42 = arith.minsi %get3A_1, %min3A : i32
      %multiple_of3A = tpu.assume_multiple %min3A_42, 128 : i32
      %sub3A_43 = arith.subi %get3A_1, %multiple_of3A : i32
      %get3A_44 = arith.constant 0 : index
      %get3A_45 = arith.index_cast %multiple_of3A : i32 to index
      %get3A_46 = vector.load %arg2[%get3A_44, %get3A_45] : memref<1x4096xf32, #tpu.memory_space<vmem>>, vector<1x2304xf32>
      %dot_general3A_47 = arith.constant dense<0.000000e+00> : vector<512x2304xf32>
      %dot_general3A_48 = tpu.matmul %get3A_7, %get3A_46, %dot_general3A_47 {dimension_numbers = #tpu.dot_dimension_numbers<[1], [0], [0], [1], [0, 0, 1, 1], [], []>, transpose_lhs_hint = false} : vector<512x1xf32>, vector<1x2304xf32>, vector<512x2304xf32> -> vector<512x2304xf32>
      %mul3A_49 = arith.mulf %get3A_46, %get3A_46 : vector<1x2304xf32>
      %reduce_sum3A_50 = arith.constant dense<0.000000e+00> : vector<2304xf32>
      %reduce_sum3A_51 = vector.multi_reduction <add>, %mul3A_49, %reduce_sum3A_50 [0] : vector<1x2304xf32> to vector<2304xf32>
      %broadcast_in_dim3A_52 = vector.shape_cast %reduce_sum3A_51 : vector<2304xf32> to vector<1x2304xf32>
      %add3A_53 = vector.broadcast %broadcast_in_dim3A : vector<512x1xf32> to vector<512x2304xf32>
      %add3A_54 = vector.broadcast %broadcast_in_dim3A_52 : vector<1x2304xf32> to vector<512x2304xf32>
      %add3A_55 = arith.addf %add3A_53, %add3A_54 : vector<512x2304xf32>
      %mul3A_56 = arith.constant 2.000000e+00 : f32
      %mul3A_57 = vector.broadcast %mul3A_56 : f32 to vector<512x2304xf32>
      %mul3A_58 = arith.mulf %mul3A_57, %dot_general3A_48 : vector<512x2304xf32>
      %sub3A_59 = arith.subf %add3A_55, %mul3A_58 : vector<512x2304xf32>
      %iota3A = tpu.iota {dimensions = array<i32: 1>} : vector<512x2304xi32>
      %ge3A = vector.broadcast %sub3A_43 : i32 to vector<512x2304xi32>
      %ge3A_60 = arith.cmpi sge, %iota3A, %ge3A : vector<512x2304xi32>
      %mul3A_61 = arith.constant 128 : i32
      %mul3A_62 = arith.muli %get3A_4, %mul3A_61 : i32
      %add3A_63 = arith.addi %sub3A_43, %mul3A_62 : i32
      %lt3A = vector.broadcast %add3A_63 : i32 to vector<512x2304xi32>
      %lt3A_64 = arith.cmpi slt, %iota3A, %lt3A : vector<512x2304xi32>
      %and3A_65 = arith.andi %ge3A_60, %lt3A_64 : vector<512x2304xi1>
      %get3A_66 = arith.constant 0 : index
      %get3A_67 = arith.index_cast %multiple_of3A : i32 to index
      %get3A_68 = vector.load %arg4[%get3A_66, %get3A_67] : memref<1x4096xi32, #tpu.memory_space<vmem>>, vector<1x2304xi32>
      %eq3A = vector.broadcast %get3A_10 : vector<512x1xi32> to vector<512x2304xi32>
      %eq3A_69 = vector.broadcast %get3A_68 : vector<1x2304xi32> to vector<512x2304xi32>
      %eq3A_70 = arith.cmpi eq, %eq3A, %eq3A_69 : vector<512x2304xi32>
      %and3A_71 = arith.andi %and3A_65, %eq3A_70 : vector<512x2304xi1>
      %jit3A = arith.constant 1.000000e+30 : f32
      %broadcast_in_dim3A_72 = vector.broadcast %jit3A : f32 to vector<512x2304xf32>
      %select_n3A = arith.select %and3A_71, %sub3A_59, %broadcast_in_dim3A_72 : vector<512x2304xi1>, vector<512x2304xf32>
      %swap3A_73 = arith.constant 0 : index
      %swap3A_74 = arith.constant 0 : index
      %swap3A_75 = vector.load %arg11[%swap3A_73, %swap3A_74] : memref<512x4096xf32, #tpu.memory_space<vmem>>, vector<512x2304xf32>
      tpu.vector_store %arg11[%swap3A_73, %swap3A_74], %select_n3A {strides = array<i32>} : memref<512x4096xf32, #tpu.memory_space<vmem>>, vector<512x2304xf32>,
      %iota3A_76 = tpu.iota {dimensions = array<i32: 1>} : vector<512x2304xi32>
      %iota3A_77 = tpu.iota {dimensions = array<i32: 1>} : vector<512x16xi32>
      %broadcast_in_dim3A_78 = arith.constant 0 : i32
      %broadcast_in_dim3A_79 = vector.broadcast %broadcast_in_dim3A_78 : i32 to vector<512x16xi32>
      %scan3A = arith.constant 0 : i32
      %scan3A_80 = arith.constant 16 : i32
      %scan3A_81 = arith.addi %scan3A, %scan3A_80 : i32
      %scan3A_82 = arith.constant 1 : i32
      %scan3A_83 = scf.for %scan3A_93 = %scan3A to %scan3A_81 step %scan3A_82 iter_args(%scan3A_94 = %broadcast_in_dim3A_79) -> (vector<512x16xi32>)  : i32 {
        %get3A_95 = arith.constant 0 : index
        %get3A_96 = arith.constant 0 : index
        %get3A_97 = vector.load %arg11[%get3A_95, %get3A_96] : memref<512x4096xf32, #tpu.memory_space<vmem>>, vector<512x2304xf32>
        %reduce_min3A = arith.constant dense<0x7F800000> : vector<512xf32>
        %reduce_min3A_98 = vector.multi_reduction <minimumf>, %get3A_97, %reduce_min3A [1] : vector<512x2304xf32> to vector<512xf32>
        %broadcast_in_dim3A_99 = vector.shape_cast %reduce_min3A_98 : vector<512xf32> to vector<512x1xf32>
        %eq3A_100 = vector.broadcast %broadcast_in_dim3A_99 : vector<512x1xf32> to vector<512x2304xf32>
        %eq3A_101 = arith.cmpf oeq, %get3A_97, %eq3A_100 : vector<512x2304xf32>
        %jit3A_102 = arith.constant 4096 : i32
        %broadcast_in_dim3A_103 = vector.broadcast %jit3A_102 : i32 to vector<512x2304xi32>
        %select_n3A_104 = arith.select %eq3A_101, %iota3A_76, %broadcast_in_dim3A_103 : vector<512x2304xi1>, vector<512x2304xi32>
        %reduce_min3A_105 = arith.constant dense<2147483647> : vector<512xi32>
        %reduce_min3A_106 = vector.multi_reduction <minsi>, %select_n3A_104, %reduce_min3A_105 [1] : vector<512x2304xi32> to vector<512xi32>
        %broadcast_in_dim3A_107 = vector.shape_cast %reduce_min3A_106 : vector<512xi32> to vector<512x1xi32>
        %eq3A_108 = vector.broadcast %broadcast_in_dim3A_107 : vector<512x1xi32> to vector<512x2304xi32>
        %eq3A_109 = arith.cmpi eq, %iota3A_76, %eq3A_108 : vector<512x2304xi32>
        %jit3A_110 = arith.constant 2.000000e+30 : f32
        %broadcast_in_dim3A_111 = vector.broadcast %jit3A_110 : f32 to vector<512x2304xf32>
        %select_n3A_112 = arith.select %eq3A_109, %broadcast_in_dim3A_111, %get3A_97 : vector<512x2304xi1>, vector<512x2304xf32>
        %swap3A_113 = arith.constant 0 : index
        %swap3A_114 = arith.constant 0 : index
        %swap3A_115 = vector.load %arg11[%swap3A_113, %swap3A_114] : memref<512x4096xf32, #tpu.memory_space<vmem>>, vector<512x2304xf32>
        tpu.vector_store %arg11[%swap3A_113, %swap3A_114], %select_n3A_112 {strides = array<i32>} : memref<512x4096xf32, #tpu.memory_space<vmem>>, vector<512x2304xf32>,
        %eq3A_116 = vector.broadcast %scan3A_93 : i32 to vector<512x16xi32>
        %eq3A_117 = arith.cmpi eq, %iota3A_77, %eq3A_116 : vector<512x16xi32>
        %broadcast_in_dim3A_118 = vector.shape_cast %broadcast_in_dim3A_107 : vector<512x1xi32> to vector<512x1xi32>
        %broadcast_in_dim3A_119 = vector.broadcast %broadcast_in_dim3A_118 : vector<512x1xi32> to vector<512x16xi32>
        %select_n3A_120 = arith.select %eq3A_117, %broadcast_in_dim3A_119, %scan3A_94 : vector<512x16xi1>, vector<512x16xi32>
        scf.yield %select_n3A_120 : vector<512x16xi32>
      }
      %scan3A_84 = arith.constant 16 : i32
      %add3A_85 = vector.broadcast %multiple_of3A : i32 to vector<512x16xi32>
      %add3A_86 = arith.addi %scan3A_83, %add3A_85 : vector<512x16xi32>
      %min3A_87 = arith.constant 4095 : i32
      %min3A_88 = vector.broadcast %min3A_87 : i32 to vector<512x16xi32>
      %min3A_89 = arith.minsi %add3A_86, %min3A_88 : vector<512x16xi32>
      %swap3A_90 = arith.constant 0 : index
      %swap3A_91 = arith.constant 0 : index
      %swap3A_92 = vector.load %arg8[%swap3A_90, %swap3A_91] : memref<512x16xi32, #tpu.memory_space<vmem>>, vector<512x16xi32>
      tpu.vector_store %arg8[%swap3A_90, %swap3A_91], %min3A_89 {strides = array<i32>} : memref<512x16xi32, #tpu.memory_space<vmem>>, vector<512x16xi32>,
    } else {
    }
    %gt3A_20 = arith.constant 18 : i32
    %gt3A_21 = arith.cmpi sgt, %get3A_4, %gt3A_20 : i32
    %convert_element_type3A_22 = arith.extui %gt3A_21 : i1 to i32
    %cond3A_23 = arith.constant 0 : i32
    %cond3A_24 = arith.cmpi ne, %convert_element_type3A_22, %cond3A_23 : i32
    scf.if %cond3A_24 {
      %min3A = arith.constant 0 : i32
      %min3A_42 = arith.minsi %get3A_1, %min3A : i32
      %multiple_of3A = tpu.assume_multiple %min3A_42, 128 : i32
      %sub3A_43 = arith.subi %get3A_1, %multiple_of3A : i32
      %get3A_44 = arith.constant 0 : index
      %get3A_45 = arith.index_cast %multiple_of3A : i32 to index
      %get3A_46 = vector.load %arg2[%get3A_44, %get3A_45] : memref<1x4096xf32, #tpu.memory_space<vmem>>, vector<1x4096xf32>
      %dot_general3A_47 = arith.constant dense<0.000000e+00> : vector<512x4096xf32>
      %dot_general3A_48 = tpu.matmul %get3A_7, %get3A_46, %dot_general3A_47 {dimension_numbers = #tpu.dot_dimension_numbers<[1], [0], [0], [1], [0, 0, 1, 1], [], []>, transpose_lhs_hint = false} : vector<512x1xf32>, vector<1x4096xf32>, vector<512x4096xf32> -> vector<512x4096xf32>
      %mul3A_49 = arith.mulf %get3A_46, %get3A_46 : vector<1x4096xf32>
      %reduce_sum3A_50 = arith.constant dense<0.000000e+00> : vector<4096xf32>
      %reduce_sum3A_51 = vector.multi_reduction <add>, %mul3A_49, %reduce_sum3A_50 [0] : vector<1x4096xf32> to vector<4096xf32>
      %broadcast_in_dim3A_52 = vector.shape_cast %reduce_sum3A_51 : vector<4096xf32> to vector<1x4096xf32>
      %add3A_53 = vector.broadcast %broadcast_in_dim3A : vector<512x1xf32> to vector<512x4096xf32>
      %add3A_54 = vector.broadcast %broadcast_in_dim3A_52 : vector<1x4096xf32> to vector<512x4096xf32>
      %add3A_55 = arith.addf %add3A_53, %add3A_54 : vector<512x4096xf32>
      %mul3A_56 = arith.constant 2.000000e+00 : f32
      %mul3A_57 = vector.broadcast %mul3A_56 : f32 to vector<512x4096xf32>
      %mul3A_58 = arith.mulf %mul3A_57, %dot_general3A_48 : vector<512x4096xf32>
      %sub3A_59 = arith.subf %add3A_55, %mul3A_58 : vector<512x4096xf32>
      %iota3A = tpu.iota {dimensions = array<i32: 1>} : vector<512x4096xi32>
      %ge3A = vector.broadcast %sub3A_43 : i32 to vector<512x4096xi32>
      %ge3A_60 = arith.cmpi sge, %iota3A, %ge3A : vector<512x4096xi32>
      %mul3A_61 = arith.constant 128 : i32
      %mul3A_62 = arith.muli %get3A_4, %mul3A_61 : i32
      %add3A_63 = arith.addi %sub3A_43, %mul3A_62 : i32
      %lt3A = vector.broadcast %add3A_63 : i32 to vector<512x4096xi32>
      %lt3A_64 = arith.cmpi slt, %iota3A, %lt3A : vector<512x4096xi32>
      %and3A_65 = arith.andi %ge3A_60, %lt3A_64 : vector<512x4096xi1>
      %get3A_66 = arith.constant 0 : index
      %get3A_67 = arith.index_cast %multiple_of3A : i32 to index
      %get3A_68 = vector.load %arg4[%get3A_66, %get3A_67] : memref<1x4096xi32, #tpu.memory_space<vmem>>, vector<1x4096xi32>
      %eq3A = vector.broadcast %get3A_10 : vector<512x1xi32> to vector<512x4096xi32>
      %eq3A_69 = vector.broadcast %get3A_68 : vector<1x4096xi32> to vector<512x4096xi32>
      %eq3A_70 = arith.cmpi eq, %eq3A, %eq3A_69 : vector<512x4096xi32>
      %and3A_71 = arith.andi %and3A_65, %eq3A_70 : vector<512x4096xi1>
      %jit3A = arith.constant 1.000000e+30 : f32
      %broadcast_in_dim3A_72 = vector.broadcast %jit3A : f32 to vector<512x4096xf32>
      %select_n3A = arith.select %and3A_71, %sub3A_59, %broadcast_in_dim3A_72 : vector<512x4096xi1>, vector<512x4096xf32>
      %swap3A_73 = arith.constant 0 : index
      %swap3A_74 = arith.constant 0 : index
      %swap3A_75 = vector.load %arg11[%swap3A_73, %swap3A_74] : memref<512x4096xf32, #tpu.memory_space<vmem>>, vector<512x4096xf32>
      tpu.vector_store %arg11[%swap3A_73, %swap3A_74], %select_n3A {strides = array<i32>} : memref<512x4096xf32, #tpu.memory_space<vmem>>, vector<512x4096xf32>,
      %iota3A_76 = tpu.iota {dimensions = array<i32: 1>} : vector<512x4096xi32>
      %iota3A_77 = tpu.iota {dimensions = array<i32: 1>} : vector<512x16xi32>
      %broadcast_in_dim3A_78 = arith.constant 0 : i32
      %broadcast_in_dim3A_79 = vector.broadcast %broadcast_in_dim3A_78 : i32 to vector<512x16xi32>
      %scan3A = arith.constant 0 : i32
      %scan3A_80 = arith.constant 16 : i32
      %scan3A_81 = arith.addi %scan3A, %scan3A_80 : i32
      %scan3A_82 = arith.constant 1 : i32
      %scan3A_83 = scf.for %scan3A_93 = %scan3A to %scan3A_81 step %scan3A_82 iter_args(%scan3A_94 = %broadcast_in_dim3A_79) -> (vector<512x16xi32>)  : i32 {
        %get3A_95 = arith.constant 0 : index
        %get3A_96 = arith.constant 0 : index
        %get3A_97 = vector.load %arg11[%get3A_95, %get3A_96] : memref<512x4096xf32, #tpu.memory_space<vmem>>, vector<512x4096xf32>
        %reduce_min3A = arith.constant dense<0x7F800000> : vector<512xf32>
        %reduce_min3A_98 = vector.multi_reduction <minimumf>, %get3A_97, %reduce_min3A [1] : vector<512x4096xf32> to vector<512xf32>
        %broadcast_in_dim3A_99 = vector.shape_cast %reduce_min3A_98 : vector<512xf32> to vector<512x1xf32>
        %eq3A_100 = vector.broadcast %broadcast_in_dim3A_99 : vector<512x1xf32> to vector<512x4096xf32>
        %eq3A_101 = arith.cmpf oeq, %get3A_97, %eq3A_100 : vector<512x4096xf32>
        %jit3A_102 = arith.constant 4096 : i32
        %broadcast_in_dim3A_103 = vector.broadcast %jit3A_102 : i32 to vector<512x4096xi32>
        %select_n3A_104 = arith.select %eq3A_101, %iota3A_76, %broadcast_in_dim3A_103 : vector<512x4096xi1>, vector<512x4096xi32>
        %reduce_min3A_105 = arith.constant dense<2147483647> : vector<512xi32>
        %reduce_min3A_106 = vector.multi_reduction <minsi>, %select_n3A_104, %reduce_min3A_105 [1] : vector<512x4096xi32> to vector<512xi32>
        %broadcast_in_dim3A_107 = vector.shape_cast %reduce_min3A_106 : vector<512xi32> to vector<512x1xi32>
        %eq3A_108 = vector.broadcast %broadcast_in_dim3A_107 : vector<512x1xi32> to vector<512x4096xi32>
        %eq3A_109 = arith.cmpi eq, %iota3A_76, %eq3A_108 : vector<512x4096xi32>
        %jit3A_110 = arith.constant 2.000000e+30 : f32
        %broadcast_in_dim3A_111 = vector.broadcast %jit3A_110 : f32 to vector<512x4096xf32>
        %select_n3A_112 = arith.select %eq3A_109, %broadcast_in_dim3A_111, %get3A_97 : vector<512x4096xi1>, vector<512x4096xf32>
        %swap3A_113 = arith.constant 0 : index
        %swap3A_114 = arith.constant 0 : index
        %swap3A_115 = vector.load %arg11[%swap3A_113, %swap3A_114] : memref<512x4096xf32, #tpu.memory_space<vmem>>, vector<512x4096xf32>
        tpu.vector_store %arg11[%swap3A_113, %swap3A_114], %select_n3A_112 {strides = array<i32>} : memref<512x4096xf32, #tpu.memory_space<vmem>>, vector<512x4096xf32>,
        %eq3A_116 = vector.broadcast %scan3A_93 : i32 to vector<512x16xi32>
        %eq3A_117 = arith.cmpi eq, %iota3A_77, %eq3A_116 : vector<512x16xi32>
        %broadcast_in_dim3A_118 = vector.shape_cast %broadcast_in_dim3A_107 : vector<512x1xi32> to vector<512x1xi32>
        %broadcast_in_dim3A_119 = vector.broadcast %broadcast_in_dim3A_118 : vector<512x1xi32> to vector<512x16xi32>
        %select_n3A_120 = arith.select %eq3A_117, %broadcast_in_dim3A_119, %scan3A_94 : vector<512x16xi1>, vector<512x16xi32>
        scf.yield %select_n3A_120 : vector<512x16xi32>
      }
      %scan3A_84 = arith.constant 16 : i32
      %add3A_85 = vector.broadcast %multiple_of3A : i32 to vector<512x16xi32>
      %add3A_86 = arith.addi %scan3A_83, %add3A_85 : vector<512x16xi32>
      %min3A_87 = arith.constant 4095 : i32
      %min3A_88 = vector.broadcast %min3A_87 : i32 to vector<512x16xi32>
      %min3A_89 = arith.minsi %add3A_86, %min3A_88 : vector<512x16xi32>
      %swap3A_90 = arith.constant 0 : index
      %swap3A_91 = arith.constant 0 : index
      %swap3A_92 = vector.load %arg8[%swap3A_90, %swap3A_91] : memref<512x16xi32, #tpu.memory_space<vmem>>, vector<512x16xi32>
      tpu.vector_store %arg8[%swap3A_90, %swap3A_91], %min3A_89 {strides = array<i32>} : memref<512x16xi32, #tpu.memory_space<vmem>>, vector<512x16xi32>,
    } else {
    }
    %get3A_25 = arith.constant 0 : index
    %get3A_26 = arith.constant 0 : index
    %get3A_27 = vector.load %arg6[%get3A_25, %get3A_26] : memref<2x64xf32, #tpu.memory_space<vmem>>, vector<2x64xf32>
    %slice3A = vector.extract_strided_slice %get3A_27 {offsets = [0, 0], sizes = [1, 64], strides = [1, 1]} : vector<2x64xf32> to vector<1x64xf32>
    %slice3A_28 = vector.extract_strided_slice %get3A_27 {offsets = [1, 0], sizes = [1, 64], strides = [1, 1]} : vector<2x64xf32> to vector<1x64xf32>
    %sub3A = arith.subf %slice3A, %slice3A_28 : vector<1x64xf32>
    %slice3A_29 = vector.extract_strided_slice %get3A_27 {offsets = [1, 0], sizes = [1, 64], strides = [1, 1]} : vector<2x64xf32> to vector<1x64xf32>
    %dot_general3A = arith.constant dense<0.000000e+00> : vector<512x64xf32>
    %dot_general3A_30 = tpu.matmul %get3A_7, %sub3A, %dot_general3A {dimension_numbers = #tpu.dot_dimension_numbers<[1], [0], [0], [1], [0, 0, 1, 1], [], []>, transpose_lhs_hint = false} : vector<512x1xf32>, vector<1x64xf32>, vector<512x64xf32> -> vector<512x64xf32>
    %get3A_31 = arith.constant 0 : index
    %get3A_32 = arith.constant 0 : index
    %get3A_33 = vector.load %arg7[%get3A_31, %get3A_32] : memref<1x64xf32, #tpu.memory_space<vmem>>, vector<1x64xf32>
    %add3A = vector.broadcast %get3A_33 : vector<1x64xf32> to vector<512x64xf32>
    %add3A_34 = arith.addf %dot_general3A_30, %add3A : vector<512x64xf32>
    %swap3A = arith.constant 0 : index
    %swap3A_35 = arith.constant 0 : index
    %swap3A_36 = vector.load %arg9[%swap3A, %swap3A_35] : memref<512x64xf32, #tpu.memory_space<vmem>>, vector<512x64xf32>
    tpu.vector_store %arg9[%swap3A, %swap3A_35], %add3A_34 {strides = array<i32>} : memref<512x64xf32, #tpu.memory_space<vmem>>, vector<512x64xf32>,
    %dot_general3A_37 = arith.constant dense<0.000000e+00> : vector<512x64xf32>
    %dot_general3A_38 = tpu.matmul %get3A_7, %slice3A_29, %dot_general3A_37 {dimension_numbers = #tpu.dot_dimension_numbers<[1], [0], [0], [1], [0, 0, 1, 1], [], []>, transpose_lhs_hint = false} : vector<512x1xf32>, vector<1x64xf32>, vector<512x64xf32> -> vector<512x64xf32>
    %swap3A_39 = arith.constant 0 : index
    %swap3A_40 = arith.constant 0 : index
    %swap3A_41 = vector.load %arg10[%swap3A_39, %swap3A_40] : memref<512x64xf32, #tpu.memory_space<vmem>>, vector<512x64xf32>
    tpu.vector_store %arg10[%swap3A_39, %swap3A_40], %dot_general3A_38 {strides = array<i32>} : memref<512x64xf32, #tpu.memory_space<vmem>>, vector<512x64xf32>,
    return
  }
  func.func @transform_0(%arg0: i32) -> (i32, i32) {
    %c0_i32 = arith.constant 0 : i32
    %c0_i32_0 = arith.constant 0 : i32
    return %arg0, %c0_i32 : i32, i32
  }
  func.func @transform_1(%arg0: i32) -> (i32, i32) {
    %c0_i32 = arith.constant 0 : i32
    %c0_i32_0 = arith.constant 0 : i32
    %c0_i32_1 = arith.constant 0 : i32
    return %c0_i32, %c0_i32_0 : i32, i32
  }
  func.func @transform_2(%arg0: i32) -> (i32, i32) {
    %c0_i32 = arith.constant 0 : i32
    %c0_i32_0 = arith.constant 0 : i32
    return %arg0, %c0_i32 : i32, i32
  }
  func.func @transform_3(%arg0: i32) -> (i32, i32) {
    %c0_i32 = arith.constant 0 : i32
    %c0_i32_0 = arith.constant 0 : i32
    %c0_i32_1 = arith.constant 0 : i32
    return %c0_i32, %c0_i32_0 : i32, i32
  }
  func.func @transform_4(%arg0: i32) -> (i32, i32) {
    %c0_i32 = arith.constant 0 : i32
    %c0_i32_0 = arith.constant 0 : i32
    %c0_i32_1 = arith.constant 0 : i32
    return %c0_i32, %c0_i32_0 : i32, i32
  }
  func.func @transform_5(%arg0: i32) -> (i32, i32) {
    %c0_i32 = arith.constant 0 : i32
    %c0_i32_0 = arith.constant 0 : i32
    %c0_i32_1 = arith.constant 0 : i32
    return %c0_i32, %c0_i32_0 : i32, i32
  }
  func.func @transform_6(%arg0: i32) -> (i32, i32) {
    %c0_i32 = arith.constant 0 : i32
    %c0_i32_0 = arith.constant 0 : i32
    %c0_i32_1 = arith.constant 0 : i32
    return %c0_i32, %c0_i32_0 : i32, i32
  }
  func.func @transform_7(%arg0: i32) -> (i32, i32) {
    %c0_i32 = arith.constant 0 : i32
    %c0_i32_0 = arith.constant 0 : i32
    return %arg0, %c0_i32 : i32, i32
  }
  func.func @transform_8(%arg0: i32) -> (i32, i32) {
    %c0_i32 = arith.constant 0 : i32
    %c0_i32_0 = arith.constant 0 : i32
    return %arg0, %c0_i32 : i32, i32
  }
  func.func @transform_9(%arg0: i32) -> (i32, i32) {
    %c0_i32 = arith.constant 0 : i32
    %c0_i32_0 = arith.constant 0 : i32
    return %arg0, %c0_i32 : i32, i32
  }
}

module attributes {stable_mosaic.version = 14 : i64} {
  func.func @_bn_body(%arg0: i32, %arg1: memref<512x1024xf32, #tpu.memory_space<vmem>>, %arg2: memref<512x64xf32, #tpu.memory_space<vmem>>, %arg3: memref<1x64xf32, #tpu.memory_space<vmem>>, %arg4: memref<1x64xf32, #tpu.memory_space<vmem>>, %arg5: memref<64x64xf32, #tpu.memory_space<vmem>>, %arg6: memref<1x64xf32, #tpu.memory_space<vmem>>, %arg7: memref<512x64xf32, #tpu.memory_space<vmem>>, %arg8: memref<64x512xf32, #tpu.memory_space<vmem>>, %arg9: memref<8x128xf32, #tpu.memory_space<vmem>>, %arg10: memref<8192x64xf32, #tpu.memory_space<vmem>>) attributes {dimension_semantics = [#tpu.dimension_semantics<arbitrary>], iteration_bounds = array<i64: 16>, scalar_prefetch = 0 : i64, scratch_operands = 2 : i64, tpu.core_type = #tpu.core_type<tc>, window_params = [{transform_indices = @transform_0, window_bounds = array<i64: 512, 1024>}, {transform_indices = @transform_1, window_bounds = array<i64: 512, 64>}, {pipeline_mode = #tpu.pipeline_mode<synchronous>, transform_indices = @transform_2, window_bounds = array<i64: 1, 64>}, {pipeline_mode = #tpu.pipeline_mode<synchronous>, transform_indices = @transform_3, window_bounds = array<i64: 1, 64>}, {pipeline_mode = #tpu.pipeline_mode<synchronous>, transform_indices = @transform_4, window_bounds = array<i64: 64, 64>}, {pipeline_mode = #tpu.pipeline_mode<synchronous>, transform_indices = @transform_5, window_bounds = array<i64: 1, 64>}, {transform_indices = @transform_6, window_bounds = array<i64: 512, 64>}, {transform_indices = @transform_7, window_bounds = array<i64: 64, 512>}]} {
    %eq3A = arith.constant 0 : i32
    %eq3A_0 = arith.cmpi eq, %arg0, %eq3A : i32
    %convert_element_type3A = arith.extui %eq3A_0 : i1 to i32
    %cond3A = arith.constant 0 : i32
    %cond3A_1 = arith.cmpi ne, %convert_element_type3A, %cond3A : i32
    scf.if %cond3A_1 {
      %broadcast_in_dim3A = arith.constant 0.000000e+00 : f32
      %broadcast_in_dim3A_10 = vector.broadcast %broadcast_in_dim3A : f32 to vector<8x128xf32>
      %swap3A = arith.constant 0 : index
      %swap3A_11 = arith.constant 0 : index
      %swap3A_12 = vector.load %arg9[%swap3A, %swap3A_11] : memref<8x128xf32, #tpu.memory_space<vmem>>, vector<8x128xf32>
      tpu.vector_store %arg9[%swap3A, %swap3A_11], %broadcast_in_dim3A_10 {strides = array<i32>} : memref<8x128xf32, #tpu.memory_space<vmem>>, vector<8x128xf32>,
    } else {
    }
    %lt3A = arith.constant 8 : i32
    %lt3A_2 = arith.cmpi slt, %arg0, %lt3A : i32
    %convert_element_type3A_3 = arith.extui %lt3A_2 : i1 to i32
    %cond3A_4 = arith.constant 0 : i32
    %cond3A_5 = arith.cmpi ne, %convert_element_type3A_3, %cond3A_4 : i32
    scf.if %cond3A_5 {
      %get3A = arith.constant 0 : index
      %get3A_10 = arith.constant 0 : index
      %get3A_11 = vector.load %arg2[%get3A, %get3A_10] : memref<512x64xf32, #tpu.memory_space<vmem>>, vector<512x64xf32>
      %broadcast_in_dim3A = arith.constant 0.000000e+00 : f32
      %broadcast_in_dim3A_12 = vector.broadcast %broadcast_in_dim3A : f32 to vector<1x64xf32>
      %broadcast_in_dim3A_13 = arith.constant 0.000000e+00 : f32
      %broadcast_in_dim3A_14 = vector.broadcast %broadcast_in_dim3A_13 : f32 to vector<1x64xf32>
      %get3A_15 = arith.constant 0 : index
      %get3A_16 = arith.constant 0 : index
      %get3A_17 = vector.load %arg1[%get3A_15, %get3A_16] : memref<512x1024xf32, #tpu.memory_space<vmem>>, vector<512x64xf32>
      %add3A = arith.addf %get3A_11, %get3A_17 : vector<512x64xf32>
      %reduce_sum3A = arith.constant dense<0.000000e+00> : vector<64xf32>
      %reduce_sum3A_18 = vector.multi_reduction <add>, %add3A, %reduce_sum3A [0] : vector<512x64xf32> to vector<64xf32>
      %broadcast_in_dim3A_19 = vector.shape_cast %reduce_sum3A_18 : vector<64xf32> to vector<1x64xf32>
      %add3A_20 = arith.addf %broadcast_in_dim3A_12, %broadcast_in_dim3A_19 : vector<1x64xf32>
      %mul3A = arith.mulf %add3A, %add3A : vector<512x64xf32>
      %reduce_sum3A_21 = arith.constant dense<0.000000e+00> : vector<64xf32>
      %reduce_sum3A_22 = vector.multi_reduction <add>, %mul3A, %reduce_sum3A_21 [0] : vector<512x64xf32> to vector<64xf32>
      %broadcast_in_dim3A_23 = vector.shape_cast %reduce_sum3A_22 : vector<64xf32> to vector<1x64xf32>
      %add3A_24 = arith.addf %broadcast_in_dim3A_14, %broadcast_in_dim3A_23 : vector<1x64xf32>
      %get3A_25 = arith.constant 0 : index
      %get3A_26 = arith.constant 64 : index
      %get3A_27 = vector.load %arg1[%get3A_25, %get3A_26] : memref<512x1024xf32, #tpu.memory_space<vmem>>, vector<512x64xf32>
      %add3A_28 = arith.addf %get3A_11, %get3A_27 : vector<512x64xf32>
      %reduce_sum3A_29 = arith.constant dense<0.000000e+00> : vector<64xf32>
      %reduce_sum3A_30 = vector.multi_reduction <add>, %add3A_28, %reduce_sum3A_29 [0] : vector<512x64xf32> to vector<64xf32>
      %broadcast_in_dim3A_31 = vector.shape_cast %reduce_sum3A_30 : vector<64xf32> to vector<1x64xf32>
      %add3A_32 = arith.addf %add3A_20, %broadcast_in_dim3A_31 : vector<1x64xf32>
      %mul3A_33 = arith.mulf %add3A_28, %add3A_28 : vector<512x64xf32>
      %reduce_sum3A_34 = arith.constant dense<0.000000e+00> : vector<64xf32>
      %reduce_sum3A_35 = vector.multi_reduction <add>, %mul3A_33, %reduce_sum3A_34 [0] : vector<512x64xf32> to vector<64xf32>
      %broadcast_in_dim3A_36 = vector.shape_cast %reduce_sum3A_35 : vector<64xf32> to vector<1x64xf32>
      %add3A_37 = arith.addf %add3A_24, %broadcast_in_dim3A_36 : vector<1x64xf32>
      %get3A_38 = arith.constant 0 : index
      %get3A_39 = arith.constant 128 : index
      %get3A_40 = vector.load %arg1[%get3A_38, %get3A_39] : memref<512x1024xf32, #tpu.memory_space<vmem>>, vector<512x64xf32>
      %add3A_41 = arith.addf %get3A_11, %get3A_40 : vector<512x64xf32>
      %reduce_sum3A_42 = arith.constant dense<0.000000e+00> : vector<64xf32>
      %reduce_sum3A_43 = vector.multi_reduction <add>, %add3A_41, %reduce_sum3A_42 [0] : vector<512x64xf32> to vector<64xf32>
      %broadcast_in_dim3A_44 = vector.shape_cast %reduce_sum3A_43 : vector<64xf32> to vector<1x64xf32>
      %add3A_45 = arith.addf %add3A_32, %broadcast_in_dim3A_44 : vector<1x64xf32>
      %mul3A_46 = arith.mulf %add3A_41, %add3A_41 : vector<512x64xf32>
      %reduce_sum3A_47 = arith.constant dense<0.000000e+00> : vector<64xf32>
      %reduce_sum3A_48 = vector.multi_reduction <add>, %mul3A_46, %reduce_sum3A_47 [0] : vector<512x64xf32> to vector<64xf32>
      %broadcast_in_dim3A_49 = vector.shape_cast %reduce_sum3A_48 : vector<64xf32> to vector<1x64xf32>
      %add3A_50 = arith.addf %add3A_37, %broadcast_in_dim3A_49 : vector<1x64xf32>
      %get3A_51 = arith.constant 0 : index
      %get3A_52 = arith.constant 192 : index
      %get3A_53 = vector.load %arg1[%get3A_51, %get3A_52] : memref<512x1024xf32, #tpu.memory_space<vmem>>, vector<512x64xf32>
      %add3A_54 = arith.addf %get3A_11, %get3A_53 : vector<512x64xf32>
      %reduce_sum3A_55 = arith.constant dense<0.000000e+00> : vector<64xf32>
      %reduce_sum3A_56 = vector.multi_reduction <add>, %add3A_54, %reduce_sum3A_55 [0] : vector<512x64xf32> to vector<64xf32>
      %broadcast_in_dim3A_57 = vector.shape_cast %reduce_sum3A_56 : vector<64xf32> to vector<1x64xf32>
      %add3A_58 = arith.addf %add3A_45, %broadcast_in_dim3A_57 : vector<1x64xf32>
      %mul3A_59 = arith.mulf %add3A_54, %add3A_54 : vector<512x64xf32>
      %reduce_sum3A_60 = arith.constant dense<0.000000e+00> : vector<64xf32>
      %reduce_sum3A_61 = vector.multi_reduction <add>, %mul3A_59, %reduce_sum3A_60 [0] : vector<512x64xf32> to vector<64xf32>
      %broadcast_in_dim3A_62 = vector.shape_cast %reduce_sum3A_61 : vector<64xf32> to vector<1x64xf32>
      %add3A_63 = arith.addf %add3A_50, %broadcast_in_dim3A_62 : vector<1x64xf32>
      %get3A_64 = arith.constant 0 : index
      %get3A_65 = arith.constant 256 : index
      %get3A_66 = vector.load %arg1[%get3A_64, %get3A_65] : memref<512x1024xf32, #tpu.memory_space<vmem>>, vector<512x64xf32>
      %add3A_67 = arith.addf %get3A_11, %get3A_66 : vector<512x64xf32>
      %reduce_sum3A_68 = arith.constant dense<0.000000e+00> : vector<64xf32>
      %reduce_sum3A_69 = vector.multi_reduction <add>, %add3A_67, %reduce_sum3A_68 [0] : vector<512x64xf32> to vector<64xf32>
      %broadcast_in_dim3A_70 = vector.shape_cast %reduce_sum3A_69 : vector<64xf32> to vector<1x64xf32>
      %add3A_71 = arith.addf %add3A_58, %broadcast_in_dim3A_70 : vector<1x64xf32>
      %mul3A_72 = arith.mulf %add3A_67, %add3A_67 : vector<512x64xf32>
      %reduce_sum3A_73 = arith.constant dense<0.000000e+00> : vector<64xf32>
      %reduce_sum3A_74 = vector.multi_reduction <add>, %mul3A_72, %reduce_sum3A_73 [0] : vector<512x64xf32> to vector<64xf32>
      %broadcast_in_dim3A_75 = vector.shape_cast %reduce_sum3A_74 : vector<64xf32> to vector<1x64xf32>
      %add3A_76 = arith.addf %add3A_63, %broadcast_in_dim3A_75 : vector<1x64xf32>
      %get3A_77 = arith.constant 0 : index
      %get3A_78 = arith.constant 320 : index
      %get3A_79 = vector.load %arg1[%get3A_77, %get3A_78] : memref<512x1024xf32, #tpu.memory_space<vmem>>, vector<512x64xf32>
      %add3A_80 = arith.addf %get3A_11, %get3A_79 : vector<512x64xf32>
      %reduce_sum3A_81 = arith.constant dense<0.000000e+00> : vector<64xf32>
      %reduce_sum3A_82 = vector.multi_reduction <add>, %add3A_80, %reduce_sum3A_81 [0] : vector<512x64xf32> to vector<64xf32>
      %broadcast_in_dim3A_83 = vector.shape_cast %reduce_sum3A_82 : vector<64xf32> to vector<1x64xf32>
      %add3A_84 = arith.addf %add3A_71, %broadcast_in_dim3A_83 : vector<1x64xf32>
      %mul3A_85 = arith.mulf %add3A_80, %add3A_80 : vector<512x64xf32>
      %reduce_sum3A_86 = arith.constant dense<0.000000e+00> : vector<64xf32>
      %reduce_sum3A_87 = vector.multi_reduction <add>, %mul3A_85, %reduce_sum3A_86 [0] : vector<512x64xf32> to vector<64xf32>
      %broadcast_in_dim3A_88 = vector.shape_cast %reduce_sum3A_87 : vector<64xf32> to vector<1x64xf32>
      %add3A_89 = arith.addf %add3A_76, %broadcast_in_dim3A_88 : vector<1x64xf32>
      %get3A_90 = arith.constant 0 : index
      %get3A_91 = arith.constant 384 : index
      %get3A_92 = vector.load %arg1[%get3A_90, %get3A_91] : memref<512x1024xf32, #tpu.memory_space<vmem>>, vector<512x64xf32>
      %add3A_93 = arith.addf %get3A_11, %get3A_92 : vector<512x64xf32>
      %reduce_sum3A_94 = arith.constant dense<0.000000e+00> : vector<64xf32>
      %reduce_sum3A_95 = vector.multi_reduction <add>, %add3A_93, %reduce_sum3A_94 [0] : vector<512x64xf32> to vector<64xf32>
      %broadcast_in_dim3A_96 = vector.shape_cast %reduce_sum3A_95 : vector<64xf32> to vector<1x64xf32>
      %add3A_97 = arith.addf %add3A_84, %broadcast_in_dim3A_96 : vector<1x64xf32>
      %mul3A_98 = arith.mulf %add3A_93, %add3A_93 : vector<512x64xf32>
      %reduce_sum3A_99 = arith.constant dense<0.000000e+00> : vector<64xf32>
      %reduce_sum3A_100 = vector.multi_reduction <add>, %mul3A_98, %reduce_sum3A_99 [0] : vector<512x64xf32> to vector<64xf32>
      %broadcast_in_dim3A_101 = vector.shape_cast %reduce_sum3A_100 : vector<64xf32> to vector<1x64xf32>
      %add3A_102 = arith.addf %add3A_89, %broadcast_in_dim3A_101 : vector<1x64xf32>
      %get3A_103 = arith.constant 0 : index
      %get3A_104 = arith.constant 448 : index
      %get3A_105 = vector.load %arg1[%get3A_103, %get3A_104] : memref<512x1024xf32, #tpu.memory_space<vmem>>, vector<512x64xf32>
      %add3A_106 = arith.addf %get3A_11, %get3A_105 : vector<512x64xf32>
      %reduce_sum3A_107 = arith.constant dense<0.000000e+00> : vector<64xf32>
      %reduce_sum3A_108 = vector.multi_reduction <add>, %add3A_106, %reduce_sum3A_107 [0] : vector<512x64xf32> to vector<64xf32>
      %broadcast_in_dim3A_109 = vector.shape_cast %reduce_sum3A_108 : vector<64xf32> to vector<1x64xf32>
      %add3A_110 = arith.addf %add3A_97, %broadcast_in_dim3A_109 : vector<1x64xf32>
      %mul3A_111 = arith.mulf %add3A_106, %add3A_106 : vector<512x64xf32>
      %reduce_sum3A_112 = arith.constant dense<0.000000e+00> : vector<64xf32>
      %reduce_sum3A_113 = vector.multi_reduction <add>, %mul3A_111, %reduce_sum3A_112 [0] : vector<512x64xf32> to vector<64xf32>
      %broadcast_in_dim3A_114 = vector.shape_cast %reduce_sum3A_113 : vector<64xf32> to vector<1x64xf32>
      %add3A_115 = arith.addf %add3A_102, %broadcast_in_dim3A_114 : vector<1x64xf32>
      %get3A_116 = arith.constant 0 : index
      %get3A_117 = arith.constant 512 : index
      %get3A_118 = vector.load %arg1[%get3A_116, %get3A_117] : memref<512x1024xf32, #tpu.memory_space<vmem>>, vector<512x64xf32>
      %add3A_119 = arith.addf %get3A_11, %get3A_118 : vector<512x64xf32>
      %reduce_sum3A_120 = arith.constant dense<0.000000e+00> : vector<64xf32>
      %reduce_sum3A_121 = vector.multi_reduction <add>, %add3A_119, %reduce_sum3A_120 [0] : vector<512x64xf32> to vector<64xf32>
      %broadcast_in_dim3A_122 = vector.shape_cast %reduce_sum3A_121 : vector<64xf32> to vector<1x64xf32>
      %add3A_123 = arith.addf %add3A_110, %broadcast_in_dim3A_122 : vector<1x64xf32>
      %mul3A_124 = arith.mulf %add3A_119, %add3A_119 : vector<512x64xf32>
      %reduce_sum3A_125 = arith.constant dense<0.000000e+00> : vector<64xf32>
      %reduce_sum3A_126 = vector.multi_reduction <add>, %mul3A_124, %reduce_sum3A_125 [0] : vector<512x64xf32> to vector<64xf32>
      %broadcast_in_dim3A_127 = vector.shape_cast %reduce_sum3A_126 : vector<64xf32> to vector<1x64xf32>
      %add3A_128 = arith.addf %add3A_115, %broadcast_in_dim3A_127 : vector<1x64xf32>
      %get3A_129 = arith.constant 0 : index
      %get3A_130 = arith.constant 576 : index
      %get3A_131 = vector.load %arg1[%get3A_129, %get3A_130] : memref<512x1024xf32, #tpu.memory_space<vmem>>, vector<512x64xf32>
      %add3A_132 = arith.addf %get3A_11, %get3A_131 : vector<512x64xf32>
      %reduce_sum3A_133 = arith.constant dense<0.000000e+00> : vector<64xf32>
      %reduce_sum3A_134 = vector.multi_reduction <add>, %add3A_132, %reduce_sum3A_133 [0] : vector<512x64xf32> to vector<64xf32>
      %broadcast_in_dim3A_135 = vector.shape_cast %reduce_sum3A_134 : vector<64xf32> to vector<1x64xf32>
      %add3A_136 = arith.addf %add3A_123, %broadcast_in_dim3A_135 : vector<1x64xf32>
      %mul3A_137 = arith.mulf %add3A_132, %add3A_132 : vector<512x64xf32>
      %reduce_sum3A_138 = arith.constant dense<0.000000e+00> : vector<64xf32>
      %reduce_sum3A_139 = vector.multi_reduction <add>, %mul3A_137, %reduce_sum3A_138 [0] : vector<512x64xf32> to vector<64xf32>
      %broadcast_in_dim3A_140 = vector.shape_cast %reduce_sum3A_139 : vector<64xf32> to vector<1x64xf32>
      %add3A_141 = arith.addf %add3A_128, %broadcast_in_dim3A_140 : vector<1x64xf32>
      %get3A_142 = arith.constant 0 : index
      %get3A_143 = arith.constant 640 : index
      %get3A_144 = vector.load %arg1[%get3A_142, %get3A_143] : memref<512x1024xf32, #tpu.memory_space<vmem>>, vector<512x64xf32>
      %add3A_145 = arith.addf %get3A_11, %get3A_144 : vector<512x64xf32>
      %reduce_sum3A_146 = arith.constant dense<0.000000e+00> : vector<64xf32>
      %reduce_sum3A_147 = vector.multi_reduction <add>, %add3A_145, %reduce_sum3A_146 [0] : vector<512x64xf32> to vector<64xf32>
      %broadcast_in_dim3A_148 = vector.shape_cast %reduce_sum3A_147 : vector<64xf32> to vector<1x64xf32>
      %add3A_149 = arith.addf %add3A_136, %broadcast_in_dim3A_148 : vector<1x64xf32>
      %mul3A_150 = arith.mulf %add3A_145, %add3A_145 : vector<512x64xf32>
      %reduce_sum3A_151 = arith.constant dense<0.000000e+00> : vector<64xf32>
      %reduce_sum3A_152 = vector.multi_reduction <add>, %mul3A_150, %reduce_sum3A_151 [0] : vector<512x64xf32> to vector<64xf32>
      %broadcast_in_dim3A_153 = vector.shape_cast %reduce_sum3A_152 : vector<64xf32> to vector<1x64xf32>
      %add3A_154 = arith.addf %add3A_141, %broadcast_in_dim3A_153 : vector<1x64xf32>
      %get3A_155 = arith.constant 0 : index
      %get3A_156 = arith.constant 704 : index
      %get3A_157 = vector.load %arg1[%get3A_155, %get3A_156] : memref<512x1024xf32, #tpu.memory_space<vmem>>, vector<512x64xf32>
      %add3A_158 = arith.addf %get3A_11, %get3A_157 : vector<512x64xf32>
      %reduce_sum3A_159 = arith.constant dense<0.000000e+00> : vector<64xf32>
      %reduce_sum3A_160 = vector.multi_reduction <add>, %add3A_158, %reduce_sum3A_159 [0] : vector<512x64xf32> to vector<64xf32>
      %broadcast_in_dim3A_161 = vector.shape_cast %reduce_sum3A_160 : vector<64xf32> to vector<1x64xf32>
      %add3A_162 = arith.addf %add3A_149, %broadcast_in_dim3A_161 : vector<1x64xf32>
      %mul3A_163 = arith.mulf %add3A_158, %add3A_158 : vector<512x64xf32>
      %reduce_sum3A_164 = arith.constant dense<0.000000e+00> : vector<64xf32>
      %reduce_sum3A_165 = vector.multi_reduction <add>, %mul3A_163, %reduce_sum3A_164 [0] : vector<512x64xf32> to vector<64xf32>
      %broadcast_in_dim3A_166 = vector.shape_cast %reduce_sum3A_165 : vector<64xf32> to vector<1x64xf32>
      %add3A_167 = arith.addf %add3A_154, %broadcast_in_dim3A_166 : vector<1x64xf32>
      %get3A_168 = arith.constant 0 : index
      %get3A_169 = arith.constant 768 : index
      %get3A_170 = vector.load %arg1[%get3A_168, %get3A_169] : memref<512x1024xf32, #tpu.memory_space<vmem>>, vector<512x64xf32>
      %add3A_171 = arith.addf %get3A_11, %get3A_170 : vector<512x64xf32>
      %reduce_sum3A_172 = arith.constant dense<0.000000e+00> : vector<64xf32>
      %reduce_sum3A_173 = vector.multi_reduction <add>, %add3A_171, %reduce_sum3A_172 [0] : vector<512x64xf32> to vector<64xf32>
      %broadcast_in_dim3A_174 = vector.shape_cast %reduce_sum3A_173 : vector<64xf32> to vector<1x64xf32>
      %add3A_175 = arith.addf %add3A_162, %broadcast_in_dim3A_174 : vector<1x64xf32>
      %mul3A_176 = arith.mulf %add3A_171, %add3A_171 : vector<512x64xf32>
      %reduce_sum3A_177 = arith.constant dense<0.000000e+00> : vector<64xf32>
      %reduce_sum3A_178 = vector.multi_reduction <add>, %mul3A_176, %reduce_sum3A_177 [0] : vector<512x64xf32> to vector<64xf32>
      %broadcast_in_dim3A_179 = vector.shape_cast %reduce_sum3A_178 : vector<64xf32> to vector<1x64xf32>
      %add3A_180 = arith.addf %add3A_167, %broadcast_in_dim3A_179 : vector<1x64xf32>
      %get3A_181 = arith.constant 0 : index
      %get3A_182 = arith.constant 832 : index
      %get3A_183 = vector.load %arg1[%get3A_181, %get3A_182] : memref<512x1024xf32, #tpu.memory_space<vmem>>, vector<512x64xf32>
      %add3A_184 = arith.addf %get3A_11, %get3A_183 : vector<512x64xf32>
      %reduce_sum3A_185 = arith.constant dense<0.000000e+00> : vector<64xf32>
      %reduce_sum3A_186 = vector.multi_reduction <add>, %add3A_184, %reduce_sum3A_185 [0] : vector<512x64xf32> to vector<64xf32>
      %broadcast_in_dim3A_187 = vector.shape_cast %reduce_sum3A_186 : vector<64xf32> to vector<1x64xf32>
      %add3A_188 = arith.addf %add3A_175, %broadcast_in_dim3A_187 : vector<1x64xf32>
      %mul3A_189 = arith.mulf %add3A_184, %add3A_184 : vector<512x64xf32>
      %reduce_sum3A_190 = arith.constant dense<0.000000e+00> : vector<64xf32>
      %reduce_sum3A_191 = vector.multi_reduction <add>, %mul3A_189, %reduce_sum3A_190 [0] : vector<512x64xf32> to vector<64xf32>
      %broadcast_in_dim3A_192 = vector.shape_cast %reduce_sum3A_191 : vector<64xf32> to vector<1x64xf32>
      %add3A_193 = arith.addf %add3A_180, %broadcast_in_dim3A_192 : vector<1x64xf32>
      %get3A_194 = arith.constant 0 : index
      %get3A_195 = arith.constant 896 : index
      %get3A_196 = vector.load %arg1[%get3A_194, %get3A_195] : memref<512x1024xf32, #tpu.memory_space<vmem>>, vector<512x64xf32>
      %add3A_197 = arith.addf %get3A_11, %get3A_196 : vector<512x64xf32>
      %reduce_sum3A_198 = arith.constant dense<0.000000e+00> : vector<64xf32>
      %reduce_sum3A_199 = vector.multi_reduction <add>, %add3A_197, %reduce_sum3A_198 [0] : vector<512x64xf32> to vector<64xf32>
      %broadcast_in_dim3A_200 = vector.shape_cast %reduce_sum3A_199 : vector<64xf32> to vector<1x64xf32>
      %add3A_201 = arith.addf %add3A_188, %broadcast_in_dim3A_200 : vector<1x64xf32>
      %mul3A_202 = arith.mulf %add3A_197, %add3A_197 : vector<512x64xf32>
      %reduce_sum3A_203 = arith.constant dense<0.000000e+00> : vector<64xf32>
      %reduce_sum3A_204 = vector.multi_reduction <add>, %mul3A_202, %reduce_sum3A_203 [0] : vector<512x64xf32> to vector<64xf32>
      %broadcast_in_dim3A_205 = vector.shape_cast %reduce_sum3A_204 : vector<64xf32> to vector<1x64xf32>
      %add3A_206 = arith.addf %add3A_193, %broadcast_in_dim3A_205 : vector<1x64xf32>
      %get3A_207 = arith.constant 0 : index
      %get3A_208 = arith.constant 960 : index
      %get3A_209 = vector.load %arg1[%get3A_207, %get3A_208] : memref<512x1024xf32, #tpu.memory_space<vmem>>, vector<512x64xf32>
      %add3A_210 = arith.addf %get3A_11, %get3A_209 : vector<512x64xf32>
      %reduce_sum3A_211 = arith.constant dense<0.000000e+00> : vector<64xf32>
      %reduce_sum3A_212 = vector.multi_reduction <add>, %add3A_210, %reduce_sum3A_211 [0] : vector<512x64xf32> to vector<64xf32>
      %broadcast_in_dim3A_213 = vector.shape_cast %reduce_sum3A_212 : vector<64xf32> to vector<1x64xf32>
      %add3A_214 = arith.addf %add3A_201, %broadcast_in_dim3A_213 : vector<1x64xf32>
      %mul3A_215 = arith.mulf %add3A_210, %add3A_210 : vector<512x64xf32>
      %reduce_sum3A_216 = arith.constant dense<0.000000e+00> : vector<64xf32>
      %reduce_sum3A_217 = vector.multi_reduction <add>, %mul3A_215, %reduce_sum3A_216 [0] : vector<512x64xf32> to vector<64xf32>
      %broadcast_in_dim3A_218 = vector.shape_cast %reduce_sum3A_217 : vector<64xf32> to vector<1x64xf32>
      %add3A_219 = arith.addf %add3A_206, %broadcast_in_dim3A_218 : vector<1x64xf32>
      %get3A_220 = arith.constant 0 : index
      %get3A_221 = arith.constant 0 : index
      %get3A_222 = vector.load %arg9[%get3A_220, %get3A_221] : memref<8x128xf32, #tpu.memory_space<vmem>>, vector<1x64xf32>
      %add3A_223 = arith.addf %get3A_222, %add3A_214 : vector<1x64xf32>
      %swap3A = arith.constant 0 : index
      %swap3A_224 = arith.constant 0 : index
      %swap3A_225 = vector.load %arg9[%swap3A, %swap3A_224] : memref<8x128xf32, #tpu.memory_space<vmem>>, vector<1x64xf32>
      tpu.vector_store %arg9[%swap3A, %swap3A_224], %add3A_223 {strides = array<i32>} : memref<8x128xf32, #tpu.memory_space<vmem>>, vector<1x64xf32>,
      %get3A_226 = arith.constant 1 : index
      %get3A_227 = arith.constant 0 : index
      %get3A_228 = vector.load %arg9[%get3A_226, %get3A_227] : memref<8x128xf32, #tpu.memory_space<vmem>>, vector<1x64xf32>
      %add3A_229 = arith.addf %get3A_228, %add3A_219 : vector<1x64xf32>
      %swap3A_230 = arith.constant 1 : index
      %swap3A_231 = arith.constant 0 : index
      %swap3A_232 = vector.load %arg9[%swap3A_230, %swap3A_231] : memref<8x128xf32, #tpu.memory_space<vmem>>, vector<1x64xf32>
      tpu.vector_store %arg9[%swap3A_230, %swap3A_231], %add3A_229 {strides = array<i32>} : memref<8x128xf32, #tpu.memory_space<vmem>>, vector<1x64xf32>,
    } else {
    }
    %ge3A = arith.constant 8 : i32
    %ge3A_6 = arith.cmpi sge, %arg0, %ge3A : i32
    %convert_element_type3A_7 = arith.extui %ge3A_6 : i1 to i32
    %cond3A_8 = arith.constant 0 : i32
    %cond3A_9 = arith.cmpi ne, %convert_element_type3A_7, %cond3A_8 : i32
    scf.if %cond3A_9 {
      %get3A = arith.constant 0 : index
      %get3A_10 = arith.constant 0 : index
      %get3A_11 = vector.load %arg9[%get3A, %get3A_10] : memref<8x128xf32, #tpu.memory_space<vmem>>, vector<1x64xf32>
      %get3A_12 = arith.constant 1 : index
      %get3A_13 = arith.constant 0 : index
      %get3A_14 = vector.load %arg9[%get3A_12, %get3A_13] : memref<8x128xf32, #tpu.memory_space<vmem>>, vector<1x64xf32>
      %mul3A = arith.constant 1.52587891E-5 : f32
      %mul3A_15 = vector.broadcast %mul3A : f32 to vector<1x64xf32>
      %mul3A_16 = arith.mulf %get3A_11, %mul3A_15 : vector<1x64xf32>
      %mul3A_17 = arith.constant 1.52587891E-5 : f32
      %mul3A_18 = vector.broadcast %mul3A_17 : f32 to vector<1x64xf32>
      %mul3A_19 = arith.mulf %get3A_14, %mul3A_18 : vector<1x64xf32>
      %mul3A_20 = arith.mulf %mul3A_16, %mul3A_16 : vector<1x64xf32>
      %sub3A = arith.subf %mul3A_19, %mul3A_20 : vector<1x64xf32>
      %get3A_21 = arith.constant 0 : index
      %get3A_22 = arith.constant 0 : index
      %get3A_23 = vector.load %arg3[%get3A_21, %get3A_22] : memref<1x64xf32, #tpu.memory_space<vmem>>, vector<1x64xf32>
      %add3A = arith.constant 9.99999974E-6 : f32
      %add3A_24 = vector.broadcast %add3A : f32 to vector<1x64xf32>
      %add3A_25 = arith.addf %sub3A, %add3A_24 : vector<1x64xf32>
      %sqrt3A = math.sqrt %add3A_25 : vector<1x64xf32>
      %div3A = arith.divf %get3A_23, %sqrt3A : vector<1x64xf32>
      %get3A_26 = arith.constant 0 : index
      %get3A_27 = arith.constant 0 : index
      %get3A_28 = vector.load %arg4[%get3A_26, %get3A_27] : memref<1x64xf32, #tpu.memory_space<vmem>>, vector<1x64xf32>
      %mul3A_29 = arith.mulf %mul3A_16, %div3A : vector<1x64xf32>
      %sub3A_30 = arith.subf %get3A_28, %mul3A_29 : vector<1x64xf32>
      %get3A_31 = arith.constant 0 : index
      %get3A_32 = arith.constant 0 : index
      %get3A_33 = vector.load %arg2[%get3A_31, %get3A_32] : memref<512x64xf32, #tpu.memory_space<vmem>>, vector<512x64xf32>
      %get3A_34 = arith.constant 0 : index
      %get3A_35 = arith.constant 0 : index
      %get3A_36 = vector.load %arg1[%get3A_34, %get3A_35] : memref<512x1024xf32, #tpu.memory_space<vmem>>, vector<512x64xf32>
      %add3A_37 = arith.addf %get3A_33, %get3A_36 : vector<512x64xf32>
      %mul3A_38 = vector.broadcast %div3A : vector<1x64xf32> to vector<512x64xf32>
      %mul3A_39 = arith.mulf %add3A_37, %mul3A_38 : vector<512x64xf32>
      %add3A_40 = vector.broadcast %sub3A_30 : vector<1x64xf32> to vector<512x64xf32>
      %add3A_41 = arith.addf %mul3A_39, %add3A_40 : vector<512x64xf32>
      %max3A = arith.constant 0.000000e+00 : f32
      %max3A_42 = vector.broadcast %max3A : f32 to vector<512x64xf32>
      %max3A_43 = arith.maximumf %add3A_41, %max3A_42 : vector<512x64xf32>
      %swap3A = arith.constant 0 : index
      %swap3A_44 = arith.constant 0 : index
      %swap3A_45 = vector.load %arg10[%swap3A, %swap3A_44] : memref<8192x64xf32, #tpu.memory_space<vmem>>, vector<512x64xf32>
      tpu.vector_store %arg10[%swap3A, %swap3A_44], %max3A_43 {strides = array<i32>} : memref<8192x64xf32, #tpu.memory_space<vmem>>, vector<512x64xf32>,
      %get3A_46 = arith.constant 0 : index
      %get3A_47 = arith.constant 64 : index
      %get3A_48 = vector.load %arg1[%get3A_46, %get3A_47] : memref<512x1024xf32, #tpu.memory_space<vmem>>, vector<512x64xf32>
      %add3A_49 = arith.addf %get3A_33, %get3A_48 : vector<512x64xf32>
      %mul3A_50 = vector.broadcast %div3A : vector<1x64xf32> to vector<512x64xf32>
      %mul3A_51 = arith.mulf %add3A_49, %mul3A_50 : vector<512x64xf32>
      %add3A_52 = vector.broadcast %sub3A_30 : vector<1x64xf32> to vector<512x64xf32>
      %add3A_53 = arith.addf %mul3A_51, %add3A_52 : vector<512x64xf32>
      %max3A_54 = arith.constant 0.000000e+00 : f32
      %max3A_55 = vector.broadcast %max3A_54 : f32 to vector<512x64xf32>
      %max3A_56 = arith.maximumf %add3A_53, %max3A_55 : vector<512x64xf32>
      %swap3A_57 = arith.constant 512 : index
      %swap3A_58 = arith.constant 0 : index
      %swap3A_59 = vector.load %arg10[%swap3A_57, %swap3A_58] : memref<8192x64xf32, #tpu.memory_space<vmem>>, vector<512x64xf32>
      tpu.vector_store %arg10[%swap3A_57, %swap3A_58], %max3A_56 {strides = array<i32>} : memref<8192x64xf32, #tpu.memory_space<vmem>>, vector<512x64xf32>,
      %get3A_60 = arith.constant 0 : index
      %get3A_61 = arith.constant 128 : index
      %get3A_62 = vector.load %arg1[%get3A_60, %get3A_61] : memref<512x1024xf32, #tpu.memory_space<vmem>>, vector<512x64xf32>
      %add3A_63 = arith.addf %get3A_33, %get3A_62 : vector<512x64xf32>
      %mul3A_64 = vector.broadcast %div3A : vector<1x64xf32> to vector<512x64xf32>
      %mul3A_65 = arith.mulf %add3A_63, %mul3A_64 : vector<512x64xf32>
      %add3A_66 = vector.broadcast %sub3A_30 : vector<1x64xf32> to vector<512x64xf32>
      %add3A_67 = arith.addf %mul3A_65, %add3A_66 : vector<512x64xf32>
      %max3A_68 = arith.constant 0.000000e+00 : f32
      %max3A_69 = vector.broadcast %max3A_68 : f32 to vector<512x64xf32>
      %max3A_70 = arith.maximumf %add3A_67, %max3A_69 : vector<512x64xf32>
      %swap3A_71 = arith.constant 1024 : index
      %swap3A_72 = arith.constant 0 : index
      %swap3A_73 = vector.load %arg10[%swap3A_71, %swap3A_72] : memref<8192x64xf32, #tpu.memory_space<vmem>>, vector<512x64xf32>
      tpu.vector_store %arg10[%swap3A_71, %swap3A_72], %max3A_70 {strides = array<i32>} : memref<8192x64xf32, #tpu.memory_space<vmem>>, vector<512x64xf32>,
      %get3A_74 = arith.constant 0 : index
      %get3A_75 = arith.constant 192 : index
      %get3A_76 = vector.load %arg1[%get3A_74, %get3A_75] : memref<512x1024xf32, #tpu.memory_space<vmem>>, vector<512x64xf32>
      %add3A_77 = arith.addf %get3A_33, %get3A_76 : vector<512x64xf32>
      %mul3A_78 = vector.broadcast %div3A : vector<1x64xf32> to vector<512x64xf32>
      %mul3A_79 = arith.mulf %add3A_77, %mul3A_78 : vector<512x64xf32>
      %add3A_80 = vector.broadcast %sub3A_30 : vector<1x64xf32> to vector<512x64xf32>
      %add3A_81 = arith.addf %mul3A_79, %add3A_80 : vector<512x64xf32>
      %max3A_82 = arith.constant 0.000000e+00 : f32
      %max3A_83 = vector.broadcast %max3A_82 : f32 to vector<512x64xf32>
      %max3A_84 = arith.maximumf %add3A_81, %max3A_83 : vector<512x64xf32>
      %swap3A_85 = arith.constant 1536 : index
      %swap3A_86 = arith.constant 0 : index
      %swap3A_87 = vector.load %arg10[%swap3A_85, %swap3A_86] : memref<8192x64xf32, #tpu.memory_space<vmem>>, vector<512x64xf32>
      tpu.vector_store %arg10[%swap3A_85, %swap3A_86], %max3A_84 {strides = array<i32>} : memref<8192x64xf32, #tpu.memory_space<vmem>>, vector<512x64xf32>,
      %get3A_88 = arith.constant 0 : index
      %get3A_89 = arith.constant 256 : index
      %get3A_90 = vector.load %arg1[%get3A_88, %get3A_89] : memref<512x1024xf32, #tpu.memory_space<vmem>>, vector<512x64xf32>
      %add3A_91 = arith.addf %get3A_33, %get3A_90 : vector<512x64xf32>
      %mul3A_92 = vector.broadcast %div3A : vector<1x64xf32> to vector<512x64xf32>
      %mul3A_93 = arith.mulf %add3A_91, %mul3A_92 : vector<512x64xf32>
      %add3A_94 = vector.broadcast %sub3A_30 : vector<1x64xf32> to vector<512x64xf32>
      %add3A_95 = arith.addf %mul3A_93, %add3A_94 : vector<512x64xf32>
      %max3A_96 = arith.constant 0.000000e+00 : f32
      %max3A_97 = vector.broadcast %max3A_96 : f32 to vector<512x64xf32>
      %max3A_98 = arith.maximumf %add3A_95, %max3A_97 : vector<512x64xf32>
      %swap3A_99 = arith.constant 2048 : index
      %swap3A_100 = arith.constant 0 : index
      %swap3A_101 = vector.load %arg10[%swap3A_99, %swap3A_100] : memref<8192x64xf32, #tpu.memory_space<vmem>>, vector<512x64xf32>
      tpu.vector_store %arg10[%swap3A_99, %swap3A_100], %max3A_98 {strides = array<i32>} : memref<8192x64xf32, #tpu.memory_space<vmem>>, vector<512x64xf32>,
      %get3A_102 = arith.constant 0 : index
      %get3A_103 = arith.constant 320 : index
      %get3A_104 = vector.load %arg1[%get3A_102, %get3A_103] : memref<512x1024xf32, #tpu.memory_space<vmem>>, vector<512x64xf32>
      %add3A_105 = arith.addf %get3A_33, %get3A_104 : vector<512x64xf32>
      %mul3A_106 = vector.broadcast %div3A : vector<1x64xf32> to vector<512x64xf32>
      %mul3A_107 = arith.mulf %add3A_105, %mul3A_106 : vector<512x64xf32>
      %add3A_108 = vector.broadcast %sub3A_30 : vector<1x64xf32> to vector<512x64xf32>
      %add3A_109 = arith.addf %mul3A_107, %add3A_108 : vector<512x64xf32>
      %max3A_110 = arith.constant 0.000000e+00 : f32
      %max3A_111 = vector.broadcast %max3A_110 : f32 to vector<512x64xf32>
      %max3A_112 = arith.maximumf %add3A_109, %max3A_111 : vector<512x64xf32>
      %swap3A_113 = arith.constant 2560 : index
      %swap3A_114 = arith.constant 0 : index
      %swap3A_115 = vector.load %arg10[%swap3A_113, %swap3A_114] : memref<8192x64xf32, #tpu.memory_space<vmem>>, vector<512x64xf32>
      tpu.vector_store %arg10[%swap3A_113, %swap3A_114], %max3A_112 {strides = array<i32>} : memref<8192x64xf32, #tpu.memory_space<vmem>>, vector<512x64xf32>,
      %get3A_116 = arith.constant 0 : index
      %get3A_117 = arith.constant 384 : index
      %get3A_118 = vector.load %arg1[%get3A_116, %get3A_117] : memref<512x1024xf32, #tpu.memory_space<vmem>>, vector<512x64xf32>
      %add3A_119 = arith.addf %get3A_33, %get3A_118 : vector<512x64xf32>
      %mul3A_120 = vector.broadcast %div3A : vector<1x64xf32> to vector<512x64xf32>
      %mul3A_121 = arith.mulf %add3A_119, %mul3A_120 : vector<512x64xf32>
      %add3A_122 = vector.broadcast %sub3A_30 : vector<1x64xf32> to vector<512x64xf32>
      %add3A_123 = arith.addf %mul3A_121, %add3A_122 : vector<512x64xf32>
      %max3A_124 = arith.constant 0.000000e+00 : f32
      %max3A_125 = vector.broadcast %max3A_124 : f32 to vector<512x64xf32>
      %max3A_126 = arith.maximumf %add3A_123, %max3A_125 : vector<512x64xf32>
      %swap3A_127 = arith.constant 3072 : index
      %swap3A_128 = arith.constant 0 : index
      %swap3A_129 = vector.load %arg10[%swap3A_127, %swap3A_128] : memref<8192x64xf32, #tpu.memory_space<vmem>>, vector<512x64xf32>
      tpu.vector_store %arg10[%swap3A_127, %swap3A_128], %max3A_126 {strides = array<i32>} : memref<8192x64xf32, #tpu.memory_space<vmem>>, vector<512x64xf32>,
      %get3A_130 = arith.constant 0 : index
      %get3A_131 = arith.constant 448 : index
      %get3A_132 = vector.load %arg1[%get3A_130, %get3A_131] : memref<512x1024xf32, #tpu.memory_space<vmem>>, vector<512x64xf32>
      %add3A_133 = arith.addf %get3A_33, %get3A_132 : vector<512x64xf32>
      %mul3A_134 = vector.broadcast %div3A : vector<1x64xf32> to vector<512x64xf32>
      %mul3A_135 = arith.mulf %add3A_133, %mul3A_134 : vector<512x64xf32>
      %add3A_136 = vector.broadcast %sub3A_30 : vector<1x64xf32> to vector<512x64xf32>
      %add3A_137 = arith.addf %mul3A_135, %add3A_136 : vector<512x64xf32>
      %max3A_138 = arith.constant 0.000000e+00 : f32
      %max3A_139 = vector.broadcast %max3A_138 : f32 to vector<512x64xf32>
      %max3A_140 = arith.maximumf %add3A_137, %max3A_139 : vector<512x64xf32>
      %swap3A_141 = arith.constant 3584 : index
      %swap3A_142 = arith.constant 0 : index
      %swap3A_143 = vector.load %arg10[%swap3A_141, %swap3A_142] : memref<8192x64xf32, #tpu.memory_space<vmem>>, vector<512x64xf32>
      tpu.vector_store %arg10[%swap3A_141, %swap3A_142], %max3A_140 {strides = array<i32>} : memref<8192x64xf32, #tpu.memory_space<vmem>>, vector<512x64xf32>,
      %get3A_144 = arith.constant 0 : index
      %get3A_145 = arith.constant 512 : index
      %get3A_146 = vector.load %arg1[%get3A_144, %get3A_145] : memref<512x1024xf32, #tpu.memory_space<vmem>>, vector<512x64xf32>
      %add3A_147 = arith.addf %get3A_33, %get3A_146 : vector<512x64xf32>
      %mul3A_148 = vector.broadcast %div3A : vector<1x64xf32> to vector<512x64xf32>
      %mul3A_149 = arith.mulf %add3A_147, %mul3A_148 : vector<512x64xf32>
      %add3A_150 = vector.broadcast %sub3A_30 : vector<1x64xf32> to vector<512x64xf32>
      %add3A_151 = arith.addf %mul3A_149, %add3A_150 : vector<512x64xf32>
      %max3A_152 = arith.constant 0.000000e+00 : f32
      %max3A_153 = vector.broadcast %max3A_152 : f32 to vector<512x64xf32>
      %max3A_154 = arith.maximumf %add3A_151, %max3A_153 : vector<512x64xf32>
      %swap3A_155 = arith.constant 4096 : index
      %swap3A_156 = arith.constant 0 : index
      %swap3A_157 = vector.load %arg10[%swap3A_155, %swap3A_156] : memref<8192x64xf32, #tpu.memory_space<vmem>>, vector<512x64xf32>
      tpu.vector_store %arg10[%swap3A_155, %swap3A_156], %max3A_154 {strides = array<i32>} : memref<8192x64xf32, #tpu.memory_space<vmem>>, vector<512x64xf32>,
      %get3A_158 = arith.constant 0 : index
      %get3A_159 = arith.constant 576 : index
      %get3A_160 = vector.load %arg1[%get3A_158, %get3A_159] : memref<512x1024xf32, #tpu.memory_space<vmem>>, vector<512x64xf32>
      %add3A_161 = arith.addf %get3A_33, %get3A_160 : vector<512x64xf32>
      %mul3A_162 = vector.broadcast %div3A : vector<1x64xf32> to vector<512x64xf32>
      %mul3A_163 = arith.mulf %add3A_161, %mul3A_162 : vector<512x64xf32>
      %add3A_164 = vector.broadcast %sub3A_30 : vector<1x64xf32> to vector<512x64xf32>
      %add3A_165 = arith.addf %mul3A_163, %add3A_164 : vector<512x64xf32>
      %max3A_166 = arith.constant 0.000000e+00 : f32
      %max3A_167 = vector.broadcast %max3A_166 : f32 to vector<512x64xf32>
      %max3A_168 = arith.maximumf %add3A_165, %max3A_167 : vector<512x64xf32>
      %swap3A_169 = arith.constant 4608 : index
      %swap3A_170 = arith.constant 0 : index
      %swap3A_171 = vector.load %arg10[%swap3A_169, %swap3A_170] : memref<8192x64xf32, #tpu.memory_space<vmem>>, vector<512x64xf32>
      tpu.vector_store %arg10[%swap3A_169, %swap3A_170], %max3A_168 {strides = array<i32>} : memref<8192x64xf32, #tpu.memory_space<vmem>>, vector<512x64xf32>,
      %get3A_172 = arith.constant 0 : index
      %get3A_173 = arith.constant 640 : index
      %get3A_174 = vector.load %arg1[%get3A_172, %get3A_173] : memref<512x1024xf32, #tpu.memory_space<vmem>>, vector<512x64xf32>
      %add3A_175 = arith.addf %get3A_33, %get3A_174 : vector<512x64xf32>
      %mul3A_176 = vector.broadcast %div3A : vector<1x64xf32> to vector<512x64xf32>
      %mul3A_177 = arith.mulf %add3A_175, %mul3A_176 : vector<512x64xf32>
      %add3A_178 = vector.broadcast %sub3A_30 : vector<1x64xf32> to vector<512x64xf32>
      %add3A_179 = arith.addf %mul3A_177, %add3A_178 : vector<512x64xf32>
      %max3A_180 = arith.constant 0.000000e+00 : f32
      %max3A_181 = vector.broadcast %max3A_180 : f32 to vector<512x64xf32>
      %max3A_182 = arith.maximumf %add3A_179, %max3A_181 : vector<512x64xf32>
      %swap3A_183 = arith.constant 5120 : index
      %swap3A_184 = arith.constant 0 : index
      %swap3A_185 = vector.load %arg10[%swap3A_183, %swap3A_184] : memref<8192x64xf32, #tpu.memory_space<vmem>>, vector<512x64xf32>
      tpu.vector_store %arg10[%swap3A_183, %swap3A_184], %max3A_182 {strides = array<i32>} : memref<8192x64xf32, #tpu.memory_space<vmem>>, vector<512x64xf32>,
      %get3A_186 = arith.constant 0 : index
      %get3A_187 = arith.constant 704 : index
      %get3A_188 = vector.load %arg1[%get3A_186, %get3A_187] : memref<512x1024xf32, #tpu.memory_space<vmem>>, vector<512x64xf32>
      %add3A_189 = arith.addf %get3A_33, %get3A_188 : vector<512x64xf32>
      %mul3A_190 = vector.broadcast %div3A : vector<1x64xf32> to vector<512x64xf32>
      %mul3A_191 = arith.mulf %add3A_189, %mul3A_190 : vector<512x64xf32>
      %add3A_192 = vector.broadcast %sub3A_30 : vector<1x64xf32> to vector<512x64xf32>
      %add3A_193 = arith.addf %mul3A_191, %add3A_192 : vector<512x64xf32>
      %max3A_194 = arith.constant 0.000000e+00 : f32
      %max3A_195 = vector.broadcast %max3A_194 : f32 to vector<512x64xf32>
      %max3A_196 = arith.maximumf %add3A_193, %max3A_195 : vector<512x64xf32>
      %swap3A_197 = arith.constant 5632 : index
      %swap3A_198 = arith.constant 0 : index
      %swap3A_199 = vector.load %arg10[%swap3A_197, %swap3A_198] : memref<8192x64xf32, #tpu.memory_space<vmem>>, vector<512x64xf32>
      tpu.vector_store %arg10[%swap3A_197, %swap3A_198], %max3A_196 {strides = array<i32>} : memref<8192x64xf32, #tpu.memory_space<vmem>>, vector<512x64xf32>,
      %get3A_200 = arith.constant 0 : index
      %get3A_201 = arith.constant 768 : index
      %get3A_202 = vector.load %arg1[%get3A_200, %get3A_201] : memref<512x1024xf32, #tpu.memory_space<vmem>>, vector<512x64xf32>
      %add3A_203 = arith.addf %get3A_33, %get3A_202 : vector<512x64xf32>
      %mul3A_204 = vector.broadcast %div3A : vector<1x64xf32> to vector<512x64xf32>
      %mul3A_205 = arith.mulf %add3A_203, %mul3A_204 : vector<512x64xf32>
      %add3A_206 = vector.broadcast %sub3A_30 : vector<1x64xf32> to vector<512x64xf32>
      %add3A_207 = arith.addf %mul3A_205, %add3A_206 : vector<512x64xf32>
      %max3A_208 = arith.constant 0.000000e+00 : f32
      %max3A_209 = vector.broadcast %max3A_208 : f32 to vector<512x64xf32>
      %max3A_210 = arith.maximumf %add3A_207, %max3A_209 : vector<512x64xf32>
      %swap3A_211 = arith.constant 6144 : index
      %swap3A_212 = arith.constant 0 : index
      %swap3A_213 = vector.load %arg10[%swap3A_211, %swap3A_212] : memref<8192x64xf32, #tpu.memory_space<vmem>>, vector<512x64xf32>
      tpu.vector_store %arg10[%swap3A_211, %swap3A_212], %max3A_210 {strides = array<i32>} : memref<8192x64xf32, #tpu.memory_space<vmem>>, vector<512x64xf32>,
      %get3A_214 = arith.constant 0 : index
      %get3A_215 = arith.constant 832 : index
      %get3A_216 = vector.load %arg1[%get3A_214, %get3A_215] : memref<512x1024xf32, #tpu.memory_space<vmem>>, vector<512x64xf32>
      %add3A_217 = arith.addf %get3A_33, %get3A_216 : vector<512x64xf32>
      %mul3A_218 = vector.broadcast %div3A : vector<1x64xf32> to vector<512x64xf32>
      %mul3A_219 = arith.mulf %add3A_217, %mul3A_218 : vector<512x64xf32>
      %add3A_220 = vector.broadcast %sub3A_30 : vector<1x64xf32> to vector<512x64xf32>
      %add3A_221 = arith.addf %mul3A_219, %add3A_220 : vector<512x64xf32>
      %max3A_222 = arith.constant 0.000000e+00 : f32
      %max3A_223 = vector.broadcast %max3A_222 : f32 to vector<512x64xf32>
      %max3A_224 = arith.maximumf %add3A_221, %max3A_223 : vector<512x64xf32>
      %swap3A_225 = arith.constant 6656 : index
      %swap3A_226 = arith.constant 0 : index
      %swap3A_227 = vector.load %arg10[%swap3A_225, %swap3A_226] : memref<8192x64xf32, #tpu.memory_space<vmem>>, vector<512x64xf32>
      tpu.vector_store %arg10[%swap3A_225, %swap3A_226], %max3A_224 {strides = array<i32>} : memref<8192x64xf32, #tpu.memory_space<vmem>>, vector<512x64xf32>,
      %get3A_228 = arith.constant 0 : index
      %get3A_229 = arith.constant 896 : index
      %get3A_230 = vector.load %arg1[%get3A_228, %get3A_229] : memref<512x1024xf32, #tpu.memory_space<vmem>>, vector<512x64xf32>
      %add3A_231 = arith.addf %get3A_33, %get3A_230 : vector<512x64xf32>
      %mul3A_232 = vector.broadcast %div3A : vector<1x64xf32> to vector<512x64xf32>
      %mul3A_233 = arith.mulf %add3A_231, %mul3A_232 : vector<512x64xf32>
      %add3A_234 = vector.broadcast %sub3A_30 : vector<1x64xf32> to vector<512x64xf32>
      %add3A_235 = arith.addf %mul3A_233, %add3A_234 : vector<512x64xf32>
      %max3A_236 = arith.constant 0.000000e+00 : f32
      %max3A_237 = vector.broadcast %max3A_236 : f32 to vector<512x64xf32>
      %max3A_238 = arith.maximumf %add3A_235, %max3A_237 : vector<512x64xf32>
      %swap3A_239 = arith.constant 7168 : index
      %swap3A_240 = arith.constant 0 : index
      %swap3A_241 = vector.load %arg10[%swap3A_239, %swap3A_240] : memref<8192x64xf32, #tpu.memory_space<vmem>>, vector<512x64xf32>
      tpu.vector_store %arg10[%swap3A_239, %swap3A_240], %max3A_238 {strides = array<i32>} : memref<8192x64xf32, #tpu.memory_space<vmem>>, vector<512x64xf32>,
      %get3A_242 = arith.constant 0 : index
      %get3A_243 = arith.constant 960 : index
      %get3A_244 = vector.load %arg1[%get3A_242, %get3A_243] : memref<512x1024xf32, #tpu.memory_space<vmem>>, vector<512x64xf32>
      %add3A_245 = arith.addf %get3A_33, %get3A_244 : vector<512x64xf32>
      %mul3A_246 = vector.broadcast %div3A : vector<1x64xf32> to vector<512x64xf32>
      %mul3A_247 = arith.mulf %add3A_245, %mul3A_246 : vector<512x64xf32>
      %add3A_248 = vector.broadcast %sub3A_30 : vector<1x64xf32> to vector<512x64xf32>
      %add3A_249 = arith.addf %mul3A_247, %add3A_248 : vector<512x64xf32>
      %max3A_250 = arith.constant 0.000000e+00 : f32
      %max3A_251 = vector.broadcast %max3A_250 : f32 to vector<512x64xf32>
      %max3A_252 = arith.maximumf %add3A_249, %max3A_251 : vector<512x64xf32>
      %swap3A_253 = arith.constant 7680 : index
      %swap3A_254 = arith.constant 0 : index
      %swap3A_255 = vector.load %arg10[%swap3A_253, %swap3A_254] : memref<8192x64xf32, #tpu.memory_space<vmem>>, vector<512x64xf32>
      tpu.vector_store %arg10[%swap3A_253, %swap3A_254], %max3A_252 {strides = array<i32>} : memref<8192x64xf32, #tpu.memory_space<vmem>>, vector<512x64xf32>,
      %get3A_256 = arith.constant 0 : index
      %get3A_257 = arith.constant 0 : index
      %get3A_258 = vector.load %arg10[%get3A_256, %get3A_257] : memref<8192x64xf32, #tpu.memory_space<vmem>>, vector<8192x64xf32>
      %get3A_259 = arith.constant 0 : index
      %get3A_260 = arith.constant 0 : index
      %get3A_261 = vector.load %arg5[%get3A_259, %get3A_260] : memref<64x64xf32, #tpu.memory_space<vmem>>, vector<64x64xf32>
      %dot_general3A = arith.constant dense<0.000000e+00> : vector<8192x64xf32>
      %dot_general3A_262 = tpu.matmul %get3A_258, %get3A_261, %dot_general3A {dimension_numbers = #tpu.dot_dimension_numbers<[1], [0], [0], [1], [0, 0, 1, 1], [], []>, transpose_lhs_hint = false} : vector<8192x64xf32>, vector<64x64xf32>, vector<8192x64xf32> -> vector<8192x64xf32>
      %get3A_263 = arith.constant 0 : index
      %get3A_264 = arith.constant 0 : index
      %get3A_265 = vector.load %arg6[%get3A_263, %get3A_264] : memref<1x64xf32, #tpu.memory_space<vmem>>, vector<1x64xf32>
      %add3A_266 = vector.broadcast %get3A_265 : vector<1x64xf32> to vector<8192x64xf32>
      %add3A_267 = arith.addf %dot_general3A_262, %add3A_266 : vector<8192x64xf32>
      %slice3A = vector.extract_strided_slice %add3A_267 {offsets = [0, 0], sizes = [512, 64], strides = [1, 1]} : vector<8192x64xf32> to vector<512x64xf32>
      %slice3A_268 = vector.extract_strided_slice %add3A_267 {offsets = [512, 0], sizes = [512, 64], strides = [1, 1]} : vector<8192x64xf32> to vector<512x64xf32>
      %max3A_269 = arith.maximumf %slice3A, %slice3A_268 : vector<512x64xf32>
      %slice3A_270 = vector.extract_strided_slice %add3A_267 {offsets = [1024, 0], sizes = [512, 64], strides = [1, 1]} : vector<8192x64xf32> to vector<512x64xf32>
      %max3A_271 = arith.maximumf %max3A_269, %slice3A_270 : vector<512x64xf32>
      %slice3A_272 = vector.extract_strided_slice %add3A_267 {offsets = [1536, 0], sizes = [512, 64], strides = [1, 1]} : vector<8192x64xf32> to vector<512x64xf32>
      %max3A_273 = arith.maximumf %max3A_271, %slice3A_272 : vector<512x64xf32>
      %slice3A_274 = vector.extract_strided_slice %add3A_267 {offsets = [2048, 0], sizes = [512, 64], strides = [1, 1]} : vector<8192x64xf32> to vector<512x64xf32>
      %max3A_275 = arith.maximumf %max3A_273, %slice3A_274 : vector<512x64xf32>
      %slice3A_276 = vector.extract_strided_slice %add3A_267 {offsets = [2560, 0], sizes = [512, 64], strides = [1, 1]} : vector<8192x64xf32> to vector<512x64xf32>
      %max3A_277 = arith.maximumf %max3A_275, %slice3A_276 : vector<512x64xf32>
      %slice3A_278 = vector.extract_strided_slice %add3A_267 {offsets = [3072, 0], sizes = [512, 64], strides = [1, 1]} : vector<8192x64xf32> to vector<512x64xf32>
      %max3A_279 = arith.maximumf %max3A_277, %slice3A_278 : vector<512x64xf32>
      %slice3A_280 = vector.extract_strided_slice %add3A_267 {offsets = [3584, 0], sizes = [512, 64], strides = [1, 1]} : vector<8192x64xf32> to vector<512x64xf32>
      %max3A_281 = arith.maximumf %max3A_279, %slice3A_280 : vector<512x64xf32>
      %slice3A_282 = vector.extract_strided_slice %add3A_267 {offsets = [4096, 0], sizes = [512, 64], strides = [1, 1]} : vector<8192x64xf32> to vector<512x64xf32>
      %max3A_283 = arith.maximumf %max3A_281, %slice3A_282 : vector<512x64xf32>
      %slice3A_284 = vector.extract_strided_slice %add3A_267 {offsets = [4608, 0], sizes = [512, 64], strides = [1, 1]} : vector<8192x64xf32> to vector<512x64xf32>
      %max3A_285 = arith.maximumf %max3A_283, %slice3A_284 : vector<512x64xf32>
      %slice3A_286 = vector.extract_strided_slice %add3A_267 {offsets = [5120, 0], sizes = [512, 64], strides = [1, 1]} : vector<8192x64xf32> to vector<512x64xf32>
      %max3A_287 = arith.maximumf %max3A_285, %slice3A_286 : vector<512x64xf32>
      %slice3A_288 = vector.extract_strided_slice %add3A_267 {offsets = [5632, 0], sizes = [512, 64], strides = [1, 1]} : vector<8192x64xf32> to vector<512x64xf32>
      %max3A_289 = arith.maximumf %max3A_287, %slice3A_288 : vector<512x64xf32>
      %slice3A_290 = vector.extract_strided_slice %add3A_267 {offsets = [6144, 0], sizes = [512, 64], strides = [1, 1]} : vector<8192x64xf32> to vector<512x64xf32>
      %max3A_291 = arith.maximumf %max3A_289, %slice3A_290 : vector<512x64xf32>
      %slice3A_292 = vector.extract_strided_slice %add3A_267 {offsets = [6656, 0], sizes = [512, 64], strides = [1, 1]} : vector<8192x64xf32> to vector<512x64xf32>
      %max3A_293 = arith.maximumf %max3A_291, %slice3A_292 : vector<512x64xf32>
      %slice3A_294 = vector.extract_strided_slice %add3A_267 {offsets = [7168, 0], sizes = [512, 64], strides = [1, 1]} : vector<8192x64xf32> to vector<512x64xf32>
      %max3A_295 = arith.maximumf %max3A_293, %slice3A_294 : vector<512x64xf32>
      %slice3A_296 = vector.extract_strided_slice %add3A_267 {offsets = [7680, 0], sizes = [512, 64], strides = [1, 1]} : vector<8192x64xf32> to vector<512x64xf32>
      %max3A_297 = arith.maximumf %max3A_295, %slice3A_296 : vector<512x64xf32>
      %swap3A_298 = arith.constant 0 : index
      %swap3A_299 = arith.constant 0 : index
      %swap3A_300 = vector.load %arg7[%swap3A_298, %swap3A_299] : memref<512x64xf32, #tpu.memory_space<vmem>>, vector<512x64xf32>
      tpu.vector_store %arg7[%swap3A_298, %swap3A_299], %max3A_297 {strides = array<i32>} : memref<512x64xf32, #tpu.memory_space<vmem>>, vector<512x64xf32>,
      %transpose3A = tpu.transpose %max3A_297, [1, 0] : vector<512x64xf32> -> vector<64x512xf32>
      %swap3A_301 = arith.constant 0 : index
      %swap3A_302 = arith.constant 0 : index
      %swap3A_303 = vector.load %arg8[%swap3A_301, %swap3A_302] : memref<64x512xf32, #tpu.memory_space<vmem>>, vector<64x512xf32>
      tpu.vector_store %arg8[%swap3A_301, %swap3A_302], %transpose3A {strides = array<i32>} : memref<64x512xf32, #tpu.memory_space<vmem>>, vector<64x512xf32>,
    } else {
    }
    return
  }
  func.func @transform_0(%arg0: i32) -> (i32, i32) {
    %jit3A = arith.constant 8 : i32
    %eq3A = arith.constant 0 : i32
    %eq3A_0 = arith.cmpi eq, %jit3A, %eq3A : i32
    %jit3A_1 = arith.constant 1 : i32
    %select_n3A = arith.select %eq3A_0, %jit3A_1, %jit3A : i32
    %rem3A = arith.remsi %arg0, %select_n3A : i32
    %ne3A = arith.constant 0 : i32
    %ne3A_2 = arith.cmpi ne, %rem3A, %ne3A : i32
    %lt3A = arith.constant 0 : i32
    %lt3A_3 = arith.cmpi slt, %rem3A, %lt3A : i32
    %lt3A_4 = arith.constant 0 : i32
    %lt3A_5 = arith.cmpi slt, %select_n3A, %lt3A_4 : i32
    %ne3A_6 = arith.xori %lt3A_3, %lt3A_5 : i1
    %and3A = arith.andi %ne3A_6, %ne3A_2 : i1
    %add3A = arith.addi %rem3A, %select_n3A : i32
    %select_n3A_7 = arith.select %and3A, %add3A, %rem3A : i32
    %c0_i32 = arith.constant 0 : i32
    %c0_i32_8 = arith.constant 0 : i32
    return %select_n3A_7, %c0_i32 : i32, i32
  }
  func.func @transform_1(%arg0: i32) -> (i32, i32) {
    %jit3A = arith.constant 8 : i32
    %eq3A = arith.constant 0 : i32
    %eq3A_0 = arith.cmpi eq, %jit3A, %eq3A : i32
    %jit3A_1 = arith.constant 1 : i32
    %select_n3A = arith.select %eq3A_0, %jit3A_1, %jit3A : i32
    %rem3A = arith.remsi %arg0, %select_n3A : i32
    %ne3A = arith.constant 0 : i32
    %ne3A_2 = arith.cmpi ne, %rem3A, %ne3A : i32
    %lt3A = arith.constant 0 : i32
    %lt3A_3 = arith.cmpi slt, %rem3A, %lt3A : i32
    %lt3A_4 = arith.constant 0 : i32
    %lt3A_5 = arith.cmpi slt, %select_n3A, %lt3A_4 : i32
    %ne3A_6 = arith.xori %lt3A_3, %lt3A_5 : i1
    %and3A = arith.andi %ne3A_6, %ne3A_2 : i1
    %add3A = arith.addi %rem3A, %select_n3A : i32
    %select_n3A_7 = arith.select %and3A, %add3A, %rem3A : i32
    %c0_i32 = arith.constant 0 : i32
    %c0_i32_8 = arith.constant 0 : i32
    return %select_n3A_7, %c0_i32 : i32, i32
  }
  func.func @transform_2(%arg0: i32) -> (i32, i32) {
    %c0_i32 = arith.constant 0 : i32
    %c0_i32_0 = arith.constant 0 : i32
    %c0_i32_1 = arith.constant 0 : i32
    return %c0_i32, %c0_i32_0 : i32, i32
  }
  func.func @transform_3(%arg0: i32) -> (i32, i32) {
    %c0_i32 = arith.constant 0 : i32
    %c0_i32_0 = arith.constant 0 : i32
    %c0_i32_1 = arith.constant 0 : i32
    return %c0_i32, %c0_i32_0 : i32, i32
  }
  func.func @transform_4(%arg0: i32) -> (i32, i32) {
    %c0_i32 = arith.constant 0 : i32
    %c0_i32_0 = arith.constant 0 : i32
    %c0_i32_1 = arith.constant 0 : i32
    return %c0_i32, %c0_i32_0 : i32, i32
  }
  func.func @transform_5(%arg0: i32) -> (i32, i32) {
    %c0_i32 = arith.constant 0 : i32
    %c0_i32_0 = arith.constant 0 : i32
    %c0_i32_1 = arith.constant 0 : i32
    return %c0_i32, %c0_i32_0 : i32, i32
  }
  func.func @transform_6(%arg0: i32) -> (i32, i32) {
    %jit3A = arith.constant 8 : i32
    %eq3A = arith.constant 0 : i32
    %eq3A_0 = arith.cmpi eq, %jit3A, %eq3A : i32
    %jit3A_1 = arith.constant 1 : i32
    %select_n3A = arith.select %eq3A_0, %jit3A_1, %jit3A : i32
    %rem3A = arith.remsi %arg0, %select_n3A : i32
    %ne3A = arith.constant 0 : i32
    %ne3A_2 = arith.cmpi ne, %rem3A, %ne3A : i32
    %lt3A = arith.constant 0 : i32
    %lt3A_3 = arith.cmpi slt, %rem3A, %lt3A : i32
    %lt3A_4 = arith.constant 0 : i32
    %lt3A_5 = arith.cmpi slt, %select_n3A, %lt3A_4 : i32
    %ne3A_6 = arith.xori %lt3A_3, %lt3A_5 : i1
    %and3A = arith.andi %ne3A_6, %ne3A_2 : i1
    %add3A = arith.addi %rem3A, %select_n3A : i32
    %select_n3A_7 = arith.select %and3A, %add3A, %rem3A : i32
    %c0_i32 = arith.constant 0 : i32
    %c0_i32_8 = arith.constant 0 : i32
    return %select_n3A_7, %c0_i32 : i32, i32
  }
  func.func @transform_7(%arg0: i32) -> (i32, i32) {
    %jit3A = arith.constant 8 : i32
    %eq3A = arith.constant 0 : i32
    %eq3A_0 = arith.cmpi eq, %jit3A, %eq3A : i32
    %jit3A_1 = arith.constant 1 : i32
    %select_n3A = arith.select %eq3A_0, %jit3A_1, %jit3A : i32
    %rem3A = arith.remsi %arg0, %select_n3A : i32
    %ne3A = arith.constant 0 : i32
    %ne3A_2 = arith.cmpi ne, %rem3A, %ne3A : i32
    %lt3A = arith.constant 0 : i32
    %lt3A_3 = arith.cmpi slt, %rem3A, %lt3A : i32
    %lt3A_4 = arith.constant 0 : i32
    %lt3A_5 = arith.cmpi slt, %select_n3A, %lt3A_4 : i32
    %ne3A_6 = arith.xori %lt3A_3, %lt3A_5 : i1
    %and3A = arith.andi %ne3A_6, %ne3A_2 : i1
    %add3A = arith.addi %rem3A, %select_n3A : i32
    %select_n3A_7 = arith.select %and3A, %add3A, %rem3A : i32
    %c0_i32 = arith.constant 0 : i32
    %c0_i32_8 = arith.constant 0 : i32
    return %c0_i32, %select_n3A_7 : i32, i32
  }
}

module attributes {stable_mosaic.version = 14 : i64} {
  func.func @_knn_uv_body(%arg0: i32, %arg1: memref<512x64xf32, #tpu.memory_space<vmem>>, %arg2: memref<64x4096xf32, #tpu.memory_space<vmem>>, %arg3: memref<512x1xi32, #tpu.memory_space<vmem>>, %arg4: memref<1x4096xi32, #tpu.memory_space<vmem>>, %arg5: memref<8x2xi32, #tpu.memory_space<smem>>, %arg6: memref<128x64xf32, #tpu.memory_space<vmem>>, %arg7: memref<1x64xf32, #tpu.memory_space<vmem>>, %arg8: memref<512x16xi32, #tpu.memory_space<vmem>>, %arg9: memref<512x64xf32, #tpu.memory_space<vmem>>, %arg10: memref<512x64xf32, #tpu.memory_space<vmem>>, %arg11: memref<512x4096xf32, #tpu.memory_space<vmem>>) attributes {dimension_semantics = [#tpu.dimension_semantics<arbitrary>], iteration_bounds = array<i64: 8>, scalar_prefetch = 0 : i64, scratch_operands = 1 : i64, tpu.core_type = #tpu.core_type<tc>, window_params = [{transform_indices = @transform_0, window_bounds = array<i64: 512, 64>}, {pipeline_mode = #tpu.pipeline_mode<synchronous>, transform_indices = @transform_1, window_bounds = array<i64: 64, 4096>}, {transform_indices = @transform_2, window_bounds = array<i64: 512, 1>}, {pipeline_mode = #tpu.pipeline_mode<synchronous>, transform_indices = @transform_3, window_bounds = array<i64: 1, 4096>}, {transform_indices = @transform_4, window_bounds = array<i64: 8, 2>}, {pipeline_mode = #tpu.pipeline_mode<synchronous>, transform_indices = @transform_5, window_bounds = array<i64: 128, 64>}, {pipeline_mode = #tpu.pipeline_mode<synchronous>, transform_indices = @transform_6, window_bounds = array<i64: 1, 64>}, {transform_indices = @transform_7, window_bounds = array<i64: 512, 16>}, {transform_indices = @transform_8, window_bounds = array<i64: 512, 64>}, {transform_indices = @transform_9, window_bounds = array<i64: 512, 64>}]} {
    %get3A = arith.index_cast %arg0 : i32 to index
    %get3A_0 = arith.constant 0 : index
    %get3A_1 = memref.load %arg5[%get3A, %get3A_0] : memref<8x2xi32, #tpu.memory_space<smem>>
    %get3A_2 = arith.index_cast %arg0 : i32 to index
    %get3A_3 = arith.constant 1 : index
    %get3A_4 = memref.load %arg5[%get3A_2, %get3A_3] : memref<8x2xi32, #tpu.memory_space<smem>>
    %get3A_5 = arith.constant 0 : index
    %get3A_6 = arith.constant 0 : index
    %get3A_7 = vector.load %arg1[%get3A_5, %get3A_6] : memref<512x64xf32, #tpu.memory_space<vmem>>, vector<512x64xf32>
    %get3A_8 = arith.constant 0 : index
    %get3A_9 = arith.constant 0 : index
    %get3A_10 = vector.load %arg3[%get3A_8, %get3A_9] : memref<512x1xi32, #tpu.memory_space<vmem>>, vector<512x1xi32>
    %mul3A = arith.mulf %get3A_7, %get3A_7 : vector<512x64xf32>
    %reduce_sum3A = arith.constant dense<0.000000e+00> : vector<512xf32>
    %reduce_sum3A_11 = vector.multi_reduction <add>, %mul3A, %reduce_sum3A [1] : vector<512x64xf32> to vector<512xf32>
    %broadcast_in_dim3A = vector.shape_cast %reduce_sum3A_11 : vector<512xf32> to vector<512x1xf32>
    %le3A = arith.constant 10 : i32
    %le3A_12 = arith.cmpi sle, %get3A_4, %le3A : i32
    %convert_element_type3A = arith.extui %le3A_12 : i1 to i32
    %cond3A = arith.constant 0 : i32
    %cond3A_13 = arith.cmpi ne, %convert_element_type3A, %cond3A : i32
    scf.if %cond3A_13 {
      %min3A = arith.constant 2816 : i32
      %min3A_42 = arith.minsi %get3A_1, %min3A : i32
      %multiple_of3A = tpu.assume_multiple %min3A_42, 128 : i32
      %sub3A_43 = arith.subi %get3A_1, %multiple_of3A : i32
      %get3A_44 = arith.constant 0 : index
      %get3A_45 = arith.index_cast %multiple_of3A : i32 to index
      %get3A_46 = vector.load %arg2[%get3A_44, %get3A_45] : memref<64x4096xf32, #tpu.memory_space<vmem>>, vector<64x1280xf32>
      %dot_general3A_47 = arith.constant dense<0.000000e+00> : vector<512x1280xf32>
      %dot_general3A_48 = tpu.matmul %get3A_7, %get3A_46, %dot_general3A_47 {dimension_numbers = #tpu.dot_dimension_numbers<[1], [0], [0], [1], [0, 0, 1, 1], [], []>, transpose_lhs_hint = false} : vector<512x64xf32>, vector<64x1280xf32>, vector<512x1280xf32> -> vector<512x1280xf32>
      %mul3A_49 = arith.mulf %get3A_46, %get3A_46 : vector<64x1280xf32>
      %reduce_sum3A_50 = arith.constant dense<0.000000e+00> : vector<1280xf32>
      %reduce_sum3A_51 = vector.multi_reduction <add>, %mul3A_49, %reduce_sum3A_50 [0] : vector<64x1280xf32> to vector<1280xf32>
      %broadcast_in_dim3A_52 = vector.shape_cast %reduce_sum3A_51 : vector<1280xf32> to vector<1x1280xf32>
      %add3A_53 = vector.broadcast %broadcast_in_dim3A : vector<512x1xf32> to vector<512x1280xf32>
      %add3A_54 = vector.broadcast %broadcast_in_dim3A_52 : vector<1x1280xf32> to vector<512x1280xf32>
      %add3A_55 = arith.addf %add3A_53, %add3A_54 : vector<512x1280xf32>
      %mul3A_56 = arith.constant 2.000000e+00 : f32
      %mul3A_57 = vector.broadcast %mul3A_56 : f32 to vector<512x1280xf32>
      %mul3A_58 = arith.mulf %mul3A_57, %dot_general3A_48 : vector<512x1280xf32>
      %sub3A_59 = arith.subf %add3A_55, %mul3A_58 : vector<512x1280xf32>
      %iota3A = tpu.iota {dimensions = array<i32: 1>} : vector<512x1280xi32>
      %ge3A = vector.broadcast %sub3A_43 : i32 to vector<512x1280xi32>
      %ge3A_60 = arith.cmpi sge, %iota3A, %ge3A : vector<512x1280xi32>
      %mul3A_61 = arith.constant 128 : i32
      %mul3A_62 = arith.muli %get3A_4, %mul3A_61 : i32
      %add3A_63 = arith.addi %sub3A_43, %mul3A_62 : i32
      %lt3A = vector.broadcast %add3A_63 : i32 to vector<512x1280xi32>
      %lt3A_64 = arith.cmpi slt, %iota3A, %lt3A : vector<512x1280xi32>
      %and3A_65 = arith.andi %ge3A_60, %lt3A_64 : vector<512x1280xi1>
      %get3A_66 = arith.constant 0 : index
      %get3A_67 = arith.index_cast %multiple_of3A : i32 to index
      %get3A_68 = vector.load %arg4[%get3A_66, %get3A_67] : memref<1x4096xi32, #tpu.memory_space<vmem>>, vector<1x1280xi32>
      %eq3A = vector.broadcast %get3A_10 : vector<512x1xi32> to vector<512x1280xi32>
      %eq3A_69 = vector.broadcast %get3A_68 : vector<1x1280xi32> to vector<512x1280xi32>
      %eq3A_70 = arith.cmpi eq, %eq3A, %eq3A_69 : vector<512x1280xi32>
      %and3A_71 = arith.andi %and3A_65, %eq3A_70 : vector<512x1280xi1>
      %jit3A = arith.constant 1.000000e+30 : f32
      %broadcast_in_dim3A_72 = vector.broadcast %jit3A : f32 to vector<512x1280xf32>
      %select_n3A = arith.select %and3A_71, %sub3A_59, %broadcast_in_dim3A_72 : vector<512x1280xi1>, vector<512x1280xf32>
      %swap3A_73 = arith.constant 0 : index
      %swap3A_74 = arith.constant 0 : index
      %swap3A_75 = vector.load %arg11[%swap3A_73, %swap3A_74] : memref<512x4096xf32, #tpu.memory_space<vmem>>, vector<512x1280xf32>
      tpu.vector_store %arg11[%swap3A_73, %swap3A_74], %select_n3A {strides = array<i32>} : memref<512x4096xf32, #tpu.memory_space<vmem>>, vector<512x1280xf32>,
      %iota3A_76 = tpu.iota {dimensions = array<i32: 1>} : vector<512x1280xi32>
      %iota3A_77 = tpu.iota {dimensions = array<i32: 1>} : vector<512x16xi32>
      %broadcast_in_dim3A_78 = arith.constant 0 : i32
      %broadcast_in_dim3A_79 = vector.broadcast %broadcast_in_dim3A_78 : i32 to vector<512x16xi32>
      %scan3A = arith.constant 0 : i32
      %scan3A_80 = arith.constant 16 : i32
      %scan3A_81 = arith.addi %scan3A, %scan3A_80 : i32
      %scan3A_82 = arith.constant 1 : i32
      %scan3A_83 = scf.for %scan3A_93 = %scan3A to %scan3A_81 step %scan3A_82 iter_args(%scan3A_94 = %broadcast_in_dim3A_79) -> (vector<512x16xi32>)  : i32 {
        %get3A_95 = arith.constant 0 : index
        %get3A_96 = arith.constant 0 : index
        %get3A_97 = vector.load %arg11[%get3A_95, %get3A_96] : memref<512x4096xf32, #tpu.memory_space<vmem>>, vector<512x1280xf32>
        %reduce_min3A = arith.constant dense<0x7F800000> : vector<512xf32>
        %reduce_min3A_98 = vector.multi_reduction <minimumf>, %get3A_97, %reduce_min3A [1] : vector<512x1280xf32> to vector<512xf32>
        %broadcast_in_dim3A_99 = vector.shape_cast %reduce_min3A_98 : vector<512xf32> to vector<512x1xf32>
        %eq3A_100 = vector.broadcast %broadcast_in_dim3A_99 : vector<512x1xf32> to vector<512x1280xf32>
        %eq3A_101 = arith.cmpf oeq, %get3A_97, %eq3A_100 : vector<512x1280xf32>
        %jit3A_102 = arith.constant 4096 : i32
        %broadcast_in_dim3A_103 = vector.broadcast %jit3A_102 : i32 to vector<512x1280xi32>
        %select_n3A_104 = arith.select %eq3A_101, %iota3A_76, %broadcast_in_dim3A_103 : vector<512x1280xi1>, vector<512x1280xi32>
        %reduce_min3A_105 = arith.constant dense<2147483647> : vector<512xi32>
        %reduce_min3A_106 = vector.multi_reduction <minsi>, %select_n3A_104, %reduce_min3A_105 [1] : vector<512x1280xi32> to vector<512xi32>
        %broadcast_in_dim3A_107 = vector.shape_cast %reduce_min3A_106 : vector<512xi32> to vector<512x1xi32>
        %eq3A_108 = vector.broadcast %broadcast_in_dim3A_107 : vector<512x1xi32> to vector<512x1280xi32>
        %eq3A_109 = arith.cmpi eq, %iota3A_76, %eq3A_108 : vector<512x1280xi32>
        %jit3A_110 = arith.constant 2.000000e+30 : f32
        %broadcast_in_dim3A_111 = vector.broadcast %jit3A_110 : f32 to vector<512x1280xf32>
        %select_n3A_112 = arith.select %eq3A_109, %broadcast_in_dim3A_111, %get3A_97 : vector<512x1280xi1>, vector<512x1280xf32>
        %swap3A_113 = arith.constant 0 : index
        %swap3A_114 = arith.constant 0 : index
        %swap3A_115 = vector.load %arg11[%swap3A_113, %swap3A_114] : memref<512x4096xf32, #tpu.memory_space<vmem>>, vector<512x1280xf32>
        tpu.vector_store %arg11[%swap3A_113, %swap3A_114], %select_n3A_112 {strides = array<i32>} : memref<512x4096xf32, #tpu.memory_space<vmem>>, vector<512x1280xf32>,
        %eq3A_116 = vector.broadcast %scan3A_93 : i32 to vector<512x16xi32>
        %eq3A_117 = arith.cmpi eq, %iota3A_77, %eq3A_116 : vector<512x16xi32>
        %broadcast_in_dim3A_118 = vector.shape_cast %broadcast_in_dim3A_107 : vector<512x1xi32> to vector<512x1xi32>
        %broadcast_in_dim3A_119 = vector.broadcast %broadcast_in_dim3A_118 : vector<512x1xi32> to vector<512x16xi32>
        %select_n3A_120 = arith.select %eq3A_117, %broadcast_in_dim3A_119, %scan3A_94 : vector<512x16xi1>, vector<512x16xi32>
        scf.yield %select_n3A_120 : vector<512x16xi32>
      }
      %scan3A_84 = arith.constant 16 : i32
      %add3A_85 = vector.broadcast %multiple_of3A : i32 to vector<512x16xi32>
      %add3A_86 = arith.addi %scan3A_83, %add3A_85 : vector<512x16xi32>
      %min3A_87 = arith.constant 4095 : i32
      %min3A_88 = vector.broadcast %min3A_87 : i32 to vector<512x16xi32>
      %min3A_89 = arith.minsi %add3A_86, %min3A_88 : vector<512x16xi32>
      %swap3A_90 = arith.constant 0 : index
      %swap3A_91 = arith.constant 0 : index
      %swap3A_92 = vector.load %arg8[%swap3A_90, %swap3A_91] : memref<512x16xi32, #tpu.memory_space<vmem>>, vector<512x16xi32>
      tpu.vector_store %arg8[%swap3A_90, %swap3A_91], %min3A_89 {strides = array<i32>} : memref<512x16xi32, #tpu.memory_space<vmem>>, vector<512x16xi32>,
    } else {
    }
    %gt3A = arith.constant 10 : i32
    %gt3A_14 = arith.cmpi sgt, %get3A_4, %gt3A : i32
    %le3A_15 = arith.constant 18 : i32
    %le3A_16 = arith.cmpi sle, %get3A_4, %le3A_15 : i32
    %and3A = arith.andi %gt3A_14, %le3A_16 : i1
    %convert_element_type3A_17 = arith.extui %and3A : i1 to i32
    %cond3A_18 = arith.constant 0 : i32
    %cond3A_19 = arith.cmpi ne, %convert_element_type3A_17, %cond3A_18 : i32
    scf.if %cond3A_19 {
      %min3A = arith.constant 1792 : i32
      %min3A_42 = arith.minsi %get3A_1, %min3A : i32
      %multiple_of3A = tpu.assume_multiple %min3A_42, 128 : i32
      %sub3A_43 = arith.subi %get3A_1, %multiple_of3A : i32
      %get3A_44 = arith.constant 0 : index
      %get3A_45 = arith.index_cast %multiple_of3A : i32 to index
      %get3A_46 = vector.load %arg2[%get3A_44, %get3A_45] : memref<64x4096xf32, #tpu.memory_space<vmem>>, vector<64x2304xf32>
      %dot_general3A_47 = arith.constant dense<0.000000e+00> : vector<512x2304xf32>
      %dot_general3A_48 = tpu.matmul %get3A_7, %get3A_46, %dot_general3A_47 {dimension_numbers = #tpu.dot_dimension_numbers<[1], [0], [0], [1], [0, 0, 1, 1], [], []>, transpose_lhs_hint = false} : vector<512x64xf32>, vector<64x2304xf32>, vector<512x2304xf32> -> vector<512x2304xf32>
      %mul3A_49 = arith.mulf %get3A_46, %get3A_46 : vector<64x2304xf32>
      %reduce_sum3A_50 = arith.constant dense<0.000000e+00> : vector<2304xf32>
      %reduce_sum3A_51 = vector.multi_reduction <add>, %mul3A_49, %reduce_sum3A_50 [0] : vector<64x2304xf32> to vector<2304xf32>
      %broadcast_in_dim3A_52 = vector.shape_cast %reduce_sum3A_51 : vector<2304xf32> to vector<1x2304xf32>
      %add3A_53 = vector.broadcast %broadcast_in_dim3A : vector<512x1xf32> to vector<512x2304xf32>
      %add3A_54 = vector.broadcast %broadcast_in_dim3A_52 : vector<1x2304xf32> to vector<512x2304xf32>
      %add3A_55 = arith.addf %add3A_53, %add3A_54 : vector<512x2304xf32>
      %mul3A_56 = arith.constant 2.000000e+00 : f32
      %mul3A_57 = vector.broadcast %mul3A_56 : f32 to vector<512x2304xf32>
      %mul3A_58 = arith.mulf %mul3A_57, %dot_general3A_48 : vector<512x2304xf32>
      %sub3A_59 = arith.subf %add3A_55, %mul3A_58 : vector<512x2304xf32>
      %iota3A = tpu.iota {dimensions = array<i32: 1>} : vector<512x2304xi32>
      %ge3A = vector.broadcast %sub3A_43 : i32 to vector<512x2304xi32>
      %ge3A_60 = arith.cmpi sge, %iota3A, %ge3A : vector<512x2304xi32>
      %mul3A_61 = arith.constant 128 : i32
      %mul3A_62 = arith.muli %get3A_4, %mul3A_61 : i32
      %add3A_63 = arith.addi %sub3A_43, %mul3A_62 : i32
      %lt3A = vector.broadcast %add3A_63 : i32 to vector<512x2304xi32>
      %lt3A_64 = arith.cmpi slt, %iota3A, %lt3A : vector<512x2304xi32>
      %and3A_65 = arith.andi %ge3A_60, %lt3A_64 : vector<512x2304xi1>
      %get3A_66 = arith.constant 0 : index
      %get3A_67 = arith.index_cast %multiple_of3A : i32 to index
      %get3A_68 = vector.load %arg4[%get3A_66, %get3A_67] : memref<1x4096xi32, #tpu.memory_space<vmem>>, vector<1x2304xi32>
      %eq3A = vector.broadcast %get3A_10 : vector<512x1xi32> to vector<512x2304xi32>
      %eq3A_69 = vector.broadcast %get3A_68 : vector<1x2304xi32> to vector<512x2304xi32>
      %eq3A_70 = arith.cmpi eq, %eq3A, %eq3A_69 : vector<512x2304xi32>
      %and3A_71 = arith.andi %and3A_65, %eq3A_70 : vector<512x2304xi1>
      %jit3A = arith.constant 1.000000e+30 : f32
      %broadcast_in_dim3A_72 = vector.broadcast %jit3A : f32 to vector<512x2304xf32>
      %select_n3A = arith.select %and3A_71, %sub3A_59, %broadcast_in_dim3A_72 : vector<512x2304xi1>, vector<512x2304xf32>
      %swap3A_73 = arith.constant 0 : index
      %swap3A_74 = arith.constant 0 : index
      %swap3A_75 = vector.load %arg11[%swap3A_73, %swap3A_74] : memref<512x4096xf32, #tpu.memory_space<vmem>>, vector<512x2304xf32>
      tpu.vector_store %arg11[%swap3A_73, %swap3A_74], %select_n3A {strides = array<i32>} : memref<512x4096xf32, #tpu.memory_space<vmem>>, vector<512x2304xf32>,
      %iota3A_76 = tpu.iota {dimensions = array<i32: 1>} : vector<512x2304xi32>
      %iota3A_77 = tpu.iota {dimensions = array<i32: 1>} : vector<512x16xi32>
      %broadcast_in_dim3A_78 = arith.constant 0 : i32
      %broadcast_in_dim3A_79 = vector.broadcast %broadcast_in_dim3A_78 : i32 to vector<512x16xi32>
      %scan3A = arith.constant 0 : i32
      %scan3A_80 = arith.constant 16 : i32
      %scan3A_81 = arith.addi %scan3A, %scan3A_80 : i32
      %scan3A_82 = arith.constant 1 : i32
      %scan3A_83 = scf.for %scan3A_93 = %scan3A to %scan3A_81 step %scan3A_82 iter_args(%scan3A_94 = %broadcast_in_dim3A_79) -> (vector<512x16xi32>)  : i32 {
        %get3A_95 = arith.constant 0 : index
        %get3A_96 = arith.constant 0 : index
        %get3A_97 = vector.load %arg11[%get3A_95, %get3A_96] : memref<512x4096xf32, #tpu.memory_space<vmem>>, vector<512x2304xf32>
        %reduce_min3A = arith.constant dense<0x7F800000> : vector<512xf32>
        %reduce_min3A_98 = vector.multi_reduction <minimumf>, %get3A_97, %reduce_min3A [1] : vector<512x2304xf32> to vector<512xf32>
        %broadcast_in_dim3A_99 = vector.shape_cast %reduce_min3A_98 : vector<512xf32> to vector<512x1xf32>
        %eq3A_100 = vector.broadcast %broadcast_in_dim3A_99 : vector<512x1xf32> to vector<512x2304xf32>
        %eq3A_101 = arith.cmpf oeq, %get3A_97, %eq3A_100 : vector<512x2304xf32>
        %jit3A_102 = arith.constant 4096 : i32
        %broadcast_in_dim3A_103 = vector.broadcast %jit3A_102 : i32 to vector<512x2304xi32>
        %select_n3A_104 = arith.select %eq3A_101, %iota3A_76, %broadcast_in_dim3A_103 : vector<512x2304xi1>, vector<512x2304xi32>
        %reduce_min3A_105 = arith.constant dense<2147483647> : vector<512xi32>
        %reduce_min3A_106 = vector.multi_reduction <minsi>, %select_n3A_104, %reduce_min3A_105 [1] : vector<512x2304xi32> to vector<512xi32>
        %broadcast_in_dim3A_107 = vector.shape_cast %reduce_min3A_106 : vector<512xi32> to vector<512x1xi32>
        %eq3A_108 = vector.broadcast %broadcast_in_dim3A_107 : vector<512x1xi32> to vector<512x2304xi32>
        %eq3A_109 = arith.cmpi eq, %iota3A_76, %eq3A_108 : vector<512x2304xi32>
        %jit3A_110 = arith.constant 2.000000e+30 : f32
        %broadcast_in_dim3A_111 = vector.broadcast %jit3A_110 : f32 to vector<512x2304xf32>
        %select_n3A_112 = arith.select %eq3A_109, %broadcast_in_dim3A_111, %get3A_97 : vector<512x2304xi1>, vector<512x2304xf32>
        %swap3A_113 = arith.constant 0 : index
        %swap3A_114 = arith.constant 0 : index
        %swap3A_115 = vector.load %arg11[%swap3A_113, %swap3A_114] : memref<512x4096xf32, #tpu.memory_space<vmem>>, vector<512x2304xf32>
        tpu.vector_store %arg11[%swap3A_113, %swap3A_114], %select_n3A_112 {strides = array<i32>} : memref<512x4096xf32, #tpu.memory_space<vmem>>, vector<512x2304xf32>,
        %eq3A_116 = vector.broadcast %scan3A_93 : i32 to vector<512x16xi32>
        %eq3A_117 = arith.cmpi eq, %iota3A_77, %eq3A_116 : vector<512x16xi32>
        %broadcast_in_dim3A_118 = vector.shape_cast %broadcast_in_dim3A_107 : vector<512x1xi32> to vector<512x1xi32>
        %broadcast_in_dim3A_119 = vector.broadcast %broadcast_in_dim3A_118 : vector<512x1xi32> to vector<512x16xi32>
        %select_n3A_120 = arith.select %eq3A_117, %broadcast_in_dim3A_119, %scan3A_94 : vector<512x16xi1>, vector<512x16xi32>
        scf.yield %select_n3A_120 : vector<512x16xi32>
      }
      %scan3A_84 = arith.constant 16 : i32
      %add3A_85 = vector.broadcast %multiple_of3A : i32 to vector<512x16xi32>
      %add3A_86 = arith.addi %scan3A_83, %add3A_85 : vector<512x16xi32>
      %min3A_87 = arith.constant 4095 : i32
      %min3A_88 = vector.broadcast %min3A_87 : i32 to vector<512x16xi32>
      %min3A_89 = arith.minsi %add3A_86, %min3A_88 : vector<512x16xi32>
      %swap3A_90 = arith.constant 0 : index
      %swap3A_91 = arith.constant 0 : index
      %swap3A_92 = vector.load %arg8[%swap3A_90, %swap3A_91] : memref<512x16xi32, #tpu.memory_space<vmem>>, vector<512x16xi32>
      tpu.vector_store %arg8[%swap3A_90, %swap3A_91], %min3A_89 {strides = array<i32>} : memref<512x16xi32, #tpu.memory_space<vmem>>, vector<512x16xi32>,
    } else {
    }
    %gt3A_20 = arith.constant 18 : i32
    %gt3A_21 = arith.cmpi sgt, %get3A_4, %gt3A_20 : i32
    %convert_element_type3A_22 = arith.extui %gt3A_21 : i1 to i32
    %cond3A_23 = arith.constant 0 : i32
    %cond3A_24 = arith.cmpi ne, %convert_element_type3A_22, %cond3A_23 : i32
    scf.if %cond3A_24 {
      %min3A = arith.constant 0 : i32
      %min3A_42 = arith.minsi %get3A_1, %min3A : i32
      %multiple_of3A = tpu.assume_multiple %min3A_42, 128 : i32
      %sub3A_43 = arith.subi %get3A_1, %multiple_of3A : i32
      %get3A_44 = arith.constant 0 : index
      %get3A_45 = arith.index_cast %multiple_of3A : i32 to index
      %get3A_46 = vector.load %arg2[%get3A_44, %get3A_45] : memref<64x4096xf32, #tpu.memory_space<vmem>>, vector<64x4096xf32>
      %dot_general3A_47 = arith.constant dense<0.000000e+00> : vector<512x4096xf32>
      %dot_general3A_48 = tpu.matmul %get3A_7, %get3A_46, %dot_general3A_47 {dimension_numbers = #tpu.dot_dimension_numbers<[1], [0], [0], [1], [0, 0, 1, 1], [], []>, transpose_lhs_hint = false} : vector<512x64xf32>, vector<64x4096xf32>, vector<512x4096xf32> -> vector<512x4096xf32>
      %mul3A_49 = arith.mulf %get3A_46, %get3A_46 : vector<64x4096xf32>
      %reduce_sum3A_50 = arith.constant dense<0.000000e+00> : vector<4096xf32>
      %reduce_sum3A_51 = vector.multi_reduction <add>, %mul3A_49, %reduce_sum3A_50 [0] : vector<64x4096xf32> to vector<4096xf32>
      %broadcast_in_dim3A_52 = vector.shape_cast %reduce_sum3A_51 : vector<4096xf32> to vector<1x4096xf32>
      %add3A_53 = vector.broadcast %broadcast_in_dim3A : vector<512x1xf32> to vector<512x4096xf32>
      %add3A_54 = vector.broadcast %broadcast_in_dim3A_52 : vector<1x4096xf32> to vector<512x4096xf32>
      %add3A_55 = arith.addf %add3A_53, %add3A_54 : vector<512x4096xf32>
      %mul3A_56 = arith.constant 2.000000e+00 : f32
      %mul3A_57 = vector.broadcast %mul3A_56 : f32 to vector<512x4096xf32>
      %mul3A_58 = arith.mulf %mul3A_57, %dot_general3A_48 : vector<512x4096xf32>
      %sub3A_59 = arith.subf %add3A_55, %mul3A_58 : vector<512x4096xf32>
      %iota3A = tpu.iota {dimensions = array<i32: 1>} : vector<512x4096xi32>
      %ge3A = vector.broadcast %sub3A_43 : i32 to vector<512x4096xi32>
      %ge3A_60 = arith.cmpi sge, %iota3A, %ge3A : vector<512x4096xi32>
      %mul3A_61 = arith.constant 128 : i32
      %mul3A_62 = arith.muli %get3A_4, %mul3A_61 : i32
      %add3A_63 = arith.addi %sub3A_43, %mul3A_62 : i32
      %lt3A = vector.broadcast %add3A_63 : i32 to vector<512x4096xi32>
      %lt3A_64 = arith.cmpi slt, %iota3A, %lt3A : vector<512x4096xi32>
      %and3A_65 = arith.andi %ge3A_60, %lt3A_64 : vector<512x4096xi1>
      %get3A_66 = arith.constant 0 : index
      %get3A_67 = arith.index_cast %multiple_of3A : i32 to index
      %get3A_68 = vector.load %arg4[%get3A_66, %get3A_67] : memref<1x4096xi32, #tpu.memory_space<vmem>>, vector<1x4096xi32>
      %eq3A = vector.broadcast %get3A_10 : vector<512x1xi32> to vector<512x4096xi32>
      %eq3A_69 = vector.broadcast %get3A_68 : vector<1x4096xi32> to vector<512x4096xi32>
      %eq3A_70 = arith.cmpi eq, %eq3A, %eq3A_69 : vector<512x4096xi32>
      %and3A_71 = arith.andi %and3A_65, %eq3A_70 : vector<512x4096xi1>
      %jit3A = arith.constant 1.000000e+30 : f32
      %broadcast_in_dim3A_72 = vector.broadcast %jit3A : f32 to vector<512x4096xf32>
      %select_n3A = arith.select %and3A_71, %sub3A_59, %broadcast_in_dim3A_72 : vector<512x4096xi1>, vector<512x4096xf32>
      %swap3A_73 = arith.constant 0 : index
      %swap3A_74 = arith.constant 0 : index
      %swap3A_75 = vector.load %arg11[%swap3A_73, %swap3A_74] : memref<512x4096xf32, #tpu.memory_space<vmem>>, vector<512x4096xf32>
      tpu.vector_store %arg11[%swap3A_73, %swap3A_74], %select_n3A {strides = array<i32>} : memref<512x4096xf32, #tpu.memory_space<vmem>>, vector<512x4096xf32>,
      %iota3A_76 = tpu.iota {dimensions = array<i32: 1>} : vector<512x4096xi32>
      %iota3A_77 = tpu.iota {dimensions = array<i32: 1>} : vector<512x16xi32>
      %broadcast_in_dim3A_78 = arith.constant 0 : i32
      %broadcast_in_dim3A_79 = vector.broadcast %broadcast_in_dim3A_78 : i32 to vector<512x16xi32>
      %scan3A = arith.constant 0 : i32
      %scan3A_80 = arith.constant 16 : i32
      %scan3A_81 = arith.addi %scan3A, %scan3A_80 : i32
      %scan3A_82 = arith.constant 1 : i32
      %scan3A_83 = scf.for %scan3A_93 = %scan3A to %scan3A_81 step %scan3A_82 iter_args(%scan3A_94 = %broadcast_in_dim3A_79) -> (vector<512x16xi32>)  : i32 {
        %get3A_95 = arith.constant 0 : index
        %get3A_96 = arith.constant 0 : index
        %get3A_97 = vector.load %arg11[%get3A_95, %get3A_96] : memref<512x4096xf32, #tpu.memory_space<vmem>>, vector<512x4096xf32>
        %reduce_min3A = arith.constant dense<0x7F800000> : vector<512xf32>
        %reduce_min3A_98 = vector.multi_reduction <minimumf>, %get3A_97, %reduce_min3A [1] : vector<512x4096xf32> to vector<512xf32>
        %broadcast_in_dim3A_99 = vector.shape_cast %reduce_min3A_98 : vector<512xf32> to vector<512x1xf32>
        %eq3A_100 = vector.broadcast %broadcast_in_dim3A_99 : vector<512x1xf32> to vector<512x4096xf32>
        %eq3A_101 = arith.cmpf oeq, %get3A_97, %eq3A_100 : vector<512x4096xf32>
        %jit3A_102 = arith.constant 4096 : i32
        %broadcast_in_dim3A_103 = vector.broadcast %jit3A_102 : i32 to vector<512x4096xi32>
        %select_n3A_104 = arith.select %eq3A_101, %iota3A_76, %broadcast_in_dim3A_103 : vector<512x4096xi1>, vector<512x4096xi32>
        %reduce_min3A_105 = arith.constant dense<2147483647> : vector<512xi32>
        %reduce_min3A_106 = vector.multi_reduction <minsi>, %select_n3A_104, %reduce_min3A_105 [1] : vector<512x4096xi32> to vector<512xi32>
        %broadcast_in_dim3A_107 = vector.shape_cast %reduce_min3A_106 : vector<512xi32> to vector<512x1xi32>
        %eq3A_108 = vector.broadcast %broadcast_in_dim3A_107 : vector<512x1xi32> to vector<512x4096xi32>
        %eq3A_109 = arith.cmpi eq, %iota3A_76, %eq3A_108 : vector<512x4096xi32>
        %jit3A_110 = arith.constant 2.000000e+30 : f32
        %broadcast_in_dim3A_111 = vector.broadcast %jit3A_110 : f32 to vector<512x4096xf32>
        %select_n3A_112 = arith.select %eq3A_109, %broadcast_in_dim3A_111, %get3A_97 : vector<512x4096xi1>, vector<512x4096xf32>
        %swap3A_113 = arith.constant 0 : index
        %swap3A_114 = arith.constant 0 : index
        %swap3A_115 = vector.load %arg11[%swap3A_113, %swap3A_114] : memref<512x4096xf32, #tpu.memory_space<vmem>>, vector<512x4096xf32>
        tpu.vector_store %arg11[%swap3A_113, %swap3A_114], %select_n3A_112 {strides = array<i32>} : memref<512x4096xf32, #tpu.memory_space<vmem>>, vector<512x4096xf32>,
        %eq3A_116 = vector.broadcast %scan3A_93 : i32 to vector<512x16xi32>
        %eq3A_117 = arith.cmpi eq, %iota3A_77, %eq3A_116 : vector<512x16xi32>
        %broadcast_in_dim3A_118 = vector.shape_cast %broadcast_in_dim3A_107 : vector<512x1xi32> to vector<512x1xi32>
        %broadcast_in_dim3A_119 = vector.broadcast %broadcast_in_dim3A_118 : vector<512x1xi32> to vector<512x16xi32>
        %select_n3A_120 = arith.select %eq3A_117, %broadcast_in_dim3A_119, %scan3A_94 : vector<512x16xi1>, vector<512x16xi32>
        scf.yield %select_n3A_120 : vector<512x16xi32>
      }
      %scan3A_84 = arith.constant 16 : i32
      %add3A_85 = vector.broadcast %multiple_of3A : i32 to vector<512x16xi32>
      %add3A_86 = arith.addi %scan3A_83, %add3A_85 : vector<512x16xi32>
      %min3A_87 = arith.constant 4095 : i32
      %min3A_88 = vector.broadcast %min3A_87 : i32 to vector<512x16xi32>
      %min3A_89 = arith.minsi %add3A_86, %min3A_88 : vector<512x16xi32>
      %swap3A_90 = arith.constant 0 : index
      %swap3A_91 = arith.constant 0 : index
      %swap3A_92 = vector.load %arg8[%swap3A_90, %swap3A_91] : memref<512x16xi32, #tpu.memory_space<vmem>>, vector<512x16xi32>
      tpu.vector_store %arg8[%swap3A_90, %swap3A_91], %min3A_89 {strides = array<i32>} : memref<512x16xi32, #tpu.memory_space<vmem>>, vector<512x16xi32>,
    } else {
    }
    %get3A_25 = arith.constant 0 : index
    %get3A_26 = arith.constant 0 : index
    %get3A_27 = vector.load %arg6[%get3A_25, %get3A_26] : memref<128x64xf32, #tpu.memory_space<vmem>>, vector<128x64xf32>
    %slice3A = vector.extract_strided_slice %get3A_27 {offsets = [0, 0], sizes = [64, 64], strides = [1, 1]} : vector<128x64xf32> to vector<64x64xf32>
    %slice3A_28 = vector.extract_strided_slice %get3A_27 {offsets = [64, 0], sizes = [64, 64], strides = [1, 1]} : vector<128x64xf32> to vector<64x64xf32>
    %sub3A = arith.subf %slice3A, %slice3A_28 : vector<64x64xf32>
    %slice3A_29 = vector.extract_strided_slice %get3A_27 {offsets = [64, 0], sizes = [64, 64], strides = [1, 1]} : vector<128x64xf32> to vector<64x64xf32>
    %dot_general3A = arith.constant dense<0.000000e+00> : vector<512x64xf32>
    %dot_general3A_30 = tpu.matmul %get3A_7, %sub3A, %dot_general3A {dimension_numbers = #tpu.dot_dimension_numbers<[1], [0], [0], [1], [0, 0, 1, 1], [], []>, transpose_lhs_hint = false} : vector<512x64xf32>, vector<64x64xf32>, vector<512x64xf32> -> vector<512x64xf32>
    %get3A_31 = arith.constant 0 : index
    %get3A_32 = arith.constant 0 : index
    %get3A_33 = vector.load %arg7[%get3A_31, %get3A_32] : memref<1x64xf32, #tpu.memory_space<vmem>>, vector<1x64xf32>
    %add3A = vector.broadcast %get3A_33 : vector<1x64xf32> to vector<512x64xf32>
    %add3A_34 = arith.addf %dot_general3A_30, %add3A : vector<512x64xf32>
    %swap3A = arith.constant 0 : index
    %swap3A_35 = arith.constant 0 : index
    %swap3A_36 = vector.load %arg9[%swap3A, %swap3A_35] : memref<512x64xf32, #tpu.memory_space<vmem>>, vector<512x64xf32>
    tpu.vector_store %arg9[%swap3A, %swap3A_35], %add3A_34 {strides = array<i32>} : memref<512x64xf32, #tpu.memory_space<vmem>>, vector<512x64xf32>,
    %dot_general3A_37 = arith.constant dense<0.000000e+00> : vector<512x64xf32>
    %dot_general3A_38 = tpu.matmul %get3A_7, %slice3A_29, %dot_general3A_37 {dimension_numbers = #tpu.dot_dimension_numbers<[1], [0], [0], [1], [0, 0, 1, 1], [], []>, transpose_lhs_hint = false} : vector<512x64xf32>, vector<64x64xf32>, vector<512x64xf32> -> vector<512x64xf32>
    %swap3A_39 = arith.constant 0 : index
    %swap3A_40 = arith.constant 0 : index
    %swap3A_41 = vector.load %arg10[%swap3A_39, %swap3A_40] : memref<512x64xf32, #tpu.memory_space<vmem>>, vector<512x64xf32>
    tpu.vector_store %arg10[%swap3A_39, %swap3A_40], %dot_general3A_38 {strides = array<i32>} : memref<512x64xf32, #tpu.memory_space<vmem>>, vector<512x64xf32>,
    return
  }
  func.func @transform_0(%arg0: i32) -> (i32, i32) {
    %c0_i32 = arith.constant 0 : i32
    %c0_i32_0 = arith.constant 0 : i32
    return %arg0, %c0_i32 : i32, i32
  }
  func.func @transform_1(%arg0: i32) -> (i32, i32) {
    %c0_i32 = arith.constant 0 : i32
    %c0_i32_0 = arith.constant 0 : i32
    %c0_i32_1 = arith.constant 0 : i32
    return %c0_i32, %c0_i32_0 : i32, i32
  }
  func.func @transform_2(%arg0: i32) -> (i32, i32) {
    %c0_i32 = arith.constant 0 : i32
    %c0_i32_0 = arith.constant 0 : i32
    return %arg0, %c0_i32 : i32, i32
  }
  func.func @transform_3(%arg0: i32) -> (i32, i32) {
    %c0_i32 = arith.constant 0 : i32
    %c0_i32_0 = arith.constant 0 : i32
    %c0_i32_1 = arith.constant 0 : i32
    return %c0_i32, %c0_i32_0 : i32, i32
  }
  func.func @transform_4(%arg0: i32) -> (i32, i32) {
    %c0_i32 = arith.constant 0 : i32
    %c0_i32_0 = arith.constant 0 : i32
    %c0_i32_1 = arith.constant 0 : i32
    return %c0_i32, %c0_i32_0 : i32, i32
  }
  func.func @transform_5(%arg0: i32) -> (i32, i32) {
    %c0_i32 = arith.constant 0 : i32
    %c0_i32_0 = arith.constant 0 : i32
    %c0_i32_1 = arith.constant 0 : i32
    return %c0_i32, %c0_i32_0 : i32, i32
  }
  func.func @transform_6(%arg0: i32) -> (i32, i32) {
    %c0_i32 = arith.constant 0 : i32
    %c0_i32_0 = arith.constant 0 : i32
    %c0_i32_1 = arith.constant 0 : i32
    return %c0_i32, %c0_i32_0 : i32, i32
  }
  func.func @transform_7(%arg0: i32) -> (i32, i32) {
    %c0_i32 = arith.constant 0 : i32
    %c0_i32_0 = arith.constant 0 : i32
    return %arg0, %c0_i32 : i32, i32
  }
  func.func @transform_8(%arg0: i32) -> (i32, i32) {
    %c0_i32 = arith.constant 0 : i32
    %c0_i32_0 = arith.constant 0 : i32
    return %arg0, %c0_i32 : i32, i32
  }
  func.func @transform_9(%arg0: i32) -> (i32, i32) {
    %c0_i32 = arith.constant 0 : i32
    %c0_i32_0 = arith.constant 0 : i32
    return %arg0, %c0_i32 : i32, i32
  }
}

module attributes {stable_mosaic.version = 14 : i64} {
  func.func @_bn_body(%arg0: i32, %arg1: memref<512x1024xf32, #tpu.memory_space<vmem>>, %arg2: memref<512x64xf32, #tpu.memory_space<vmem>>, %arg3: memref<1x64xf32, #tpu.memory_space<vmem>>, %arg4: memref<1x64xf32, #tpu.memory_space<vmem>>, %arg5: memref<64x64xf32, #tpu.memory_space<vmem>>, %arg6: memref<1x64xf32, #tpu.memory_space<vmem>>, %arg7: memref<512x64xf32, #tpu.memory_space<vmem>>, %arg8: memref<64x512xf32, #tpu.memory_space<vmem>>, %arg9: memref<8x128xf32, #tpu.memory_space<vmem>>, %arg10: memref<8192x64xf32, #tpu.memory_space<vmem>>) attributes {dimension_semantics = [#tpu.dimension_semantics<arbitrary>], iteration_bounds = array<i64: 16>, scalar_prefetch = 0 : i64, scratch_operands = 2 : i64, tpu.core_type = #tpu.core_type<tc>, window_params = [{transform_indices = @transform_0, window_bounds = array<i64: 512, 1024>}, {transform_indices = @transform_1, window_bounds = array<i64: 512, 64>}, {pipeline_mode = #tpu.pipeline_mode<synchronous>, transform_indices = @transform_2, window_bounds = array<i64: 1, 64>}, {pipeline_mode = #tpu.pipeline_mode<synchronous>, transform_indices = @transform_3, window_bounds = array<i64: 1, 64>}, {pipeline_mode = #tpu.pipeline_mode<synchronous>, transform_indices = @transform_4, window_bounds = array<i64: 64, 64>}, {pipeline_mode = #tpu.pipeline_mode<synchronous>, transform_indices = @transform_5, window_bounds = array<i64: 1, 64>}, {transform_indices = @transform_6, window_bounds = array<i64: 512, 64>}, {transform_indices = @transform_7, window_bounds = array<i64: 64, 512>}]} {
    %eq3A = arith.constant 0 : i32
    %eq3A_0 = arith.cmpi eq, %arg0, %eq3A : i32
    %convert_element_type3A = arith.extui %eq3A_0 : i1 to i32
    %cond3A = arith.constant 0 : i32
    %cond3A_1 = arith.cmpi ne, %convert_element_type3A, %cond3A : i32
    scf.if %cond3A_1 {
      %broadcast_in_dim3A = arith.constant 0.000000e+00 : f32
      %broadcast_in_dim3A_10 = vector.broadcast %broadcast_in_dim3A : f32 to vector<8x128xf32>
      %swap3A = arith.constant 0 : index
      %swap3A_11 = arith.constant 0 : index
      %swap3A_12 = vector.load %arg9[%swap3A, %swap3A_11] : memref<8x128xf32, #tpu.memory_space<vmem>>, vector<8x128xf32>
      tpu.vector_store %arg9[%swap3A, %swap3A_11], %broadcast_in_dim3A_10 {strides = array<i32>} : memref<8x128xf32, #tpu.memory_space<vmem>>, vector<8x128xf32>,
    } else {
    }
    %lt3A = arith.constant 8 : i32
    %lt3A_2 = arith.cmpi slt, %arg0, %lt3A : i32
    %convert_element_type3A_3 = arith.extui %lt3A_2 : i1 to i32
    %cond3A_4 = arith.constant 0 : i32
    %cond3A_5 = arith.cmpi ne, %convert_element_type3A_3, %cond3A_4 : i32
    scf.if %cond3A_5 {
      %get3A = arith.constant 0 : index
      %get3A_10 = arith.constant 0 : index
      %get3A_11 = vector.load %arg2[%get3A, %get3A_10] : memref<512x64xf32, #tpu.memory_space<vmem>>, vector<512x64xf32>
      %broadcast_in_dim3A = arith.constant 0.000000e+00 : f32
      %broadcast_in_dim3A_12 = vector.broadcast %broadcast_in_dim3A : f32 to vector<1x64xf32>
      %broadcast_in_dim3A_13 = arith.constant 0.000000e+00 : f32
      %broadcast_in_dim3A_14 = vector.broadcast %broadcast_in_dim3A_13 : f32 to vector<1x64xf32>
      %get3A_15 = arith.constant 0 : index
      %get3A_16 = arith.constant 0 : index
      %get3A_17 = vector.load %arg1[%get3A_15, %get3A_16] : memref<512x1024xf32, #tpu.memory_space<vmem>>, vector<512x64xf32>
      %add3A = arith.addf %get3A_11, %get3A_17 : vector<512x64xf32>
      %reduce_sum3A = arith.constant dense<0.000000e+00> : vector<64xf32>
      %reduce_sum3A_18 = vector.multi_reduction <add>, %add3A, %reduce_sum3A [0] : vector<512x64xf32> to vector<64xf32>
      %broadcast_in_dim3A_19 = vector.shape_cast %reduce_sum3A_18 : vector<64xf32> to vector<1x64xf32>
      %add3A_20 = arith.addf %broadcast_in_dim3A_12, %broadcast_in_dim3A_19 : vector<1x64xf32>
      %mul3A = arith.mulf %add3A, %add3A : vector<512x64xf32>
      %reduce_sum3A_21 = arith.constant dense<0.000000e+00> : vector<64xf32>
      %reduce_sum3A_22 = vector.multi_reduction <add>, %mul3A, %reduce_sum3A_21 [0] : vector<512x64xf32> to vector<64xf32>
      %broadcast_in_dim3A_23 = vector.shape_cast %reduce_sum3A_22 : vector<64xf32> to vector<1x64xf32>
      %add3A_24 = arith.addf %broadcast_in_dim3A_14, %broadcast_in_dim3A_23 : vector<1x64xf32>
      %get3A_25 = arith.constant 0 : index
      %get3A_26 = arith.constant 64 : index
      %get3A_27 = vector.load %arg1[%get3A_25, %get3A_26] : memref<512x1024xf32, #tpu.memory_space<vmem>>, vector<512x64xf32>
      %add3A_28 = arith.addf %get3A_11, %get3A_27 : vector<512x64xf32>
      %reduce_sum3A_29 = arith.constant dense<0.000000e+00> : vector<64xf32>
      %reduce_sum3A_30 = vector.multi_reduction <add>, %add3A_28, %reduce_sum3A_29 [0] : vector<512x64xf32> to vector<64xf32>
      %broadcast_in_dim3A_31 = vector.shape_cast %reduce_sum3A_30 : vector<64xf32> to vector<1x64xf32>
      %add3A_32 = arith.addf %add3A_20, %broadcast_in_dim3A_31 : vector<1x64xf32>
      %mul3A_33 = arith.mulf %add3A_28, %add3A_28 : vector<512x64xf32>
      %reduce_sum3A_34 = arith.constant dense<0.000000e+00> : vector<64xf32>
      %reduce_sum3A_35 = vector.multi_reduction <add>, %mul3A_33, %reduce_sum3A_34 [0] : vector<512x64xf32> to vector<64xf32>
      %broadcast_in_dim3A_36 = vector.shape_cast %reduce_sum3A_35 : vector<64xf32> to vector<1x64xf32>
      %add3A_37 = arith.addf %add3A_24, %broadcast_in_dim3A_36 : vector<1x64xf32>
      %get3A_38 = arith.constant 0 : index
      %get3A_39 = arith.constant 128 : index
      %get3A_40 = vector.load %arg1[%get3A_38, %get3A_39] : memref<512x1024xf32, #tpu.memory_space<vmem>>, vector<512x64xf32>
      %add3A_41 = arith.addf %get3A_11, %get3A_40 : vector<512x64xf32>
      %reduce_sum3A_42 = arith.constant dense<0.000000e+00> : vector<64xf32>
      %reduce_sum3A_43 = vector.multi_reduction <add>, %add3A_41, %reduce_sum3A_42 [0] : vector<512x64xf32> to vector<64xf32>
      %broadcast_in_dim3A_44 = vector.shape_cast %reduce_sum3A_43 : vector<64xf32> to vector<1x64xf32>
      %add3A_45 = arith.addf %add3A_32, %broadcast_in_dim3A_44 : vector<1x64xf32>
      %mul3A_46 = arith.mulf %add3A_41, %add3A_41 : vector<512x64xf32>
      %reduce_sum3A_47 = arith.constant dense<0.000000e+00> : vector<64xf32>
      %reduce_sum3A_48 = vector.multi_reduction <add>, %mul3A_46, %reduce_sum3A_47 [0] : vector<512x64xf32> to vector<64xf32>
      %broadcast_in_dim3A_49 = vector.shape_cast %reduce_sum3A_48 : vector<64xf32> to vector<1x64xf32>
      %add3A_50 = arith.addf %add3A_37, %broadcast_in_dim3A_49 : vector<1x64xf32>
      %get3A_51 = arith.constant 0 : index
      %get3A_52 = arith.constant 192 : index
      %get3A_53 = vector.load %arg1[%get3A_51, %get3A_52] : memref<512x1024xf32, #tpu.memory_space<vmem>>, vector<512x64xf32>
      %add3A_54 = arith.addf %get3A_11, %get3A_53 : vector<512x64xf32>
      %reduce_sum3A_55 = arith.constant dense<0.000000e+00> : vector<64xf32>
      %reduce_sum3A_56 = vector.multi_reduction <add>, %add3A_54, %reduce_sum3A_55 [0] : vector<512x64xf32> to vector<64xf32>
      %broadcast_in_dim3A_57 = vector.shape_cast %reduce_sum3A_56 : vector<64xf32> to vector<1x64xf32>
      %add3A_58 = arith.addf %add3A_45, %broadcast_in_dim3A_57 : vector<1x64xf32>
      %mul3A_59 = arith.mulf %add3A_54, %add3A_54 : vector<512x64xf32>
      %reduce_sum3A_60 = arith.constant dense<0.000000e+00> : vector<64xf32>
      %reduce_sum3A_61 = vector.multi_reduction <add>, %mul3A_59, %reduce_sum3A_60 [0] : vector<512x64xf32> to vector<64xf32>
      %broadcast_in_dim3A_62 = vector.shape_cast %reduce_sum3A_61 : vector<64xf32> to vector<1x64xf32>
      %add3A_63 = arith.addf %add3A_50, %broadcast_in_dim3A_62 : vector<1x64xf32>
      %get3A_64 = arith.constant 0 : index
      %get3A_65 = arith.constant 256 : index
      %get3A_66 = vector.load %arg1[%get3A_64, %get3A_65] : memref<512x1024xf32, #tpu.memory_space<vmem>>, vector<512x64xf32>
      %add3A_67 = arith.addf %get3A_11, %get3A_66 : vector<512x64xf32>
      %reduce_sum3A_68 = arith.constant dense<0.000000e+00> : vector<64xf32>
      %reduce_sum3A_69 = vector.multi_reduction <add>, %add3A_67, %reduce_sum3A_68 [0] : vector<512x64xf32> to vector<64xf32>
      %broadcast_in_dim3A_70 = vector.shape_cast %reduce_sum3A_69 : vector<64xf32> to vector<1x64xf32>
      %add3A_71 = arith.addf %add3A_58, %broadcast_in_dim3A_70 : vector<1x64xf32>
      %mul3A_72 = arith.mulf %add3A_67, %add3A_67 : vector<512x64xf32>
      %reduce_sum3A_73 = arith.constant dense<0.000000e+00> : vector<64xf32>
      %reduce_sum3A_74 = vector.multi_reduction <add>, %mul3A_72, %reduce_sum3A_73 [0] : vector<512x64xf32> to vector<64xf32>
      %broadcast_in_dim3A_75 = vector.shape_cast %reduce_sum3A_74 : vector<64xf32> to vector<1x64xf32>
      %add3A_76 = arith.addf %add3A_63, %broadcast_in_dim3A_75 : vector<1x64xf32>
      %get3A_77 = arith.constant 0 : index
      %get3A_78 = arith.constant 320 : index
      %get3A_79 = vector.load %arg1[%get3A_77, %get3A_78] : memref<512x1024xf32, #tpu.memory_space<vmem>>, vector<512x64xf32>
      %add3A_80 = arith.addf %get3A_11, %get3A_79 : vector<512x64xf32>
      %reduce_sum3A_81 = arith.constant dense<0.000000e+00> : vector<64xf32>
      %reduce_sum3A_82 = vector.multi_reduction <add>, %add3A_80, %reduce_sum3A_81 [0] : vector<512x64xf32> to vector<64xf32>
      %broadcast_in_dim3A_83 = vector.shape_cast %reduce_sum3A_82 : vector<64xf32> to vector<1x64xf32>
      %add3A_84 = arith.addf %add3A_71, %broadcast_in_dim3A_83 : vector<1x64xf32>
      %mul3A_85 = arith.mulf %add3A_80, %add3A_80 : vector<512x64xf32>
      %reduce_sum3A_86 = arith.constant dense<0.000000e+00> : vector<64xf32>
      %reduce_sum3A_87 = vector.multi_reduction <add>, %mul3A_85, %reduce_sum3A_86 [0] : vector<512x64xf32> to vector<64xf32>
      %broadcast_in_dim3A_88 = vector.shape_cast %reduce_sum3A_87 : vector<64xf32> to vector<1x64xf32>
      %add3A_89 = arith.addf %add3A_76, %broadcast_in_dim3A_88 : vector<1x64xf32>
      %get3A_90 = arith.constant 0 : index
      %get3A_91 = arith.constant 384 : index
      %get3A_92 = vector.load %arg1[%get3A_90, %get3A_91] : memref<512x1024xf32, #tpu.memory_space<vmem>>, vector<512x64xf32>
      %add3A_93 = arith.addf %get3A_11, %get3A_92 : vector<512x64xf32>
      %reduce_sum3A_94 = arith.constant dense<0.000000e+00> : vector<64xf32>
      %reduce_sum3A_95 = vector.multi_reduction <add>, %add3A_93, %reduce_sum3A_94 [0] : vector<512x64xf32> to vector<64xf32>
      %broadcast_in_dim3A_96 = vector.shape_cast %reduce_sum3A_95 : vector<64xf32> to vector<1x64xf32>
      %add3A_97 = arith.addf %add3A_84, %broadcast_in_dim3A_96 : vector<1x64xf32>
      %mul3A_98 = arith.mulf %add3A_93, %add3A_93 : vector<512x64xf32>
      %reduce_sum3A_99 = arith.constant dense<0.000000e+00> : vector<64xf32>
      %reduce_sum3A_100 = vector.multi_reduction <add>, %mul3A_98, %reduce_sum3A_99 [0] : vector<512x64xf32> to vector<64xf32>
      %broadcast_in_dim3A_101 = vector.shape_cast %reduce_sum3A_100 : vector<64xf32> to vector<1x64xf32>
      %add3A_102 = arith.addf %add3A_89, %broadcast_in_dim3A_101 : vector<1x64xf32>
      %get3A_103 = arith.constant 0 : index
      %get3A_104 = arith.constant 448 : index
      %get3A_105 = vector.load %arg1[%get3A_103, %get3A_104] : memref<512x1024xf32, #tpu.memory_space<vmem>>, vector<512x64xf32>
      %add3A_106 = arith.addf %get3A_11, %get3A_105 : vector<512x64xf32>
      %reduce_sum3A_107 = arith.constant dense<0.000000e+00> : vector<64xf32>
      %reduce_sum3A_108 = vector.multi_reduction <add>, %add3A_106, %reduce_sum3A_107 [0] : vector<512x64xf32> to vector<64xf32>
      %broadcast_in_dim3A_109 = vector.shape_cast %reduce_sum3A_108 : vector<64xf32> to vector<1x64xf32>
      %add3A_110 = arith.addf %add3A_97, %broadcast_in_dim3A_109 : vector<1x64xf32>
      %mul3A_111 = arith.mulf %add3A_106, %add3A_106 : vector<512x64xf32>
      %reduce_sum3A_112 = arith.constant dense<0.000000e+00> : vector<64xf32>
      %reduce_sum3A_113 = vector.multi_reduction <add>, %mul3A_111, %reduce_sum3A_112 [0] : vector<512x64xf32> to vector<64xf32>
      %broadcast_in_dim3A_114 = vector.shape_cast %reduce_sum3A_113 : vector<64xf32> to vector<1x64xf32>
      %add3A_115 = arith.addf %add3A_102, %broadcast_in_dim3A_114 : vector<1x64xf32>
      %get3A_116 = arith.constant 0 : index
      %get3A_117 = arith.constant 512 : index
      %get3A_118 = vector.load %arg1[%get3A_116, %get3A_117] : memref<512x1024xf32, #tpu.memory_space<vmem>>, vector<512x64xf32>
      %add3A_119 = arith.addf %get3A_11, %get3A_118 : vector<512x64xf32>
      %reduce_sum3A_120 = arith.constant dense<0.000000e+00> : vector<64xf32>
      %reduce_sum3A_121 = vector.multi_reduction <add>, %add3A_119, %reduce_sum3A_120 [0] : vector<512x64xf32> to vector<64xf32>
      %broadcast_in_dim3A_122 = vector.shape_cast %reduce_sum3A_121 : vector<64xf32> to vector<1x64xf32>
      %add3A_123 = arith.addf %add3A_110, %broadcast_in_dim3A_122 : vector<1x64xf32>
      %mul3A_124 = arith.mulf %add3A_119, %add3A_119 : vector<512x64xf32>
      %reduce_sum3A_125 = arith.constant dense<0.000000e+00> : vector<64xf32>
      %reduce_sum3A_126 = vector.multi_reduction <add>, %mul3A_124, %reduce_sum3A_125 [0] : vector<512x64xf32> to vector<64xf32>
      %broadcast_in_dim3A_127 = vector.shape_cast %reduce_sum3A_126 : vector<64xf32> to vector<1x64xf32>
      %add3A_128 = arith.addf %add3A_115, %broadcast_in_dim3A_127 : vector<1x64xf32>
      %get3A_129 = arith.constant 0 : index
      %get3A_130 = arith.constant 576 : index
      %get3A_131 = vector.load %arg1[%get3A_129, %get3A_130] : memref<512x1024xf32, #tpu.memory_space<vmem>>, vector<512x64xf32>
      %add3A_132 = arith.addf %get3A_11, %get3A_131 : vector<512x64xf32>
      %reduce_sum3A_133 = arith.constant dense<0.000000e+00> : vector<64xf32>
      %reduce_sum3A_134 = vector.multi_reduction <add>, %add3A_132, %reduce_sum3A_133 [0] : vector<512x64xf32> to vector<64xf32>
      %broadcast_in_dim3A_135 = vector.shape_cast %reduce_sum3A_134 : vector<64xf32> to vector<1x64xf32>
      %add3A_136 = arith.addf %add3A_123, %broadcast_in_dim3A_135 : vector<1x64xf32>
      %mul3A_137 = arith.mulf %add3A_132, %add3A_132 : vector<512x64xf32>
      %reduce_sum3A_138 = arith.constant dense<0.000000e+00> : vector<64xf32>
      %reduce_sum3A_139 = vector.multi_reduction <add>, %mul3A_137, %reduce_sum3A_138 [0] : vector<512x64xf32> to vector<64xf32>
      %broadcast_in_dim3A_140 = vector.shape_cast %reduce_sum3A_139 : vector<64xf32> to vector<1x64xf32>
      %add3A_141 = arith.addf %add3A_128, %broadcast_in_dim3A_140 : vector<1x64xf32>
      %get3A_142 = arith.constant 0 : index
      %get3A_143 = arith.constant 640 : index
      %get3A_144 = vector.load %arg1[%get3A_142, %get3A_143] : memref<512x1024xf32, #tpu.memory_space<vmem>>, vector<512x64xf32>
      %add3A_145 = arith.addf %get3A_11, %get3A_144 : vector<512x64xf32>
      %reduce_sum3A_146 = arith.constant dense<0.000000e+00> : vector<64xf32>
      %reduce_sum3A_147 = vector.multi_reduction <add>, %add3A_145, %reduce_sum3A_146 [0] : vector<512x64xf32> to vector<64xf32>
      %broadcast_in_dim3A_148 = vector.shape_cast %reduce_sum3A_147 : vector<64xf32> to vector<1x64xf32>
      %add3A_149 = arith.addf %add3A_136, %broadcast_in_dim3A_148 : vector<1x64xf32>
      %mul3A_150 = arith.mulf %add3A_145, %add3A_145 : vector<512x64xf32>
      %reduce_sum3A_151 = arith.constant dense<0.000000e+00> : vector<64xf32>
      %reduce_sum3A_152 = vector.multi_reduction <add>, %mul3A_150, %reduce_sum3A_151 [0] : vector<512x64xf32> to vector<64xf32>
      %broadcast_in_dim3A_153 = vector.shape_cast %reduce_sum3A_152 : vector<64xf32> to vector<1x64xf32>
      %add3A_154 = arith.addf %add3A_141, %broadcast_in_dim3A_153 : vector<1x64xf32>
      %get3A_155 = arith.constant 0 : index
      %get3A_156 = arith.constant 704 : index
      %get3A_157 = vector.load %arg1[%get3A_155, %get3A_156] : memref<512x1024xf32, #tpu.memory_space<vmem>>, vector<512x64xf32>
      %add3A_158 = arith.addf %get3A_11, %get3A_157 : vector<512x64xf32>
      %reduce_sum3A_159 = arith.constant dense<0.000000e+00> : vector<64xf32>
      %reduce_sum3A_160 = vector.multi_reduction <add>, %add3A_158, %reduce_sum3A_159 [0] : vector<512x64xf32> to vector<64xf32>
      %broadcast_in_dim3A_161 = vector.shape_cast %reduce_sum3A_160 : vector<64xf32> to vector<1x64xf32>
      %add3A_162 = arith.addf %add3A_149, %broadcast_in_dim3A_161 : vector<1x64xf32>
      %mul3A_163 = arith.mulf %add3A_158, %add3A_158 : vector<512x64xf32>
      %reduce_sum3A_164 = arith.constant dense<0.000000e+00> : vector<64xf32>
      %reduce_sum3A_165 = vector.multi_reduction <add>, %mul3A_163, %reduce_sum3A_164 [0] : vector<512x64xf32> to vector<64xf32>
      %broadcast_in_dim3A_166 = vector.shape_cast %reduce_sum3A_165 : vector<64xf32> to vector<1x64xf32>
      %add3A_167 = arith.addf %add3A_154, %broadcast_in_dim3A_166 : vector<1x64xf32>
      %get3A_168 = arith.constant 0 : index
      %get3A_169 = arith.constant 768 : index
      %get3A_170 = vector.load %arg1[%get3A_168, %get3A_169] : memref<512x1024xf32, #tpu.memory_space<vmem>>, vector<512x64xf32>
      %add3A_171 = arith.addf %get3A_11, %get3A_170 : vector<512x64xf32>
      %reduce_sum3A_172 = arith.constant dense<0.000000e+00> : vector<64xf32>
      %reduce_sum3A_173 = vector.multi_reduction <add>, %add3A_171, %reduce_sum3A_172 [0] : vector<512x64xf32> to vector<64xf32>
      %broadcast_in_dim3A_174 = vector.shape_cast %reduce_sum3A_173 : vector<64xf32> to vector<1x64xf32>
      %add3A_175 = arith.addf %add3A_162, %broadcast_in_dim3A_174 : vector<1x64xf32>
      %mul3A_176 = arith.mulf %add3A_171, %add3A_171 : vector<512x64xf32>
      %reduce_sum3A_177 = arith.constant dense<0.000000e+00> : vector<64xf32>
      %reduce_sum3A_178 = vector.multi_reduction <add>, %mul3A_176, %reduce_sum3A_177 [0] : vector<512x64xf32> to vector<64xf32>
      %broadcast_in_dim3A_179 = vector.shape_cast %reduce_sum3A_178 : vector<64xf32> to vector<1x64xf32>
      %add3A_180 = arith.addf %add3A_167, %broadcast_in_dim3A_179 : vector<1x64xf32>
      %get3A_181 = arith.constant 0 : index
      %get3A_182 = arith.constant 832 : index
      %get3A_183 = vector.load %arg1[%get3A_181, %get3A_182] : memref<512x1024xf32, #tpu.memory_space<vmem>>, vector<512x64xf32>
      %add3A_184 = arith.addf %get3A_11, %get3A_183 : vector<512x64xf32>
      %reduce_sum3A_185 = arith.constant dense<0.000000e+00> : vector<64xf32>
      %reduce_sum3A_186 = vector.multi_reduction <add>, %add3A_184, %reduce_sum3A_185 [0] : vector<512x64xf32> to vector<64xf32>
      %broadcast_in_dim3A_187 = vector.shape_cast %reduce_sum3A_186 : vector<64xf32> to vector<1x64xf32>
      %add3A_188 = arith.addf %add3A_175, %broadcast_in_dim3A_187 : vector<1x64xf32>
      %mul3A_189 = arith.mulf %add3A_184, %add3A_184 : vector<512x64xf32>
      %reduce_sum3A_190 = arith.constant dense<0.000000e+00> : vector<64xf32>
      %reduce_sum3A_191 = vector.multi_reduction <add>, %mul3A_189, %reduce_sum3A_190 [0] : vector<512x64xf32> to vector<64xf32>
      %broadcast_in_dim3A_192 = vector.shape_cast %reduce_sum3A_191 : vector<64xf32> to vector<1x64xf32>
      %add3A_193 = arith.addf %add3A_180, %broadcast_in_dim3A_192 : vector<1x64xf32>
      %get3A_194 = arith.constant 0 : index
      %get3A_195 = arith.constant 896 : index
      %get3A_196 = vector.load %arg1[%get3A_194, %get3A_195] : memref<512x1024xf32, #tpu.memory_space<vmem>>, vector<512x64xf32>
      %add3A_197 = arith.addf %get3A_11, %get3A_196 : vector<512x64xf32>
      %reduce_sum3A_198 = arith.constant dense<0.000000e+00> : vector<64xf32>
      %reduce_sum3A_199 = vector.multi_reduction <add>, %add3A_197, %reduce_sum3A_198 [0] : vector<512x64xf32> to vector<64xf32>
      %broadcast_in_dim3A_200 = vector.shape_cast %reduce_sum3A_199 : vector<64xf32> to vector<1x64xf32>
      %add3A_201 = arith.addf %add3A_188, %broadcast_in_dim3A_200 : vector<1x64xf32>
      %mul3A_202 = arith.mulf %add3A_197, %add3A_197 : vector<512x64xf32>
      %reduce_sum3A_203 = arith.constant dense<0.000000e+00> : vector<64xf32>
      %reduce_sum3A_204 = vector.multi_reduction <add>, %mul3A_202, %reduce_sum3A_203 [0] : vector<512x64xf32> to vector<64xf32>
      %broadcast_in_dim3A_205 = vector.shape_cast %reduce_sum3A_204 : vector<64xf32> to vector<1x64xf32>
      %add3A_206 = arith.addf %add3A_193, %broadcast_in_dim3A_205 : vector<1x64xf32>
      %get3A_207 = arith.constant 0 : index
      %get3A_208 = arith.constant 960 : index
      %get3A_209 = vector.load %arg1[%get3A_207, %get3A_208] : memref<512x1024xf32, #tpu.memory_space<vmem>>, vector<512x64xf32>
      %add3A_210 = arith.addf %get3A_11, %get3A_209 : vector<512x64xf32>
      %reduce_sum3A_211 = arith.constant dense<0.000000e+00> : vector<64xf32>
      %reduce_sum3A_212 = vector.multi_reduction <add>, %add3A_210, %reduce_sum3A_211 [0] : vector<512x64xf32> to vector<64xf32>
      %broadcast_in_dim3A_213 = vector.shape_cast %reduce_sum3A_212 : vector<64xf32> to vector<1x64xf32>
      %add3A_214 = arith.addf %add3A_201, %broadcast_in_dim3A_213 : vector<1x64xf32>
      %mul3A_215 = arith.mulf %add3A_210, %add3A_210 : vector<512x64xf32>
      %reduce_sum3A_216 = arith.constant dense<0.000000e+00> : vector<64xf32>
      %reduce_sum3A_217 = vector.multi_reduction <add>, %mul3A_215, %reduce_sum3A_216 [0] : vector<512x64xf32> to vector<64xf32>
      %broadcast_in_dim3A_218 = vector.shape_cast %reduce_sum3A_217 : vector<64xf32> to vector<1x64xf32>
      %add3A_219 = arith.addf %add3A_206, %broadcast_in_dim3A_218 : vector<1x64xf32>
      %get3A_220 = arith.constant 0 : index
      %get3A_221 = arith.constant 0 : index
      %get3A_222 = vector.load %arg9[%get3A_220, %get3A_221] : memref<8x128xf32, #tpu.memory_space<vmem>>, vector<1x64xf32>
      %add3A_223 = arith.addf %get3A_222, %add3A_214 : vector<1x64xf32>
      %swap3A = arith.constant 0 : index
      %swap3A_224 = arith.constant 0 : index
      %swap3A_225 = vector.load %arg9[%swap3A, %swap3A_224] : memref<8x128xf32, #tpu.memory_space<vmem>>, vector<1x64xf32>
      tpu.vector_store %arg9[%swap3A, %swap3A_224], %add3A_223 {strides = array<i32>} : memref<8x128xf32, #tpu.memory_space<vmem>>, vector<1x64xf32>,
      %get3A_226 = arith.constant 1 : index
      %get3A_227 = arith.constant 0 : index
      %get3A_228 = vector.load %arg9[%get3A_226, %get3A_227] : memref<8x128xf32, #tpu.memory_space<vmem>>, vector<1x64xf32>
      %add3A_229 = arith.addf %get3A_228, %add3A_219 : vector<1x64xf32>
      %swap3A_230 = arith.constant 1 : index
      %swap3A_231 = arith.constant 0 : index
      %swap3A_232 = vector.load %arg9[%swap3A_230, %swap3A_231] : memref<8x128xf32, #tpu.memory_space<vmem>>, vector<1x64xf32>
      tpu.vector_store %arg9[%swap3A_230, %swap3A_231], %add3A_229 {strides = array<i32>} : memref<8x128xf32, #tpu.memory_space<vmem>>, vector<1x64xf32>,
    } else {
    }
    %ge3A = arith.constant 8 : i32
    %ge3A_6 = arith.cmpi sge, %arg0, %ge3A : i32
    %convert_element_type3A_7 = arith.extui %ge3A_6 : i1 to i32
    %cond3A_8 = arith.constant 0 : i32
    %cond3A_9 = arith.cmpi ne, %convert_element_type3A_7, %cond3A_8 : i32
    scf.if %cond3A_9 {
      %get3A = arith.constant 0 : index
      %get3A_10 = arith.constant 0 : index
      %get3A_11 = vector.load %arg9[%get3A, %get3A_10] : memref<8x128xf32, #tpu.memory_space<vmem>>, vector<1x64xf32>
      %get3A_12 = arith.constant 1 : index
      %get3A_13 = arith.constant 0 : index
      %get3A_14 = vector.load %arg9[%get3A_12, %get3A_13] : memref<8x128xf32, #tpu.memory_space<vmem>>, vector<1x64xf32>
      %mul3A = arith.constant 1.52587891E-5 : f32
      %mul3A_15 = vector.broadcast %mul3A : f32 to vector<1x64xf32>
      %mul3A_16 = arith.mulf %get3A_11, %mul3A_15 : vector<1x64xf32>
      %mul3A_17 = arith.constant 1.52587891E-5 : f32
      %mul3A_18 = vector.broadcast %mul3A_17 : f32 to vector<1x64xf32>
      %mul3A_19 = arith.mulf %get3A_14, %mul3A_18 : vector<1x64xf32>
      %mul3A_20 = arith.mulf %mul3A_16, %mul3A_16 : vector<1x64xf32>
      %sub3A = arith.subf %mul3A_19, %mul3A_20 : vector<1x64xf32>
      %get3A_21 = arith.constant 0 : index
      %get3A_22 = arith.constant 0 : index
      %get3A_23 = vector.load %arg3[%get3A_21, %get3A_22] : memref<1x64xf32, #tpu.memory_space<vmem>>, vector<1x64xf32>
      %add3A = arith.constant 9.99999974E-6 : f32
      %add3A_24 = vector.broadcast %add3A : f32 to vector<1x64xf32>
      %add3A_25 = arith.addf %sub3A, %add3A_24 : vector<1x64xf32>
      %sqrt3A = math.sqrt %add3A_25 : vector<1x64xf32>
      %div3A = arith.divf %get3A_23, %sqrt3A : vector<1x64xf32>
      %get3A_26 = arith.constant 0 : index
      %get3A_27 = arith.constant 0 : index
      %get3A_28 = vector.load %arg4[%get3A_26, %get3A_27] : memref<1x64xf32, #tpu.memory_space<vmem>>, vector<1x64xf32>
      %mul3A_29 = arith.mulf %mul3A_16, %div3A : vector<1x64xf32>
      %sub3A_30 = arith.subf %get3A_28, %mul3A_29 : vector<1x64xf32>
      %get3A_31 = arith.constant 0 : index
      %get3A_32 = arith.constant 0 : index
      %get3A_33 = vector.load %arg2[%get3A_31, %get3A_32] : memref<512x64xf32, #tpu.memory_space<vmem>>, vector<512x64xf32>
      %get3A_34 = arith.constant 0 : index
      %get3A_35 = arith.constant 0 : index
      %get3A_36 = vector.load %arg1[%get3A_34, %get3A_35] : memref<512x1024xf32, #tpu.memory_space<vmem>>, vector<512x64xf32>
      %add3A_37 = arith.addf %get3A_33, %get3A_36 : vector<512x64xf32>
      %mul3A_38 = vector.broadcast %div3A : vector<1x64xf32> to vector<512x64xf32>
      %mul3A_39 = arith.mulf %add3A_37, %mul3A_38 : vector<512x64xf32>
      %add3A_40 = vector.broadcast %sub3A_30 : vector<1x64xf32> to vector<512x64xf32>
      %add3A_41 = arith.addf %mul3A_39, %add3A_40 : vector<512x64xf32>
      %max3A = arith.constant 0.000000e+00 : f32
      %max3A_42 = vector.broadcast %max3A : f32 to vector<512x64xf32>
      %max3A_43 = arith.maximumf %add3A_41, %max3A_42 : vector<512x64xf32>
      %swap3A = arith.constant 0 : index
      %swap3A_44 = arith.constant 0 : index
      %swap3A_45 = vector.load %arg10[%swap3A, %swap3A_44] : memref<8192x64xf32, #tpu.memory_space<vmem>>, vector<512x64xf32>
      tpu.vector_store %arg10[%swap3A, %swap3A_44], %max3A_43 {strides = array<i32>} : memref<8192x64xf32, #tpu.memory_space<vmem>>, vector<512x64xf32>,
      %get3A_46 = arith.constant 0 : index
      %get3A_47 = arith.constant 64 : index
      %get3A_48 = vector.load %arg1[%get3A_46, %get3A_47] : memref<512x1024xf32, #tpu.memory_space<vmem>>, vector<512x64xf32>
      %add3A_49 = arith.addf %get3A_33, %get3A_48 : vector<512x64xf32>
      %mul3A_50 = vector.broadcast %div3A : vector<1x64xf32> to vector<512x64xf32>
      %mul3A_51 = arith.mulf %add3A_49, %mul3A_50 : vector<512x64xf32>
      %add3A_52 = vector.broadcast %sub3A_30 : vector<1x64xf32> to vector<512x64xf32>
      %add3A_53 = arith.addf %mul3A_51, %add3A_52 : vector<512x64xf32>
      %max3A_54 = arith.constant 0.000000e+00 : f32
      %max3A_55 = vector.broadcast %max3A_54 : f32 to vector<512x64xf32>
      %max3A_56 = arith.maximumf %add3A_53, %max3A_55 : vector<512x64xf32>
      %swap3A_57 = arith.constant 512 : index
      %swap3A_58 = arith.constant 0 : index
      %swap3A_59 = vector.load %arg10[%swap3A_57, %swap3A_58] : memref<8192x64xf32, #tpu.memory_space<vmem>>, vector<512x64xf32>
      tpu.vector_store %arg10[%swap3A_57, %swap3A_58], %max3A_56 {strides = array<i32>} : memref<8192x64xf32, #tpu.memory_space<vmem>>, vector<512x64xf32>,
      %get3A_60 = arith.constant 0 : index
      %get3A_61 = arith.constant 128 : index
      %get3A_62 = vector.load %arg1[%get3A_60, %get3A_61] : memref<512x1024xf32, #tpu.memory_space<vmem>>, vector<512x64xf32>
      %add3A_63 = arith.addf %get3A_33, %get3A_62 : vector<512x64xf32>
      %mul3A_64 = vector.broadcast %div3A : vector<1x64xf32> to vector<512x64xf32>
      %mul3A_65 = arith.mulf %add3A_63, %mul3A_64 : vector<512x64xf32>
      %add3A_66 = vector.broadcast %sub3A_30 : vector<1x64xf32> to vector<512x64xf32>
      %add3A_67 = arith.addf %mul3A_65, %add3A_66 : vector<512x64xf32>
      %max3A_68 = arith.constant 0.000000e+00 : f32
      %max3A_69 = vector.broadcast %max3A_68 : f32 to vector<512x64xf32>
      %max3A_70 = arith.maximumf %add3A_67, %max3A_69 : vector<512x64xf32>
      %swap3A_71 = arith.constant 1024 : index
      %swap3A_72 = arith.constant 0 : index
      %swap3A_73 = vector.load %arg10[%swap3A_71, %swap3A_72] : memref<8192x64xf32, #tpu.memory_space<vmem>>, vector<512x64xf32>
      tpu.vector_store %arg10[%swap3A_71, %swap3A_72], %max3A_70 {strides = array<i32>} : memref<8192x64xf32, #tpu.memory_space<vmem>>, vector<512x64xf32>,
      %get3A_74 = arith.constant 0 : index
      %get3A_75 = arith.constant 192 : index
      %get3A_76 = vector.load %arg1[%get3A_74, %get3A_75] : memref<512x1024xf32, #tpu.memory_space<vmem>>, vector<512x64xf32>
      %add3A_77 = arith.addf %get3A_33, %get3A_76 : vector<512x64xf32>
      %mul3A_78 = vector.broadcast %div3A : vector<1x64xf32> to vector<512x64xf32>
      %mul3A_79 = arith.mulf %add3A_77, %mul3A_78 : vector<512x64xf32>
      %add3A_80 = vector.broadcast %sub3A_30 : vector<1x64xf32> to vector<512x64xf32>
      %add3A_81 = arith.addf %mul3A_79, %add3A_80 : vector<512x64xf32>
      %max3A_82 = arith.constant 0.000000e+00 : f32
      %max3A_83 = vector.broadcast %max3A_82 : f32 to vector<512x64xf32>
      %max3A_84 = arith.maximumf %add3A_81, %max3A_83 : vector<512x64xf32>
      %swap3A_85 = arith.constant 1536 : index
      %swap3A_86 = arith.constant 0 : index
      %swap3A_87 = vector.load %arg10[%swap3A_85, %swap3A_86] : memref<8192x64xf32, #tpu.memory_space<vmem>>, vector<512x64xf32>
      tpu.vector_store %arg10[%swap3A_85, %swap3A_86], %max3A_84 {strides = array<i32>} : memref<8192x64xf32, #tpu.memory_space<vmem>>, vector<512x64xf32>,
      %get3A_88 = arith.constant 0 : index
      %get3A_89 = arith.constant 256 : index
      %get3A_90 = vector.load %arg1[%get3A_88, %get3A_89] : memref<512x1024xf32, #tpu.memory_space<vmem>>, vector<512x64xf32>
      %add3A_91 = arith.addf %get3A_33, %get3A_90 : vector<512x64xf32>
      %mul3A_92 = vector.broadcast %div3A : vector<1x64xf32> to vector<512x64xf32>
      %mul3A_93 = arith.mulf %add3A_91, %mul3A_92 : vector<512x64xf32>
      %add3A_94 = vector.broadcast %sub3A_30 : vector<1x64xf32> to vector<512x64xf32>
      %add3A_95 = arith.addf %mul3A_93, %add3A_94 : vector<512x64xf32>
      %max3A_96 = arith.constant 0.000000e+00 : f32
      %max3A_97 = vector.broadcast %max3A_96 : f32 to vector<512x64xf32>
      %max3A_98 = arith.maximumf %add3A_95, %max3A_97 : vector<512x64xf32>
      %swap3A_99 = arith.constant 2048 : index
      %swap3A_100 = arith.constant 0 : index
      %swap3A_101 = vector.load %arg10[%swap3A_99, %swap3A_100] : memref<8192x64xf32, #tpu.memory_space<vmem>>, vector<512x64xf32>
      tpu.vector_store %arg10[%swap3A_99, %swap3A_100], %max3A_98 {strides = array<i32>} : memref<8192x64xf32, #tpu.memory_space<vmem>>, vector<512x64xf32>,
      %get3A_102 = arith.constant 0 : index
      %get3A_103 = arith.constant 320 : index
      %get3A_104 = vector.load %arg1[%get3A_102, %get3A_103] : memref<512x1024xf32, #tpu.memory_space<vmem>>, vector<512x64xf32>
      %add3A_105 = arith.addf %get3A_33, %get3A_104 : vector<512x64xf32>
      %mul3A_106 = vector.broadcast %div3A : vector<1x64xf32> to vector<512x64xf32>
      %mul3A_107 = arith.mulf %add3A_105, %mul3A_106 : vector<512x64xf32>
      %add3A_108 = vector.broadcast %sub3A_30 : vector<1x64xf32> to vector<512x64xf32>
      %add3A_109 = arith.addf %mul3A_107, %add3A_108 : vector<512x64xf32>
      %max3A_110 = arith.constant 0.000000e+00 : f32
      %max3A_111 = vector.broadcast %max3A_110 : f32 to vector<512x64xf32>
      %max3A_112 = arith.maximumf %add3A_109, %max3A_111 : vector<512x64xf32>
      %swap3A_113 = arith.constant 2560 : index
      %swap3A_114 = arith.constant 0 : index
      %swap3A_115 = vector.load %arg10[%swap3A_113, %swap3A_114] : memref<8192x64xf32, #tpu.memory_space<vmem>>, vector<512x64xf32>
      tpu.vector_store %arg10[%swap3A_113, %swap3A_114], %max3A_112 {strides = array<i32>} : memref<8192x64xf32, #tpu.memory_space<vmem>>, vector<512x64xf32>,
      %get3A_116 = arith.constant 0 : index
      %get3A_117 = arith.constant 384 : index
      %get3A_118 = vector.load %arg1[%get3A_116, %get3A_117] : memref<512x1024xf32, #tpu.memory_space<vmem>>, vector<512x64xf32>
      %add3A_119 = arith.addf %get3A_33, %get3A_118 : vector<512x64xf32>
      %mul3A_120 = vector.broadcast %div3A : vector<1x64xf32> to vector<512x64xf32>
      %mul3A_121 = arith.mulf %add3A_119, %mul3A_120 : vector<512x64xf32>
      %add3A_122 = vector.broadcast %sub3A_30 : vector<1x64xf32> to vector<512x64xf32>
      %add3A_123 = arith.addf %mul3A_121, %add3A_122 : vector<512x64xf32>
      %max3A_124 = arith.constant 0.000000e+00 : f32
      %max3A_125 = vector.broadcast %max3A_124 : f32 to vector<512x64xf32>
      %max3A_126 = arith.maximumf %add3A_123, %max3A_125 : vector<512x64xf32>
      %swap3A_127 = arith.constant 3072 : index
      %swap3A_128 = arith.constant 0 : index
      %swap3A_129 = vector.load %arg10[%swap3A_127, %swap3A_128] : memref<8192x64xf32, #tpu.memory_space<vmem>>, vector<512x64xf32>
      tpu.vector_store %arg10[%swap3A_127, %swap3A_128], %max3A_126 {strides = array<i32>} : memref<8192x64xf32, #tpu.memory_space<vmem>>, vector<512x64xf32>,
      %get3A_130 = arith.constant 0 : index
      %get3A_131 = arith.constant 448 : index
      %get3A_132 = vector.load %arg1[%get3A_130, %get3A_131] : memref<512x1024xf32, #tpu.memory_space<vmem>>, vector<512x64xf32>
      %add3A_133 = arith.addf %get3A_33, %get3A_132 : vector<512x64xf32>
      %mul3A_134 = vector.broadcast %div3A : vector<1x64xf32> to vector<512x64xf32>
      %mul3A_135 = arith.mulf %add3A_133, %mul3A_134 : vector<512x64xf32>
      %add3A_136 = vector.broadcast %sub3A_30 : vector<1x64xf32> to vector<512x64xf32>
      %add3A_137 = arith.addf %mul3A_135, %add3A_136 : vector<512x64xf32>
      %max3A_138 = arith.constant 0.000000e+00 : f32
      %max3A_139 = vector.broadcast %max3A_138 : f32 to vector<512x64xf32>
      %max3A_140 = arith.maximumf %add3A_137, %max3A_139 : vector<512x64xf32>
      %swap3A_141 = arith.constant 3584 : index
      %swap3A_142 = arith.constant 0 : index
      %swap3A_143 = vector.load %arg10[%swap3A_141, %swap3A_142] : memref<8192x64xf32, #tpu.memory_space<vmem>>, vector<512x64xf32>
      tpu.vector_store %arg10[%swap3A_141, %swap3A_142], %max3A_140 {strides = array<i32>} : memref<8192x64xf32, #tpu.memory_space<vmem>>, vector<512x64xf32>,
      %get3A_144 = arith.constant 0 : index
      %get3A_145 = arith.constant 512 : index
      %get3A_146 = vector.load %arg1[%get3A_144, %get3A_145] : memref<512x1024xf32, #tpu.memory_space<vmem>>, vector<512x64xf32>
      %add3A_147 = arith.addf %get3A_33, %get3A_146 : vector<512x64xf32>
      %mul3A_148 = vector.broadcast %div3A : vector<1x64xf32> to vector<512x64xf32>
      %mul3A_149 = arith.mulf %add3A_147, %mul3A_148 : vector<512x64xf32>
      %add3A_150 = vector.broadcast %sub3A_30 : vector<1x64xf32> to vector<512x64xf32>
      %add3A_151 = arith.addf %mul3A_149, %add3A_150 : vector<512x64xf32>
      %max3A_152 = arith.constant 0.000000e+00 : f32
      %max3A_153 = vector.broadcast %max3A_152 : f32 to vector<512x64xf32>
      %max3A_154 = arith.maximumf %add3A_151, %max3A_153 : vector<512x64xf32>
      %swap3A_155 = arith.constant 4096 : index
      %swap3A_156 = arith.constant 0 : index
      %swap3A_157 = vector.load %arg10[%swap3A_155, %swap3A_156] : memref<8192x64xf32, #tpu.memory_space<vmem>>, vector<512x64xf32>
      tpu.vector_store %arg10[%swap3A_155, %swap3A_156], %max3A_154 {strides = array<i32>} : memref<8192x64xf32, #tpu.memory_space<vmem>>, vector<512x64xf32>,
      %get3A_158 = arith.constant 0 : index
      %get3A_159 = arith.constant 576 : index
      %get3A_160 = vector.load %arg1[%get3A_158, %get3A_159] : memref<512x1024xf32, #tpu.memory_space<vmem>>, vector<512x64xf32>
      %add3A_161 = arith.addf %get3A_33, %get3A_160 : vector<512x64xf32>
      %mul3A_162 = vector.broadcast %div3A : vector<1x64xf32> to vector<512x64xf32>
      %mul3A_163 = arith.mulf %add3A_161, %mul3A_162 : vector<512x64xf32>
      %add3A_164 = vector.broadcast %sub3A_30 : vector<1x64xf32> to vector<512x64xf32>
      %add3A_165 = arith.addf %mul3A_163, %add3A_164 : vector<512x64xf32>
      %max3A_166 = arith.constant 0.000000e+00 : f32
      %max3A_167 = vector.broadcast %max3A_166 : f32 to vector<512x64xf32>
      %max3A_168 = arith.maximumf %add3A_165, %max3A_167 : vector<512x64xf32>
      %swap3A_169 = arith.constant 4608 : index
      %swap3A_170 = arith.constant 0 : index
      %swap3A_171 = vector.load %arg10[%swap3A_169, %swap3A_170] : memref<8192x64xf32, #tpu.memory_space<vmem>>, vector<512x64xf32>
      tpu.vector_store %arg10[%swap3A_169, %swap3A_170], %max3A_168 {strides = array<i32>} : memref<8192x64xf32, #tpu.memory_space<vmem>>, vector<512x64xf32>,
      %get3A_172 = arith.constant 0 : index
      %get3A_173 = arith.constant 640 : index
      %get3A_174 = vector.load %arg1[%get3A_172, %get3A_173] : memref<512x1024xf32, #tpu.memory_space<vmem>>, vector<512x64xf32>
      %add3A_175 = arith.addf %get3A_33, %get3A_174 : vector<512x64xf32>
      %mul3A_176 = vector.broadcast %div3A : vector<1x64xf32> to vector<512x64xf32>
      %mul3A_177 = arith.mulf %add3A_175, %mul3A_176 : vector<512x64xf32>
      %add3A_178 = vector.broadcast %sub3A_30 : vector<1x64xf32> to vector<512x64xf32>
      %add3A_179 = arith.addf %mul3A_177, %add3A_178 : vector<512x64xf32>
      %max3A_180 = arith.constant 0.000000e+00 : f32
      %max3A_181 = vector.broadcast %max3A_180 : f32 to vector<512x64xf32>
      %max3A_182 = arith.maximumf %add3A_179, %max3A_181 : vector<512x64xf32>
      %swap3A_183 = arith.constant 5120 : index
      %swap3A_184 = arith.constant 0 : index
      %swap3A_185 = vector.load %arg10[%swap3A_183, %swap3A_184] : memref<8192x64xf32, #tpu.memory_space<vmem>>, vector<512x64xf32>
      tpu.vector_store %arg10[%swap3A_183, %swap3A_184], %max3A_182 {strides = array<i32>} : memref<8192x64xf32, #tpu.memory_space<vmem>>, vector<512x64xf32>,
      %get3A_186 = arith.constant 0 : index
      %get3A_187 = arith.constant 704 : index
      %get3A_188 = vector.load %arg1[%get3A_186, %get3A_187] : memref<512x1024xf32, #tpu.memory_space<vmem>>, vector<512x64xf32>
      %add3A_189 = arith.addf %get3A_33, %get3A_188 : vector<512x64xf32>
      %mul3A_190 = vector.broadcast %div3A : vector<1x64xf32> to vector<512x64xf32>
      %mul3A_191 = arith.mulf %add3A_189, %mul3A_190 : vector<512x64xf32>
      %add3A_192 = vector.broadcast %sub3A_30 : vector<1x64xf32> to vector<512x64xf32>
      %add3A_193 = arith.addf %mul3A_191, %add3A_192 : vector<512x64xf32>
      %max3A_194 = arith.constant 0.000000e+00 : f32
      %max3A_195 = vector.broadcast %max3A_194 : f32 to vector<512x64xf32>
      %max3A_196 = arith.maximumf %add3A_193, %max3A_195 : vector<512x64xf32>
      %swap3A_197 = arith.constant 5632 : index
      %swap3A_198 = arith.constant 0 : index
      %swap3A_199 = vector.load %arg10[%swap3A_197, %swap3A_198] : memref<8192x64xf32, #tpu.memory_space<vmem>>, vector<512x64xf32>
      tpu.vector_store %arg10[%swap3A_197, %swap3A_198], %max3A_196 {strides = array<i32>} : memref<8192x64xf32, #tpu.memory_space<vmem>>, vector<512x64xf32>,
      %get3A_200 = arith.constant 0 : index
      %get3A_201 = arith.constant 768 : index
      %get3A_202 = vector.load %arg1[%get3A_200, %get3A_201] : memref<512x1024xf32, #tpu.memory_space<vmem>>, vector<512x64xf32>
      %add3A_203 = arith.addf %get3A_33, %get3A_202 : vector<512x64xf32>
      %mul3A_204 = vector.broadcast %div3A : vector<1x64xf32> to vector<512x64xf32>
      %mul3A_205 = arith.mulf %add3A_203, %mul3A_204 : vector<512x64xf32>
      %add3A_206 = vector.broadcast %sub3A_30 : vector<1x64xf32> to vector<512x64xf32>
      %add3A_207 = arith.addf %mul3A_205, %add3A_206 : vector<512x64xf32>
      %max3A_208 = arith.constant 0.000000e+00 : f32
      %max3A_209 = vector.broadcast %max3A_208 : f32 to vector<512x64xf32>
      %max3A_210 = arith.maximumf %add3A_207, %max3A_209 : vector<512x64xf32>
      %swap3A_211 = arith.constant 6144 : index
      %swap3A_212 = arith.constant 0 : index
      %swap3A_213 = vector.load %arg10[%swap3A_211, %swap3A_212] : memref<8192x64xf32, #tpu.memory_space<vmem>>, vector<512x64xf32>
      tpu.vector_store %arg10[%swap3A_211, %swap3A_212], %max3A_210 {strides = array<i32>} : memref<8192x64xf32, #tpu.memory_space<vmem>>, vector<512x64xf32>,
      %get3A_214 = arith.constant 0 : index
      %get3A_215 = arith.constant 832 : index
      %get3A_216 = vector.load %arg1[%get3A_214, %get3A_215] : memref<512x1024xf32, #tpu.memory_space<vmem>>, vector<512x64xf32>
      %add3A_217 = arith.addf %get3A_33, %get3A_216 : vector<512x64xf32>
      %mul3A_218 = vector.broadcast %div3A : vector<1x64xf32> to vector<512x64xf32>
      %mul3A_219 = arith.mulf %add3A_217, %mul3A_218 : vector<512x64xf32>
      %add3A_220 = vector.broadcast %sub3A_30 : vector<1x64xf32> to vector<512x64xf32>
      %add3A_221 = arith.addf %mul3A_219, %add3A_220 : vector<512x64xf32>
      %max3A_222 = arith.constant 0.000000e+00 : f32
      %max3A_223 = vector.broadcast %max3A_222 : f32 to vector<512x64xf32>
      %max3A_224 = arith.maximumf %add3A_221, %max3A_223 : vector<512x64xf32>
      %swap3A_225 = arith.constant 6656 : index
      %swap3A_226 = arith.constant 0 : index
      %swap3A_227 = vector.load %arg10[%swap3A_225, %swap3A_226] : memref<8192x64xf32, #tpu.memory_space<vmem>>, vector<512x64xf32>
      tpu.vector_store %arg10[%swap3A_225, %swap3A_226], %max3A_224 {strides = array<i32>} : memref<8192x64xf32, #tpu.memory_space<vmem>>, vector<512x64xf32>,
      %get3A_228 = arith.constant 0 : index
      %get3A_229 = arith.constant 896 : index
      %get3A_230 = vector.load %arg1[%get3A_228, %get3A_229] : memref<512x1024xf32, #tpu.memory_space<vmem>>, vector<512x64xf32>
      %add3A_231 = arith.addf %get3A_33, %get3A_230 : vector<512x64xf32>
      %mul3A_232 = vector.broadcast %div3A : vector<1x64xf32> to vector<512x64xf32>
      %mul3A_233 = arith.mulf %add3A_231, %mul3A_232 : vector<512x64xf32>
      %add3A_234 = vector.broadcast %sub3A_30 : vector<1x64xf32> to vector<512x64xf32>
      %add3A_235 = arith.addf %mul3A_233, %add3A_234 : vector<512x64xf32>
      %max3A_236 = arith.constant 0.000000e+00 : f32
      %max3A_237 = vector.broadcast %max3A_236 : f32 to vector<512x64xf32>
      %max3A_238 = arith.maximumf %add3A_235, %max3A_237 : vector<512x64xf32>
      %swap3A_239 = arith.constant 7168 : index
      %swap3A_240 = arith.constant 0 : index
      %swap3A_241 = vector.load %arg10[%swap3A_239, %swap3A_240] : memref<8192x64xf32, #tpu.memory_space<vmem>>, vector<512x64xf32>
      tpu.vector_store %arg10[%swap3A_239, %swap3A_240], %max3A_238 {strides = array<i32>} : memref<8192x64xf32, #tpu.memory_space<vmem>>, vector<512x64xf32>,
      %get3A_242 = arith.constant 0 : index
      %get3A_243 = arith.constant 960 : index
      %get3A_244 = vector.load %arg1[%get3A_242, %get3A_243] : memref<512x1024xf32, #tpu.memory_space<vmem>>, vector<512x64xf32>
      %add3A_245 = arith.addf %get3A_33, %get3A_244 : vector<512x64xf32>
      %mul3A_246 = vector.broadcast %div3A : vector<1x64xf32> to vector<512x64xf32>
      %mul3A_247 = arith.mulf %add3A_245, %mul3A_246 : vector<512x64xf32>
      %add3A_248 = vector.broadcast %sub3A_30 : vector<1x64xf32> to vector<512x64xf32>
      %add3A_249 = arith.addf %mul3A_247, %add3A_248 : vector<512x64xf32>
      %max3A_250 = arith.constant 0.000000e+00 : f32
      %max3A_251 = vector.broadcast %max3A_250 : f32 to vector<512x64xf32>
      %max3A_252 = arith.maximumf %add3A_249, %max3A_251 : vector<512x64xf32>
      %swap3A_253 = arith.constant 7680 : index
      %swap3A_254 = arith.constant 0 : index
      %swap3A_255 = vector.load %arg10[%swap3A_253, %swap3A_254] : memref<8192x64xf32, #tpu.memory_space<vmem>>, vector<512x64xf32>
      tpu.vector_store %arg10[%swap3A_253, %swap3A_254], %max3A_252 {strides = array<i32>} : memref<8192x64xf32, #tpu.memory_space<vmem>>, vector<512x64xf32>,
      %get3A_256 = arith.constant 0 : index
      %get3A_257 = arith.constant 0 : index
      %get3A_258 = vector.load %arg10[%get3A_256, %get3A_257] : memref<8192x64xf32, #tpu.memory_space<vmem>>, vector<8192x64xf32>
      %get3A_259 = arith.constant 0 : index
      %get3A_260 = arith.constant 0 : index
      %get3A_261 = vector.load %arg5[%get3A_259, %get3A_260] : memref<64x64xf32, #tpu.memory_space<vmem>>, vector<64x64xf32>
      %dot_general3A = arith.constant dense<0.000000e+00> : vector<8192x64xf32>
      %dot_general3A_262 = tpu.matmul %get3A_258, %get3A_261, %dot_general3A {dimension_numbers = #tpu.dot_dimension_numbers<[1], [0], [0], [1], [0, 0, 1, 1], [], []>, transpose_lhs_hint = false} : vector<8192x64xf32>, vector<64x64xf32>, vector<8192x64xf32> -> vector<8192x64xf32>
      %get3A_263 = arith.constant 0 : index
      %get3A_264 = arith.constant 0 : index
      %get3A_265 = vector.load %arg6[%get3A_263, %get3A_264] : memref<1x64xf32, #tpu.memory_space<vmem>>, vector<1x64xf32>
      %add3A_266 = vector.broadcast %get3A_265 : vector<1x64xf32> to vector<8192x64xf32>
      %add3A_267 = arith.addf %dot_general3A_262, %add3A_266 : vector<8192x64xf32>
      %slice3A = vector.extract_strided_slice %add3A_267 {offsets = [0, 0], sizes = [512, 64], strides = [1, 1]} : vector<8192x64xf32> to vector<512x64xf32>
      %slice3A_268 = vector.extract_strided_slice %add3A_267 {offsets = [512, 0], sizes = [512, 64], strides = [1, 1]} : vector<8192x64xf32> to vector<512x64xf32>
      %max3A_269 = arith.maximumf %slice3A, %slice3A_268 : vector<512x64xf32>
      %slice3A_270 = vector.extract_strided_slice %add3A_267 {offsets = [1024, 0], sizes = [512, 64], strides = [1, 1]} : vector<8192x64xf32> to vector<512x64xf32>
      %max3A_271 = arith.maximumf %max3A_269, %slice3A_270 : vector<512x64xf32>
      %slice3A_272 = vector.extract_strided_slice %add3A_267 {offsets = [1536, 0], sizes = [512, 64], strides = [1, 1]} : vector<8192x64xf32> to vector<512x64xf32>
      %max3A_273 = arith.maximumf %max3A_271, %slice3A_272 : vector<512x64xf32>
      %slice3A_274 = vector.extract_strided_slice %add3A_267 {offsets = [2048, 0], sizes = [512, 64], strides = [1, 1]} : vector<8192x64xf32> to vector<512x64xf32>
      %max3A_275 = arith.maximumf %max3A_273, %slice3A_274 : vector<512x64xf32>
      %slice3A_276 = vector.extract_strided_slice %add3A_267 {offsets = [2560, 0], sizes = [512, 64], strides = [1, 1]} : vector<8192x64xf32> to vector<512x64xf32>
      %max3A_277 = arith.maximumf %max3A_275, %slice3A_276 : vector<512x64xf32>
      %slice3A_278 = vector.extract_strided_slice %add3A_267 {offsets = [3072, 0], sizes = [512, 64], strides = [1, 1]} : vector<8192x64xf32> to vector<512x64xf32>
      %max3A_279 = arith.maximumf %max3A_277, %slice3A_278 : vector<512x64xf32>
      %slice3A_280 = vector.extract_strided_slice %add3A_267 {offsets = [3584, 0], sizes = [512, 64], strides = [1, 1]} : vector<8192x64xf32> to vector<512x64xf32>
      %max3A_281 = arith.maximumf %max3A_279, %slice3A_280 : vector<512x64xf32>
      %slice3A_282 = vector.extract_strided_slice %add3A_267 {offsets = [4096, 0], sizes = [512, 64], strides = [1, 1]} : vector<8192x64xf32> to vector<512x64xf32>
      %max3A_283 = arith.maximumf %max3A_281, %slice3A_282 : vector<512x64xf32>
      %slice3A_284 = vector.extract_strided_slice %add3A_267 {offsets = [4608, 0], sizes = [512, 64], strides = [1, 1]} : vector<8192x64xf32> to vector<512x64xf32>
      %max3A_285 = arith.maximumf %max3A_283, %slice3A_284 : vector<512x64xf32>
      %slice3A_286 = vector.extract_strided_slice %add3A_267 {offsets = [5120, 0], sizes = [512, 64], strides = [1, 1]} : vector<8192x64xf32> to vector<512x64xf32>
      %max3A_287 = arith.maximumf %max3A_285, %slice3A_286 : vector<512x64xf32>
      %slice3A_288 = vector.extract_strided_slice %add3A_267 {offsets = [5632, 0], sizes = [512, 64], strides = [1, 1]} : vector<8192x64xf32> to vector<512x64xf32>
      %max3A_289 = arith.maximumf %max3A_287, %slice3A_288 : vector<512x64xf32>
      %slice3A_290 = vector.extract_strided_slice %add3A_267 {offsets = [6144, 0], sizes = [512, 64], strides = [1, 1]} : vector<8192x64xf32> to vector<512x64xf32>
      %max3A_291 = arith.maximumf %max3A_289, %slice3A_290 : vector<512x64xf32>
      %slice3A_292 = vector.extract_strided_slice %add3A_267 {offsets = [6656, 0], sizes = [512, 64], strides = [1, 1]} : vector<8192x64xf32> to vector<512x64xf32>
      %max3A_293 = arith.maximumf %max3A_291, %slice3A_292 : vector<512x64xf32>
      %slice3A_294 = vector.extract_strided_slice %add3A_267 {offsets = [7168, 0], sizes = [512, 64], strides = [1, 1]} : vector<8192x64xf32> to vector<512x64xf32>
      %max3A_295 = arith.maximumf %max3A_293, %slice3A_294 : vector<512x64xf32>
      %slice3A_296 = vector.extract_strided_slice %add3A_267 {offsets = [7680, 0], sizes = [512, 64], strides = [1, 1]} : vector<8192x64xf32> to vector<512x64xf32>
      %max3A_297 = arith.maximumf %max3A_295, %slice3A_296 : vector<512x64xf32>
      %swap3A_298 = arith.constant 0 : index
      %swap3A_299 = arith.constant 0 : index
      %swap3A_300 = vector.load %arg7[%swap3A_298, %swap3A_299] : memref<512x64xf32, #tpu.memory_space<vmem>>, vector<512x64xf32>
      tpu.vector_store %arg7[%swap3A_298, %swap3A_299], %max3A_297 {strides = array<i32>} : memref<512x64xf32, #tpu.memory_space<vmem>>, vector<512x64xf32>,
      %transpose3A = tpu.transpose %max3A_297, [1, 0] : vector<512x64xf32> -> vector<64x512xf32>
      %swap3A_301 = arith.constant 0 : index
      %swap3A_302 = arith.constant 0 : index
      %swap3A_303 = vector.load %arg8[%swap3A_301, %swap3A_302] : memref<64x512xf32, #tpu.memory_space<vmem>>, vector<64x512xf32>
      tpu.vector_store %arg8[%swap3A_301, %swap3A_302], %transpose3A {strides = array<i32>} : memref<64x512xf32, #tpu.memory_space<vmem>>, vector<64x512xf32>,
    } else {
    }
    return
  }
  func.func @transform_0(%arg0: i32) -> (i32, i32) {
    %jit3A = arith.constant 8 : i32
    %eq3A = arith.constant 0 : i32
    %eq3A_0 = arith.cmpi eq, %jit3A, %eq3A : i32
    %jit3A_1 = arith.constant 1 : i32
    %select_n3A = arith.select %eq3A_0, %jit3A_1, %jit3A : i32
    %rem3A = arith.remsi %arg0, %select_n3A : i32
    %ne3A = arith.constant 0 : i32
    %ne3A_2 = arith.cmpi ne, %rem3A, %ne3A : i32
    %lt3A = arith.constant 0 : i32
    %lt3A_3 = arith.cmpi slt, %rem3A, %lt3A : i32
    %lt3A_4 = arith.constant 0 : i32
    %lt3A_5 = arith.cmpi slt, %select_n3A, %lt3A_4 : i32
    %ne3A_6 = arith.xori %lt3A_3, %lt3A_5 : i1
    %and3A = arith.andi %ne3A_6, %ne3A_2 : i1
    %add3A = arith.addi %rem3A, %select_n3A : i32
    %select_n3A_7 = arith.select %and3A, %add3A, %rem3A : i32
    %c0_i32 = arith.constant 0 : i32
    %c0_i32_8 = arith.constant 0 : i32
    return %select_n3A_7, %c0_i32 : i32, i32
  }
  func.func @transform_1(%arg0: i32) -> (i32, i32) {
    %jit3A = arith.constant 8 : i32
    %eq3A = arith.constant 0 : i32
    %eq3A_0 = arith.cmpi eq, %jit3A, %eq3A : i32
    %jit3A_1 = arith.constant 1 : i32
    %select_n3A = arith.select %eq3A_0, %jit3A_1, %jit3A : i32
    %rem3A = arith.remsi %arg0, %select_n3A : i32
    %ne3A = arith.constant 0 : i32
    %ne3A_2 = arith.cmpi ne, %rem3A, %ne3A : i32
    %lt3A = arith.constant 0 : i32
    %lt3A_3 = arith.cmpi slt, %rem3A, %lt3A : i32
    %lt3A_4 = arith.constant 0 : i32
    %lt3A_5 = arith.cmpi slt, %select_n3A, %lt3A_4 : i32
    %ne3A_6 = arith.xori %lt3A_3, %lt3A_5 : i1
    %and3A = arith.andi %ne3A_6, %ne3A_2 : i1
    %add3A = arith.addi %rem3A, %select_n3A : i32
    %select_n3A_7 = arith.select %and3A, %add3A, %rem3A : i32
    %c0_i32 = arith.constant 0 : i32
    %c0_i32_8 = arith.constant 0 : i32
    return %select_n3A_7, %c0_i32 : i32, i32
  }
  func.func @transform_2(%arg0: i32) -> (i32, i32) {
    %c0_i32 = arith.constant 0 : i32
    %c0_i32_0 = arith.constant 0 : i32
    %c0_i32_1 = arith.constant 0 : i32
    return %c0_i32, %c0_i32_0 : i32, i32
  }
  func.func @transform_3(%arg0: i32) -> (i32, i32) {
    %c0_i32 = arith.constant 0 : i32
    %c0_i32_0 = arith.constant 0 : i32
    %c0_i32_1 = arith.constant 0 : i32
    return %c0_i32, %c0_i32_0 : i32, i32
  }
  func.func @transform_4(%arg0: i32) -> (i32, i32) {
    %c0_i32 = arith.constant 0 : i32
    %c0_i32_0 = arith.constant 0 : i32
    %c0_i32_1 = arith.constant 0 : i32
    return %c0_i32, %c0_i32_0 : i32, i32
  }
  func.func @transform_5(%arg0: i32) -> (i32, i32) {
    %c0_i32 = arith.constant 0 : i32
    %c0_i32_0 = arith.constant 0 : i32
    %c0_i32_1 = arith.constant 0 : i32
    return %c0_i32, %c0_i32_0 : i32, i32
  }
  func.func @transform_6(%arg0: i32) -> (i32, i32) {
    %jit3A = arith.constant 8 : i32
    %eq3A = arith.constant 0 : i32
    %eq3A_0 = arith.cmpi eq, %jit3A, %eq3A : i32
    %jit3A_1 = arith.constant 1 : i32
    %select_n3A = arith.select %eq3A_0, %jit3A_1, %jit3A : i32
    %rem3A = arith.remsi %arg0, %select_n3A : i32
    %ne3A = arith.constant 0 : i32
    %ne3A_2 = arith.cmpi ne, %rem3A, %ne3A : i32
    %lt3A = arith.constant 0 : i32
    %lt3A_3 = arith.cmpi slt, %rem3A, %lt3A : i32
    %lt3A_4 = arith.constant 0 : i32
    %lt3A_5 = arith.cmpi slt, %select_n3A, %lt3A_4 : i32
    %ne3A_6 = arith.xori %lt3A_3, %lt3A_5 : i1
    %and3A = arith.andi %ne3A_6, %ne3A_2 : i1
    %add3A = arith.addi %rem3A, %select_n3A : i32
    %select_n3A_7 = arith.select %and3A, %add3A, %rem3A : i32
    %c0_i32 = arith.constant 0 : i32
    %c0_i32_8 = arith.constant 0 : i32
    return %select_n3A_7, %c0_i32 : i32, i32
  }
  func.func @transform_7(%arg0: i32) -> (i32, i32) {
    %jit3A = arith.constant 8 : i32
    %eq3A = arith.constant 0 : i32
    %eq3A_0 = arith.cmpi eq, %jit3A, %eq3A : i32
    %jit3A_1 = arith.constant 1 : i32
    %select_n3A = arith.select %eq3A_0, %jit3A_1, %jit3A : i32
    %rem3A = arith.remsi %arg0, %select_n3A : i32
    %ne3A = arith.constant 0 : i32
    %ne3A_2 = arith.cmpi ne, %rem3A, %ne3A : i32
    %lt3A = arith.constant 0 : i32
    %lt3A_3 = arith.cmpi slt, %rem3A, %lt3A : i32
    %lt3A_4 = arith.constant 0 : i32
    %lt3A_5 = arith.cmpi slt, %select_n3A, %lt3A_4 : i32
    %ne3A_6 = arith.xori %lt3A_3, %lt3A_5 : i1
    %and3A = arith.andi %ne3A_6, %ne3A_2 : i1
    %add3A = arith.addi %rem3A, %select_n3A : i32
    %select_n3A_7 = arith.select %and3A, %add3A, %rem3A : i32
    %c0_i32 = arith.constant 0 : i32
    %c0_i32_8 = arith.constant 0 : i32
    return %c0_i32, %select_n3A_7 : i32, i32
  }
}

module attributes {stable_mosaic.version = 14 : i64} {
  func.func @_head_body(%arg0: i32, %arg1: memref<512x64xf32, #tpu.memory_space<vmem>>, %arg2: memref<512x64xf32, #tpu.memory_space<vmem>>, %arg3: memref<512x64xf32, #tpu.memory_space<vmem>>, %arg4: memref<192x256xf32, #tpu.memory_space<vmem>>, %arg5: memref<1x256xf32, #tpu.memory_space<vmem>>, %arg6: memref<256x128xf32, #tpu.memory_space<vmem>>, %arg7: memref<1x128xf32, #tpu.memory_space<vmem>>, %arg8: memref<128x64xf32, #tpu.memory_space<vmem>>, %arg9: memref<1x64xf32, #tpu.memory_space<vmem>>, %arg10: memref<64x16xf32, #tpu.memory_space<vmem>>, %arg11: memref<1x16xf32, #tpu.memory_space<vmem>>, %arg12: memref<512x16xf32, #tpu.memory_space<vmem>>) attributes {dimension_semantics = [#tpu.dimension_semantics<arbitrary>], iteration_bounds = array<i64: 8>, scalar_prefetch = 0 : i64, scratch_operands = 0 : i64, tpu.core_type = #tpu.core_type<tc>, window_params = [{transform_indices = @transform_0, window_bounds = array<i64: 512, 64>}, {transform_indices = @transform_1, window_bounds = array<i64: 512, 64>}, {transform_indices = @transform_2, window_bounds = array<i64: 512, 64>}, {pipeline_mode = #tpu.pipeline_mode<synchronous>, transform_indices = @transform_3, window_bounds = array<i64: 192, 256>}, {pipeline_mode = #tpu.pipeline_mode<synchronous>, transform_indices = @transform_4, window_bounds = array<i64: 1, 256>}, {pipeline_mode = #tpu.pipeline_mode<synchronous>, transform_indices = @transform_5, window_bounds = array<i64: 256, 128>}, {pipeline_mode = #tpu.pipeline_mode<synchronous>, transform_indices = @transform_6, window_bounds = array<i64: 1, 128>}, {pipeline_mode = #tpu.pipeline_mode<synchronous>, transform_indices = @transform_7, window_bounds = array<i64: 128, 64>}, {pipeline_mode = #tpu.pipeline_mode<synchronous>, transform_indices = @transform_8, window_bounds = array<i64: 1, 64>}, {pipeline_mode = #tpu.pipeline_mode<synchronous>, transform_indices = @transform_9, window_bounds = array<i64: 64, 16>}, {pipeline_mode = #tpu.pipeline_mode<synchronous>, transform_indices = @transform_10, window_bounds = array<i64: 1, 16>}, {transform_indices = @transform_11, window_bounds = array<i64: 512, 16>}]} {
    %get3A = arith.constant 0 : index
    %get3A_0 = arith.constant 0 : index
    %get3A_1 = vector.load %arg1[%get3A, %get3A_0] : memref<512x64xf32, #tpu.memory_space<vmem>>, vector<512x64xf32>
    %get3A_2 = arith.constant 0 : index
    %get3A_3 = arith.constant 0 : index
    %get3A_4 = vector.load %arg2[%get3A_2, %get3A_3] : memref<512x64xf32, #tpu.memory_space<vmem>>, vector<512x64xf32>
    %get3A_5 = arith.constant 0 : index
    %get3A_6 = arith.constant 0 : index
    %get3A_7 = vector.load %arg3[%get3A_5, %get3A_6] : memref<512x64xf32, #tpu.memory_space<vmem>>, vector<512x64xf32>
    %concatenate3A = tpu.concatenate %get3A_1, %get3A_4, %get3A_7 in 1 : vector<512x64xf32>, vector<512x64xf32>, vector<512x64xf32> -> vector<512x192xf32>
    %get3A_8 = arith.constant 0 : index
    %get3A_9 = arith.constant 0 : index
    %get3A_10 = vector.load %arg4[%get3A_8, %get3A_9] : memref<192x256xf32, #tpu.memory_space<vmem>>, vector<192x256xf32>
    %dot_general3A = arith.constant dense<0.000000e+00> : vector<512x256xf32>
    %dot_general3A_11 = tpu.matmul %concatenate3A, %get3A_10, %dot_general3A {dimension_numbers = #tpu.dot_dimension_numbers<[1], [0], [0], [1], [0, 0, 1, 1], [], []>, transpose_lhs_hint = false} : vector<512x192xf32>, vector<192x256xf32>, vector<512x256xf32> -> vector<512x256xf32>
    %get3A_12 = arith.constant 0 : index
    %get3A_13 = arith.constant 0 : index
    %get3A_14 = vector.load %arg5[%get3A_12, %get3A_13] : memref<1x256xf32, #tpu.memory_space<vmem>>, vector<1x256xf32>
    %add3A = vector.broadcast %get3A_14 : vector<1x256xf32> to vector<512x256xf32>
    %add3A_15 = arith.addf %dot_general3A_11, %add3A : vector<512x256xf32>
    %max3A = arith.constant 0.000000e+00 : f32
    %max3A_16 = vector.broadcast %max3A : f32 to vector<512x256xf32>
    %max3A_17 = arith.maximumf %add3A_15, %max3A_16 : vector<512x256xf32>
    %get3A_18 = arith.constant 0 : index
    %get3A_19 = arith.constant 0 : index
    %get3A_20 = vector.load %arg6[%get3A_18, %get3A_19] : memref<256x128xf32, #tpu.memory_space<vmem>>, vector<256x128xf32>
    %dot_general3A_21 = arith.constant dense<0.000000e+00> : vector<512x128xf32>
    %dot_general3A_22 = tpu.matmul %max3A_17, %get3A_20, %dot_general3A_21 {dimension_numbers = #tpu.dot_dimension_numbers<[1], [0], [0], [1], [0, 0, 1, 1], [], []>, transpose_lhs_hint = false} : vector<512x256xf32>, vector<256x128xf32>, vector<512x128xf32> -> vector<512x128xf32>
    %get3A_23 = arith.constant 0 : index
    %get3A_24 = arith.constant 0 : index
    %get3A_25 = vector.load %arg7[%get3A_23, %get3A_24] : memref<1x128xf32, #tpu.memory_space<vmem>>, vector<1x128xf32>
    %add3A_26 = vector.broadcast %get3A_25 : vector<1x128xf32> to vector<512x128xf32>
    %add3A_27 = arith.addf %dot_general3A_22, %add3A_26 : vector<512x128xf32>
    %max3A_28 = arith.constant 0.000000e+00 : f32
    %max3A_29 = vector.broadcast %max3A_28 : f32 to vector<512x128xf32>
    %max3A_30 = arith.maximumf %add3A_27, %max3A_29 : vector<512x128xf32>
    %get3A_31 = arith.constant 0 : index
    %get3A_32 = arith.constant 0 : index
    %get3A_33 = vector.load %arg8[%get3A_31, %get3A_32] : memref<128x64xf32, #tpu.memory_space<vmem>>, vector<128x64xf32>
    %dot_general3A_34 = arith.constant dense<0.000000e+00> : vector<512x64xf32>
    %dot_general3A_35 = tpu.matmul %max3A_30, %get3A_33, %dot_general3A_34 {dimension_numbers = #tpu.dot_dimension_numbers<[1], [0], [0], [1], [0, 0, 1, 1], [], []>, transpose_lhs_hint = false} : vector<512x128xf32>, vector<128x64xf32>, vector<512x64xf32> -> vector<512x64xf32>
    %get3A_36 = arith.constant 0 : index
    %get3A_37 = arith.constant 0 : index
    %get3A_38 = vector.load %arg9[%get3A_36, %get3A_37] : memref<1x64xf32, #tpu.memory_space<vmem>>, vector<1x64xf32>
    %add3A_39 = vector.broadcast %get3A_38 : vector<1x64xf32> to vector<512x64xf32>
    %add3A_40 = arith.addf %dot_general3A_35, %add3A_39 : vector<512x64xf32>
    %max3A_41 = arith.constant 0.000000e+00 : f32
    %max3A_42 = vector.broadcast %max3A_41 : f32 to vector<512x64xf32>
    %max3A_43 = arith.maximumf %add3A_40, %max3A_42 : vector<512x64xf32>
    %get3A_44 = arith.constant 0 : index
    %get3A_45 = arith.constant 0 : index
    %get3A_46 = vector.load %arg10[%get3A_44, %get3A_45] : memref<64x16xf32, #tpu.memory_space<vmem>>, vector<64x16xf32>
    %dot_general3A_47 = arith.constant dense<0.000000e+00> : vector<512x16xf32>
    %dot_general3A_48 = tpu.matmul %max3A_43, %get3A_46, %dot_general3A_47 {dimension_numbers = #tpu.dot_dimension_numbers<[1], [0], [0], [1], [0, 0, 1, 1], [], []>, transpose_lhs_hint = false} : vector<512x64xf32>, vector<64x16xf32>, vector<512x16xf32> -> vector<512x16xf32>
    %get3A_49 = arith.constant 0 : index
    %get3A_50 = arith.constant 0 : index
    %get3A_51 = vector.load %arg11[%get3A_49, %get3A_50] : memref<1x16xf32, #tpu.memory_space<vmem>>, vector<1x16xf32>
    %add3A_52 = vector.broadcast %get3A_51 : vector<1x16xf32> to vector<512x16xf32>
    %add3A_53 = arith.addf %dot_general3A_48, %add3A_52 : vector<512x16xf32>
    %reduce_max3A = arith.constant dense<0xFF800000> : vector<512xf32>
    %reduce_max3A_54 = vector.multi_reduction <maximumf>, %add3A_53, %reduce_max3A [1] : vector<512x16xf32> to vector<512xf32>
    %broadcast_in_dim3A = vector.shape_cast %reduce_max3A_54 : vector<512xf32> to vector<512x1xf32>
    %sub3A = vector.broadcast %broadcast_in_dim3A : vector<512x1xf32> to vector<512x16xf32>
    %sub3A_55 = arith.subf %add3A_53, %sub3A : vector<512x16xf32>
    %exp3A = math.exp %sub3A_55 : vector<512x16xf32>
    %reduce_sum3A = arith.constant dense<0.000000e+00> : vector<512xf32>
    %reduce_sum3A_56 = vector.multi_reduction <add>, %exp3A, %reduce_sum3A [1] : vector<512x16xf32> to vector<512xf32>
    %broadcast_in_dim3A_57 = vector.shape_cast %reduce_sum3A_56 : vector<512xf32> to vector<512x1xf32>
    %log3A = math.log %broadcast_in_dim3A_57 : vector<512x1xf32>
    %sub3A_58 = vector.broadcast %log3A : vector<512x1xf32> to vector<512x16xf32>
    %sub3A_59 = arith.subf %sub3A_55, %sub3A_58 : vector<512x16xf32>
    %swap3A = arith.constant 0 : index
    %swap3A_60 = arith.constant 0 : index
    %swap3A_61 = vector.load %arg12[%swap3A, %swap3A_60] : memref<512x16xf32, #tpu.memory_space<vmem>>, vector<512x16xf32>
    tpu.vector_store %arg12[%swap3A, %swap3A_60], %sub3A_59 {strides = array<i32>} : memref<512x16xf32, #tpu.memory_space<vmem>>, vector<512x16xf32>,
    return
  }
  func.func @transform_0(%arg0: i32) -> (i32, i32) {
    %c0_i32 = arith.constant 0 : i32
    %c0_i32_0 = arith.constant 0 : i32
    return %arg0, %c0_i32 : i32, i32
  }
  func.func @transform_1(%arg0: i32) -> (i32, i32) {
    %c0_i32 = arith.constant 0 : i32
    %c0_i32_0 = arith.constant 0 : i32
    return %arg0, %c0_i32 : i32, i32
  }
  func.func @transform_2(%arg0: i32) -> (i32, i32) {
    %c0_i32 = arith.constant 0 : i32
    %c0_i32_0 = arith.constant 0 : i32
    return %arg0, %c0_i32 : i32, i32
  }
  func.func @transform_3(%arg0: i32) -> (i32, i32) {
    %c0_i32 = arith.constant 0 : i32
    %c0_i32_0 = arith.constant 0 : i32
    %c0_i32_1 = arith.constant 0 : i32
    return %c0_i32, %c0_i32_0 : i32, i32
  }
  func.func @transform_4(%arg0: i32) -> (i32, i32) {
    %c0_i32 = arith.constant 0 : i32
    %c0_i32_0 = arith.constant 0 : i32
    %c0_i32_1 = arith.constant 0 : i32
    return %c0_i32, %c0_i32_0 : i32, i32
  }
  func.func @transform_5(%arg0: i32) -> (i32, i32) {
    %c0_i32 = arith.constant 0 : i32
    %c0_i32_0 = arith.constant 0 : i32
    %c0_i32_1 = arith.constant 0 : i32
    return %c0_i32, %c0_i32_0 : i32, i32
  }
  func.func @transform_6(%arg0: i32) -> (i32, i32) {
    %c0_i32 = arith.constant 0 : i32
    %c0_i32_0 = arith.constant 0 : i32
    %c0_i32_1 = arith.constant 0 : i32
    return %c0_i32, %c0_i32_0 : i32, i32
  }
  func.func @transform_7(%arg0: i32) -> (i32, i32) {
    %c0_i32 = arith.constant 0 : i32
    %c0_i32_0 = arith.constant 0 : i32
    %c0_i32_1 = arith.constant 0 : i32
    return %c0_i32, %c0_i32_0 : i32, i32
  }
  func.func @transform_8(%arg0: i32) -> (i32, i32) {
    %c0_i32 = arith.constant 0 : i32
    %c0_i32_0 = arith.constant 0 : i32
    %c0_i32_1 = arith.constant 0 : i32
    return %c0_i32, %c0_i32_0 : i32, i32
  }
  func.func @transform_9(%arg0: i32) -> (i32, i32) {
    %c0_i32 = arith.constant 0 : i32
    %c0_i32_0 = arith.constant 0 : i32
    %c0_i32_1 = arith.constant 0 : i32
    return %c0_i32, %c0_i32_0 : i32, i32
  }
  func.func @transform_10(%arg0: i32) -> (i32, i32) {
    %c0_i32 = arith.constant 0 : i32
    %c0_i32_0 = arith.constant 0 : i32
    %c0_i32_1 = arith.constant 0 : i32
    return %c0_i32, %c0_i32_0 : i32, i32
  }
  func.func @transform_11(%arg0: i32) -> (i32, i32) {
    %c0_i32 = arith.constant 0 : i32
    %c0_i32_0 = arith.constant 0 : i32
    return %arg0, %c0_i32 : i32, i32
  }
}

</mosaic_0001>

<sc_bundles>
// kernel: kernel.12.cloned.1.call-start
scs
__scs_entry_jumppad:
0x0: {  	(pc) =	sbr.rel $0x88, $3  }
0x1: {  	(tag) =	ssettag $0x0;
	lr =	simm.s32 $0x1  }
0x2: {  	[smem:$0x3F85] =	sst lr;
	_ =	strace $0xD0000000  }
0x3: {  	_ = 	snop  }
0x4: {  	_ = 	snop  }
0x5: {  	_ = 	snop  }
0x6: {  	_ = 	snop  }
0x7: {  	_ = 	snop  }
__scs_overlays_trampoline_lowered:
0x8: {  	[smem:$0x3F94] =	sst s0  }
0x9: {  	[smem:$0x3F95] =	sst s1  }
0xa: {  	[smem:$0x3F96] =	sst s2  }
0xb: {  	[smem:$0x3F97] =	sst s3  }
0xc: {  	[smem:$0x3F98] =	sst s4  }
0xd: {  	[smem:$0x3F99] =	sst s5  }
0xe: {  	[smem:$0x3F9A] =	sst s6  }
0xf: {  	[smem:$0x3F9B] =	sst s7  }
0x10: {  	[smem:$0x3F9C] =	sst s8  }
0x11: {  	[smem:$0x3F9D] =	sst s9;
	s0 =	simm.s32 @!p0 $0x0  }
0x12: {  	s1 =	sld [smem:$0x3F83];
	s0 =	simm.s32 @p0 $0x1  }
0x13: {  	[smem:$0x3F9E] =	sst s0;
	s0 =	simm.s32 @!p1 $0x0  }
0x14: {  	s2 =	sld [smem:$0x3F82];
	s0 =	simm.s32 @p1 $0x1  }
0x15: {  	[smem:$0x3F9F] =	sst s0;
	s0 =	simm.s32 @!p2 $0x0  }
0x16: {  	s3 =	sld [smem:$0x3FDB];
	s0 =	simm.s32 @p2 $0x1  }
0x17: {  	s4 =	simm.s32 $0x1BF5;
	[smem:$0x3FA1] =	sst s0  }
0x18: {  	s0 =	sld [smem:$0x3F84];
	_ =	swait.ge [sflag:s4], $0x0  }
0x19: {  	s7 =	sld [smem:$0x3F85]  }
0x1a: {  	s8 =	sadd.s32 $0xFFFFE003, lr  }
0x1b: {  	s9 =	sadd.s32 $0xFFFFFEF7, lr;
	s5 =	simm.s32 $0xFFFFFFFF;
	p2 =	slt.u32 s8, $0xFFFFF086  }
0x1c: {  	p1 =	slt.u32 s9, $0xF7A;
	s5 =	simm.s32 @!p2 $0x0  }
0x1d: {  	s5 =	simm.s32 @p1 $0x1;
	p0 =	seq.s32 s7, s2  }
0x1e: {  	s7 =	smul.u32 @!p0 $0xF7A, s2;
	p2 =	seq.s32 @!p0 s5, $0x0  }
0x1f: {  	s9 =	smul.u32 $0xF7A, s1;
	s8 =	simm.s32 @!p0 $0x1BF5;
	p2 =	por !p2, p0  }
0x20: {  	[sflag:s8] =	ssyncset.s32 @!p0 $0xFFFFF086;
	s6 =	sadd.s32 @!p0 s3, s7;
	s7 =	simm.s32 @!p0 $0x108  }
0x21: {  	s3 =	sadd.s32 s3, s9;
	s6 =	sadd.s32 @!p0 $0x88, s6;
	s7 =	simm.s32 @p2 $0x1082  }
0x22: {  	[simem:s7], [sflag:s8] =	dma.local @!p0 [hbm:s6], $0xF7A  }
0x23: {  	s9 =	sor.u32 $0xD0000000, s2;
	s6 =	simm.s32 $0x108;
	_ =	swait.ge @!p0 [sflag:s8], $0x0  }
0x24: {  	s3 =	sadd.s32 $0x88, s3;
	s6 =	simm.s32 @!p1 $0x1082;
	[sflag:s4] =	ssyncset.s32 $0xFFFFF086  }
0x25: {  	[simem:s6], [sflag:s4] =	dma.local [hbm:s3], $0xF7A  }
0x26: {  	[smem:$0x3F85] =	sst s1;
	(tag) =	ssettag s2;
	_ =	strace s9  }
0x27: {  	s1 =	sld [smem:$0x3F95]  }
0x28: {  	s2 =	sld [smem:$0x3F96]  }
0x29: {  	s4 =	sld [smem:$0x3F98]  }
0x2a: {  	p0 =	seq.s32 s5, $0x0;
	s5 =	sld [smem:$0x3F99]  }
0x2b: {  	s6 =	sld [smem:$0x3F9A]  }
0x2c: {  	s7 =	sld [smem:$0x3F9B]  }
0x2d: {  	s3 =	simm.s32 $0x108;
	s8 =	sld [smem:$0x3F9C]  }
0x2e: {  	s3 =	simm.s32 @!p0 $0x1082;
	s9 =	sld [smem:$0x3F9D]  }
0x2f: {  	lr =	sadd.s32 s0, s3;
	s0 =	sld [smem:$0x3F94]  }
0x30: {  	s3 =	sld [smem:$0x3F97]  }
0x31: {  	[smem:$0x3FA0] =	sst s10  }
0x32: {  	s10 =	sld [smem:$0x3F9E];
	_ =	sdelay $0x3  }
0x33: {  	p0 =	seq.s32 s10, $0x1;
	s10 =	sld [smem:$0x3FA0];
	_ =	sdelay $0x3  }
0x34: {  	[smem:$0x3FA0] =	sst s10  }
0x35: {  	s10 =	sld [smem:$0x3F9F];
	_ =	sdelay $0x3  }
0x36: {  	p1 =	seq.s32 s10, $0x1;
	s10 =	sld [smem:$0x3FA0];
	_ =	sdelay $0x3  }
0x37: {  	[smem:$0x3FA0] =	sst s10  }
0x38: {  	s10 =	sld [smem:$0x3FA1]  }
0x39: {  	_ = 	snop;
	(pc) =	sbr.ind lr, $3  }
0x3a: {  	_ = 	snop  }
0x3b: {  	_ = 	snop  }
0x3c: {  	p2 =	seq.s32 s10, $0x1;
	s10 =	sld [smem:$0x3FA0]  }
0x3d: {  	_ =	shalt  }
0x3e: {  	_ =	shalt  }
0x3f: {  	_ =	shalt  }
0x40: {  	_ =	shalt  }
0x41: {  	_ =	shalt  }
0x42: {  	_ =	shalt  }
0x43: {  	_ =	shalt  }
0x44: {  	_ =	shalt  }
0x45: {  	_ =	shalt  }
0x46: {  	_ =	shalt  }
0x47: {  	_ =	shalt  }
0x48: {  	_ =	shalt  }
0x49: {  	_ =	shalt  }
0x4a: {  	_ =	shalt  }
0x4b: {  	_ =	shalt  }
0x4c: {  	_ =	shalt  }
0x4d: {  	_ =	shalt  }
0x4e: {  	_ =	shalt  }
0x4f: {  	_ =	shalt  }
0x50: {  	_ =	shalt  }
0x51: {  	_ =	shalt  }
0x52: {  	_ =	shalt  }
0x53: {  	_ =	shalt  }
0x54: {  	_ =	shalt  }
0x55: {  	_ =	shalt  }
0x56: {  	_ =	shalt  }
0x57: {  	_ =	shalt  }
0x58: {  	_ =	shalt  }
0x59: {  	_ =	shalt  }
0x5a: {  	_ =	shalt  }
0x5b: {  	_ =	shalt  }
0x5c: {  	_ =	shalt  }
0x5d: {  	_ =	shalt  }
0x5e: {  	_ =	shalt  }
0x5f: {  	_ =	shalt  }
0x60: {  	_ =	shalt  }
0x61: {  	_ =	shalt  }
0x62: {  	_ =	shalt  }
0x63: {  	_ =	shalt  }
0x64: {  	_ =	shalt  }
0x65: {  	_ =	shalt  }
0x66: {  	_ =	shalt  }
0x67: {  	_ =	shalt  }
0x68: {  	_ =	shalt  }
0x69: {  	_ =	shalt  }
0x6a: {  	_ =	shalt  }
0x6b: {  	_ =	shalt  }
0x6c: {  	_ =	shalt  }
0x6d: {  	_ =	shalt  }
0x6e: {  	_ =	shalt  }
0x6f: {  	_ =	shalt  }
0x70: {  	_ =	shalt  }
0x71: {  	_ =	shalt  }
0x72: {  	_ =	shalt  }
0x73: {  	_ =	shalt  }
0x74: {  	_ =	shalt  }
0x75: {  	_ =	shalt  }
0x76: {  	_ =	shalt  }
0x77: {  	_ =	shalt  }
0x78: {  	_ =	shalt  }
0x79: {  	_ =	shalt  }
0x7a: {  	_ =	shalt  }
0x7b: {  	_ =	shalt  }
0x7c: {  	_ =	shalt  }
0x7d: {  	_ =	shalt  }
0x7e: {  	_ =	shalt  }
0x7f: {  	_ =	shalt  }
0x80: {  	_ =	shalt  }
0x81: {  	_ =	shalt  }
0x82: {  	_ =	shalt  }
0x83: {  	_ =	shalt  }
0x84: {  	_ =	shalt  }
0x85: {  	_ =	shalt  }
0x86: {  	_ =	shalt  }
0x87: {  	_ =	shalt  }
.Lfunc_end0:
.L_simem_size_0:
called_computation_lowered:
.L_overlay_start_0:
0x88: {  	s2 =	sld [smem:$0x3FD9]  }
0x89: {  	s3 =	sld [smem:$0x3FFE];
	_ =	sdelay $0x1  }
0x8a: {  	s1 =	srdreg.scid  }
0x8b: {  	s0 =	sand.u32 $0x1, s1  }
0x8c: {  	s17 =	sshll.u32 s0, $0xA;
	s2 =	sadd.s32 s3, s2  }
0x8d: {  	s2 =	sadd.s32 s2, s17  }
0x8e: {  	[smem:$0x3FAC] =	sst s2  }
0x8f: {  	_ = 	snop  }
0x90: {  	s2 =	sld [smem:$0x3FD0];
	(tm) =	ssettm $0x1  }
0x91: {  	s18 =	sld [smem:$0x3FFB];
	_ =	sdelay $0x3  }
0x92: {  	_ =	strace s18  }
0x93: {  	s3 =	sld [smem:$0x3FFC];
	_ =	sdelay $0x3  }
0x94: {  	_ =	strace s3  }
0x95: {  	s3 =	sld [smem:$0x3FFD];
	_ =	sdelay $0x3  }
0x96: {  	_ =	strace s3  }
0x97: {  	_ =	strace $0x8FFFFFFF  }
0x98: {  	s19 =	sld [smem:$0x3FDB];
	_ =	sdelay $0x1  }
0x99: {  	s4 =	simm.s32 $_scs_section_size  }
0x9a: {  	s5 =	simm.s32 $_size__tile_overlayer_lowered;
	s6 =	simm.s32 $_tile_overlayer_lowered  }
0x9b: {  	s22 =	simm.s32 $0x1BFF;
	s21 =	sshll.u32 s6, $0x1;
	s3 =	sadd.s32 s4, s19  }
0x9c: {  	s7 =	simm.s32 $0x0;
	s20 =	sshll.u32 s5, $0x1;
	s5 =	sadd.s32 s21, s3  }
0x9d: {  	[timem:s7], [sflag:s22] =	dma.local [hbm:s5], s20  }
0x9e: {  	_ =	swait.ge [sflag:s22], s20  }
0x9f: {  	s4 =	ssub.s32 $0x0, s20;
	[sflag:s22] =	ssyncset.done $0x0  }
0xa0: {  	[sflag:s22] =	ssyncadd.s32 s4;
	_ =	sdelay $0x1  }
0xa1: {  	s23 =	simm.s32 $0x1B8B  }
0xa2: {  	_ =	swait.ge [sflag:s23], $0x1  }
0xa3: {  	[sflag:s23] =	ssyncset.done $0x0  }
0xa4: {  	s25 =	simm.s32 $0x1B8E;
	s24 =	sld [smem:$0x3FFE];
	[sflag:s23] =	ssyncadd.s32 $0xFFFFFFFF  }
0xa5: {  	s26 =	simm.s32 $execute0_lowered;
	[smem:$0x3FD2] =	sst s25  }
0xa6: {  	s5 =	sshll.u32 s26, $0x1;
	_ =	strace $0x80000046;
	[dreg:$0x1] =	wrdreg $0xFFFFFFFF  }
0xa7: {  	s28 =	simm.s32 $_size_execute0_lowered;
	s3 =	sadd.s32 s3, s5;
	[dreg:$0x0] =	wrdreg $0x0  }
0xa8: {  	s5 =	sshll.u32 s28, $0x1;
	[dreg:$0x2] =	wrdreg s3  }
0xa9: {  	[dreg:$0x3] =	wrdreg s5  }
0xaa: {  	[dreg:$0x4] =	wrdreg $0xC0  }
0xab: {  	_ =	task [dreg:s7], $0x5FFFF  }
0xac: {  	[dreg:$0x1] =	wrdreg $0xFFFFFFFF  }
0xad: {  	[dreg:$0x0] =	wrdreg $0x60  }
0xae: {  	[dreg:$0x2] =	wrdreg s24  }
0xaf: {  	[dreg:$0x3] =	wrdreg s2  }
0xb0: {  	[dreg:$0x4] =	wrdreg $0x9  }
0xb1: {  	_ =	task.clear_ibuf [dreg:s7], $0x5FFFF;
	_ =	strace $0x90000046  }
0xb2: {  	s29 =	simm.s32 $0x9;
	_ =	strace $0x80000048  }
0xb3: {  	_ =	swait.ge [sflag:s29], $0x1  }
0xb4: {  	[sflag:s29] =	ssyncadd.s32 $0xFFFFFFFF  }
0xb5: {  	_ =	strace $0x90000048  }
0xb6: {  	_ =	sfence  }
0xb7: {  	s30 =	sld [smem:$0x0];
	_ =	sdelay $0x2  }
0xb8: {  	s31 =	sshll.u32 s1, $0xD;
	s1 =	sshrl.u32 s1, $0x2  }
0xb9: {  	s3 =	sand.u32 $0x4000, s31;
	s1 =	sadd.s32 s1, s30  }
0xba: {  	s0 =	sor.u32 s3, s0;
	s1 =	sshll.u32 s1, $0x11  }
0xbb: {  	s0 =	sor.u32 s1, s0  }
0xbc: {  	s0 =	sadd.s32 $0x8F2B, s0  }
0xbd: {  	[sflag:s0] =	ssyncadd.remote.s32 $0x1  }
0xbe: {  	_ =	sfence.sel $0xFFFF  }
0xbf: {  	[dreg:$0x0] =	wrdreg $0xFFFFFFFF;
	(pc) =	sbr.abs _section_cstart, $3  }
0xc0: {  	[dreg:$0x1] =	wrdreg $0xFFFFFFFF  }
0xc1: {  	_ =	task.clear_ibuf [dreg:s7], $0x2FFFF;
	_ =	strace $0x9FFFFFFF  }
0xc2: {  	(tm) =	ssettm $0x7FFFFFFF  }
0xc3: {  	_ =	shalt  }
tec
execute0_lowered:
.L_overlay_start_1:
0x0: {  	(tag) =	ssettag $0x1  }
0x1: {  	s0 =	srdreg.scid  }
0x2: {  	s1 =	rddreg [dreg:$0x0];
	s2 =	stileid.u32  }
0x3: {  	s3 =	rddreg [dreg:$0x1];
	s31 =	simm.s32 $0x9;
	s0 =	sand.u32 $0x1, s0  }
0x4: {  	s4 =	sshll.u32 s2, $0xC;
	s2 =	simm.s32 $0x0;
	s5 =	sshll.u32 s0, $0xB  }
0x5: {  	s26 =	simm.s32 $0x100;
	[smem:$0x7FF] =	sst s2;
	s4 =	sor.u32 s5, s4  }
0x6: {  	_ =	strace $0x80000047;
	s5 =	sshll.u32 s4, $0x3;
	s4 =	sshrl.u32 s4, $0x3  }
0x7: {  	[dreg:$0x14] =	wrdreg s26;
	s5 =	sadd.s32 s5, s1;
	s3 =	sadd.s32 s3, s4  }
0x8: {  	s8 =	simm.s32 $0x4800;
	[dreg:$0x3] =	wrdreg s3;
	s9 =	sadd.s32 $0xDA00, s5  }
0x9: {  	s30 =	simm.s32 $0x180;
	s10 =	sadd.s32 $0xDE00, s5;
	[dreg:$0x4] =	wrdreg s9  }
0xa: {  	s7 =	simm.s32 $0x6800;
	s11 =	sadd.s32 $0xE200, s5;
	[dreg:$0x5] =	wrdreg s10  }
0xb: {  	s29 =	simm.s32 $0x200;
	s12 =	sadd.s32 $0xE600, s5;
	[dreg:$0x6] =	wrdreg s11  }
0xc: {  	s28 =	simm.s32 $0x280;
	s13 =	sadd.s32 $0xEA00, s5;
	[dreg:$0x7] =	wrdreg s12  }
0xd: {  	s6 =	simm.s32 $0x7;
	s14 =	sadd.s32 $0xEE00, s5;
	[dreg:$0x8] =	wrdreg s13  }
0xe: {  	p0 =	por $0x0, $0x0;
	s15 =	sadd.s32 $0xF200, s5;
	[dreg:$0x9] =	wrdreg s14  }
0xf: {  	s0 =	ssub.s32 $0x2, s0;
	s16 =	sadd.s32 $0xF600, s5;
	[dreg:$0xa] =	wrdreg s15  }
0x10: {  	s23 =	sshrl.u32 s0, $0x1;
	s17 =	sadd.s32 $0xFA00, s5;
	[dreg:$0xb] =	wrdreg s16  }
0x11: {  	s26 =	simm.s32 $0x300;
	s18 =	sadd.s32 $0xFE00, s5;
	[dreg:$0xc] =	wrdreg s17  }
0x12: {  	s0 =	ssub.s32 s0, s23;
	s19 =	sadd.s32 $0x10200, s5;
	[dreg:$0xd] =	wrdreg s18  }
0x13: {  	s23 =	simm.s32 $0x480;
	s20 =	sadd.s32 $0x10600, s5;
	[dreg:$0xe] =	wrdreg s19  }
0x14: {  	s0 =	smax.u32 s0, $0x1;
	s21 =	sadd.s32 $0x10A00, s5;
	[dreg:$0xf] =	wrdreg s20  }
0x15: {  	s4 =	simm.s32 $0x5;
	s22 =	sadd.s32 $0x10E00, s5;
	[dreg:$0x10] =	wrdreg s21  }
0x16: {  	s24 =	sadd.s32 $0x11200, s5;
	s25 =	sadd.s32 $0x11600, s5;
	[dreg:$0x11] =	wrdreg s22  }
0x17: {  	s5 =	simm.s32 $0x6;
	s3 =	simm.s32 $0x8;
	[dreg:$0x12] =	wrdreg s24  }
0x18: {  	p1 =	sne.s32 s0, $0x1;
	s9 =	sadd.s32 $0x5A00, s1;
	[dreg:$0x13] =	wrdreg s25  }
0x19: {  	s11 =	simm.s32 $0x80;
	s15 =	simm.s32 $0x800;
	s10 =	simm.s32 $0x2800  }
.Ltmp0:
0x1a: {  	s16 =	simm.s32 $0x1;
	s14 =	simm.s32 $0x2;
	(pc) =	sbr.rel @!p1 .LBB2_3-.Ltmp0, $4  }
0x1b: {  	s13 =	simm.s32 $0x3;
	s12 =	simm.s32 $0x4;
	s25 =	simm.s32 $0x380  }
0x1c: {  	s24 =	simm.s32 $0x400;
	s1 =	sadd.s32 $0xFFFFFFFF, s0;
	s22 =	simm.s32 $0x500  }
0x1d: {  	s21 =	simm.s32 $0x580;
	s20 =	simm.s32 $0x600;
	s19 =	simm.s32 $0x680  }
0x1e: {  	s18 =	simm.s32 $0x700;
	s17 =	simm.s32 $0x780;
	s0 =	rddreg [dreg:$0x3]  }
0x1f: {  	[tilespmem:s2], [sflag:$0x9] =	stream.linear.gather [hbm4b:s0+s2], $0x800, $0x38;
	[tilespmem:$0x8800] =	vst v63  }
0x20: {  	_ =	swait.ge [sflag:s31], $0x800  }
0x21: {  	[sflag:s31] =	ssyncset.done $0x0  }
0x22: {  	[sflag:s31] =	ssyncadd.s32 $0xFFFFF800  }
0x23: {  	[tilespmem:s15], [sflag:$0x1] =	stream.indirect.gather [hbm4b:s9+s11], $0x40, s2, s11, $0xb8;
	[tilespmem:$0x8800] =	vst v63  }
0x24: {  	_ = 	snop  }
0x25: {  	[tilespmem:s10], [sflag:$0x2] =	stream.indirect.gather [hbm4b:s9+s11], $0x40, s11, s11, $0xb8;
	[tilespmem:$0x8800] =	vst v63  }
0x26: {  	s0 =	rddreg [dreg:$0x14]  }
0x27: {  	[tilespmem:s8], [sflag:$0x3] =	stream.indirect.gather [hbm4b:s9+s11], $0x40, s0, s11, $0xb8;
	[tilespmem:$0x8800] =	vst v63  }
0x28: {  	_ =	swait.ge [sflag:s16], $0x2000  }
0x29: {  	[sflag:s16] =	ssyncset.done $0x0  }
0x2a: {  	s0 =	rddreg [dreg:$0x4];
	[sflag:s16] =	ssyncadd.s32 $0xFFFFE000  }
0x2b: {  	[hbm4b:s0+s2] =	stream.linear.scatter [tilespmem:s15], [sflag:$0x5], $0x2000, $0x38;
	[tilespmem:$0x8800] =	vst v63  }
0x2c: {  	_ = 	snop  }
0x2d: {  	[tilespmem:s7], [sflag:$0x4] =	stream.indirect.gather [hbm4b:s9+s11], $0x40, s30, s11, $0xb8;
	[tilespmem:$0x8800] =	vst v63  }
0x2e: {  	_ =	swait.ge [sflag:s14], $0x2000  }
0x2f: {  	[sflag:s14] =	ssyncset.done $0x0  }
0x30: {  	s0 =	rddreg [dreg:$0x5];
	[sflag:s14] =	ssyncadd.s32 $0xFFFFE000  }
0x31: {  	[hbm4b:s0+s2] =	stream.linear.scatter [tilespmem:s10], [sflag:$0x6], $0x2000, $0x38;
	[tilespmem:$0x8800] =	vst v63  }
0x32: {  	_ =	swait.ge [sflag:s4], $0x2000  }
0x33: {  	[sflag:s4] =	ssyncset.done $0x0  }
0x34: {  	[sflag:s4] =	ssyncadd.s32 $0xFFFFE000  }
0x35: {  	[tilespmem:s15], [sflag:$0x1] =	stream.indirect.gather [hbm4b:s9+s11], $0x40, s29, s11, $0xb8;
	[tilespmem:$0x8800] =	vst v63  }
0x36: {  	_ =	swait.ge [sflag:s13], $0x2000  }
0x37: {  	[sflag:s13] =	ssyncset.done $0x0  }
0x38: {  	s0 =	rddreg [dreg:$0x6];
	[sflag:s13] =	ssyncadd.s32 $0xFFFFE000  }
0x39: {  	[hbm4b:s0+s2] =	stream.linear.scatter [tilespmem:s8], [sflag:$0x7], $0x2000, $0x38;
	[tilespmem:$0x8800] =	vst v63  }
0x3a: {  	_ =	swait.ge [sflag:s5], $0x2000  }
0x3b: {  	[sflag:s5] =	ssyncset.done $0x0  }
0x3c: {  	[sflag:s5] =	ssyncadd.s32 $0xFFFFE000  }
0x3d: {  	[tilespmem:s10], [sflag:$0x2] =	stream.indirect.gather [hbm4b:s9+s11], $0x40, s28, s11, $0xb8;
	[tilespmem:$0x8800] =	vst v63  }
0x3e: {  	_ =	swait.ge [sflag:s12], $0x2000  }
0x3f: {  	[sflag:s12] =	ssyncset.done $0x0  }
0x40: {  	s0 =	rddreg [dreg:$0x7];
	[sflag:s12] =	ssyncadd.s32 $0xFFFFE000  }
0x41: {  	[hbm4b:s0+s2] =	stream.linear.scatter [tilespmem:s7], [sflag:$0x8], $0x2000, $0x38;
	[tilespmem:$0x8800] =	vst v63  }
0x42: {  	_ =	swait.ge [sflag:s6], $0x2000  }
0x43: {  	[sflag:s6] =	ssyncset.done $0x0  }
0x44: {  	[sflag:s6] =	ssyncadd.s32 $0xFFFFE000  }
0x45: {  	[tilespmem:s8], [sflag:$0x3] =	stream.indirect.gather [hbm4b:s9+s11], $0x40, s26, s11, $0xb8;
	[tilespmem:$0x8800] =	vst v63  }
0x46: {  	_ =	swait.ge [sflag:s16], $0x2000  }
0x47: {  	[sflag:s16] =	ssyncset.done $0x0  }
0x48: {  	s0 =	rddreg [dreg:$0x8];
	[sflag:s16] =	ssyncadd.s32 $0xFFFFE000  }
0x49: {  	[hbm4b:s0+s2] =	stream.linear.scatter [tilespmem:s15], [sflag:$0x5], $0x2000, $0x38;
	[tilespmem:$0x8800] =	vst v63  }
0x4a: {  	_ =	swait.ge [sflag:s3], $0x2000  }
0x4b: {  	[sflag:s3] =	ssyncset.done $0x0  }
0x4c: {  	[sflag:s3] =	ssyncadd.s32 $0xFFFFE000  }
0x4d: {  	[tilespmem:s7], [sflag:$0x4] =	stream.indirect.gather [hbm4b:s9+s11], $0x40, s25, s11, $0xb8;
	[tilespmem:$0x8800] =	vst v63  }
0x4e: {  	_ =	swait.ge [sflag:s14], $0x2000  }
0x4f: {  	[sflag:s14] =	ssyncset.done $0x0  }
0x50: {  	s0 =	rddreg [dreg:$0x9];
	[sflag:s14] =	ssyncadd.s32 $0xFFFFE000  }
0x51: {  	[hbm4b:s0+s2] =	stream.linear.scatter [tilespmem:s10], [sflag:$0x6], $0x2000, $0x38;
	[tilespmem:$0x8800] =	vst v63  }
0x52: {  	_ =	swait.ge [sflag:s4], $0x2000  }
0x53: {  	[sflag:s4] =	ssyncset.done $0x0  }
0x54: {  	[sflag:s4] =	ssyncadd.s32 $0xFFFFE000  }
0x55: {  	[tilespmem:s15], [sflag:$0x1] =	stream.indirect.gather [hbm4b:s9+s11], $0x40, s24, s11, $0xb8;
	[tilespmem:$0x8800] =	vst v63  }
0x56: {  	_ =	swait.ge [sflag:s13], $0x2000  }
0x57: {  	[sflag:s13] =	ssyncset.done $0x0  }
0x58: {  	s0 =	rddreg [dreg:$0xa];
	[sflag:s13] =	ssyncadd.s32 $0xFFFFE000  }
0x59: {  	[hbm4b:s0+s2] =	stream.linear.scatter [tilespmem:s8], [sflag:$0x7], $0x2000, $0x38;
	[tilespmem:$0x8800] =	vst v63  }
0x5a: {  	_ =	swait.ge [sflag:s5], $0x2000  }
0x5b: {  	[sflag:s5] =	ssyncset.done $0x0  }
0x5c: {  	[sflag:s5] =	ssyncadd.s32 $0xFFFFE000  }
0x5d: {  	[tilespmem:s10], [sflag:$0x2] =	stream.indirect.gather [hbm4b:s9+s11], $0x40, s23, s11, $0xb8;
	[tilespmem:$0x8800] =	vst v63  }
0x5e: {  	_ =	swait.ge [sflag:s12], $0x2000  }
0x5f: {  	[sflag:s12] =	ssyncset.done $0x0  }
0x60: {  	s0 =	rddreg [dreg:$0xb];
	[sflag:s12] =	ssyncadd.s32 $0xFFFFE000  }
0x61: {  	[hbm4b:s0+s2] =	stream.linear.scatter [tilespmem:s7], [sflag:$0x8], $0x2000, $0x38;
	[tilespmem:$0x8800] =	vst v63  }
0x62: {  	_ =	swait.ge [sflag:s6], $0x2000  }
0x63: {  	[sflag:s6] =	ssyncset.done $0x0  }
0x64: {  	[sflag:s6] =	ssyncadd.s32 $0xFFFFE000  }
0x65: {  	[tilespmem:s8], [sflag:$0x3] =	stream.indirect.gather [hbm4b:s9+s11], $0x40, s22, s11, $0xb8;
	[tilespmem:$0x8800] =	vst v63  }
0x66: {  	_ =	swait.ge [sflag:s16], $0x2000  }
0x67: {  	[sflag:s16] =	ssyncset.done $0x0  }
0x68: {  	s0 =	rddreg [dreg:$0xc];
	[sflag:s16] =	ssyncadd.s32 $0xFFFFE000  }
0x69: {  	[hbm4b:s0+s2] =	stream.linear.scatter [tilespmem:s15], [sflag:$0x5], $0x2000, $0x38;
	[tilespmem:$0x8800] =	vst v63  }
0x6a: {  	_ =	swait.ge [sflag:s3], $0x2000  }
0x6b: {  	[sflag:s3] =	ssyncset.done $0x0  }
0x6c: {  	[sflag:s3] =	ssyncadd.s32 $0xFFFFE000  }
0x6d: {  	[tilespmem:s7], [sflag:$0x4] =	stream.indirect.gather [hbm4b:s9+s11], $0x40, s21, s11, $0xb8;
	[tilespmem:$0x8800] =	vst v63  }
0x6e: {  	_ =	swait.ge [sflag:s14], $0x2000  }
0x6f: {  	[sflag:s14] =	ssyncset.done $0x0  }
0x70: {  	s0 =	rddreg [dreg:$0xd];
	[sflag:s14] =	ssyncadd.s32 $0xFFFFE000  }
0x71: {  	[hbm4b:s0+s2] =	stream.linear.scatter [tilespmem:s10], [sflag:$0x6], $0x2000, $0x38;
	[tilespmem:$0x8800] =	vst v63  }
0x72: {  	_ =	swait.ge [sflag:s4], $0x2000  }
0x73: {  	[sflag:s4] =	ssyncset.done $0x0  }
0x74: {  	[sflag:s4] =	ssyncadd.s32 $0xFFFFE000  }
0x75: {  	[tilespmem:s15], [sflag:$0x1] =	stream.indirect.gather [hbm4b:s9+s11], $0x40, s20, s11, $0xb8;
	[tilespmem:$0x8800] =	vst v63  }
0x76: {  	_ =	swait.ge [sflag:s13], $0x2000  }
0x77: {  	[sflag:s13] =	ssyncset.done $0x0  }
0x78: {  	s0 =	rddreg [dreg:$0xe];
	[sflag:s13] =	ssyncadd.s32 $0xFFFFE000  }
0x79: {  	[hbm4b:s0+s2] =	stream.linear.scatter [tilespmem:s8], [sflag:$0x7], $0x2000, $0x38;
	[tilespmem:$0x8800] =	vst v63  }
0x7a: {  	_ =	swait.ge [sflag:s5], $0x2000  }
0x7b: {  	[sflag:s5] =	ssyncset.done $0x0  }
0x7c: {  	[sflag:s5] =	ssyncadd.s32 $0xFFFFE000  }
0x7d: {  	[tilespmem:s10], [sflag:$0x2] =	stream.indirect.gather [hbm4b:s9+s11], $0x40, s19, s11, $0xb8;
	[tilespmem:$0x8800] =	vst v63  }
0x7e: {  	_ =	swait.ge [sflag:s12], $0x2000  }
0x7f: {  	[sflag:s12] =	ssyncset.done $0x0  }
0x80: {  	s0 =	rddreg [dreg:$0xf];
	[sflag:s12] =	ssyncadd.s32 $0xFFFFE000  }
0x81: {  	[hbm4b:s0+s2] =	stream.linear.scatter [tilespmem:s7], [sflag:$0x8], $0x2000, $0x38;
	[tilespmem:$0x8800] =	vst v63  }
0x82: {  	_ =	swait.ge [sflag:s6], $0x2000  }
0x83: {  	[sflag:s6] =	ssyncset.done $0x0  }
0x84: {  	[sflag:s6] =	ssyncadd.s32 $0xFFFFE000  }
0x85: {  	[tilespmem:s8], [sflag:$0x3] =	stream.indirect.gather [hbm4b:s9+s11], $0x40, s18, s11, $0xb8;
	[tilespmem:$0x8800] =	vst v63  }
0x86: {  	_ =	swait.ge [sflag:s16], $0x2000  }
0x87: {  	[sflag:s16] =	ssyncset.done $0x0  }
0x88: {  	s0 =	rddreg [dreg:$0x10];
	[sflag:s16] =	ssyncadd.s32 $0xFFFFE000  }
0x89: {  	[hbm4b:s0+s2] =	stream.linear.scatter [tilespmem:s15], [sflag:$0x5], $0x2000, $0x38;
	[tilespmem:$0x8800] =	vst v63  }
0x8a: {  	_ =	swait.ge [sflag:s3], $0x2000  }
0x8b: {  	[sflag:s3] =	ssyncset.done $0x0  }
0x8c: {  	[sflag:s3] =	ssyncadd.s32 $0xFFFFE000  }
0x8d: {  	[tilespmem:s7], [sflag:$0x4] =	stream.indirect.gather [hbm4b:s9+s11], $0x40, s17, s11, $0xb8;
	[tilespmem:$0x8800] =	vst v63  }
0x8e: {  	_ =	swait.ge [sflag:s14], $0x2000  }
0x8f: {  	[sflag:s14] =	ssyncset.done $0x0  }
0x90: {  	s0 =	rddreg [dreg:$0x11];
	[sflag:s14] =	ssyncadd.s32 $0xFFFFE000  }
0x91: {  	[hbm4b:s0+s2] =	stream.linear.scatter [tilespmem:s10], [sflag:$0x6], $0x2000, $0x38;
	[tilespmem:$0x8800] =	vst v63  }
0x92: {  	_ =	swait.ge [sflag:s13], $0x2000  }
0x93: {  	[sflag:s13] =	ssyncset.done $0x0  }
0x94: {  	s0 =	rddreg [dreg:$0x12];
	[sflag:s13] =	ssyncadd.s32 $0xFFFFE000  }
0x95: {  	[hbm4b:s0+s2] =	stream.linear.scatter [tilespmem:s8], [sflag:$0x7], $0x2000, $0x38;
	[tilespmem:$0x8800] =	vst v63  }
0x96: {  	_ =	swait.ge [sflag:s12], $0x2000  }
0x97: {  	[sflag:s12] =	ssyncset.done $0x0  }
0x98: {  	s0 =	rddreg [dreg:$0x13];
	[sflag:s12] =	ssyncadd.s32 $0xFFFFE000  }
0x99: {  	[hbm4b:s0+s2] =	stream.linear.scatter [tilespmem:s7], [sflag:$0x8], $0x2000, $0x38;
	[tilespmem:$0x8800] =	vst v63  }
0x9a: {  	_ =	swait.ge [sflag:s4], $0x2000  }
0x9b: {  	[sflag:s4] =	ssyncset.done $0x0  }
0x9c: {  	[sflag:s4] =	ssyncadd.s32 $0xFFFFE000  }
0x9d: {  	_ =	swait.ge [sflag:s5], $0x2000  }
0x9e: {  	[sflag:s5] =	ssyncset.done $0x0  }
0x9f: {  	p1 =	sne.s32 s1, $0x1;
	[sflag:s5] =	ssyncadd.s32 $0xFFFFE000  }
.Ltmp1:
0xa0: {  	_ =	swait.ge [sflag:s6], $0x2000;
	(pc) =	sbr.rel @!p1 .LBB2_3-.Ltmp1, $4  }
0xa1: {  	[sflag:s6] =	ssyncset.done $0x0  }
0xa2: {  	[sflag:s6] =	ssyncadd.s32 $0xFFFFE000  }
0xa3: {  	s1 =	sadd.s32 $0xFFFFFFFF, s1;
	_ =	swait.ge [sflag:s3], $0x2000  }
0xa4: {  	p0 =	por $0x1, $0x1;
	s0 =	rddreg [dreg:$0x3];
	[sflag:s3] =	ssyncset.done $0x0  }
.LBB2_2:
0xa5: {  	[sflag:s3] =	ssyncadd.s32 $0xFFFFE000  }
0xa6: {  	[tilespmem:s2], [sflag:$0x9] =	stream.linear.gather [hbm4b:s0+s2], $0x800, $0x38;
	[tilespmem:$0x8800] =	vst v63  }
0xa7: {  	_ =	swait.ge [sflag:s31], $0x800  }
0xa8: {  	[sflag:s31] =	ssyncset.done $0x0  }
0xa9: {  	[sflag:s31] =	ssyncadd.s32 $0xFFFFF800  }
0xaa: {  	[tilespmem:s15], [sflag:$0x1] =	stream.indirect.gather [hbm4b:s9+s11], $0x40, s2, s11, $0xb8;
	[tilespmem:$0x8800] =	vst v63  }
0xab: {  	_ = 	snop  }
0xac: {  	[tilespmem:s10], [sflag:$0x2] =	stream.indirect.gather [hbm4b:s9+s11], $0x40, s11, s11, $0xb8;
	[tilespmem:$0x8800] =	vst v63  }
0xad: {  	s0 =	rddreg [dreg:$0x14]  }
0xae: {  	[tilespmem:s8], [sflag:$0x3] =	stream.indirect.gather [hbm4b:s9+s11], $0x40, s0, s11, $0xb8;
	[tilespmem:$0x8800] =	vst v63  }
0xaf: {  	_ =	swait.ge [sflag:s16], $0x2000  }
0xb0: {  	[sflag:s16] =	ssyncset.done $0x0  }
0xb1: {  	s0 =	rddreg [dreg:$0x4];
	[sflag:s16] =	ssyncadd.s32 $0xFFFFE000  }
0xb2: {  	[hbm4b:s0+s2] =	stream.linear.scatter [tilespmem:s15], [sflag:$0x5], $0x2000, $0x38;
	[tilespmem:$0x8800] =	vst v63  }
0xb3: {  	_ = 	snop  }
0xb4: {  	[tilespmem:s7], [sflag:$0x4] =	stream.indirect.gather [hbm4b:s9+s11], $0x40, s30, s11, $0xb8;
	[tilespmem:$0x8800] =	vst v63  }
0xb5: {  	_ =	swait.ge [sflag:s14], $0x2000  }
0xb6: {  	[sflag:s14] =	ssyncset.done $0x0  }
0xb7: {  	s0 =	rddreg [dreg:$0x5];
	[sflag:s14] =	ssyncadd.s32 $0xFFFFE000  }
0xb8: {  	[hbm4b:s0+s2] =	stream.linear.scatter [tilespmem:s10], [sflag:$0x6], $0x2000, $0x38;
	[tilespmem:$0x8800] =	vst v63  }
0xb9: {  	_ =	swait.ge [sflag:s4], $0x2000  }
0xba: {  	[sflag:s4] =	ssyncset.done $0x0  }
0xbb: {  	[sflag:s4] =	ssyncadd.s32 $0xFFFFE000  }
0xbc: {  	[tilespmem:s15], [sflag:$0x1] =	stream.indirect.gather [hbm4b:s9+s11], $0x40, s29, s11, $0xb8;
	[tilespmem:$0x8800] =	vst v63  }
0xbd: {  	_ =	swait.ge [sflag:s13], $0x2000  }
0xbe: {  	[sflag:s13] =	ssyncset.done $0x0  }
0xbf: {  	s0 =	rddreg [dreg:$0x6];
	[sflag:s13] =	ssyncadd.s32 $0xFFFFE000  }
0xc0: {  	[hbm4b:s0+s2] =	stream.linear.scatter [tilespmem:s8], [sflag:$0x7], $0x2000, $0x38;
	[tilespmem:$0x8800] =	vst v63  }
0xc1: {  	_ =	swait.ge [sflag:s5], $0x2000  }
0xc2: {  	[sflag:s5] =	ssyncset.done $0x0  }
0xc3: {  	[sflag:s5] =	ssyncadd.s32 $0xFFFFE000  }
0xc4: {  	[tilespmem:s10], [sflag:$0x2] =	stream.indirect.gather [hbm4b:s9+s11], $0x40, s28, s11, $0xb8;
	[tilespmem:$0x8800] =	vst v63  }
0xc5: {  	_ =	swait.ge [sflag:s12], $0x2000  }
0xc6: {  	[sflag:s12] =	ssyncset.done $0x0  }
0xc7: {  	s0 =	rddreg [dreg:$0x7];
	[sflag:s12] =	ssyncadd.s32 $0xFFFFE000  }
0xc8: {  	[hbm4b:s0+s2] =	stream.linear.scatter [tilespmem:s7], [sflag:$0x8], $0x2000, $0x38;
	[tilespmem:$0x8800] =	vst v63  }
0xc9: {  	_ =	swait.ge [sflag:s6], $0x2000  }
0xca: {  	[sflag:s6] =	ssyncset.done $0x0  }
0xcb: {  	[sflag:s6] =	ssyncadd.s32 $0xFFFFE000  }
0xcc: {  	[tilespmem:s8], [sflag:$0x3] =	stream.indirect.gather [hbm4b:s9+s11], $0x40, s26, s11, $0xb8;
	[tilespmem:$0x8800] =	vst v63  }
0xcd: {  	_ =	swait.ge [sflag:s16], $0x2000  }
0xce: {  	[sflag:s16] =	ssyncset.done $0x0  }
0xcf: {  	s0 =	rddreg [dreg:$0x8];
	[sflag:s16] =	ssyncadd.s32 $0xFFFFE000  }
0xd0: {  	[hbm4b:s0+s2] =	stream.linear.scatter [tilespmem:s15], [sflag:$0x5], $0x2000, $0x38;
	[tilespmem:$0x8800] =	vst v63  }
0xd1: {  	_ =	swait.ge [sflag:s3], $0x2000  }
0xd2: {  	[sflag:s3] =	ssyncset.done $0x0  }
0xd3: {  	[sflag:s3] =	ssyncadd.s32 $0xFFFFE000  }
0xd4: {  	[tilespmem:s7], [sflag:$0x4] =	stream.indirect.gather [hbm4b:s9+s11], $0x40, s25, s11, $0xb8;
	[tilespmem:$0x8800] =	vst v63  }
0xd5: {  	_ =	swait.ge [sflag:s14], $0x2000  }
0xd6: {  	[sflag:s14] =	ssyncset.done $0x0  }
0xd7: {  	s0 =	rddreg [dreg:$0x9];
	[sflag:s14] =	ssyncadd.s32 $0xFFFFE000  }
0xd8: {  	[hbm4b:s0+s2] =	stream.linear.scatter [tilespmem:s10], [sflag:$0x6], $0x2000, $0x38;
	[tilespmem:$0x8800] =	vst v63  }
0xd9: {  	_ =	swait.ge [sflag:s4], $0x2000  }
0xda: {  	[sflag:s4] =	ssyncset.done $0x0  }
0xdb: {  	[sflag:s4] =	ssyncadd.s32 $0xFFFFE000  }
0xdc: {  	[tilespmem:s15], [sflag:$0x1] =	stream.indirect.gather [hbm4b:s9+s11], $0x40, s24, s11, $0xb8;
	[tilespmem:$0x8800] =	vst v63  }
0xdd: {  	_ =	swait.ge [sflag:s13], $0x2000  }
0xde: {  	[sflag:s13] =	ssyncset.done $0x0  }
0xdf: {  	s0 =	rddreg [dreg:$0xa];
	[sflag:s13] =	ssyncadd.s32 $0xFFFFE000  }
0xe0: {  	[hbm4b:s0+s2] =	stream.linear.scatter [tilespmem:s8], [sflag:$0x7], $0x2000, $0x38;
	[tilespmem:$0x8800] =	vst v63  }
0xe1: {  	_ =	swait.ge [sflag:s5], $0x2000  }
0xe2: {  	[sflag:s5] =	ssyncset.done $0x0  }
0xe3: {  	[sflag:s5] =	ssyncadd.s32 $0xFFFFE000  }
0xe4: {  	[tilespmem:s10], [sflag:$0x2] =	stream.indirect.gather [hbm4b:s9+s11], $0x40, s23, s11, $0xb8;
	[tilespmem:$0x8800] =	vst v63  }
0xe5: {  	_ =	swait.ge [sflag:s12], $0x2000  }
0xe6: {  	[sflag:s12] =	ssyncset.done $0x0  }
0xe7: {  	s0 =	rddreg [dreg:$0xb];
	[sflag:s12] =	ssyncadd.s32 $0xFFFFE000  }
0xe8: {  	[hbm4b:s0+s2] =	stream.linear.scatter [tilespmem:s7], [sflag:$0x8], $0x2000, $0x38;
	[tilespmem:$0x8800] =	vst v63  }
0xe9: {  	_ =	swait.ge [sflag:s6], $0x2000  }
0xea: {  	[sflag:s6] =	ssyncset.done $0x0  }
0xeb: {  	[sflag:s6] =	ssyncadd.s32 $0xFFFFE000  }
0xec: {  	[tilespmem:s8], [sflag:$0x3] =	stream.indirect.gather [hbm4b:s9+s11], $0x40, s22, s11, $0xb8;
	[tilespmem:$0x8800] =	vst v63  }
0xed: {  	_ =	swait.ge [sflag:s16], $0x2000  }
0xee: {  	[sflag:s16] =	ssyncset.done $0x0  }
0xef: {  	s0 =	rddreg [dreg:$0xc];
	[sflag:s16] =	ssyncadd.s32 $0xFFFFE000  }
0xf0: {  	[hbm4b:s0+s2] =	stream.linear.scatter [tilespmem:s15], [sflag:$0x5], $0x2000, $0x38;
	[tilespmem:$0x8800] =	vst v63  }
0xf1: {  	_ =	swait.ge [sflag:s3], $0x2000  }
0xf2: {  	[sflag:s3] =	ssyncset.done $0x0  }
0xf3: {  	[sflag:s3] =	ssyncadd.s32 $0xFFFFE000  }
0xf4: {  	[tilespmem:s7], [sflag:$0x4] =	stream.indirect.gather [hbm4b:s9+s11], $0x40, s21, s11, $0xb8;
	[tilespmem:$0x8800] =	vst v63  }
0xf5: {  	_ =	swait.ge [sflag:s14], $0x2000  }
0xf6: {  	[sflag:s14] =	ssyncset.done $0x0  }
0xf7: {  	s0 =	rddreg [dreg:$0xd];
	[sflag:s14] =	ssyncadd.s32 $0xFFFFE000  }
0xf8: {  	[hbm4b:s0+s2] =	stream.linear.scatter [tilespmem:s10], [sflag:$0x6], $0x2000, $0x38;
	[tilespmem:$0x8800] =	vst v63  }
0xf9: {  	_ =	swait.ge [sflag:s4], $0x2000  }
0xfa: {  	[sflag:s4] =	ssyncset.done $0x0  }
0xfb: {  	[sflag:s4] =	ssyncadd.s32 $0xFFFFE000  }
0xfc: {  	[tilespmem:s15], [sflag:$0x1] =	stream.indirect.gather [hbm4b:s9+s11], $0x40, s20, s11, $0xb8;
	[tilespmem:$0x8800] =	vst v63  }
0xfd: {  	_ =	swait.ge [sflag:s13], $0x2000  }
0xfe: {  	[sflag:s13] =	ssyncset.done $0x0  }
0xff: {  	s0 =	rddreg [dreg:$0xe];
	[sflag:s13] =	ssyncadd.s32 $0xFFFFE000  }
0x100: {  	[hbm4b:s0+s2] =	stream.linear.scatter [tilespmem:s8], [sflag:$0x7], $0x2000, $0x38;
	[tilespmem:$0x8800] =	vst v63  }
0x101: {  	_ =	swait.ge [sflag:s5], $0x2000  }
0x102: {  	[sflag:s5] =	ssyncset.done $0x0  }
0x103: {  	[sflag:s5] =	ssyncadd.s32 $0xFFFFE000  }
0x104: {  	[tilespmem:s10], [sflag:$0x2] =	stream.indirect.gather [hbm4b:s9+s11], $0x40, s19, s11, $0xb8;
	[tilespmem:$0x8800] =	vst v63  }
0x105: {  	_ =	swait.ge [sflag:s12], $0x2000  }
0x106: {  	[sflag:s12] =	ssyncset.done $0x0  }
0x107: {  	s0 =	rddreg [dreg:$0xf];
	[sflag:s12] =	ssyncadd.s32 $0xFFFFE000  }
0x108: {  	[hbm4b:s0+s2] =	stream.linear.scatter [tilespmem:s7], [sflag:$0x8], $0x2000, $0x38;
	[tilespmem:$0x8800] =	vst v63  }
0x109: {  	_ =	swait.ge [sflag:s6], $0x2000  }
0x10a: {  	[sflag:s6] =	ssyncset.done $0x0  }
0x10b: {  	[sflag:s6] =	ssyncadd.s32 $0xFFFFE000  }
0x10c: {  	[tilespmem:s8], [sflag:$0x3] =	stream.indirect.gather [hbm4b:s9+s11], $0x40, s18, s11, $0xb8;
	[tilespmem:$0x8800] =	vst v63  }
0x10d: {  	_ =	swait.ge [sflag:s16], $0x2000  }
0x10e: {  	[sflag:s16] =	ssyncset.done $0x0  }
0x10f: {  	s0 =	rddreg [dreg:$0x10];
	[sflag:s16] =	ssyncadd.s32 $0xFFFFE000  }
0x110: {  	[hbm4b:s0+s2] =	stream.linear.scatter [tilespmem:s15], [sflag:$0x5], $0x2000, $0x38;
	[tilespmem:$0x8800] =	vst v63  }
0x111: {  	_ =	swait.ge [sflag:s3], $0x2000  }
0x112: {  	[sflag:s3] =	ssyncset.done $0x0  }
0x113: {  	[sflag:s3] =	ssyncadd.s32 $0xFFFFE000  }
0x114: {  	[tilespmem:s7], [sflag:$0x4] =	stream.indirect.gather [hbm4b:s9+s11], $0x40, s17, s11, $0xb8;
	[tilespmem:$0x8800] =	vst v63  }
0x115: {  	_ =	swait.ge [sflag:s14], $0x2000  }
0x116: {  	[sflag:s14] =	ssyncset.done $0x0  }
0x117: {  	s0 =	rddreg [dreg:$0x11];
	[sflag:s14] =	ssyncadd.s32 $0xFFFFE000  }
0x118: {  	[hbm4b:s0+s2] =	stream.linear.scatter [tilespmem:s10], [sflag:$0x6], $0x2000, $0x38;
	[tilespmem:$0x8800] =	vst v63  }
0x119: {  	_ =	swait.ge [sflag:s13], $0x2000  }
0x11a: {  	[sflag:s13] =	ssyncset.done $0x0  }
0x11b: {  	s0 =	rddreg [dreg:$0x12];
	[sflag:s13] =	ssyncadd.s32 $0xFFFFE000  }
0x11c: {  	[hbm4b:s0+s2] =	stream.linear.scatter [tilespmem:s8], [sflag:$0x7], $0x2000, $0x38;
	[tilespmem:$0x8800] =	vst v63  }
0x11d: {  	_ =	swait.ge [sflag:s12], $0x2000  }
0x11e: {  	[sflag:s12] =	ssyncset.done $0x0  }
0x11f: {  	s0 =	rddreg [dreg:$0x13];
	[sflag:s12] =	ssyncadd.s32 $0xFFFFE000  }
0x120: {  	[hbm4b:s0+s2] =	stream.linear.scatter [tilespmem:s7], [sflag:$0x8], $0x2000, $0x38;
	[tilespmem:$0x8800] =	vst v63  }
0x121: {  	_ =	swait.ge [sflag:s4], $0x2000  }
0x122: {  	[sflag:s4] =	ssyncset.done $0x0  }
0x123: {  	[sflag:s4] =	ssyncadd.s32 $0xFFFFE000  }
0x124: {  	_ =	swait.ge [sflag:s5], $0x2000  }
0x125: {  	[sflag:s5] =	ssyncset.done $0x0  }
0x126: {  	p1 =	sne.s32 s1, $0x1;
	[sflag:s5] =	ssyncadd.s32 $0xFFFFE000  }
.Ltmp2:
0x127: {  	_ =	swait.ge [sflag:s6], $0x2000;
	(pc) =	sbr.rel @p1 .LBB2_2-.Ltmp2, $4  }
0x128: {  	[sflag:s6] =	ssyncset.done $0x0  }
0x129: {  	[sflag:s6] =	ssyncadd.s32 $0xFFFFE000  }
0x12a: {  	_ =	swait.ge [sflag:s3], $0x2000  }
0x12b: {  	s1 =	sadd.s32 $0xFFFFFFFF, s1;
	s0 =	rddreg [dreg:$0x3];
	[sflag:s3] =	ssyncset.done $0x0  }
.LBB2_3:
0x12c: {  	[sflag:s3] =	ssyncadd.s32 @p0 $0xFFFFE000  }
0x12d: {  	[tilespmem:s2], [sflag:$0x9] =	stream.linear.gather [hbm4b:s0+s2], $0x800, $0x38;
	[tilespmem:$0x8800] =	vst v63  }
0x12e: {  	_ =	swait.ge [sflag:s31], $0x800  }
0x12f: {  	[sflag:s31] =	ssyncset.done $0x0  }
0x130: {  	[sflag:s31] =	ssyncadd.s32 $0xFFFFF800  }
0x131: {  	[tilespmem:s15], [sflag:$0x1] =	stream.indirect.gather [hbm4b:s9+s11], $0x40, s2, s11, $0xb8;
	[tilespmem:$0x8800] =	vst v63  }
0x132: {  	_ = 	snop  }
0x133: {  	[tilespmem:s10], [sflag:$0x2] =	stream.indirect.gather [hbm4b:s9+s11], $0x40, s11, s11, $0xb8;
	[tilespmem:$0x8800] =	vst v63  }
0x134: {  	s31 =	rddreg [dreg:$0x14]  }
0x135: {  	[tilespmem:s8], [sflag:$0x3] =	stream.indirect.gather [hbm4b:s9+s11], $0x40, s31, s11, $0xb8;
	[tilespmem:$0x8800] =	vst v63  }
0x136: {  	_ =	swait.ge [sflag:s16], $0x2000  }
0x137: {  	[sflag:s16] =	ssyncset.done $0x0  }
0x138: {  	s1 =	rddreg [dreg:$0x4];
	[sflag:s16] =	ssyncadd.s32 $0xFFFFE000  }
0x139: {  	[hbm4b:s1+s2] =	stream.linear.scatter [tilespmem:s15], [sflag:$0x5], $0x2000, $0x38;
	[tilespmem:$0x8800] =	vst v63  }
0x13a: {  	_ = 	snop  }
0x13b: {  	[tilespmem:s7], [sflag:$0x4] =	stream.indirect.gather [hbm4b:s9+s11], $0x40, s30, s11, $0xb8;
	[tilespmem:$0x8800] =	vst v63  }
0x13c: {  	_ =	swait.ge [sflag:s14], $0x2000  }
0x13d: {  	[sflag:s14] =	ssyncset.done $0x0  }
0x13e: {  	s31 =	rddreg [dreg:$0x5];
	[sflag:s14] =	ssyncadd.s32 $0xFFFFE000  }
0x13f: {  	[hbm4b:s31+s2] =	stream.linear.scatter [tilespmem:s10], [sflag:$0x6], $0x2000, $0x38;
	[tilespmem:$0x8800] =	vst v63  }
0x140: {  	_ =	swait.ge [sflag:s4], $0x2000  }
0x141: {  	[sflag:s4] =	ssyncset.done $0x0  }
0x142: {  	[sflag:s4] =	ssyncadd.s32 $0xFFFFE000  }
0x143: {  	[tilespmem:s15], [sflag:$0x1] =	stream.indirect.gather [hbm4b:s9+s11], $0x40, s29, s11, $0xb8;
	[tilespmem:$0x8800] =	vst v63  }
0x144: {  	_ =	swait.ge [sflag:s13], $0x2000  }
0x145: {  	[sflag:s13] =	ssyncset.done $0x0  }
0x146: {  	s1 =	rddreg [dreg:$0x6];
	[sflag:s13] =	ssyncadd.s32 $0xFFFFE000  }
0x147: {  	[hbm4b:s1+s2] =	stream.linear.scatter [tilespmem:s8], [sflag:$0x7], $0x2000, $0x38;
	[tilespmem:$0x8800] =	vst v63  }
0x148: {  	_ =	swait.ge [sflag:s5], $0x2000  }
0x149: {  	[sflag:s5] =	ssyncset.done $0x0  }
0x14a: {  	[sflag:s5] =	ssyncadd.s32 $0xFFFFE000  }
0x14b: {  	[tilespmem:s10], [sflag:$0x2] =	stream.indirect.gather [hbm4b:s9+s11], $0x40, s28, s11, $0xb8;
	[tilespmem:$0x8800] =	vst v63  }
0x14c: {  	_ =	swait.ge [sflag:s12], $0x2000  }
0x14d: {  	[sflag:s12] =	ssyncset.done $0x0  }
0x14e: {  	s28 =	rddreg [dreg:$0x7];
	[sflag:s12] =	ssyncadd.s32 $0xFFFFE000  }
0x14f: {  	[hbm4b:s28+s2] =	stream.linear.scatter [tilespmem:s7], [sflag:$0x8], $0x2000, $0x38;
	[tilespmem:$0x8800] =	vst v63  }
0x150: {  	_ =	swait.ge [sflag:s6], $0x2000  }
0x151: {  	[sflag:s6] =	ssyncset.done $0x0  }
0x152: {  	[sflag:s6] =	ssyncadd.s32 $0xFFFFE000  }
0x153: {  	[tilespmem:s8], [sflag:$0x3] =	stream.indirect.gather [hbm4b:s9+s11], $0x40, s26, s11, $0xb8;
	[tilespmem:$0x8800] =	vst v63  }
0x154: {  	_ =	swait.ge [sflag:s16], $0x2000  }
0x155: {  	[sflag:s16] =	ssyncset.done $0x0  }
0x156: {  	s29 =	rddreg [dreg:$0x8];
	[sflag:s16] =	ssyncadd.s32 $0xFFFFE000  }
0x157: {  	[hbm4b:s29+s2] =	stream.linear.scatter [tilespmem:s15], [sflag:$0x5], $0x2000, $0x38;
	[tilespmem:$0x8800] =	vst v63  }
0x158: {  	_ =	swait.ge [sflag:s3], $0x2000  }
0x159: {  	[sflag:s3] =	ssyncset.done $0x0  }
0x15a: {  	[sflag:s3] =	ssyncadd.s32 $0xFFFFE000  }
0x15b: {  	[tilespmem:s7], [sflag:$0x4] =	stream.indirect.gather [hbm4b:s9+s11], $0x40, s25, s11, $0xb8;
	[tilespmem:$0x8800] =	vst v63  }
0x15c: {  	_ =	swait.ge [sflag:s14], $0x2000  }
0x15d: {  	[sflag:s14] =	ssyncset.done $0x0  }
0x15e: {  	s30 =	rddreg [dreg:$0x9];
	[sflag:s14] =	ssyncadd.s32 $0xFFFFE000  }
0x15f: {  	[hbm4b:s30+s2] =	stream.linear.scatter [tilespmem:s10], [sflag:$0x6], $0x2000, $0x38;
	[tilespmem:$0x8800] =	vst v63  }
0x160: {  	_ =	swait.ge [sflag:s4], $0x2000  }
0x161: {  	[sflag:s4] =	ssyncset.done $0x0  }
0x162: {  	[sflag:s4] =	ssyncadd.s32 $0xFFFFE000  }
0x163: {  	[tilespmem:s15], [sflag:$0x1] =	stream.indirect.gather [hbm4b:s9+s11], $0x40, s24, s11, $0xb8;
	[tilespmem:$0x8800] =	vst v63  }
0x164: {  	_ =	swait.ge [sflag:s13], $0x2000  }
0x165: {  	[sflag:s13] =	ssyncset.done $0x0  }
0x166: {  	s31 =	rddreg [dreg:$0xa];
	[sflag:s13] =	ssyncadd.s32 $0xFFFFE000  }
0x167: {  	[hbm4b:s31+s2] =	stream.linear.scatter [tilespmem:s8], [sflag:$0x7], $0x2000, $0x38;
	[tilespmem:$0x8800] =	vst v63  }
0x168: {  	_ =	swait.ge [sflag:s5], $0x2000  }
0x169: {  	[sflag:s5] =	ssyncset.done $0x0  }
0x16a: {  	[sflag:s5] =	ssyncadd.s32 $0xFFFFE000  }
0x16b: {  	[tilespmem:s10], [sflag:$0x2] =	stream.indirect.gather [hbm4b:s9+s11], $0x40, s23, s11, $0xb8;
	[tilespmem:$0x8800] =	vst v63  }
0x16c: {  	_ =	swait.ge [sflag:s12], $0x2000  }
0x16d: {  	[sflag:s12] =	ssyncset.done $0x0  }
0x16e: {  	s1 =	rddreg [dreg:$0xb];
	[sflag:s12] =	ssyncadd.s32 $0xFFFFE000  }
0x16f: {  	[hbm4b:s1+s2] =	stream.linear.scatter [tilespmem:s7], [sflag:$0x8], $0x2000, $0x38;
	[tilespmem:$0x8800] =	vst v63  }
0x170: {  	_ =	swait.ge [sflag:s6], $0x2000  }
0x171: {  	[sflag:s6] =	ssyncset.done $0x0  }
0x172: {  	[sflag:s6] =	ssyncadd.s32 $0xFFFFE000  }
0x173: {  	[tilespmem:s8], [sflag:$0x3] =	stream.indirect.gather [hbm4b:s9+s11], $0x40, s22, s11, $0xb8;
	[tilespmem:$0x8800] =	vst v63  }
0x174: {  	_ =	swait.ge [sflag:s16], $0x2000  }
0x175: {  	[sflag:s16] =	ssyncset.done $0x0  }
0x176: {  	s22 =	rddreg [dreg:$0xc];
	[sflag:s16] =	ssyncadd.s32 $0xFFFFE000  }
0x177: {  	[hbm4b:s22+s2] =	stream.linear.scatter [tilespmem:s15], [sflag:$0x5], $0x2000, $0x38;
	[tilespmem:$0x8800] =	vst v63  }
0x178: {  	_ =	swait.ge [sflag:s3], $0x2000  }
0x179: {  	[sflag:s3] =	ssyncset.done $0x0  }
0x17a: {  	[sflag:s3] =	ssyncadd.s32 $0xFFFFE000  }
0x17b: {  	[tilespmem:s7], [sflag:$0x4] =	stream.indirect.gather [hbm4b:s9+s11], $0x40, s21, s11, $0xb8;
	[tilespmem:$0x8800] =	vst v63  }
0x17c: {  	_ =	swait.ge [sflag:s14], $0x2000  }
0x17d: {  	[sflag:s14] =	ssyncset.done $0x0  }
0x17e: {  	s23 =	rddreg [dreg:$0xd];
	[sflag:s14] =	ssyncadd.s32 $0xFFFFE000  }
0x17f: {  	[hbm4b:s23+s2] =	stream.linear.scatter [tilespmem:s10], [sflag:$0x6], $0x2000, $0x38;
	[tilespmem:$0x8800] =	vst v63  }
0x180: {  	_ =	swait.ge [sflag:s4], $0x2000  }
0x181: {  	[sflag:s4] =	ssyncset.done $0x0  }
0x182: {  	[sflag:s4] =	ssyncadd.s32 $0xFFFFE000  }
0x183: {  	[tilespmem:s15], [sflag:$0x1] =	stream.indirect.gather [hbm4b:s9+s11], $0x40, s20, s11, $0xb8;
	[tilespmem:$0x8800] =	vst v63  }
0x184: {  	_ =	swait.ge [sflag:s13], $0x2000  }
0x185: {  	[sflag:s13] =	ssyncset.done $0x0  }
0x186: {  	s24 =	rddreg [dreg:$0xe];
	[sflag:s13] =	ssyncadd.s32 $0xFFFFE000  }
0x187: {  	[hbm4b:s24+s2] =	stream.linear.scatter [tilespmem:s8], [sflag:$0x7], $0x2000, $0x38;
	[tilespmem:$0x8800] =	vst v63  }
0x188: {  	_ =	swait.ge [sflag:s5], $0x2000  }
0x189: {  	[sflag:s5] =	ssyncset.done $0x0  }
0x18a: {  	[sflag:s5] =	ssyncadd.s32 $0xFFFFE000  }
0x18b: {  	[tilespmem:s10], [sflag:$0x2] =	stream.indirect.gather [hbm4b:s9+s11], $0x40, s19, s11, $0xb8;
	[tilespmem:$0x8800] =	vst v63  }
0x18c: {  	_ =	swait.ge [sflag:s12], $0x2000  }
0x18d: {  	[sflag:s12] =	ssyncset.done $0x0  }
0x18e: {  	s25 =	rddreg [dreg:$0xf];
	[sflag:s12] =	ssyncadd.s32 $0xFFFFE000  }
0x18f: {  	[hbm4b:s25+s2] =	stream.linear.scatter [tilespmem:s7], [sflag:$0x8], $0x2000, $0x38;
	[tilespmem:$0x8800] =	vst v63  }
0x190: {  	_ =	swait.ge [sflag:s6], $0x2000  }
0x191: {  	[sflag:s6] =	ssyncset.done $0x0  }
0x192: {  	[sflag:s6] =	ssyncadd.s32 $0xFFFFE000  }
0x193: {  	[tilespmem:s8], [sflag:$0x3] =	stream.indirect.gather [hbm4b:s9+s11], $0x40, s18, s11, $0xb8;
	[tilespmem:$0x8800] =	vst v63  }
0x194: {  	_ =	swait.ge [sflag:s16], $0x2000  }
0x195: {  	[sflag:s16] =	ssyncset.done $0x0  }
0x196: {  	s26 =	rddreg [dreg:$0x10];
	[sflag:s16] =	ssyncadd.s32 $0xFFFFE000  }
0x197: {  	[hbm4b:s26+s2] =	stream.linear.scatter [tilespmem:s15], [sflag:$0x5], $0x2000, $0x38;
	[tilespmem:$0x8800] =	vst v63  }
0x198: {  	_ =	swait.ge [sflag:s3], $0x2000  }
0x199: {  	[sflag:s3] =	ssyncset.done $0x0  }
0x19a: {  	[sflag:s3] =	ssyncadd.s32 $0xFFFFE000  }
0x19b: {  	[tilespmem:s7], [sflag:$0x4] =	stream.indirect.gather [hbm4b:s9+s11], $0x40, s17, s11, $0xb8;
	[tilespmem:$0x8800] =	vst v63  }
0x19c: {  	_ =	swait.ge [sflag:s14], $0x2000  }
0x19d: {  	[sflag:s14] =	ssyncset.done $0x0  }
0x19e: {  	s28 =	rddreg [dreg:$0x11];
	[sflag:s14] =	ssyncadd.s32 $0xFFFFE000  }
0x19f: {  	[hbm4b:s28+s2] =	stream.linear.scatter [tilespmem:s10], [sflag:$0x6], $0x2000, $0x38;
	[tilespmem:$0x8800] =	vst v63  }
0x1a0: {  	_ =	swait.ge [sflag:s13], $0x2000  }
0x1a1: {  	[sflag:s13] =	ssyncset.done $0x0  }
0x1a2: {  	s29 =	rddreg [dreg:$0x12];
	[sflag:s13] =	ssyncadd.s32 $0xFFFFE000  }
0x1a3: {  	[hbm4b:s29+s2] =	stream.linear.scatter [tilespmem:s8], [sflag:$0x7], $0x2000, $0x38;
	[tilespmem:$0x8800] =	vst v63  }
0x1a4: {  	_ =	swait.ge [sflag:s12], $0x2000  }
0x1a5: {  	[sflag:s12] =	ssyncset.done $0x0  }
0x1a6: {  	s30 =	rddreg [dreg:$0x13];
	[sflag:s12] =	ssyncadd.s32 $0xFFFFE000  }
0x1a7: {  	[hbm4b:s30+s2] =	stream.linear.scatter [tilespmem:s7], [sflag:$0x8], $0x2000, $0x38;
	[tilespmem:$0x8800] =	vst v63  }
0x1a8: {  	_ =	swait.ge [sflag:s4], $0x2000  }
0x1a9: {  	[sflag:s4] =	ssyncset.done $0x0  }
0x1aa: {  	[sflag:s4] =	ssyncadd.s32 $0xFFFFE000  }
0x1ab: {  	_ =	swait.ge [sflag:s5], $0x2000  }
0x1ac: {  	[sflag:s5] =	ssyncset.done $0x0  }
0x1ad: {  	[sflag:s5] =	ssyncadd.s32 $0xFFFFE000  }
0x1ae: {  	_ =	swait.ge [sflag:s6], $0x2000  }
0x1af: {  	[sflag:s6] =	ssyncset.done $0x0  }
0x1b0: {  	[sflag:s6] =	ssyncadd.s32 $0xFFFFE000  }
0x1b1: {  	_ =	swait.ge [sflag:s3], $0x2000  }
0x1b2: {  	[sflag:s3] =	ssyncset.done $0x0  }
0x1b3: {  	[sflag:s3] =	ssyncadd.s32 $0xFFFFE000  }
0x1b4: {  	_ =	sfence.sel $0x180000  }
0x1b5: {  	[bflag:$0x0] =	sbarrier.arrive $0xFFFF  }
0x1b6: {  	_ =	strace $0x90000047  }
0x1b7: {  	s31 =	stileid.u32;
	[bflag:$0x2] =	sbarrier.arrive $0xFFFF  }
0x1b8: {  	p0 =	sne.s32 s31, $0x0;
	s0 =	rddreg [dreg:$0x2]  }
0x1b9: {  	s0 =	sadd.s32 @!p0 $0x100000, s0  }
0x1ba: {  	[sflag:s0] =	ssyncadd.tile.s32 @!p0 $0x1;
	_ =	shalt  }
.Lfunc_end2:
_tile_overlayer_lowered:
.L_overlay_start_2:
0x1bb: {  	(tag) =	ssettag $0x2  }
0x1bc: {  	s0 =	rddreg [dreg:$0x0];
	s2 =	stileid.u32  }
0x1bd: {  	s1 =	rddreg [dreg:$0x1];
	p0 =	sne.s32 s2, $0x0  }
0x1be: {  	s3 =	rddreg [dreg:$0x2];
	[bflag:$0x3] =	sbarrier.arrive $0xFFFF;
	s2 =	simm.s32 @!p0 $0x1C09  }
0x1bf: {  	[timem:s3], [sflag:s2] =	dma.local @!p0 [hbm:s0], s1  }
0x1c0: {  	s0 =	simm.s32 @!p0 $0x9  }
0x1c1: {  	_ =	swait.ge @!p0 [sflag:s0], s1  }
0x1c2: {  	s1 =	ssub.s32 @!p0 $0x0, s1;
	[sflag:s0] =	ssyncset.done @!p0 $0x0  }
0x1c3: {  	[sflag:s0] =	ssyncadd.s32 @!p0 s1  }
0x1c4: {  	[bflag:$0x3] =	sbarrier.arrive $0xFFFF  }
0x1c5: {  	_ =	shalt  }

// kernel: kernel.15.cloned.1.call-start
scs
__scs_entry_jumppad:
0x0: {  	(pc) =	sbr.rel $0x88, $3  }
0x1: {  	(tag) =	ssettag $0x0;
	lr =	simm.s32 $0x1  }
0x2: {  	[smem:$0x3F85] =	sst lr;
	_ =	strace $0xD0000000  }
0x3: {  	_ = 	snop  }
0x4: {  	_ = 	snop  }
0x5: {  	_ = 	snop  }
0x6: {  	_ = 	snop  }
0x7: {  	_ = 	snop  }
__scs_overlays_trampoline_lowered:
0x8: {  	[smem:$0x3F94] =	sst s0  }
0x9: {  	[smem:$0x3F95] =	sst s1  }
0xa: {  	[smem:$0x3F96] =	sst s2  }
0xb: {  	[smem:$0x3F97] =	sst s3  }
0xc: {  	[smem:$0x3F98] =	sst s4  }
0xd: {  	[smem:$0x3F99] =	sst s5  }
0xe: {  	[smem:$0x3F9A] =	sst s6  }
0xf: {  	[smem:$0x3F9B] =	sst s7  }
0x10: {  	[smem:$0x3F9C] =	sst s8  }
0x11: {  	[smem:$0x3F9D] =	sst s9;
	s0 =	simm.s32 @!p0 $0x0  }
0x12: {  	s1 =	sld [smem:$0x3F83];
	s0 =	simm.s32 @p0 $0x1  }
0x13: {  	[smem:$0x3F9E] =	sst s0;
	s0 =	simm.s32 @!p1 $0x0  }
0x14: {  	s2 =	sld [smem:$0x3F82];
	s0 =	simm.s32 @p1 $0x1  }
0x15: {  	[smem:$0x3F9F] =	sst s0;
	s0 =	simm.s32 @!p2 $0x0  }
0x16: {  	s3 =	sld [smem:$0x3FDB];
	s0 =	simm.s32 @p2 $0x1  }
0x17: {  	s4 =	simm.s32 $0x1BF5;
	[smem:$0x3FA1] =	sst s0  }
0x18: {  	s0 =	sld [smem:$0x3F84];
	_ =	swait.ge [sflag:s4], $0x0  }
0x19: {  	s7 =	sld [smem:$0x3F85]  }
0x1a: {  	s8 =	sadd.s32 $0xFFFFE003, lr  }
0x1b: {  	s9 =	sadd.s32 $0xFFFFFEF7, lr;
	s5 =	simm.s32 $0xFFFFFFFF;
	p2 =	slt.u32 s8, $0xFFFFF086  }
0x1c: {  	p1 =	slt.u32 s9, $0xF7A;
	s5 =	simm.s32 @!p2 $0x0  }
0x1d: {  	s5 =	simm.s32 @p1 $0x1;
	p0 =	seq.s32 s7, s2  }
0x1e: {  	s7 =	smul.u32 @!p0 $0xF7A, s2;
	p2 =	seq.s32 @!p0 s5, $0x0  }
0x1f: {  	s9 =	smul.u32 $0xF7A, s1;
	s8 =	simm.s32 @!p0 $0x1BF5;
	p2 =	por !p2, p0  }
0x20: {  	[sflag:s8] =	ssyncset.s32 @!p0 $0xFFFFF086;
	s6 =	sadd.s32 @!p0 s3, s7;
	s7 =	simm.s32 @!p0 $0x108  }
0x21: {  	s3 =	sadd.s32 s3, s9;
	s6 =	sadd.s32 @!p0 $0x88, s6;
	s7 =	simm.s32 @p2 $0x1082  }
0x22: {  	[simem:s7], [sflag:s8] =	dma.local @!p0 [hbm:s6], $0xF7A  }
0x23: {  	s9 =	sor.u32 $0xD0000000, s2;
	s6 =	simm.s32 $0x108;
	_ =	swait.ge @!p0 [sflag:s8], $0x0  }
0x24: {  	s3 =	sadd.s32 $0x88, s3;
	s6 =	simm.s32 @!p1 $0x1082;
	[sflag:s4] =	ssyncset.s32 $0xFFFFF086  }
0x25: {  	[simem:s6], [sflag:s4] =	dma.local [hbm:s3], $0xF7A  }
0x26: {  	[smem:$0x3F85] =	sst s1;
	(tag) =	ssettag s2;
	_ =	strace s9  }
0x27: {  	s1 =	sld [smem:$0x3F95]  }
0x28: {  	s2 =	sld [smem:$0x3F96]  }
0x29: {  	s4 =	sld [smem:$0x3F98]  }
0x2a: {  	p0 =	seq.s32 s5, $0x0;
	s5 =	sld [smem:$0x3F99]  }
0x2b: {  	s6 =	sld [smem:$0x3F9A]  }
0x2c: {  	s7 =	sld [smem:$0x3F9B]  }
0x2d: {  	s3 =	simm.s32 $0x108;
	s8 =	sld [smem:$0x3F9C]  }
0x2e: {  	s3 =	simm.s32 @!p0 $0x1082;
	s9 =	sld [smem:$0x3F9D]  }
0x2f: {  	lr =	sadd.s32 s0, s3;
	s0 =	sld [smem:$0x3F94]  }
0x30: {  	s3 =	sld [smem:$0x3F97]  }
0x31: {  	[smem:$0x3FA0] =	sst s10  }
0x32: {  	s10 =	sld [smem:$0x3F9E];
	_ =	sdelay $0x3  }
0x33: {  	p0 =	seq.s32 s10, $0x1;
	s10 =	sld [smem:$0x3FA0];
	_ =	sdelay $0x3  }
0x34: {  	[smem:$0x3FA0] =	sst s10  }
0x35: {  	s10 =	sld [smem:$0x3F9F];
	_ =	sdelay $0x3  }
0x36: {  	p1 =	seq.s32 s10, $0x1;
	s10 =	sld [smem:$0x3FA0];
	_ =	sdelay $0x3  }
0x37: {  	[smem:$0x3FA0] =	sst s10  }
0x38: {  	s10 =	sld [smem:$0x3FA1]  }
0x39: {  	_ = 	snop;
	(pc) =	sbr.ind lr, $3  }
0x3a: {  	_ = 	snop  }
0x3b: {  	_ = 	snop  }
0x3c: {  	p2 =	seq.s32 s10, $0x1;
	s10 =	sld [smem:$0x3FA0]  }
0x3d: {  	_ =	shalt  }
0x3e: {  	_ =	shalt  }
0x3f: {  	_ =	shalt  }
0x40: {  	_ =	shalt  }
0x41: {  	_ =	shalt  }
0x42: {  	_ =	shalt  }
0x43: {  	_ =	shalt  }
0x44: {  	_ =	shalt  }
0x45: {  	_ =	shalt  }
0x46: {  	_ =	shalt  }
0x47: {  	_ =	shalt  }
0x48: {  	_ =	shalt  }
0x49: {  	_ =	shalt  }
0x4a: {  	_ =	shalt  }
0x4b: {  	_ =	shalt  }
0x4c: {  	_ =	shalt  }
0x4d: {  	_ =	shalt  }
0x4e: {  	_ =	shalt  }
0x4f: {  	_ =	shalt  }
0x50: {  	_ =	shalt  }
0x51: {  	_ =	shalt  }
0x52: {  	_ =	shalt  }
0x53: {  	_ =	shalt  }
0x54: {  	_ =	shalt  }
0x55: {  	_ =	shalt  }
0x56: {  	_ =	shalt  }
0x57: {  	_ =	shalt  }
0x58: {  	_ =	shalt  }
0x59: {  	_ =	shalt  }
0x5a: {  	_ =	shalt  }
0x5b: {  	_ =	shalt  }
0x5c: {  	_ =	shalt  }
0x5d: {  	_ =	shalt  }
0x5e: {  	_ =	shalt  }
0x5f: {  	_ =	shalt  }
0x60: {  	_ =	shalt  }
0x61: {  	_ =	shalt  }
0x62: {  	_ =	shalt  }
0x63: {  	_ =	shalt  }
0x64: {  	_ =	shalt  }
0x65: {  	_ =	shalt  }
0x66: {  	_ =	shalt  }
0x67: {  	_ =	shalt  }
0x68: {  	_ =	shalt  }
0x69: {  	_ =	shalt  }
0x6a: {  	_ =	shalt  }
0x6b: {  	_ =	shalt  }
0x6c: {  	_ =	shalt  }
0x6d: {  	_ =	shalt  }
0x6e: {  	_ =	shalt  }
0x6f: {  	_ =	shalt  }
0x70: {  	_ =	shalt  }
0x71: {  	_ =	shalt  }
0x72: {  	_ =	shalt  }
0x73: {  	_ =	shalt  }
0x74: {  	_ =	shalt  }
0x75: {  	_ =	shalt  }
0x76: {  	_ =	shalt  }
0x77: {  	_ =	shalt  }
0x78: {  	_ =	shalt  }
0x79: {  	_ =	shalt  }
0x7a: {  	_ =	shalt  }
0x7b: {  	_ =	shalt  }
0x7c: {  	_ =	shalt  }
0x7d: {  	_ =	shalt  }
0x7e: {  	_ =	shalt  }
0x7f: {  	_ =	shalt  }
0x80: {  	_ =	shalt  }
0x81: {  	_ =	shalt  }
0x82: {  	_ =	shalt  }
0x83: {  	_ =	shalt  }
0x84: {  	_ =	shalt  }
0x85: {  	_ =	shalt  }
0x86: {  	_ =	shalt  }
0x87: {  	_ =	shalt  }
.Lfunc_end0:
.L_simem_size_0:
called_computation.1_lowered:
.L_overlay_start_0:
0x88: {  	s2 =	sld [smem:$0x3FD9]  }
0x89: {  	s3 =	sld [smem:$0x3FFE];
	_ =	sdelay $0x1  }
0x8a: {  	s1 =	srdreg.scid  }
0x8b: {  	s0 =	sand.u32 $0x1, s1  }
0x8c: {  	s17 =	sshll.u32 s0, $0xA;
	s2 =	sadd.s32 s3, s2  }
0x8d: {  	s2 =	sadd.s32 s2, s17  }
0x8e: {  	[smem:$0x3FAC] =	sst s2  }
0x8f: {  	_ = 	snop  }
0x90: {  	s2 =	sld [smem:$0x3FD0];
	(tm) =	ssettm $0x1  }
0x91: {  	s18 =	sld [smem:$0x3FFB];
	_ =	sdelay $0x3  }
0x92: {  	_ =	strace s18  }
0x93: {  	s3 =	sld [smem:$0x3FFC];
	_ =	sdelay $0x3  }
0x94: {  	_ =	strace s3  }
0x95: {  	s3 =	sld [smem:$0x3FFD];
	_ =	sdelay $0x3  }
0x96: {  	_ =	strace s3  }
0x97: {  	_ =	strace $0x8FFFFFFF  }
0x98: {  	s19 =	sld [smem:$0x3FDB];
	_ =	sdelay $0x1  }
0x99: {  	s4 =	simm.s32 $_scs_section_size  }
0x9a: {  	s5 =	simm.s32 $_size__tile_overlayer_lowered;
	s6 =	simm.s32 $_tile_overlayer_lowered  }
0x9b: {  	s22 =	simm.s32 $0x1BFF;
	s21 =	sshll.u32 s6, $0x1;
	s3 =	sadd.s32 s4, s19  }
0x9c: {  	s7 =	simm.s32 $0x0;
	s20 =	sshll.u32 s5, $0x1;
	s5 =	sadd.s32 s21, s3  }
0x9d: {  	[timem:s7], [sflag:s22] =	dma.local [hbm:s5], s20  }
0x9e: {  	_ =	swait.ge [sflag:s22], s20  }
0x9f: {  	s4 =	ssub.s32 $0x0, s20;
	[sflag:s22] =	ssyncset.done $0x0  }
0xa0: {  	[sflag:s22] =	ssyncadd.s32 s4;
	_ =	sdelay $0x1  }
0xa1: {  	s23 =	simm.s32 $0x1B8B  }
0xa2: {  	_ =	swait.ge [sflag:s23], $0x1  }
0xa3: {  	[sflag:s23] =	ssyncset.done $0x0  }
0xa4: {  	s25 =	simm.s32 $0x1B8E;
	s24 =	sld [smem:$0x3FFE];
	[sflag:s23] =	ssyncadd.s32 $0xFFFFFFFF  }
0xa5: {  	s26 =	simm.s32 $execute0_lowered;
	[smem:$0x3FD2] =	sst s25  }
0xa6: {  	s5 =	sshll.u32 s26, $0x1;
	_ =	strace $0x80000049;
	[dreg:$0x1] =	wrdreg $0xFFFFFFFF  }
0xa7: {  	s28 =	simm.s32 $_size_execute0_lowered;
	s3 =	sadd.s32 s3, s5;
	[dreg:$0x0] =	wrdreg $0x0  }
0xa8: {  	s5 =	sshll.u32 s28, $0x1;
	[dreg:$0x2] =	wrdreg s3  }
0xa9: {  	[dreg:$0x3] =	wrdreg s5  }
0xaa: {  	[dreg:$0x4] =	wrdreg $0xC0  }
0xab: {  	_ =	task [dreg:s7], $0x5FFFF  }
0xac: {  	[dreg:$0x1] =	wrdreg $0xFFFFFFFF  }
0xad: {  	[dreg:$0x0] =	wrdreg $0x60  }
0xae: {  	[dreg:$0x2] =	wrdreg s24  }
0xaf: {  	[dreg:$0x3] =	wrdreg s2  }
0xb0: {  	[dreg:$0x4] =	wrdreg $0x9  }
0xb1: {  	_ =	task.clear_ibuf [dreg:s7], $0x5FFFF;
	_ =	strace $0x90000049  }
0xb2: {  	s29 =	simm.s32 $0x9;
	_ =	strace $0x8000004B  }
0xb3: {  	_ =	swait.ge [sflag:s29], $0x1  }
0xb4: {  	[sflag:s29] =	ssyncadd.s32 $0xFFFFFFFF  }
0xb5: {  	_ =	strace $0x9000004B  }
0xb6: {  	_ =	sfence  }
0xb7: {  	s30 =	sld [smem:$0x0];
	_ =	sdelay $0x2  }
0xb8: {  	s31 =	sshll.u32 s1, $0xD;
	s1 =	sshrl.u32 s1, $0x2  }
0xb9: {  	s3 =	sand.u32 $0x4000, s31;
	s1 =	sadd.s32 s1, s30  }
0xba: {  	s0 =	sor.u32 s3, s0;
	s1 =	sshll.u32 s1, $0x11  }
0xbb: {  	s0 =	sor.u32 s1, s0  }
0xbc: {  	s0 =	sadd.s32 $0x8F2B, s0  }
0xbd: {  	[sflag:s0] =	ssyncadd.remote.s32 $0x1  }
0xbe: {  	_ =	sfence.sel $0xFFFF  }
0xbf: {  	[dreg:$0x0] =	wrdreg $0xFFFFFFFF;
	(pc) =	sbr.abs _section_cstart, $3  }
0xc0: {  	[dreg:$0x1] =	wrdreg $0xFFFFFFFF  }
0xc1: {  	_ =	task.clear_ibuf [dreg:s7], $0x2FFFF;
	_ =	strace $0x9FFFFFFF  }
0xc2: {  	(tm) =	ssettm $0x7FFFFFFF  }
0xc3: {  	_ =	shalt  }
tec
execute0_lowered:
.L_overlay_start_1:
0x0: {  	(tag) =	ssettag $0x1  }
0x1: {  	s0 =	srdreg.scid  }
0x2: {  	s1 =	rddreg [dreg:$0x0];
	s2 =	stileid.u32  }
0x3: {  	s3 =	rddreg [dreg:$0x1];
	s31 =	simm.s32 $0x9;
	s0 =	sand.u32 $0x1, s0  }
0x4: {  	s4 =	sshll.u32 s2, $0xC;
	s2 =	simm.s32 $0x0;
	s5 =	sshll.u32 s0, $0xB  }
0x5: {  	s26 =	simm.s32 $0x100;
	[smem:$0x7FF] =	sst s2;
	s4 =	sor.u32 s5, s4  }
0x6: {  	_ =	strace $0x8000004A;
	s5 =	sshll.u32 s4, $0x3;
	s4 =	sshrl.u32 s4, $0x3  }
0x7: {  	[dreg:$0x14] =	wrdreg s26;
	s5 =	sadd.s32 s5, s1;
	s3 =	sadd.s32 s3, s4  }
0x8: {  	s8 =	simm.s32 $0x4800;
	[dreg:$0x3] =	wrdreg s3;
	s9 =	sadd.s32 $0xDA00, s5  }
0x9: {  	s30 =	simm.s32 $0x180;
	s10 =	sadd.s32 $0xDE00, s5;
	[dreg:$0x4] =	wrdreg s9  }
0xa: {  	s7 =	simm.s32 $0x6800;
	s11 =	sadd.s32 $0xE200, s5;
	[dreg:$0x5] =	wrdreg s10  }
0xb: {  	s29 =	simm.s32 $0x200;
	s12 =	sadd.s32 $0xE600, s5;
	[dreg:$0x6] =	wrdreg s11  }
0xc: {  	s28 =	simm.s32 $0x280;
	s13 =	sadd.s32 $0xEA00, s5;
	[dreg:$0x7] =	wrdreg s12  }
0xd: {  	s6 =	simm.s32 $0x7;
	s14 =	sadd.s32 $0xEE00, s5;
	[dreg:$0x8] =	wrdreg s13  }
0xe: {  	p0 =	por $0x0, $0x0;
	s15 =	sadd.s32 $0xF200, s5;
	[dreg:$0x9] =	wrdreg s14  }
0xf: {  	s0 =	ssub.s32 $0x2, s0;
	s16 =	sadd.s32 $0xF600, s5;
	[dreg:$0xa] =	wrdreg s15  }
0x10: {  	s23 =	sshrl.u32 s0, $0x1;
	s17 =	sadd.s32 $0xFA00, s5;
	[dreg:$0xb] =	wrdreg s16  }
0x11: {  	s26 =	simm.s32 $0x300;
	s18 =	sadd.s32 $0xFE00, s5;
	[dreg:$0xc] =	wrdreg s17  }
0x12: {  	s0 =	ssub.s32 s0, s23;
	s19 =	sadd.s32 $0x10200, s5;
	[dreg:$0xd] =	wrdreg s18  }
0x13: {  	s23 =	simm.s32 $0x480;
	s20 =	sadd.s32 $0x10600, s5;
	[dreg:$0xe] =	wrdreg s19  }
0x14: {  	s0 =	smax.u32 s0, $0x1;
	s21 =	sadd.s32 $0x10A00, s5;
	[dreg:$0xf] =	wrdreg s20  }
0x15: {  	s4 =	simm.s32 $0x5;
	s22 =	sadd.s32 $0x10E00, s5;
	[dreg:$0x10] =	wrdreg s21  }
0x16: {  	s24 =	sadd.s32 $0x11200, s5;
	s25 =	sadd.s32 $0x11600, s5;
	[dreg:$0x11] =	wrdreg s22  }
0x17: {  	s5 =	simm.s32 $0x6;
	s3 =	simm.s32 $0x8;
	[dreg:$0x12] =	wrdreg s24  }
0x18: {  	p1 =	sne.s32 s0, $0x1;
	s9 =	sadd.s32 $0x5A00, s1;
	[dreg:$0x13] =	wrdreg s25  }
0x19: {  	s11 =	simm.s32 $0x80;
	s15 =	simm.s32 $0x800;
	s10 =	simm.s32 $0x2800  }
.Ltmp0:
0x1a: {  	s16 =	simm.s32 $0x1;
	s14 =	simm.s32 $0x2;
	(pc) =	sbr.rel @!p1 .LBB2_3-.Ltmp0, $4  }
0x1b: {  	s13 =	simm.s32 $0x3;
	s12 =	simm.s32 $0x4;
	s25 =	simm.s32 $0x380  }
0x1c: {  	s24 =	simm.s32 $0x400;
	s1 =	sadd.s32 $0xFFFFFFFF, s0;
	s22 =	simm.s32 $0x500  }
0x1d: {  	s21 =	simm.s32 $0x580;
	s20 =	simm.s32 $0x600;
	s19 =	simm.s32 $0x680  }
0x1e: {  	s18 =	simm.s32 $0x700;
	s17 =	simm.s32 $0x780;
	s0 =	rddreg [dreg:$0x3]  }
0x1f: {  	[tilespmem:s2], [sflag:$0x9] =	stream.linear.gather [hbm4b:s0+s2], $0x800, $0x38;
	[tilespmem:$0x8800] =	vst v63  }
0x20: {  	_ =	swait.ge [sflag:s31], $0x800  }
0x21: {  	[sflag:s31] =	ssyncset.done $0x0  }
0x22: {  	[sflag:s31] =	ssyncadd.s32 $0xFFFFF800  }
0x23: {  	[tilespmem:s15], [sflag:$0x1] =	stream.indirect.gather [hbm4b:s9+s11], $0x40, s2, s11, $0xb8;
	[tilespmem:$0x8800] =	vst v63  }
0x24: {  	_ = 	snop  }
0x25: {  	[tilespmem:s10], [sflag:$0x2] =	stream.indirect.gather [hbm4b:s9+s11], $0x40, s11, s11, $0xb8;
	[tilespmem:$0x8800] =	vst v63  }
0x26: {  	s0 =	rddreg [dreg:$0x14]  }
0x27: {  	[tilespmem:s8], [sflag:$0x3] =	stream.indirect.gather [hbm4b:s9+s11], $0x40, s0, s11, $0xb8;
	[tilespmem:$0x8800] =	vst v63  }
0x28: {  	_ =	swait.ge [sflag:s16], $0x2000  }
0x29: {  	[sflag:s16] =	ssyncset.done $0x0  }
0x2a: {  	s0 =	rddreg [dreg:$0x4];
	[sflag:s16] =	ssyncadd.s32 $0xFFFFE000  }
0x2b: {  	[hbm4b:s0+s2] =	stream.linear.scatter [tilespmem:s15], [sflag:$0x5], $0x2000, $0x38;
	[tilespmem:$0x8800] =	vst v63  }
0x2c: {  	_ = 	snop  }
0x2d: {  	[tilespmem:s7], [sflag:$0x4] =	stream.indirect.gather [hbm4b:s9+s11], $0x40, s30, s11, $0xb8;
	[tilespmem:$0x8800] =	vst v63  }
0x2e: {  	_ =	swait.ge [sflag:s14], $0x2000  }
0x2f: {  	[sflag:s14] =	ssyncset.done $0x0  }
0x30: {  	s0 =	rddreg [dreg:$0x5];
	[sflag:s14] =	ssyncadd.s32 $0xFFFFE000  }
0x31: {  	[hbm4b:s0+s2] =	stream.linear.scatter [tilespmem:s10], [sflag:$0x6], $0x2000, $0x38;
	[tilespmem:$0x8800] =	vst v63  }
0x32: {  	_ =	swait.ge [sflag:s4], $0x2000  }
0x33: {  	[sflag:s4] =	ssyncset.done $0x0  }
0x34: {  	[sflag:s4] =	ssyncadd.s32 $0xFFFFE000  }
0x35: {  	[tilespmem:s15], [sflag:$0x1] =	stream.indirect.gather [hbm4b:s9+s11], $0x40, s29, s11, $0xb8;
	[tilespmem:$0x8800] =	vst v63  }
0x36: {  	_ =	swait.ge [sflag:s13], $0x2000  }
0x37: {  	[sflag:s13] =	ssyncset.done $0x0  }
0x38: {  	s0 =	rddreg [dreg:$0x6];
	[sflag:s13] =	ssyncadd.s32 $0xFFFFE000  }
0x39: {  	[hbm4b:s0+s2] =	stream.linear.scatter [tilespmem:s8], [sflag:$0x7], $0x2000, $0x38;
	[tilespmem:$0x8800] =	vst v63  }
0x3a: {  	_ =	swait.ge [sflag:s5], $0x2000  }
0x3b: {  	[sflag:s5] =	ssyncset.done $0x0  }
0x3c: {  	[sflag:s5] =	ssyncadd.s32 $0xFFFFE000  }
0x3d: {  	[tilespmem:s10], [sflag:$0x2] =	stream.indirect.gather [hbm4b:s9+s11], $0x40, s28, s11, $0xb8;
	[tilespmem:$0x8800] =	vst v63  }
0x3e: {  	_ =	swait.ge [sflag:s12], $0x2000  }
0x3f: {  	[sflag:s12] =	ssyncset.done $0x0  }
0x40: {  	s0 =	rddreg [dreg:$0x7];
	[sflag:s12] =	ssyncadd.s32 $0xFFFFE000  }
0x41: {  	[hbm4b:s0+s2] =	stream.linear.scatter [tilespmem:s7], [sflag:$0x8], $0x2000, $0x38;
	[tilespmem:$0x8800] =	vst v63  }
0x42: {  	_ =	swait.ge [sflag:s6], $0x2000  }
0x43: {  	[sflag:s6] =	ssyncset.done $0x0  }
0x44: {  	[sflag:s6] =	ssyncadd.s32 $0xFFFFE000  }
0x45: {  	[tilespmem:s8], [sflag:$0x3] =	stream.indirect.gather [hbm4b:s9+s11], $0x40, s26, s11, $0xb8;
	[tilespmem:$0x8800] =	vst v63  }
0x46: {  	_ =	swait.ge [sflag:s16], $0x2000  }
0x47: {  	[sflag:s16] =	ssyncset.done $0x0  }
0x48: {  	s0 =	rddreg [dreg:$0x8];
	[sflag:s16] =	ssyncadd.s32 $0xFFFFE000  }
0x49: {  	[hbm4b:s0+s2] =	stream.linear.scatter [tilespmem:s15], [sflag:$0x5], $0x2000, $0x38;
	[tilespmem:$0x8800] =	vst v63  }
0x4a: {  	_ =	swait.ge [sflag:s3], $0x2000  }
0x4b: {  	[sflag:s3] =	ssyncset.done $0x0  }
0x4c: {  	[sflag:s3] =	ssyncadd.s32 $0xFFFFE000  }
0x4d: {  	[tilespmem:s7], [sflag:$0x4] =	stream.indirect.gather [hbm4b:s9+s11], $0x40, s25, s11, $0xb8;
	[tilespmem:$0x8800] =	vst v63  }
0x4e: {  	_ =	swait.ge [sflag:s14], $0x2000  }
0x4f: {  	[sflag:s14] =	ssyncset.done $0x0  }
0x50: {  	s0 =	rddreg [dreg:$0x9];
	[sflag:s14] =	ssyncadd.s32 $0xFFFFE000  }
0x51: {  	[hbm4b:s0+s2] =	stream.linear.scatter [tilespmem:s10], [sflag:$0x6], $0x2000, $0x38;
	[tilespmem:$0x8800] =	vst v63  }
0x52: {  	_ =	swait.ge [sflag:s4], $0x2000  }
0x53: {  	[sflag:s4] =	ssyncset.done $0x0  }
0x54: {  	[sflag:s4] =	ssyncadd.s32 $0xFFFFE000  }
0x55: {  	[tilespmem:s15], [sflag:$0x1] =	stream.indirect.gather [hbm4b:s9+s11], $0x40, s24, s11, $0xb8;
	[tilespmem:$0x8800] =	vst v63  }
0x56: {  	_ =	swait.ge [sflag:s13], $0x2000  }
0x57: {  	[sflag:s13] =	ssyncset.done $0x0  }
0x58: {  	s0 =	rddreg [dreg:$0xa];
	[sflag:s13] =	ssyncadd.s32 $0xFFFFE000  }
0x59: {  	[hbm4b:s0+s2] =	stream.linear.scatter [tilespmem:s8], [sflag:$0x7], $0x2000, $0x38;
	[tilespmem:$0x8800] =	vst v63  }
0x5a: {  	_ =	swait.ge [sflag:s5], $0x2000  }
0x5b: {  	[sflag:s5] =	ssyncset.done $0x0  }
0x5c: {  	[sflag:s5] =	ssyncadd.s32 $0xFFFFE000  }
0x5d: {  	[tilespmem:s10], [sflag:$0x2] =	stream.indirect.gather [hbm4b:s9+s11], $0x40, s23, s11, $0xb8;
	[tilespmem:$0x8800] =	vst v63  }
0x5e: {  	_ =	swait.ge [sflag:s12], $0x2000  }
0x5f: {  	[sflag:s12] =	ssyncset.done $0x0  }
0x60: {  	s0 =	rddreg [dreg:$0xb];
	[sflag:s12] =	ssyncadd.s32 $0xFFFFE000  }
0x61: {  	[hbm4b:s0+s2] =	stream.linear.scatter [tilespmem:s7], [sflag:$0x8], $0x2000, $0x38;
	[tilespmem:$0x8800] =	vst v63  }
0x62: {  	_ =	swait.ge [sflag:s6], $0x2000  }
0x63: {  	[sflag:s6] =	ssyncset.done $0x0  }
0x64: {  	[sflag:s6] =	ssyncadd.s32 $0xFFFFE000  }
0x65: {  	[tilespmem:s8], [sflag:$0x3] =	stream.indirect.gather [hbm4b:s9+s11], $0x40, s22, s11, $0xb8;
	[tilespmem:$0x8800] =	vst v63  }
0x66: {  	_ =	swait.ge [sflag:s16], $0x2000  }
0x67: {  	[sflag:s16] =	ssyncset.done $0x0  }
0x68: {  	s0 =	rddreg [dreg:$0xc];
	[sflag:s16] =	ssyncadd.s32 $0xFFFFE000  }
0x69: {  	[hbm4b:s0+s2] =	stream.linear.scatter [tilespmem:s15], [sflag:$0x5], $0x2000, $0x38;
	[tilespmem:$0x8800] =	vst v63  }
0x6a: {  	_ =	swait.ge [sflag:s3], $0x2000  }
0x6b: {  	[sflag:s3] =	ssyncset.done $0x0  }
0x6c: {  	[sflag:s3] =	ssyncadd.s32 $0xFFFFE000  }
0x6d: {  	[tilespmem:s7], [sflag:$0x4] =	stream.indirect.gather [hbm4b:s9+s11], $0x40, s21, s11, $0xb8;
	[tilespmem:$0x8800] =	vst v63  }
0x6e: {  	_ =	swait.ge [sflag:s14], $0x2000  }
0x6f: {  	[sflag:s14] =	ssyncset.done $0x0  }
0x70: {  	s0 =	rddreg [dreg:$0xd];
	[sflag:s14] =	ssyncadd.s32 $0xFFFFE000  }
0x71: {  	[hbm4b:s0+s2] =	stream.linear.scatter [tilespmem:s10], [sflag:$0x6], $0x2000, $0x38;
	[tilespmem:$0x8800] =	vst v63  }
0x72: {  	_ =	swait.ge [sflag:s4], $0x2000  }
0x73: {  	[sflag:s4] =	ssyncset.done $0x0  }
0x74: {  	[sflag:s4] =	ssyncadd.s32 $0xFFFFE000  }
0x75: {  	[tilespmem:s15], [sflag:$0x1] =	stream.indirect.gather [hbm4b:s9+s11], $0x40, s20, s11, $0xb8;
	[tilespmem:$0x8800] =	vst v63  }
0x76: {  	_ =	swait.ge [sflag:s13], $0x2000  }
0x77: {  	[sflag:s13] =	ssyncset.done $0x0  }
0x78: {  	s0 =	rddreg [dreg:$0xe];
	[sflag:s13] =	ssyncadd.s32 $0xFFFFE000  }
0x79: {  	[hbm4b:s0+s2] =	stream.linear.scatter [tilespmem:s8], [sflag:$0x7], $0x2000, $0x38;
	[tilespmem:$0x8800] =	vst v63  }
0x7a: {  	_ =	swait.ge [sflag:s5], $0x2000  }
0x7b: {  	[sflag:s5] =	ssyncset.done $0x0  }
0x7c: {  	[sflag:s5] =	ssyncadd.s32 $0xFFFFE000  }
0x7d: {  	[tilespmem:s10], [sflag:$0x2] =	stream.indirect.gather [hbm4b:s9+s11], $0x40, s19, s11, $0xb8;
	[tilespmem:$0x8800] =	vst v63  }
0x7e: {  	_ =	swait.ge [sflag:s12], $0x2000  }
0x7f: {  	[sflag:s12] =	ssyncset.done $0x0  }
0x80: {  	s0 =	rddreg [dreg:$0xf];
	[sflag:s12] =	ssyncadd.s32 $0xFFFFE000  }
0x81: {  	[hbm4b:s0+s2] =	stream.linear.scatter [tilespmem:s7], [sflag:$0x8], $0x2000, $0x38;
	[tilespmem:$0x8800] =	vst v63  }
0x82: {  	_ =	swait.ge [sflag:s6], $0x2000  }
0x83: {  	[sflag:s6] =	ssyncset.done $0x0  }
0x84: {  	[sflag:s6] =	ssyncadd.s32 $0xFFFFE000  }
0x85: {  	[tilespmem:s8], [sflag:$0x3] =	stream.indirect.gather [hbm4b:s9+s11], $0x40, s18, s11, $0xb8;
	[tilespmem:$0x8800] =	vst v63  }
0x86: {  	_ =	swait.ge [sflag:s16], $0x2000  }
0x87: {  	[sflag:s16] =	ssyncset.done $0x0  }
0x88: {  	s0 =	rddreg [dreg:$0x10];
	[sflag:s16] =	ssyncadd.s32 $0xFFFFE000  }
0x89: {  	[hbm4b:s0+s2] =	stream.linear.scatter [tilespmem:s15], [sflag:$0x5], $0x2000, $0x38;
	[tilespmem:$0x8800] =	vst v63  }
0x8a: {  	_ =	swait.ge [sflag:s3], $0x2000  }
0x8b: {  	[sflag:s3] =	ssyncset.done $0x0  }
0x8c: {  	[sflag:s3] =	ssyncadd.s32 $0xFFFFE000  }
0x8d: {  	[tilespmem:s7], [sflag:$0x4] =	stream.indirect.gather [hbm4b:s9+s11], $0x40, s17, s11, $0xb8;
	[tilespmem:$0x8800] =	vst v63  }
0x8e: {  	_ =	swait.ge [sflag:s14], $0x2000  }
0x8f: {  	[sflag:s14] =	ssyncset.done $0x0  }
0x90: {  	s0 =	rddreg [dreg:$0x11];
	[sflag:s14] =	ssyncadd.s32 $0xFFFFE000  }
0x91: {  	[hbm4b:s0+s2] =	stream.linear.scatter [tilespmem:s10], [sflag:$0x6], $0x2000, $0x38;
	[tilespmem:$0x8800] =	vst v63  }
0x92: {  	_ =	swait.ge [sflag:s13], $0x2000  }
0x93: {  	[sflag:s13] =	ssyncset.done $0x0  }
0x94: {  	s0 =	rddreg [dreg:$0x12];
	[sflag:s13] =	ssyncadd.s32 $0xFFFFE000  }
0x95: {  	[hbm4b:s0+s2] =	stream.linear.scatter [tilespmem:s8], [sflag:$0x7], $0x2000, $0x38;
	[tilespmem:$0x8800] =	vst v63  }
0x96: {  	_ =	swait.ge [sflag:s12], $0x2000  }
0x97: {  	[sflag:s12] =	ssyncset.done $0x0  }
0x98: {  	s0 =	rddreg [dreg:$0x13];
	[sflag:s12] =	ssyncadd.s32 $0xFFFFE000  }
0x99: {  	[hbm4b:s0+s2] =	stream.linear.scatter [tilespmem:s7], [sflag:$0x8], $0x2000, $0x38;
	[tilespmem:$0x8800] =	vst v63  }
0x9a: {  	_ =	swait.ge [sflag:s4], $0x2000  }
0x9b: {  	[sflag:s4] =	ssyncset.done $0x0  }
0x9c: {  	[sflag:s4] =	ssyncadd.s32 $0xFFFFE000  }
0x9d: {  	_ =	swait.ge [sflag:s5], $0x2000  }
0x9e: {  	[sflag:s5] =	ssyncset.done $0x0  }
0x9f: {  	p1 =	sne.s32 s1, $0x1;
	[sflag:s5] =	ssyncadd.s32 $0xFFFFE000  }
.Ltmp1:
0xa0: {  	_ =	swait.ge [sflag:s6], $0x2000;
	(pc) =	sbr.rel @!p1 .LBB2_3-.Ltmp1, $4  }
0xa1: {  	[sflag:s6] =	ssyncset.done $0x0  }
0xa2: {  	[sflag:s6] =	ssyncadd.s32 $0xFFFFE000  }
0xa3: {  	s1 =	sadd.s32 $0xFFFFFFFF, s1;
	_ =	swait.ge [sflag:s3], $0x2000  }
0xa4: {  	p0 =	por $0x1, $0x1;
	s0 =	rddreg [dreg:$0x3];
	[sflag:s3] =	ssyncset.done $0x0  }
.LBB2_2:
0xa5: {  	[sflag:s3] =	ssyncadd.s32 $0xFFFFE000  }
0xa6: {  	[tilespmem:s2], [sflag:$0x9] =	stream.linear.gather [hbm4b:s0+s2], $0x800, $0x38;
	[tilespmem:$0x8800] =	vst v63  }
0xa7: {  	_ =	swait.ge [sflag:s31], $0x800  }
0xa8: {  	[sflag:s31] =	ssyncset.done $0x0  }
0xa9: {  	[sflag:s31] =	ssyncadd.s32 $0xFFFFF800  }
0xaa: {  	[tilespmem:s15], [sflag:$0x1] =	stream.indirect.gather [hbm4b:s9+s11], $0x40, s2, s11, $0xb8;
	[tilespmem:$0x8800] =	vst v63  }
0xab: {  	_ = 	snop  }
0xac: {  	[tilespmem:s10], [sflag:$0x2] =	stream.indirect.gather [hbm4b:s9+s11], $0x40, s11, s11, $0xb8;
	[tilespmem:$0x8800] =	vst v63  }
0xad: {  	s0 =	rddreg [dreg:$0x14]  }
0xae: {  	[tilespmem:s8], [sflag:$0x3] =	stream.indirect.gather [hbm4b:s9+s11], $0x40, s0, s11, $0xb8;
	[tilespmem:$0x8800] =	vst v63  }
0xaf: {  	_ =	swait.ge [sflag:s16], $0x2000  }
0xb0: {  	[sflag:s16] =	ssyncset.done $0x0  }
0xb1: {  	s0 =	rddreg [dreg:$0x4];
	[sflag:s16] =	ssyncadd.s32 $0xFFFFE000  }
0xb2: {  	[hbm4b:s0+s2] =	stream.linear.scatter [tilespmem:s15], [sflag:$0x5], $0x2000, $0x38;
	[tilespmem:$0x8800] =	vst v63  }
0xb3: {  	_ = 	snop  }
0xb4: {  	[tilespmem:s7], [sflag:$0x4] =	stream.indirect.gather [hbm4b:s9+s11], $0x40, s30, s11, $0xb8;
	[tilespmem:$0x8800] =	vst v63  }
0xb5: {  	_ =	swait.ge [sflag:s14], $0x2000  }
0xb6: {  	[sflag:s14] =	ssyncset.done $0x0  }
0xb7: {  	s0 =	rddreg [dreg:$0x5];
	[sflag:s14] =	ssyncadd.s32 $0xFFFFE000  }
0xb8: {  	[hbm4b:s0+s2] =	stream.linear.scatter [tilespmem:s10], [sflag:$0x6], $0x2000, $0x38;
	[tilespmem:$0x8800] =	vst v63  }
0xb9: {  	_ =	swait.ge [sflag:s4], $0x2000  }
0xba: {  	[sflag:s4] =	ssyncset.done $0x0  }
0xbb: {  	[sflag:s4] =	ssyncadd.s32 $0xFFFFE000  }
0xbc: {  	[tilespmem:s15], [sflag:$0x1] =	stream.indirect.gather [hbm4b:s9+s11], $0x40, s29, s11, $0xb8;
	[tilespmem:$0x8800] =	vst v63  }
0xbd: {  	_ =	swait.ge [sflag:s13], $0x2000  }
0xbe: {  	[sflag:s13] =	ssyncset.done $0x0  }
0xbf: {  	s0 =	rddreg [dreg:$0x6];
	[sflag:s13] =	ssyncadd.s32 $0xFFFFE000  }
0xc0: {  	[hbm4b:s0+s2] =	stream.linear.scatter [tilespmem:s8], [sflag:$0x7], $0x2000, $0x38;
	[tilespmem:$0x8800] =	vst v63  }
0xc1: {  	_ =	swait.ge [sflag:s5], $0x2000  }
0xc2: {  	[sflag:s5] =	ssyncset.done $0x0  }
0xc3: {  	[sflag:s5] =	ssyncadd.s32 $0xFFFFE000  }
0xc4: {  	[tilespmem:s10], [sflag:$0x2] =	stream.indirect.gather [hbm4b:s9+s11], $0x40, s28, s11, $0xb8;
	[tilespmem:$0x8800] =	vst v63  }
0xc5: {  	_ =	swait.ge [sflag:s12], $0x2000  }
0xc6: {  	[sflag:s12] =	ssyncset.done $0x0  }
0xc7: {  	s0 =	rddreg [dreg:$0x7];
	[sflag:s12] =	ssyncadd.s32 $0xFFFFE000  }
0xc8: {  	[hbm4b:s0+s2] =	stream.linear.scatter [tilespmem:s7], [sflag:$0x8], $0x2000, $0x38;
	[tilespmem:$0x8800] =	vst v63  }
0xc9: {  	_ =	swait.ge [sflag:s6], $0x2000  }
0xca: {  	[sflag:s6] =	ssyncset.done $0x0  }
0xcb: {  	[sflag:s6] =	ssyncadd.s32 $0xFFFFE000  }
0xcc: {  	[tilespmem:s8], [sflag:$0x3] =	stream.indirect.gather [hbm4b:s9+s11], $0x40, s26, s11, $0xb8;
	[tilespmem:$0x8800] =	vst v63  }
0xcd: {  	_ =	swait.ge [sflag:s16], $0x2000  }
0xce: {  	[sflag:s16] =	ssyncset.done $0x0  }
0xcf: {  	s0 =	rddreg [dreg:$0x8];
	[sflag:s16] =	ssyncadd.s32 $0xFFFFE000  }
0xd0: {  	[hbm4b:s0+s2] =	stream.linear.scatter [tilespmem:s15], [sflag:$0x5], $0x2000, $0x38;
	[tilespmem:$0x8800] =	vst v63  }
0xd1: {  	_ =	swait.ge [sflag:s3], $0x2000  }
0xd2: {  	[sflag:s3] =	ssyncset.done $0x0  }
0xd3: {  	[sflag:s3] =	ssyncadd.s32 $0xFFFFE000  }
0xd4: {  	[tilespmem:s7], [sflag:$0x4] =	stream.indirect.gather [hbm4b:s9+s11], $0x40, s25, s11, $0xb8;
	[tilespmem:$0x8800] =	vst v63  }
0xd5: {  	_ =	swait.ge [sflag:s14], $0x2000  }
0xd6: {  	[sflag:s14] =	ssyncset.done $0x0  }
0xd7: {  	s0 =	rddreg [dreg:$0x9];
	[sflag:s14] =	ssyncadd.s32 $0xFFFFE000  }
0xd8: {  	[hbm4b:s0+s2] =	stream.linear.scatter [tilespmem:s10], [sflag:$0x6], $0x2000, $0x38;
	[tilespmem:$0x8800] =	vst v63  }
0xd9: {  	_ =	swait.ge [sflag:s4], $0x2000  }
0xda: {  	[sflag:s4] =	ssyncset.done $0x0  }
0xdb: {  	[sflag:s4] =	ssyncadd.s32 $0xFFFFE000  }
0xdc: {  	[tilespmem:s15], [sflag:$0x1] =	stream.indirect.gather [hbm4b:s9+s11], $0x40, s24, s11, $0xb8;
	[tilespmem:$0x8800] =	vst v63  }
0xdd: {  	_ =	swait.ge [sflag:s13], $0x2000  }
0xde: {  	[sflag:s13] =	ssyncset.done $0x0  }
0xdf: {  	s0 =	rddreg [dreg:$0xa];
	[sflag:s13] =	ssyncadd.s32 $0xFFFFE000  }
0xe0: {  	[hbm4b:s0+s2] =	stream.linear.scatter [tilespmem:s8], [sflag:$0x7], $0x2000, $0x38;
	[tilespmem:$0x8800] =	vst v63  }
0xe1: {  	_ =	swait.ge [sflag:s5], $0x2000  }
0xe2: {  	[sflag:s5] =	ssyncset.done $0x0  }
0xe3: {  	[sflag:s5] =	ssyncadd.s32 $0xFFFFE000  }
0xe4: {  	[tilespmem:s10], [sflag:$0x2] =	stream.indirect.gather [hbm4b:s9+s11], $0x40, s23, s11, $0xb8;
	[tilespmem:$0x8800] =	vst v63  }
0xe5: {  	_ =	swait.ge [sflag:s12], $0x2000  }
0xe6: {  	[sflag:s12] =	ssyncset.done $0x0  }
0xe7: {  	s0 =	rddreg [dreg:$0xb];
	[sflag:s12] =	ssyncadd.s32 $0xFFFFE000  }
0xe8: {  	[hbm4b:s0+s2] =	stream.linear.scatter [tilespmem:s7], [sflag:$0x8], $0x2000, $0x38;
	[tilespmem:$0x8800] =	vst v63  }
0xe9: {  	_ =	swait.ge [sflag:s6], $0x2000  }
0xea: {  	[sflag:s6] =	ssyncset.done $0x0  }
0xeb: {  	[sflag:s6] =	ssyncadd.s32 $0xFFFFE000  }
0xec: {  	[tilespmem:s8], [sflag:$0x3] =	stream.indirect.gather [hbm4b:s9+s11], $0x40, s22, s11, $0xb8;
	[tilespmem:$0x8800] =	vst v63  }
0xed: {  	_ =	swait.ge [sflag:s16], $0x2000  }
0xee: {  	[sflag:s16] =	ssyncset.done $0x0  }
0xef: {  	s0 =	rddreg [dreg:$0xc];
	[sflag:s16] =	ssyncadd.s32 $0xFFFFE000  }
0xf0: {  	[hbm4b:s0+s2] =	stream.linear.scatter [tilespmem:s15], [sflag:$0x5], $0x2000, $0x38;
	[tilespmem:$0x8800] =	vst v63  }
0xf1: {  	_ =	swait.ge [sflag:s3], $0x2000  }
0xf2: {  	[sflag:s3] =	ssyncset.done $0x0  }
0xf3: {  	[sflag:s3] =	ssyncadd.s32 $0xFFFFE000  }
0xf4: {  	[tilespmem:s7], [sflag:$0x4] =	stream.indirect.gather [hbm4b:s9+s11], $0x40, s21, s11, $0xb8;
	[tilespmem:$0x8800] =	vst v63  }
0xf5: {  	_ =	swait.ge [sflag:s14], $0x2000  }
0xf6: {  	[sflag:s14] =	ssyncset.done $0x0  }
0xf7: {  	s0 =	rddreg [dreg:$0xd];
	[sflag:s14] =	ssyncadd.s32 $0xFFFFE000  }
0xf8: {  	[hbm4b:s0+s2] =	stream.linear.scatter [tilespmem:s10], [sflag:$0x6], $0x2000, $0x38;
	[tilespmem:$0x8800] =	vst v63  }
0xf9: {  	_ =	swait.ge [sflag:s4], $0x2000  }
0xfa: {  	[sflag:s4] =	ssyncset.done $0x0  }
0xfb: {  	[sflag:s4] =	ssyncadd.s32 $0xFFFFE000  }
0xfc: {  	[tilespmem:s15], [sflag:$0x1] =	stream.indirect.gather [hbm4b:s9+s11], $0x40, s20, s11, $0xb8;
	[tilespmem:$0x8800] =	vst v63  }
0xfd: {  	_ =	swait.ge [sflag:s13], $0x2000  }
0xfe: {  	[sflag:s13] =	ssyncset.done $0x0  }
0xff: {  	s0 =	rddreg [dreg:$0xe];
	[sflag:s13] =	ssyncadd.s32 $0xFFFFE000  }
0x100: {  	[hbm4b:s0+s2] =	stream.linear.scatter [tilespmem:s8], [sflag:$0x7], $0x2000, $0x38;
	[tilespmem:$0x8800] =	vst v63  }
0x101: {  	_ =	swait.ge [sflag:s5], $0x2000  }
0x102: {  	[sflag:s5] =	ssyncset.done $0x0  }
0x103: {  	[sflag:s5] =	ssyncadd.s32 $0xFFFFE000  }
0x104: {  	[tilespmem:s10], [sflag:$0x2] =	stream.indirect.gather [hbm4b:s9+s11], $0x40, s19, s11, $0xb8;
	[tilespmem:$0x8800] =	vst v63  }
0x105: {  	_ =	swait.ge [sflag:s12], $0x2000  }
0x106: {  	[sflag:s12] =	ssyncset.done $0x0  }
0x107: {  	s0 =	rddreg [dreg:$0xf];
	[sflag:s12] =	ssyncadd.s32 $0xFFFFE000  }
0x108: {  	[hbm4b:s0+s2] =	stream.linear.scatter [tilespmem:s7], [sflag:$0x8], $0x2000, $0x38;
	[tilespmem:$0x8800] =	vst v63  }
0x109: {  	_ =	swait.ge [sflag:s6], $0x2000  }
0x10a: {  	[sflag:s6] =	ssyncset.done $0x0  }
0x10b: {  	[sflag:s6] =	ssyncadd.s32 $0xFFFFE000  }
0x10c: {  	[tilespmem:s8], [sflag:$0x3] =	stream.indirect.gather [hbm4b:s9+s11], $0x40, s18, s11, $0xb8;
	[tilespmem:$0x8800] =	vst v63  }
0x10d: {  	_ =	swait.ge [sflag:s16], $0x2000  }
0x10e: {  	[sflag:s16] =	ssyncset.done $0x0  }
0x10f: {  	s0 =	rddreg [dreg:$0x10];
	[sflag:s16] =	ssyncadd.s32 $0xFFFFE000  }
0x110: {  	[hbm4b:s0+s2] =	stream.linear.scatter [tilespmem:s15], [sflag:$0x5], $0x2000, $0x38;
	[tilespmem:$0x8800] =	vst v63  }
0x111: {  	_ =	swait.ge [sflag:s3], $0x2000  }
0x112: {  	[sflag:s3] =	ssyncset.done $0x0  }
0x113: {  	[sflag:s3] =	ssyncadd.s32 $0xFFFFE000  }
0x114: {  	[tilespmem:s7], [sflag:$0x4] =	stream.indirect.gather [hbm4b:s9+s11], $0x40, s17, s11, $0xb8;
	[tilespmem:$0x8800] =	vst v63  }
0x115: {  	_ =	swait.ge [sflag:s14], $0x2000  }
0x116: {  	[sflag:s14] =	ssyncset.done $0x0  }
0x117: {  	s0 =	rddreg [dreg:$0x11];
	[sflag:s14] =	ssyncadd.s32 $0xFFFFE000  }
0x118: {  	[hbm4b:s0+s2] =	stream.linear.scatter [tilespmem:s10], [sflag:$0x6], $0x2000, $0x38;
	[tilespmem:$0x8800] =	vst v63  }
0x119: {  	_ =	swait.ge [sflag:s13], $0x2000  }
0x11a: {  	[sflag:s13] =	ssyncset.done $0x0  }
0x11b: {  	s0 =	rddreg [dreg:$0x12];
	[sflag:s13] =	ssyncadd.s32 $0xFFFFE000  }
0x11c: {  	[hbm4b:s0+s2] =	stream.linear.scatter [tilespmem:s8], [sflag:$0x7], $0x2000, $0x38;
	[tilespmem:$0x8800] =	vst v63  }
0x11d: {  	_ =	swait.ge [sflag:s12], $0x2000  }
0x11e: {  	[sflag:s12] =	ssyncset.done $0x0  }
0x11f: {  	s0 =	rddreg [dreg:$0x13];
	[sflag:s12] =	ssyncadd.s32 $0xFFFFE000  }
0x120: {  	[hbm4b:s0+s2] =	stream.linear.scatter [tilespmem:s7], [sflag:$0x8], $0x2000, $0x38;
	[tilespmem:$0x8800] =	vst v63  }
0x121: {  	_ =	swait.ge [sflag:s4], $0x2000  }
0x122: {  	[sflag:s4] =	ssyncset.done $0x0  }
0x123: {  	[sflag:s4] =	ssyncadd.s32 $0xFFFFE000  }
0x124: {  	_ =	swait.ge [sflag:s5], $0x2000  }
0x125: {  	[sflag:s5] =	ssyncset.done $0x0  }
0x126: {  	p1 =	sne.s32 s1, $0x1;
	[sflag:s5] =	ssyncadd.s32 $0xFFFFE000  }
.Ltmp2:
0x127: {  	_ =	swait.ge [sflag:s6], $0x2000;
	(pc) =	sbr.rel @p1 .LBB2_2-.Ltmp2, $4  }
0x128: {  	[sflag:s6] =	ssyncset.done $0x0  }
0x129: {  	[sflag:s6] =	ssyncadd.s32 $0xFFFFE000  }
0x12a: {  	_ =	swait.ge [sflag:s3], $0x2000  }
0x12b: {  	s1 =	sadd.s32 $0xFFFFFFFF, s1;
	s0 =	rddreg [dreg:$0x3];
	[sflag:s3] =	ssyncset.done $0x0  }
.LBB2_3:
0x12c: {  	[sflag:s3] =	ssyncadd.s32 @p0 $0xFFFFE000  }
0x12d: {  	[tilespmem:s2], [sflag:$0x9] =	stream.linear.gather [hbm4b:s0+s2], $0x800, $0x38;
	[tilespmem:$0x8800] =	vst v63  }
0x12e: {  	_ =	swait.ge [sflag:s31], $0x800  }
0x12f: {  	[sflag:s31] =	ssyncset.done $0x0  }
0x130: {  	[sflag:s31] =	ssyncadd.s32 $0xFFFFF800  }
0x131: {  	[tilespmem:s15], [sflag:$0x1] =	stream.indirect.gather [hbm4b:s9+s11], $0x40, s2, s11, $0xb8;
	[tilespmem:$0x8800] =	vst v63  }
0x132: {  	_ = 	snop  }
0x133: {  	[tilespmem:s10], [sflag:$0x2] =	stream.indirect.gather [hbm4b:s9+s11], $0x40, s11, s11, $0xb8;
	[tilespmem:$0x8800] =	vst v63  }
0x134: {  	s31 =	rddreg [dreg:$0x14]  }
0x135: {  	[tilespmem:s8], [sflag:$0x3] =	stream.indirect.gather [hbm4b:s9+s11], $0x40, s31, s11, $0xb8;
	[tilespmem:$0x8800] =	vst v63  }
0x136: {  	_ =	swait.ge [sflag:s16], $0x2000  }
0x137: {  	[sflag:s16] =	ssyncset.done $0x0  }
0x138: {  	s1 =	rddreg [dreg:$0x4];
	[sflag:s16] =	ssyncadd.s32 $0xFFFFE000  }
0x139: {  	[hbm4b:s1+s2] =	stream.linear.scatter [tilespmem:s15], [sflag:$0x5], $0x2000, $0x38;
	[tilespmem:$0x8800] =	vst v63  }
0x13a: {  	_ = 	snop  }
0x13b: {  	[tilespmem:s7], [sflag:$0x4] =	stream.indirect.gather [hbm4b:s9+s11], $0x40, s30, s11, $0xb8;
	[tilespmem:$0x8800] =	vst v63  }
0x13c: {  	_ =	swait.ge [sflag:s14], $0x2000  }
0x13d: {  	[sflag:s14] =	ssyncset.done $0x0  }
0x13e: {  	s31 =	rddreg [dreg:$0x5];
	[sflag:s14] =	ssyncadd.s32 $0xFFFFE000  }
0x13f: {  	[hbm4b:s31+s2] =	stream.linear.scatter [tilespmem:s10], [sflag:$0x6], $0x2000, $0x38;
	[tilespmem:$0x8800] =	vst v63  }
0x140: {  	_ =	swait.ge [sflag:s4], $0x2000  }
0x141: {  	[sflag:s4] =	ssyncset.done $0x0  }
0x142: {  	[sflag:s4] =	ssyncadd.s32 $0xFFFFE000  }
0x143: {  	[tilespmem:s15], [sflag:$0x1] =	stream.indirect.gather [hbm4b:s9+s11], $0x40, s29, s11, $0xb8;
	[tilespmem:$0x8800] =	vst v63  }
0x144: {  	_ =	swait.ge [sflag:s13], $0x2000  }
0x145: {  	[sflag:s13] =	ssyncset.done $0x0  }
0x146: {  	s1 =	rddreg [dreg:$0x6];
	[sflag:s13] =	ssyncadd.s32 $0xFFFFE000  }
0x147: {  	[hbm4b:s1+s2] =	stream.linear.scatter [tilespmem:s8], [sflag:$0x7], $0x2000, $0x38;
	[tilespmem:$0x8800] =	vst v63  }
0x148: {  	_ =	swait.ge [sflag:s5], $0x2000  }
0x149: {  	[sflag:s5] =	ssyncset.done $0x0  }
0x14a: {  	[sflag:s5] =	ssyncadd.s32 $0xFFFFE000  }
0x14b: {  	[tilespmem:s10], [sflag:$0x2] =	stream.indirect.gather [hbm4b:s9+s11], $0x40, s28, s11, $0xb8;
	[tilespmem:$0x8800] =	vst v63  }
0x14c: {  	_ =	swait.ge [sflag:s12], $0x2000  }
0x14d: {  	[sflag:s12] =	ssyncset.done $0x0  }
0x14e: {  	s28 =	rddreg [dreg:$0x7];
	[sflag:s12] =	ssyncadd.s32 $0xFFFFE000  }
0x14f: {  	[hbm4b:s28+s2] =	stream.linear.scatter [tilespmem:s7], [sflag:$0x8], $0x2000, $0x38;
	[tilespmem:$0x8800] =	vst v63  }
0x150: {  	_ =	swait.ge [sflag:s6], $0x2000  }
0x151: {  	[sflag:s6] =	ssyncset.done $0x0  }
0x152: {  	[sflag:s6] =	ssyncadd.s32 $0xFFFFE000  }
0x153: {  	[tilespmem:s8], [sflag:$0x3] =	stream.indirect.gather [hbm4b:s9+s11], $0x40, s26, s11, $0xb8;
	[tilespmem:$0x8800] =	vst v63  }
0x154: {  	_ =	swait.ge [sflag:s16], $0x2000  }
0x155: {  	[sflag:s16] =	ssyncset.done $0x0  }
0x156: {  	s29 =	rddreg [dreg:$0x8];
	[sflag:s16] =	ssyncadd.s32 $0xFFFFE000  }
0x157: {  	[hbm4b:s29+s2] =	stream.linear.scatter [tilespmem:s15], [sflag:$0x5], $0x2000, $0x38;
	[tilespmem:$0x8800] =	vst v63  }
0x158: {  	_ =	swait.ge [sflag:s3], $0x2000  }
0x159: {  	[sflag:s3] =	ssyncset.done $0x0  }
0x15a: {  	[sflag:s3] =	ssyncadd.s32 $0xFFFFE000  }
0x15b: {  	[tilespmem:s7], [sflag:$0x4] =	stream.indirect.gather [hbm4b:s9+s11], $0x40, s25, s11, $0xb8;
	[tilespmem:$0x8800] =	vst v63  }
0x15c: {  	_ =	swait.ge [sflag:s14], $0x2000  }
0x15d: {  	[sflag:s14] =	ssyncset.done $0x0  }
0x15e: {  	s30 =	rddreg [dreg:$0x9];
	[sflag:s14] =	ssyncadd.s32 $0xFFFFE000  }
0x15f: {  	[hbm4b:s30+s2] =	stream.linear.scatter [tilespmem:s10], [sflag:$0x6], $0x2000, $0x38;
	[tilespmem:$0x8800] =	vst v63  }
0x160: {  	_ =	swait.ge [sflag:s4], $0x2000  }
0x161: {  	[sflag:s4] =	ssyncset.done $0x0  }
0x162: {  	[sflag:s4] =	ssyncadd.s32 $0xFFFFE000  }
0x163: {  	[tilespmem:s15], [sflag:$0x1] =	stream.indirect.gather [hbm4b:s9+s11], $0x40, s24, s11, $0xb8;
	[tilespmem:$0x8800] =	vst v63  }
0x164: {  	_ =	swait.ge [sflag:s13], $0x2000  }
0x165: {  	[sflag:s13] =	ssyncset.done $0x0  }
0x166: {  	s31 =	rddreg [dreg:$0xa];
	[sflag:s13] =	ssyncadd.s32 $0xFFFFE000  }
0x167: {  	[hbm4b:s31+s2] =	stream.linear.scatter [tilespmem:s8], [sflag:$0x7], $0x2000, $0x38;
	[tilespmem:$0x8800] =	vst v63  }
0x168: {  	_ =	swait.ge [sflag:s5], $0x2000  }
0x169: {  	[sflag:s5] =	ssyncset.done $0x0  }
0x16a: {  	[sflag:s5] =	ssyncadd.s32 $0xFFFFE000  }
0x16b: {  	[tilespmem:s10], [sflag:$0x2] =	stream.indirect.gather [hbm4b:s9+s11], $0x40, s23, s11, $0xb8;
	[tilespmem:$0x8800] =	vst v63  }
0x16c: {  	_ =	swait.ge [sflag:s12], $0x2000  }
0x16d: {  	[sflag:s12] =	ssyncset.done $0x0  }
0x16e: {  	s1 =	rddreg [dreg:$0xb];
	[sflag:s12] =	ssyncadd.s32 $0xFFFFE000  }
0x16f: {  	[hbm4b:s1+s2] =	stream.linear.scatter [tilespmem:s7], [sflag:$0x8], $0x2000, $0x38;
	[tilespmem:$0x8800] =	vst v63  }
0x170: {  	_ =	swait.ge [sflag:s6], $0x2000  }
0x171: {  	[sflag:s6] =	ssyncset.done $0x0  }
0x172: {  	[sflag:s6] =	ssyncadd.s32 $0xFFFFE000  }
0x173: {  	[tilespmem:s8], [sflag:$0x3] =	stream.indirect.gather [hbm4b:s9+s11], $0x40, s22, s11, $0xb8;
	[tilespmem:$0x8800] =	vst v63  }
0x174: {  	_ =	swait.ge [sflag:s16], $0x2000  }
0x175: {  	[sflag:s16] =	ssyncset.done $0x0  }
0x176: {  	s22 =	rddreg [dreg:$0xc];
	[sflag:s16] =	ssyncadd.s32 $0xFFFFE000  }
0x177: {  	[hbm4b:s22+s2] =	stream.linear.scatter [tilespmem:s15], [sflag:$0x5], $0x2000, $0x38;
	[tilespmem:$0x8800] =	vst v63  }
0x178: {  	_ =	swait.ge [sflag:s3], $0x2000  }
0x179: {  	[sflag:s3] =	ssyncset.done $0x0  }
0x17a: {  	[sflag:s3] =	ssyncadd.s32 $0xFFFFE000  }
0x17b: {  	[tilespmem:s7], [sflag:$0x4] =	stream.indirect.gather [hbm4b:s9+s11], $0x40, s21, s11, $0xb8;
	[tilespmem:$0x8800] =	vst v63  }
0x17c: {  	_ =	swait.ge [sflag:s14], $0x2000  }
0x17d: {  	[sflag:s14] =	ssyncset.done $0x0  }
0x17e: {  	s23 =	rddreg [dreg:$0xd];
	[sflag:s14] =	ssyncadd.s32 $0xFFFFE000  }
0x17f: {  	[hbm4b:s23+s2] =	stream.linear.scatter [tilespmem:s10], [sflag:$0x6], $0x2000, $0x38;
	[tilespmem:$0x8800] =	vst v63  }
0x180: {  	_ =	swait.ge [sflag:s4], $0x2000  }
0x181: {  	[sflag:s4] =	ssyncset.done $0x0  }
0x182: {  	[sflag:s4] =	ssyncadd.s32 $0xFFFFE000  }
0x183: {  	[tilespmem:s15], [sflag:$0x1] =	stream.indirect.gather [hbm4b:s9+s11], $0x40, s20, s11, $0xb8;
	[tilespmem:$0x8800] =	vst v63  }
0x184: {  	_ =	swait.ge [sflag:s13], $0x2000  }
0x185: {  	[sflag:s13] =	ssyncset.done $0x0  }
0x186: {  	s24 =	rddreg [dreg:$0xe];
	[sflag:s13] =	ssyncadd.s32 $0xFFFFE000  }
0x187: {  	[hbm4b:s24+s2] =	stream.linear.scatter [tilespmem:s8], [sflag:$0x7], $0x2000, $0x38;
	[tilespmem:$0x8800] =	vst v63  }
0x188: {  	_ =	swait.ge [sflag:s5], $0x2000  }
0x189: {  	[sflag:s5] =	ssyncset.done $0x0  }
0x18a: {  	[sflag:s5] =	ssyncadd.s32 $0xFFFFE000  }
0x18b: {  	[tilespmem:s10], [sflag:$0x2] =	stream.indirect.gather [hbm4b:s9+s11], $0x40, s19, s11, $0xb8;
	[tilespmem:$0x8800] =	vst v63  }
0x18c: {  	_ =	swait.ge [sflag:s12], $0x2000  }
0x18d: {  	[sflag:s12] =	ssyncset.done $0x0  }
0x18e: {  	s25 =	rddreg [dreg:$0xf];
	[sflag:s12] =	ssyncadd.s32 $0xFFFFE000  }
0x18f: {  	[hbm4b:s25+s2] =	stream.linear.scatter [tilespmem:s7], [sflag:$0x8], $0x2000, $0x38;
	[tilespmem:$0x8800] =	vst v63  }
0x190: {  	_ =	swait.ge [sflag:s6], $0x2000  }
0x191: {  	[sflag:s6] =	ssyncset.done $0x0  }
0x192: {  	[sflag:s6] =	ssyncadd.s32 $0xFFFFE000  }
0x193: {  	[tilespmem:s8], [sflag:$0x3] =	stream.indirect.gather [hbm4b:s9+s11], $0x40, s18, s11, $0xb8;
	[tilespmem:$0x8800] =	vst v63  }
0x194: {  	_ =	swait.ge [sflag:s16], $0x2000  }
0x195: {  	[sflag:s16] =	ssyncset.done $0x0  }
0x196: {  	s26 =	rddreg [dreg:$0x10];
	[sflag:s16] =	ssyncadd.s32 $0xFFFFE000  }
0x197: {  	[hbm4b:s26+s2] =	stream.linear.scatter [tilespmem:s15], [sflag:$0x5], $0x2000, $0x38;
	[tilespmem:$0x8800] =	vst v63  }
0x198: {  	_ =	swait.ge [sflag:s3], $0x2000  }
0x199: {  	[sflag:s3] =	ssyncset.done $0x0  }
0x19a: {  	[sflag:s3] =	ssyncadd.s32 $0xFFFFE000  }
0x19b: {  	[tilespmem:s7], [sflag:$0x4] =	stream.indirect.gather [hbm4b:s9+s11], $0x40, s17, s11, $0xb8;
	[tilespmem:$0x8800] =	vst v63  }
0x19c: {  	_ =	swait.ge [sflag:s14], $0x2000  }
0x19d: {  	[sflag:s14] =	ssyncset.done $0x0  }
0x19e: {  	s28 =	rddreg [dreg:$0x11];
	[sflag:s14] =	ssyncadd.s32 $0xFFFFE000  }
0x19f: {  	[hbm4b:s28+s2] =	stream.linear.scatter [tilespmem:s10], [sflag:$0x6], $0x2000, $0x38;
	[tilespmem:$0x8800] =	vst v63  }
0x1a0: {  	_ =	swait.ge [sflag:s13], $0x2000  }
0x1a1: {  	[sflag:s13] =	ssyncset.done $0x0  }
0x1a2: {  	s29 =	rddreg [dreg:$0x12];
	[sflag:s13] =	ssyncadd.s32 $0xFFFFE000  }
0x1a3: {  	[hbm4b:s29+s2] =	stream.linear.scatter [tilespmem:s8], [sflag:$0x7], $0x2000, $0x38;
	[tilespmem:$0x8800] =	vst v63  }
0x1a4: {  	_ =	swait.ge [sflag:s12], $0x2000  }
0x1a5: {  	[sflag:s12] =	ssyncset.done $0x0  }
0x1a6: {  	s30 =	rddreg [dreg:$0x13];
	[sflag:s12] =	ssyncadd.s32 $0xFFFFE000  }
0x1a7: {  	[hbm4b:s30+s2] =	stream.linear.scatter [tilespmem:s7], [sflag:$0x8], $0x2000, $0x38;
	[tilespmem:$0x8800] =	vst v63  }
0x1a8: {  	_ =	swait.ge [sflag:s4], $0x2000  }
0x1a9: {  	[sflag:s4] =	ssyncset.done $0x0  }
0x1aa: {  	[sflag:s4] =	ssyncadd.s32 $0xFFFFE000  }
0x1ab: {  	_ =	swait.ge [sflag:s5], $0x2000  }
0x1ac: {  	[sflag:s5] =	ssyncset.done $0x0  }
0x1ad: {  	[sflag:s5] =	ssyncadd.s32 $0xFFFFE000  }
0x1ae: {  	_ =	swait.ge [sflag:s6], $0x2000  }
0x1af: {  	[sflag:s6] =	ssyncset.done $0x0  }
0x1b0: {  	[sflag:s6] =	ssyncadd.s32 $0xFFFFE000  }
0x1b1: {  	_ =	swait.ge [sflag:s3], $0x2000  }
0x1b2: {  	[sflag:s3] =	ssyncset.done $0x0  }
0x1b3: {  	[sflag:s3] =	ssyncadd.s32 $0xFFFFE000  }
0x1b4: {  	_ =	sfence.sel $0x180000  }
0x1b5: {  	[bflag:$0x0] =	sbarrier.arrive $0xFFFF  }
0x1b6: {  	_ =	strace $0x9000004A  }
0x1b7: {  	s31 =	stileid.u32;
	[bflag:$0x2] =	sbarrier.arrive $0xFFFF  }
0x1b8: {  	p0 =	sne.s32 s31, $0x0;
	s0 =	rddreg [dreg:$0x2]  }
0x1b9: {  	s0 =	sadd.s32 @!p0 $0x100000, s0  }
0x1ba: {  	[sflag:s0] =	ssyncadd.tile.s32 @!p0 $0x1;
	_ =	shalt  }
.Lfunc_end2:
_tile_overlayer_lowered:
.L_overlay_start_2:
0x1bb: {  	(tag) =	ssettag $0x2  }
0x1bc: {  	s0 =	rddreg [dreg:$0x0];
	s2 =	stileid.u32  }
0x1bd: {  	s1 =	rddreg [dreg:$0x1];
	p0 =	sne.s32 s2, $0x0  }
0x1be: {  	s3 =	rddreg [dreg:$0x2];
	[bflag:$0x3] =	sbarrier.arrive $0xFFFF;
	s2 =	simm.s32 @!p0 $0x1C09  }
0x1bf: {  	[timem:s3], [sflag:s2] =	dma.local @!p0 [hbm:s0], s1  }
0x1c0: {  	s0 =	simm.s32 @!p0 $0x9  }
0x1c1: {  	_ =	swait.ge @!p0 [sflag:s0], s1  }
0x1c2: {  	s1 =	ssub.s32 @!p0 $0x0, s1;
	[sflag:s0] =	ssyncset.done @!p0 $0x0  }
0x1c3: {  	[sflag:s0] =	ssyncadd.s32 @!p0 s1  }
0x1c4: {  	[bflag:$0x3] =	sbarrier.arrive $0xFFFF  }
0x1c5: {  	_ =	shalt  }

// kernel: kernel.18.cloned.1.call-start
scs
__scs_entry_jumppad:
0x0: {  	(pc) =	sbr.rel $0x88, $3  }
0x1: {  	(tag) =	ssettag $0x0;
	lr =	simm.s32 $0x1  }
0x2: {  	[smem:$0x3F85] =	sst lr;
	_ =	strace $0xD0000000  }
0x3: {  	_ = 	snop  }
0x4: {  	_ = 	snop  }
0x5: {  	_ = 	snop  }
0x6: {  	_ = 	snop  }
0x7: {  	_ = 	snop  }
__scs_overlays_trampoline_lowered:
0x8: {  	[smem:$0x3F94] =	sst s0  }
0x9: {  	[smem:$0x3F95] =	sst s1  }
0xa: {  	[smem:$0x3F96] =	sst s2  }
0xb: {  	[smem:$0x3F97] =	sst s3  }
0xc: {  	[smem:$0x3F98] =	sst s4  }
0xd: {  	[smem:$0x3F99] =	sst s5  }
0xe: {  	[smem:$0x3F9A] =	sst s6  }
0xf: {  	[smem:$0x3F9B] =	sst s7  }
0x10: {  	[smem:$0x3F9C] =	sst s8  }
0x11: {  	[smem:$0x3F9D] =	sst s9;
	s0 =	simm.s32 @!p0 $0x0  }
0x12: {  	s1 =	sld [smem:$0x3F83];
	s0 =	simm.s32 @p0 $0x1  }
0x13: {  	[smem:$0x3F9E] =	sst s0;
	s0 =	simm.s32 @!p1 $0x0  }
0x14: {  	s2 =	sld [smem:$0x3F82];
	s0 =	simm.s32 @p1 $0x1  }
0x15: {  	[smem:$0x3F9F] =	sst s0;
	s0 =	simm.s32 @!p2 $0x0  }
0x16: {  	s3 =	sld [smem:$0x3FDB];
	s0 =	simm.s32 @p2 $0x1  }
0x17: {  	s4 =	simm.s32 $0x1BF5;
	[smem:$0x3FA1] =	sst s0  }
0x18: {  	s0 =	sld [smem:$0x3F84];
	_ =	swait.ge [sflag:s4], $0x0  }
0x19: {  	s7 =	sld [smem:$0x3F85]  }
0x1a: {  	s8 =	sadd.s32 $0xFFFFE003, lr  }
0x1b: {  	s9 =	sadd.s32 $0xFFFFFEF7, lr;
	s5 =	simm.s32 $0xFFFFFFFF;
	p2 =	slt.u32 s8, $0xFFFFF086  }
0x1c: {  	p1 =	slt.u32 s9, $0xF7A;
	s5 =	simm.s32 @!p2 $0x0  }
0x1d: {  	s5 =	simm.s32 @p1 $0x1;
	p0 =	seq.s32 s7, s2  }
0x1e: {  	s7 =	smul.u32 @!p0 $0xF7A, s2;
	p2 =	seq.s32 @!p0 s5, $0x0  }
0x1f: {  	s9 =	smul.u32 $0xF7A, s1;
	s8 =	simm.s32 @!p0 $0x1BF5;
	p2 =	por !p2, p0  }
0x20: {  	[sflag:s8] =	ssyncset.s32 @!p0 $0xFFFFF086;
	s6 =	sadd.s32 @!p0 s3, s7;
	s7 =	simm.s32 @!p0 $0x108  }
0x21: {  	s3 =	sadd.s32 s3, s9;
	s6 =	sadd.s32 @!p0 $0x88, s6;
	s7 =	simm.s32 @p2 $0x1082  }
0x22: {  	[simem:s7], [sflag:s8] =	dma.local @!p0 [hbm:s6], $0xF7A  }
0x23: {  	s9 =	sor.u32 $0xD0000000, s2;
	s6 =	simm.s32 $0x108;
	_ =	swait.ge @!p0 [sflag:s8], $0x0  }
0x24: {  	s3 =	sadd.s32 $0x88, s3;
	s6 =	simm.s32 @!p1 $0x1082;
	[sflag:s4] =	ssyncset.s32 $0xFFFFF086  }
0x25: {  	[simem:s6], [sflag:s4] =	dma.local [hbm:s3], $0xF7A  }
0x26: {  	[smem:$0x3F85] =	sst s1;
	(tag) =	ssettag s2;
	_ =	strace s9  }
0x27: {  	s1 =	sld [smem:$0x3F95]  }
0x28: {  	s2 =	sld [smem:$0x3F96]  }
0x29: {  	s4 =	sld [smem:$0x3F98]  }
0x2a: {  	p0 =	seq.s32 s5, $0x0;
	s5 =	sld [smem:$0x3F99]  }
0x2b: {  	s6 =	sld [smem:$0x3F9A]  }
0x2c: {  	s7 =	sld [smem:$0x3F9B]  }
0x2d: {  	s3 =	simm.s32 $0x108;
	s8 =	sld [smem:$0x3F9C]  }
0x2e: {  	s3 =	simm.s32 @!p0 $0x1082;
	s9 =	sld [smem:$0x3F9D]  }
0x2f: {  	lr =	sadd.s32 s0, s3;
	s0 =	sld [smem:$0x3F94]  }
0x30: {  	s3 =	sld [smem:$0x3F97]  }
0x31: {  	[smem:$0x3FA0] =	sst s10  }
0x32: {  	s10 =	sld [smem:$0x3F9E];
	_ =	sdelay $0x3  }
0x33: {  	p0 =	seq.s32 s10, $0x1;
	s10 =	sld [smem:$0x3FA0];
	_ =	sdelay $0x3  }
0x34: {  	[smem:$0x3FA0] =	sst s10  }
0x35: {  	s10 =	sld [smem:$0x3F9F];
	_ =	sdelay $0x3  }
0x36: {  	p1 =	seq.s32 s10, $0x1;
	s10 =	sld [smem:$0x3FA0];
	_ =	sdelay $0x3  }
0x37: {  	[smem:$0x3FA0] =	sst s10  }
0x38: {  	s10 =	sld [smem:$0x3FA1]  }
0x39: {  	_ = 	snop;
	(pc) =	sbr.ind lr, $3  }
0x3a: {  	_ = 	snop  }
0x3b: {  	_ = 	snop  }
0x3c: {  	p2 =	seq.s32 s10, $0x1;
	s10 =	sld [smem:$0x3FA0]  }
0x3d: {  	_ =	shalt  }
0x3e: {  	_ =	shalt  }
0x3f: {  	_ =	shalt  }
0x40: {  	_ =	shalt  }
0x41: {  	_ =	shalt  }
0x42: {  	_ =	shalt  }
0x43: {  	_ =	shalt  }
0x44: {  	_ =	shalt  }
0x45: {  	_ =	shalt  }
0x46: {  	_ =	shalt  }
0x47: {  	_ =	shalt  }
0x48: {  	_ =	shalt  }
0x49: {  	_ =	shalt  }
0x4a: {  	_ =	shalt  }
0x4b: {  	_ =	shalt  }
0x4c: {  	_ =	shalt  }
0x4d: {  	_ =	shalt  }
0x4e: {  	_ =	shalt  }
0x4f: {  	_ =	shalt  }
0x50: {  	_ =	shalt  }
0x51: {  	_ =	shalt  }
0x52: {  	_ =	shalt  }
0x53: {  	_ =	shalt  }
0x54: {  	_ =	shalt  }
0x55: {  	_ =	shalt  }
0x56: {  	_ =	shalt  }
0x57: {  	_ =	shalt  }
0x58: {  	_ =	shalt  }
0x59: {  	_ =	shalt  }
0x5a: {  	_ =	shalt  }
0x5b: {  	_ =	shalt  }
0x5c: {  	_ =	shalt  }
0x5d: {  	_ =	shalt  }
0x5e: {  	_ =	shalt  }
0x5f: {  	_ =	shalt  }
0x60: {  	_ =	shalt  }
0x61: {  	_ =	shalt  }
0x62: {  	_ =	shalt  }
0x63: {  	_ =	shalt  }
0x64: {  	_ =	shalt  }
0x65: {  	_ =	shalt  }
0x66: {  	_ =	shalt  }
0x67: {  	_ =	shalt  }
0x68: {  	_ =	shalt  }
0x69: {  	_ =	shalt  }
0x6a: {  	_ =	shalt  }
0x6b: {  	_ =	shalt  }
0x6c: {  	_ =	shalt  }
0x6d: {  	_ =	shalt  }
0x6e: {  	_ =	shalt  }
0x6f: {  	_ =	shalt  }
0x70: {  	_ =	shalt  }
0x71: {  	_ =	shalt  }
0x72: {  	_ =	shalt  }
0x73: {  	_ =	shalt  }
0x74: {  	_ =	shalt  }
0x75: {  	_ =	shalt  }
0x76: {  	_ =	shalt  }
0x77: {  	_ =	shalt  }
0x78: {  	_ =	shalt  }
0x79: {  	_ =	shalt  }
0x7a: {  	_ =	shalt  }
0x7b: {  	_ =	shalt  }
0x7c: {  	_ =	shalt  }
0x7d: {  	_ =	shalt  }
0x7e: {  	_ =	shalt  }
0x7f: {  	_ =	shalt  }
0x80: {  	_ =	shalt  }
0x81: {  	_ =	shalt  }
0x82: {  	_ =	shalt  }
0x83: {  	_ =	shalt  }
0x84: {  	_ =	shalt  }
0x85: {  	_ =	shalt  }
0x86: {  	_ =	shalt  }
0x87: {  	_ =	shalt  }
.Lfunc_end0:
.L_simem_size_0:
called_computation.2_lowered:
.L_overlay_start_0:
0x88: {  	s2 =	sld [smem:$0x3FD9]  }
0x89: {  	s3 =	sld [smem:$0x3FFE];
	_ =	sdelay $0x1  }
0x8a: {  	s1 =	srdreg.scid  }
0x8b: {  	s0 =	sand.u32 $0x1, s1  }
0x8c: {  	s17 =	sshll.u32 s0, $0xA;
	s2 =	sadd.s32 s3, s2  }
0x8d: {  	s2 =	sadd.s32 s2, s17  }
0x8e: {  	[smem:$0x3FAC] =	sst s2  }
0x8f: {  	_ = 	snop  }
0x90: {  	s2 =	sld [smem:$0x3FD0];
	(tm) =	ssettm $0x1  }
0x91: {  	s18 =	sld [smem:$0x3FFB];
	_ =	sdelay $0x3  }
0x92: {  	_ =	strace s18  }
0x93: {  	s3 =	sld [smem:$0x3FFC];
	_ =	sdelay $0x3  }
0x94: {  	_ =	strace s3  }
0x95: {  	s3 =	sld [smem:$0x3FFD];
	_ =	sdelay $0x3  }
0x96: {  	_ =	strace s3  }
0x97: {  	_ =	strace $0x8FFFFFFF  }
0x98: {  	s19 =	sld [smem:$0x3FDB];
	_ =	sdelay $0x1  }
0x99: {  	s4 =	simm.s32 $_scs_section_size  }
0x9a: {  	s5 =	simm.s32 $_size__tile_overlayer_lowered;
	s6 =	simm.s32 $_tile_overlayer_lowered  }
0x9b: {  	s22 =	simm.s32 $0x1BFF;
	s21 =	sshll.u32 s6, $0x1;
	s3 =	sadd.s32 s4, s19  }
0x9c: {  	s7 =	simm.s32 $0x0;
	s20 =	sshll.u32 s5, $0x1;
	s5 =	sadd.s32 s21, s3  }
0x9d: {  	[timem:s7], [sflag:s22] =	dma.local [hbm:s5], s20  }
0x9e: {  	_ =	swait.ge [sflag:s22], s20  }
0x9f: {  	s4 =	ssub.s32 $0x0, s20;
	[sflag:s22] =	ssyncset.done $0x0  }
0xa0: {  	[sflag:s22] =	ssyncadd.s32 s4;
	_ =	sdelay $0x1  }
0xa1: {  	s23 =	simm.s32 $0x1B8B  }
0xa2: {  	_ =	swait.ge [sflag:s23], $0x1  }
0xa3: {  	[sflag:s23] =	ssyncset.done $0x0  }
0xa4: {  	s25 =	simm.s32 $0x1B8E;
	s24 =	sld [smem:$0x3FFE];
	[sflag:s23] =	ssyncadd.s32 $0xFFFFFFFF  }
0xa5: {  	s26 =	simm.s32 $execute0_lowered;
	[smem:$0x3FD2] =	sst s25  }
0xa6: {  	s5 =	sshll.u32 s26, $0x1;
	_ =	strace $0x8000004C;
	[dreg:$0x1] =	wrdreg $0xFFFFFFFF  }
0xa7: {  	s28 =	simm.s32 $_size_execute0_lowered;
	s3 =	sadd.s32 s3, s5;
	[dreg:$0x0] =	wrdreg $0x0  }
0xa8: {  	s5 =	sshll.u32 s28, $0x1;
	[dreg:$0x2] =	wrdreg s3  }
0xa9: {  	[dreg:$0x3] =	wrdreg s5  }
0xaa: {  	[dreg:$0x4] =	wrdreg $0xC0  }
0xab: {  	_ =	task [dreg:s7], $0x5FFFF  }
0xac: {  	[dreg:$0x1] =	wrdreg $0xFFFFFFFF  }
0xad: {  	[dreg:$0x0] =	wrdreg $0x60  }
0xae: {  	[dreg:$0x2] =	wrdreg s24  }
0xaf: {  	[dreg:$0x3] =	wrdreg s2  }
0xb0: {  	[dreg:$0x4] =	wrdreg $0x9  }
0xb1: {  	_ =	task.clear_ibuf [dreg:s7], $0x5FFFF;
	_ =	strace $0x9000004C  }
0xb2: {  	s29 =	simm.s32 $0x9;
	_ =	strace $0x8000004E  }
0xb3: {  	_ =	swait.ge [sflag:s29], $0x1  }
0xb4: {  	[sflag:s29] =	ssyncadd.s32 $0xFFFFFFFF  }
0xb5: {  	_ =	strace $0x9000004E  }
0xb6: {  	_ =	sfence  }
0xb7: {  	s30 =	sld [smem:$0x0];
	_ =	sdelay $0x2  }
0xb8: {  	s31 =	sshll.u32 s1, $0xD;
	s1 =	sshrl.u32 s1, $0x2  }
0xb9: {  	s3 =	sand.u32 $0x4000, s31;
	s1 =	sadd.s32 s1, s30  }
0xba: {  	s0 =	sor.u32 s3, s0;
	s1 =	sshll.u32 s1, $0x11  }
0xbb: {  	s0 =	sor.u32 s1, s0  }
0xbc: {  	s0 =	sadd.s32 $0x8F2B, s0  }
0xbd: {  	[sflag:s0] =	ssyncadd.remote.s32 $0x1  }
0xbe: {  	_ =	sfence.sel $0xFFFF  }
0xbf: {  	[dreg:$0x0] =	wrdreg $0xFFFFFFFF;
	(pc) =	sbr.abs _section_cstart, $3  }
0xc0: {  	[dreg:$0x1] =	wrdreg $0xFFFFFFFF  }
0xc1: {  	_ =	task.clear_ibuf [dreg:s7], $0x2FFFF;
	_ =	strace $0x9FFFFFFF  }
0xc2: {  	(tm) =	ssettm $0x7FFFFFFF  }
0xc3: {  	_ =	shalt  }
tec
execute0_lowered:
.L_overlay_start_1:
0x0: {  	(tag) =	ssettag $0x1  }
0x1: {  	s0 =	srdreg.scid  }
0x2: {  	s1 =	rddreg [dreg:$0x0];
	s2 =	stileid.u32  }
0x3: {  	s3 =	rddreg [dreg:$0x1];
	s31 =	simm.s32 $0x9;
	s0 =	sand.u32 $0x1, s0  }
0x4: {  	s4 =	sshll.u32 s2, $0xC;
	s2 =	simm.s32 $0x0;
	s5 =	sshll.u32 s0, $0xB  }
0x5: {  	s26 =	simm.s32 $0x100;
	[smem:$0x7FF] =	sst s2;
	s4 =	sor.u32 s5, s4  }
0x6: {  	_ =	strace $0x8000004D;
	s5 =	sshll.u32 s4, $0x3;
	s4 =	sshrl.u32 s4, $0x3  }
0x7: {  	[dreg:$0x14] =	wrdreg s26;
	s5 =	sadd.s32 s5, s1;
	s3 =	sadd.s32 s3, s4  }
0x8: {  	s8 =	simm.s32 $0x4800;
	[dreg:$0x3] =	wrdreg s3;
	s9 =	sadd.s32 $0xDA00, s5  }
0x9: {  	s30 =	simm.s32 $0x180;
	s10 =	sadd.s32 $0xDE00, s5;
	[dreg:$0x4] =	wrdreg s9  }
0xa: {  	s7 =	simm.s32 $0x6800;
	s11 =	sadd.s32 $0xE200, s5;
	[dreg:$0x5] =	wrdreg s10  }
0xb: {  	s29 =	simm.s32 $0x200;
	s12 =	sadd.s32 $0xE600, s5;
	[dreg:$0x6] =	wrdreg s11  }
0xc: {  	s28 =	simm.s32 $0x280;
	s13 =	sadd.s32 $0xEA00, s5;
	[dreg:$0x7] =	wrdreg s12  }
0xd: {  	s6 =	simm.s32 $0x7;
	s14 =	sadd.s32 $0xEE00, s5;
	[dreg:$0x8] =	wrdreg s13  }
0xe: {  	p0 =	por $0x0, $0x0;
	s15 =	sadd.s32 $0xF200, s5;
	[dreg:$0x9] =	wrdreg s14  }
0xf: {  	s0 =	ssub.s32 $0x2, s0;
	s16 =	sadd.s32 $0xF600, s5;
	[dreg:$0xa] =	wrdreg s15  }
0x10: {  	s23 =	sshrl.u32 s0, $0x1;
	s17 =	sadd.s32 $0xFA00, s5;
	[dreg:$0xb] =	wrdreg s16  }
0x11: {  	s26 =	simm.s32 $0x300;
	s18 =	sadd.s32 $0xFE00, s5;
	[dreg:$0xc] =	wrdreg s17  }
0x12: {  	s0 =	ssub.s32 s0, s23;
	s19 =	sadd.s32 $0x10200, s5;
	[dreg:$0xd] =	wrdreg s18  }
0x13: {  	s23 =	simm.s32 $0x480;
	s20 =	sadd.s32 $0x10600, s5;
	[dreg:$0xe] =	wrdreg s19  }
0x14: {  	s0 =	smax.u32 s0, $0x1;
	s21 =	sadd.s32 $0x10A00, s5;
	[dreg:$0xf] =	wrdreg s20  }
0x15: {  	s4 =	simm.s32 $0x5;
	s22 =	sadd.s32 $0x10E00, s5;
	[dreg:$0x10] =	wrdreg s21  }
0x16: {  	s24 =	sadd.s32 $0x11200, s5;
	s25 =	sadd.s32 $0x11600, s5;
	[dreg:$0x11] =	wrdreg s22  }
0x17: {  	s5 =	simm.s32 $0x6;
	s3 =	simm.s32 $0x8;
	[dreg:$0x12] =	wrdreg s24  }
0x18: {  	p1 =	sne.s32 s0, $0x1;
	s9 =	sadd.s32 $0x5A00, s1;
	[dreg:$0x13] =	wrdreg s25  }
0x19: {  	s11 =	simm.s32 $0x80;
	s15 =	simm.s32 $0x800;
	s10 =	simm.s32 $0x2800  }
.Ltmp0:
0x1a: {  	s16 =	simm.s32 $0x1;
	s14 =	simm.s32 $0x2;
	(pc) =	sbr.rel @!p1 .LBB2_3-.Ltmp0, $4  }
0x1b: {  	s13 =	simm.s32 $0x3;
	s12 =	simm.s32 $0x4;
	s25 =	simm.s32 $0x380  }
0x1c: {  	s24 =	simm.s32 $0x400;
	s1 =	sadd.s32 $0xFFFFFFFF, s0;
	s22 =	simm.s32 $0x500  }
0x1d: {  	s21 =	simm.s32 $0x580;
	s20 =	simm.s32 $0x600;
	s19 =	simm.s32 $0x680  }
0x1e: {  	s18 =	simm.s32 $0x700;
	s17 =	simm.s32 $0x780;
	s0 =	rddreg [dreg:$0x3]  }
0x1f: {  	[tilespmem:s2], [sflag:$0x9] =	stream.linear.gather [hbm4b:s0+s2], $0x800, $0x38;
	[tilespmem:$0x8800] =	vst v63  }
0x20: {  	_ =	swait.ge [sflag:s31], $0x800  }
0x21: {  	[sflag:s31] =	ssyncset.done $0x0  }
0x22: {  	[sflag:s31] =	ssyncadd.s32 $0xFFFFF800  }
0x23: {  	[tilespmem:s15], [sflag:$0x1] =	stream.indirect.gather [hbm4b:s9+s11], $0x40, s2, s11, $0xb8;
	[tilespmem:$0x8800] =	vst v63  }
0x24: {  	_ = 	snop  }
0x25: {  	[tilespmem:s10], [sflag:$0x2] =	stream.indirect.gather [hbm4b:s9+s11], $0x40, s11, s11, $0xb8;
	[tilespmem:$0x8800] =	vst v63  }
0x26: {  	s0 =	rddreg [dreg:$0x14]  }
0x27: {  	[tilespmem:s8], [sflag:$0x3] =	stream.indirect.gather [hbm4b:s9+s11], $0x40, s0, s11, $0xb8;
	[tilespmem:$0x8800] =	vst v63  }
0x28: {  	_ =	swait.ge [sflag:s16], $0x2000  }
0x29: {  	[sflag:s16] =	ssyncset.done $0x0  }
0x2a: {  	s0 =	rddreg [dreg:$0x4];
	[sflag:s16] =	ssyncadd.s32 $0xFFFFE000  }
0x2b: {  	[hbm4b:s0+s2] =	stream.linear.scatter [tilespmem:s15], [sflag:$0x5], $0x2000, $0x38;
	[tilespmem:$0x8800] =	vst v63  }
0x2c: {  	_ = 	snop  }
0x2d: {  	[tilespmem:s7], [sflag:$0x4] =	stream.indirect.gather [hbm4b:s9+s11], $0x40, s30, s11, $0xb8;
	[tilespmem:$0x8800] =	vst v63  }
0x2e: {  	_ =	swait.ge [sflag:s14], $0x2000  }
0x2f: {  	[sflag:s14] =	ssyncset.done $0x0  }
0x30: {  	s0 =	rddreg [dreg:$0x5];
	[sflag:s14] =	ssyncadd.s32 $0xFFFFE000  }
0x31: {  	[hbm4b:s0+s2] =	stream.linear.scatter [tilespmem:s10], [sflag:$0x6], $0x2000, $0x38;
	[tilespmem:$0x8800] =	vst v63  }
0x32: {  	_ =	swait.ge [sflag:s4], $0x2000  }
0x33: {  	[sflag:s4] =	ssyncset.done $0x0  }
0x34: {  	[sflag:s4] =	ssyncadd.s32 $0xFFFFE000  }
0x35: {  	[tilespmem:s15], [sflag:$0x1] =	stream.indirect.gather [hbm4b:s9+s11], $0x40, s29, s11, $0xb8;
	[tilespmem:$0x8800] =	vst v63  }
0x36: {  	_ =	swait.ge [sflag:s13], $0x2000  }
0x37: {  	[sflag:s13] =	ssyncset.done $0x0  }
0x38: {  	s0 =	rddreg [dreg:$0x6];
	[sflag:s13] =	ssyncadd.s32 $0xFFFFE000  }
0x39: {  	[hbm4b:s0+s2] =	stream.linear.scatter [tilespmem:s8], [sflag:$0x7], $0x2000, $0x38;
	[tilespmem:$0x8800] =	vst v63  }
0x3a: {  	_ =	swait.ge [sflag:s5], $0x2000  }
0x3b: {  	[sflag:s5] =	ssyncset.done $0x0  }
0x3c: {  	[sflag:s5] =	ssyncadd.s32 $0xFFFFE000  }
0x3d: {  	[tilespmem:s10], [sflag:$0x2] =	stream.indirect.gather [hbm4b:s9+s11], $0x40, s28, s11, $0xb8;
	[tilespmem:$0x8800] =	vst v63  }
0x3e: {  	_ =	swait.ge [sflag:s12], $0x2000  }
0x3f: {  	[sflag:s12] =	ssyncset.done $0x0  }
0x40: {  	s0 =	rddreg [dreg:$0x7];
	[sflag:s12] =	ssyncadd.s32 $0xFFFFE000  }
0x41: {  	[hbm4b:s0+s2] =	stream.linear.scatter [tilespmem:s7], [sflag:$0x8], $0x2000, $0x38;
	[tilespmem:$0x8800] =	vst v63  }
0x42: {  	_ =	swait.ge [sflag:s6], $0x2000  }
0x43: {  	[sflag:s6] =	ssyncset.done $0x0  }
0x44: {  	[sflag:s6] =	ssyncadd.s32 $0xFFFFE000  }
0x45: {  	[tilespmem:s8], [sflag:$0x3] =	stream.indirect.gather [hbm4b:s9+s11], $0x40, s26, s11, $0xb8;
	[tilespmem:$0x8800] =	vst v63  }
0x46: {  	_ =	swait.ge [sflag:s16], $0x2000  }
0x47: {  	[sflag:s16] =	ssyncset.done $0x0  }
0x48: {  	s0 =	rddreg [dreg:$0x8];
	[sflag:s16] =	ssyncadd.s32 $0xFFFFE000  }
0x49: {  	[hbm4b:s0+s2] =	stream.linear.scatter [tilespmem:s15], [sflag:$0x5], $0x2000, $0x38;
	[tilespmem:$0x8800] =	vst v63  }
0x4a: {  	_ =	swait.ge [sflag:s3], $0x2000  }
0x4b: {  	[sflag:s3] =	ssyncset.done $0x0  }
0x4c: {  	[sflag:s3] =	ssyncadd.s32 $0xFFFFE000  }
0x4d: {  	[tilespmem:s7], [sflag:$0x4] =	stream.indirect.gather [hbm4b:s9+s11], $0x40, s25, s11, $0xb8;
	[tilespmem:$0x8800] =	vst v63  }
0x4e: {  	_ =	swait.ge [sflag:s14], $0x2000  }
0x4f: {  	[sflag:s14] =	ssyncset.done $0x0  }
0x50: {  	s0 =	rddreg [dreg:$0x9];
	[sflag:s14] =	ssyncadd.s32 $0xFFFFE000  }
0x51: {  	[hbm4b:s0+s2] =	stream.linear.scatter [tilespmem:s10], [sflag:$0x6], $0x2000, $0x38;
	[tilespmem:$0x8800] =	vst v63  }
0x52: {  	_ =	swait.ge [sflag:s4], $0x2000  }
0x53: {  	[sflag:s4] =	ssyncset.done $0x0  }
0x54: {  	[sflag:s4] =	ssyncadd.s32 $0xFFFFE000  }
0x55: {  	[tilespmem:s15], [sflag:$0x1] =	stream.indirect.gather [hbm4b:s9+s11], $0x40, s24, s11, $0xb8;
	[tilespmem:$0x8800] =	vst v63  }
0x56: {  	_ =	swait.ge [sflag:s13], $0x2000  }
0x57: {  	[sflag:s13] =	ssyncset.done $0x0  }
0x58: {  	s0 =	rddreg [dreg:$0xa];
	[sflag:s13] =	ssyncadd.s32 $0xFFFFE000  }
0x59: {  	[hbm4b:s0+s2] =	stream.linear.scatter [tilespmem:s8], [sflag:$0x7], $0x2000, $0x38;
	[tilespmem:$0x8800] =	vst v63  }
0x5a: {  	_ =	swait.ge [sflag:s5], $0x2000  }
0x5b: {  	[sflag:s5] =	ssyncset.done $0x0  }
0x5c: {  	[sflag:s5] =	ssyncadd.s32 $0xFFFFE000  }
0x5d: {  	[tilespmem:s10], [sflag:$0x2] =	stream.indirect.gather [hbm4b:s9+s11], $0x40, s23, s11, $0xb8;
	[tilespmem:$0x8800] =	vst v63  }
0x5e: {  	_ =	swait.ge [sflag:s12], $0x2000  }
0x5f: {  	[sflag:s12] =	ssyncset.done $0x0  }
0x60: {  	s0 =	rddreg [dreg:$0xb];
	[sflag:s12] =	ssyncadd.s32 $0xFFFFE000  }
0x61: {  	[hbm4b:s0+s2] =	stream.linear.scatter [tilespmem:s7], [sflag:$0x8], $0x2000, $0x38;
	[tilespmem:$0x8800] =	vst v63  }
0x62: {  	_ =	swait.ge [sflag:s6], $0x2000  }
0x63: {  	[sflag:s6] =	ssyncset.done $0x0  }
0x64: {  	[sflag:s6] =	ssyncadd.s32 $0xFFFFE000  }
0x65: {  	[tilespmem:s8], [sflag:$0x3] =	stream.indirect.gather [hbm4b:s9+s11], $0x40, s22, s11, $0xb8;
	[tilespmem:$0x8800] =	vst v63  }
0x66: {  	_ =	swait.ge [sflag:s16], $0x2000  }
0x67: {  	[sflag:s16] =	ssyncset.done $0x0  }
0x68: {  	s0 =	rddreg [dreg:$0xc];
	[sflag:s16] =	ssyncadd.s32 $0xFFFFE000  }
0x69: {  	[hbm4b:s0+s2] =	stream.linear.scatter [tilespmem:s15], [sflag:$0x5], $0x2000, $0x38;
	[tilespmem:$0x8800] =	vst v63  }
0x6a: {  	_ =	swait.ge [sflag:s3], $0x2000  }
0x6b: {  	[sflag:s3] =	ssyncset.done $0x0  }
0x6c: {  	[sflag:s3] =	ssyncadd.s32 $0xFFFFE000  }
0x6d: {  	[tilespmem:s7], [sflag:$0x4] =	stream.indirect.gather [hbm4b:s9+s11], $0x40, s21, s11, $0xb8;
	[tilespmem:$0x8800] =	vst v63  }
0x6e: {  	_ =	swait.ge [sflag:s14], $0x2000  }
0x6f: {  	[sflag:s14] =	ssyncset.done $0x0  }
0x70: {  	s0 =	rddreg [dreg:$0xd];
	[sflag:s14] =	ssyncadd.s32 $0xFFFFE000  }
0x71: {  	[hbm4b:s0+s2] =	stream.linear.scatter [tilespmem:s10], [sflag:$0x6], $0x2000, $0x38;
	[tilespmem:$0x8800] =	vst v63  }
0x72: {  	_ =	swait.ge [sflag:s4], $0x2000  }
0x73: {  	[sflag:s4] =	ssyncset.done $0x0  }
0x74: {  	[sflag:s4] =	ssyncadd.s32 $0xFFFFE000  }
0x75: {  	[tilespmem:s15], [sflag:$0x1] =	stream.indirect.gather [hbm4b:s9+s11], $0x40, s20, s11, $0xb8;
	[tilespmem:$0x8800] =	vst v63  }
0x76: {  	_ =	swait.ge [sflag:s13], $0x2000  }
0x77: {  	[sflag:s13] =	ssyncset.done $0x0  }
0x78: {  	s0 =	rddreg [dreg:$0xe];
	[sflag:s13] =	ssyncadd.s32 $0xFFFFE000  }
0x79: {  	[hbm4b:s0+s2] =	stream.linear.scatter [tilespmem:s8], [sflag:$0x7], $0x2000, $0x38;
	[tilespmem:$0x8800] =	vst v63  }
0x7a: {  	_ =	swait.ge [sflag:s5], $0x2000  }
0x7b: {  	[sflag:s5] =	ssyncset.done $0x0  }
0x7c: {  	[sflag:s5] =	ssyncadd.s32 $0xFFFFE000  }
0x7d: {  	[tilespmem:s10], [sflag:$0x2] =	stream.indirect.gather [hbm4b:s9+s11], $0x40, s19, s11, $0xb8;
	[tilespmem:$0x8800] =	vst v63  }
0x7e: {  	_ =	swait.ge [sflag:s12], $0x2000  }
0x7f: {  	[sflag:s12] =	ssyncset.done $0x0  }
0x80: {  	s0 =	rddreg [dreg:$0xf];
	[sflag:s12] =	ssyncadd.s32 $0xFFFFE000  }
0x81: {  	[hbm4b:s0+s2] =	stream.linear.scatter [tilespmem:s7], [sflag:$0x8], $0x2000, $0x38;
	[tilespmem:$0x8800] =	vst v63  }
0x82: {  	_ =	swait.ge [sflag:s6], $0x2000  }
0x83: {  	[sflag:s6] =	ssyncset.done $0x0  }
0x84: {  	[sflag:s6] =	ssyncadd.s32 $0xFFFFE000  }
0x85: {  	[tilespmem:s8], [sflag:$0x3] =	stream.indirect.gather [hbm4b:s9+s11], $0x40, s18, s11, $0xb8;
	[tilespmem:$0x8800] =	vst v63  }
0x86: {  	_ =	swait.ge [sflag:s16], $0x2000  }
0x87: {  	[sflag:s16] =	ssyncset.done $0x0  }
0x88: {  	s0 =	rddreg [dreg:$0x10];
	[sflag:s16] =	ssyncadd.s32 $0xFFFFE000  }
0x89: {  	[hbm4b:s0+s2] =	stream.linear.scatter [tilespmem:s15], [sflag:$0x5], $0x2000, $0x38;
	[tilespmem:$0x8800] =	vst v63  }
0x8a: {  	_ =	swait.ge [sflag:s3], $0x2000  }
0x8b: {  	[sflag:s3] =	ssyncset.done $0x0  }
0x8c: {  	[sflag:s3] =	ssyncadd.s32 $0xFFFFE000  }
0x8d: {  	[tilespmem:s7], [sflag:$0x4] =	stream.indirect.gather [hbm4b:s9+s11], $0x40, s17, s11, $0xb8;
	[tilespmem:$0x8800] =	vst v63  }
0x8e: {  	_ =	swait.ge [sflag:s14], $0x2000  }
0x8f: {  	[sflag:s14] =	ssyncset.done $0x0  }
0x90: {  	s0 =	rddreg [dreg:$0x11];
	[sflag:s14] =	ssyncadd.s32 $0xFFFFE000  }
0x91: {  	[hbm4b:s0+s2] =	stream.linear.scatter [tilespmem:s10], [sflag:$0x6], $0x2000, $0x38;
	[tilespmem:$0x8800] =	vst v63  }
0x92: {  	_ =	swait.ge [sflag:s13], $0x2000  }
0x93: {  	[sflag:s13] =	ssyncset.done $0x0  }
0x94: {  	s0 =	rddreg [dreg:$0x12];
	[sflag:s13] =	ssyncadd.s32 $0xFFFFE000  }
0x95: {  	[hbm4b:s0+s2] =	stream.linear.scatter [tilespmem:s8], [sflag:$0x7], $0x2000, $0x38;
	[tilespmem:$0x8800] =	vst v63  }
0x96: {  	_ =	swait.ge [sflag:s12], $0x2000  }
0x97: {  	[sflag:s12] =	ssyncset.done $0x0  }
0x98: {  	s0 =	rddreg [dreg:$0x13];
	[sflag:s12] =	ssyncadd.s32 $0xFFFFE000  }
0x99: {  	[hbm4b:s0+s2] =	stream.linear.scatter [tilespmem:s7], [sflag:$0x8], $0x2000, $0x38;
	[tilespmem:$0x8800] =	vst v63  }
0x9a: {  	_ =	swait.ge [sflag:s4], $0x2000  }
0x9b: {  	[sflag:s4] =	ssyncset.done $0x0  }
0x9c: {  	[sflag:s4] =	ssyncadd.s32 $0xFFFFE000  }
0x9d: {  	_ =	swait.ge [sflag:s5], $0x2000  }
0x9e: {  	[sflag:s5] =	ssyncset.done $0x0  }
0x9f: {  	p1 =	sne.s32 s1, $0x1;
	[sflag:s5] =	ssyncadd.s32 $0xFFFFE000  }
.Ltmp1:
0xa0: {  	_ =	swait.ge [sflag:s6], $0x2000;
	(pc) =	sbr.rel @!p1 .LBB2_3-.Ltmp1, $4  }
0xa1: {  	[sflag:s6] =	ssyncset.done $0x0  }
0xa2: {  	[sflag:s6] =	ssyncadd.s32 $0xFFFFE000  }
0xa3: {  	s1 =	sadd.s32 $0xFFFFFFFF, s1;
	_ =	swait.ge [sflag:s3], $0x2000  }
0xa4: {  	p0 =	por $0x1, $0x1;
	s0 =	rddreg [dreg:$0x3];
	[sflag:s3] =	ssyncset.done $0x0  }
.LBB2_2:
0xa5: {  	[sflag:s3] =	ssyncadd.s32 $0xFFFFE000  }
0xa6: {  	[tilespmem:s2], [sflag:$0x9] =	stream.linear.gather [hbm4b:s0+s2], $0x800, $0x38;
	[tilespmem:$0x8800] =	vst v63  }
0xa7: {  	_ =	swait.ge [sflag:s31], $0x800  }
0xa8: {  	[sflag:s31] =	ssyncset.done $0x0  }
0xa9: {  	[sflag:s31] =	ssyncadd.s32 $0xFFFFF800  }
0xaa: {  	[tilespmem:s15], [sflag:$0x1] =	stream.indirect.gather [hbm4b:s9+s11], $0x40, s2, s11, $0xb8;
	[tilespmem:$0x8800] =	vst v63  }
0xab: {  	_ = 	snop  }
0xac: {  	[tilespmem:s10], [sflag:$0x2] =	stream.indirect.gather [hbm4b:s9+s11], $0x40, s11, s11, $0xb8;
	[tilespmem:$0x8800] =	vst v63  }
0xad: {  	s0 =	rddreg [dreg:$0x14]  }
0xae: {  	[tilespmem:s8], [sflag:$0x3] =	stream.indirect.gather [hbm4b:s9+s11], $0x40, s0, s11, $0xb8;
	[tilespmem:$0x8800] =	vst v63  }
0xaf: {  	_ =	swait.ge [sflag:s16], $0x2000  }
0xb0: {  	[sflag:s16] =	ssyncset.done $0x0  }
0xb1: {  	s0 =	rddreg [dreg:$0x4];
	[sflag:s16] =	ssyncadd.s32 $0xFFFFE000  }
0xb2: {  	[hbm4b:s0+s2] =	stream.linear.scatter [tilespmem:s15], [sflag:$0x5], $0x2000, $0x38;
	[tilespmem:$0x8800] =	vst v63  }
0xb3: {  	_ = 	snop  }
0xb4: {  	[tilespmem:s7], [sflag:$0x4] =	stream.indirect.gather [hbm4b:s9+s11], $0x40, s30, s11, $0xb8;
	[tilespmem:$0x8800] =	vst v63  }
0xb5: {  	_ =	swait.ge [sflag:s14], $0x2000  }
0xb6: {  	[sflag:s14] =	ssyncset.done $0x0  }
0xb7: {  	s0 =	rddreg [dreg:$0x5];
	[sflag:s14] =	ssyncadd.s32 $0xFFFFE000  }
0xb8: {  	[hbm4b:s0+s2] =	stream.linear.scatter [tilespmem:s10], [sflag:$0x6], $0x2000, $0x38;
	[tilespmem:$0x8800] =	vst v63  }
0xb9: {  	_ =	swait.ge [sflag:s4], $0x2000  }
0xba: {  	[sflag:s4] =	ssyncset.done $0x0  }
0xbb: {  	[sflag:s4] =	ssyncadd.s32 $0xFFFFE000  }
0xbc: {  	[tilespmem:s15], [sflag:$0x1] =	stream.indirect.gather [hbm4b:s9+s11], $0x40, s29, s11, $0xb8;
	[tilespmem:$0x8800] =	vst v63  }
0xbd: {  	_ =	swait.ge [sflag:s13], $0x2000  }
0xbe: {  	[sflag:s13] =	ssyncset.done $0x0  }
0xbf: {  	s0 =	rddreg [dreg:$0x6];
	[sflag:s13] =	ssyncadd.s32 $0xFFFFE000  }
0xc0: {  	[hbm4b:s0+s2] =	stream.linear.scatter [tilespmem:s8], [sflag:$0x7], $0x2000, $0x38;
	[tilespmem:$0x8800] =	vst v63  }
0xc1: {  	_ =	swait.ge [sflag:s5], $0x2000  }
0xc2: {  	[sflag:s5] =	ssyncset.done $0x0  }
0xc3: {  	[sflag:s5] =	ssyncadd.s32 $0xFFFFE000  }
0xc4: {  	[tilespmem:s10], [sflag:$0x2] =	stream.indirect.gather [hbm4b:s9+s11], $0x40, s28, s11, $0xb8;
	[tilespmem:$0x8800] =	vst v63  }
0xc5: {  	_ =	swait.ge [sflag:s12], $0x2000  }
0xc6: {  	[sflag:s12] =	ssyncset.done $0x0  }
0xc7: {  	s0 =	rddreg [dreg:$0x7];
	[sflag:s12] =	ssyncadd.s32 $0xFFFFE000  }
0xc8: {  	[hbm4b:s0+s2] =	stream.linear.scatter [tilespmem:s7], [sflag:$0x8], $0x2000, $0x38;
	[tilespmem:$0x8800] =	vst v63  }
0xc9: {  	_ =	swait.ge [sflag:s6], $0x2000  }
0xca: {  	[sflag:s6] =	ssyncset.done $0x0  }
0xcb: {  	[sflag:s6] =	ssyncadd.s32 $0xFFFFE000  }
0xcc: {  	[tilespmem:s8], [sflag:$0x3] =	stream.indirect.gather [hbm4b:s9+s11], $0x40, s26, s11, $0xb8;
	[tilespmem:$0x8800] =	vst v63  }
0xcd: {  	_ =	swait.ge [sflag:s16], $0x2000  }
0xce: {  	[sflag:s16] =	ssyncset.done $0x0  }
0xcf: {  	s0 =	rddreg [dreg:$0x8];
	[sflag:s16] =	ssyncadd.s32 $0xFFFFE000  }
0xd0: {  	[hbm4b:s0+s2] =	stream.linear.scatter [tilespmem:s15], [sflag:$0x5], $0x2000, $0x38;
	[tilespmem:$0x8800] =	vst v63  }
0xd1: {  	_ =	swait.ge [sflag:s3], $0x2000  }
0xd2: {  	[sflag:s3] =	ssyncset.done $0x0  }
0xd3: {  	[sflag:s3] =	ssyncadd.s32 $0xFFFFE000  }
0xd4: {  	[tilespmem:s7], [sflag:$0x4] =	stream.indirect.gather [hbm4b:s9+s11], $0x40, s25, s11, $0xb8;
	[tilespmem:$0x8800] =	vst v63  }
0xd5: {  	_ =	swait.ge [sflag:s14], $0x2000  }
0xd6: {  	[sflag:s14] =	ssyncset.done $0x0  }
0xd7: {  	s0 =	rddreg [dreg:$0x9];
	[sflag:s14] =	ssyncadd.s32 $0xFFFFE000  }
0xd8: {  	[hbm4b:s0+s2] =	stream.linear.scatter [tilespmem:s10], [sflag:$0x6], $0x2000, $0x38;
	[tilespmem:$0x8800] =	vst v63  }
0xd9: {  	_ =	swait.ge [sflag:s4], $0x2000  }
0xda: {  	[sflag:s4] =	ssyncset.done $0x0  }
0xdb: {  	[sflag:s4] =	ssyncadd.s32 $0xFFFFE000  }
0xdc: {  	[tilespmem:s15], [sflag:$0x1] =	stream.indirect.gather [hbm4b:s9+s11], $0x40, s24, s11, $0xb8;
	[tilespmem:$0x8800] =	vst v63  }
0xdd: {  	_ =	swait.ge [sflag:s13], $0x2000  }
0xde: {  	[sflag:s13] =	ssyncset.done $0x0  }
0xdf: {  	s0 =	rddreg [dreg:$0xa];
	[sflag:s13] =	ssyncadd.s32 $0xFFFFE000  }
0xe0: {  	[hbm4b:s0+s2] =	stream.linear.scatter [tilespmem:s8], [sflag:$0x7], $0x2000, $0x38;
	[tilespmem:$0x8800] =	vst v63  }
0xe1: {  	_ =	swait.ge [sflag:s5], $0x2000  }
0xe2: {  	[sflag:s5] =	ssyncset.done $0x0  }
0xe3: {  	[sflag:s5] =	ssyncadd.s32 $0xFFFFE000  }
0xe4: {  	[tilespmem:s10], [sflag:$0x2] =	stream.indirect.gather [hbm4b:s9+s11], $0x40, s23, s11, $0xb8;
	[tilespmem:$0x8800] =	vst v63  }
0xe5: {  	_ =	swait.ge [sflag:s12], $0x2000  }
0xe6: {  	[sflag:s12] =	ssyncset.done $0x0  }
0xe7: {  	s0 =	rddreg [dreg:$0xb];
	[sflag:s12] =	ssyncadd.s32 $0xFFFFE000  }
0xe8: {  	[hbm4b:s0+s2] =	stream.linear.scatter [tilespmem:s7], [sflag:$0x8], $0x2000, $0x38;
	[tilespmem:$0x8800] =	vst v63  }
0xe9: {  	_ =	swait.ge [sflag:s6], $0x2000  }
0xea: {  	[sflag:s6] =	ssyncset.done $0x0  }
0xeb: {  	[sflag:s6] =	ssyncadd.s32 $0xFFFFE000  }
0xec: {  	[tilespmem:s8], [sflag:$0x3] =	stream.indirect.gather [hbm4b:s9+s11], $0x40, s22, s11, $0xb8;
	[tilespmem:$0x8800] =	vst v63  }
0xed: {  	_ =	swait.ge [sflag:s16], $0x2000  }
0xee: {  	[sflag:s16] =	ssyncset.done $0x0  }
0xef: {  	s0 =	rddreg [dreg:$0xc];
	[sflag:s16] =	ssyncadd.s32 $0xFFFFE000  }
0xf0: {  	[hbm4b:s0+s2] =	stream.linear.scatter [tilespmem:s15], [sflag:$0x5], $0x2000, $0x38;
	[tilespmem:$0x8800] =	vst v63  }
0xf1: {  	_ =	swait.ge [sflag:s3], $0x2000  }
0xf2: {  	[sflag:s3] =	ssyncset.done $0x0  }
0xf3: {  	[sflag:s3] =	ssyncadd.s32 $0xFFFFE000  }
0xf4: {  	[tilespmem:s7], [sflag:$0x4] =	stream.indirect.gather [hbm4b:s9+s11], $0x40, s21, s11, $0xb8;
	[tilespmem:$0x8800] =	vst v63  }
0xf5: {  	_ =	swait.ge [sflag:s14], $0x2000  }
0xf6: {  	[sflag:s14] =	ssyncset.done $0x0  }
0xf7: {  	s0 =	rddreg [dreg:$0xd];
	[sflag:s14] =	ssyncadd.s32 $0xFFFFE000  }
0xf8: {  	[hbm4b:s0+s2] =	stream.linear.scatter [tilespmem:s10], [sflag:$0x6], $0x2000, $0x38;
	[tilespmem:$0x8800] =	vst v63  }
0xf9: {  	_ =	swait.ge [sflag:s4], $0x2000  }
0xfa: {  	[sflag:s4] =	ssyncset.done $0x0  }
0xfb: {  	[sflag:s4] =	ssyncadd.s32 $0xFFFFE000  }
0xfc: {  	[tilespmem:s15], [sflag:$0x1] =	stream.indirect.gather [hbm4b:s9+s11], $0x40, s20, s11, $0xb8;
	[tilespmem:$0x8800] =	vst v63  }
0xfd: {  	_ =	swait.ge [sflag:s13], $0x2000  }
0xfe: {  	[sflag:s13] =	ssyncset.done $0x0  }
0xff: {  	s0 =	rddreg [dreg:$0xe];
	[sflag:s13] =	ssyncadd.s32 $0xFFFFE000  }
0x100: {  	[hbm4b:s0+s2] =	stream.linear.scatter [tilespmem:s8], [sflag:$0x7], $0x2000, $0x38;
	[tilespmem:$0x8800] =	vst v63  }
0x101: {  	_ =	swait.ge [sflag:s5], $0x2000  }
0x102: {  	[sflag:s5] =	ssyncset.done $0x0  }
0x103: {  	[sflag:s5] =	ssyncadd.s32 $0xFFFFE000  }
0x104: {  	[tilespmem:s10], [sflag:$0x2] =	stream.indirect.gather [hbm4b:s9+s11], $0x40, s19, s11, $0xb8;
	[tilespmem:$0x8800] =	vst v63  }
0x105: {  	_ =	swait.ge [sflag:s12], $0x2000  }
0x106: {  	[sflag:s12] =	ssyncset.done $0x0  }
0x107: {  	s0 =	rddreg [dreg:$0xf];
	[sflag:s12] =	ssyncadd.s32 $0xFFFFE000  }
0x108: {  	[hbm4b:s0+s2] =	stream.linear.scatter [tilespmem:s7], [sflag:$0x8], $0x2000, $0x38;
	[tilespmem:$0x8800] =	vst v63  }
0x109: {  	_ =	swait.ge [sflag:s6], $0x2000  }
0x10a: {  	[sflag:s6] =	ssyncset.done $0x0  }
0x10b: {  	[sflag:s6] =	ssyncadd.s32 $0xFFFFE000  }
0x10c: {  	[tilespmem:s8], [sflag:$0x3] =	stream.indirect.gather [hbm4b:s9+s11], $0x40, s18, s11, $0xb8;
	[tilespmem:$0x8800] =	vst v63  }
0x10d: {  	_ =	swait.ge [sflag:s16], $0x2000  }
0x10e: {  	[sflag:s16] =	ssyncset.done $0x0  }
0x10f: {  	s0 =	rddreg [dreg:$0x10];
	[sflag:s16] =	ssyncadd.s32 $0xFFFFE000  }
0x110: {  	[hbm4b:s0+s2] =	stream.linear.scatter [tilespmem:s15], [sflag:$0x5], $0x2000, $0x38;
	[tilespmem:$0x8800] =	vst v63  }
0x111: {  	_ =	swait.ge [sflag:s3], $0x2000  }
0x112: {  	[sflag:s3] =	ssyncset.done $0x0  }
0x113: {  	[sflag:s3] =	ssyncadd.s32 $0xFFFFE000  }
0x114: {  	[tilespmem:s7], [sflag:$0x4] =	stream.indirect.gather [hbm4b:s9+s11], $0x40, s17, s11, $0xb8;
	[tilespmem:$0x8800] =	vst v63  }
0x115: {  	_ =	swait.ge [sflag:s14], $0x2000  }
0x116: {  	[sflag:s14] =	ssyncset.done $0x0  }
0x117: {  	s0 =	rddreg [dreg:$0x11];
	[sflag:s14] =	ssyncadd.s32 $0xFFFFE000  }
0x118: {  	[hbm4b:s0+s2] =	stream.linear.scatter [tilespmem:s10], [sflag:$0x6], $0x2000, $0x38;
	[tilespmem:$0x8800] =	vst v63  }
0x119: {  	_ =	swait.ge [sflag:s13], $0x2000  }
0x11a: {  	[sflag:s13] =	ssyncset.done $0x0  }
0x11b: {  	s0 =	rddreg [dreg:$0x12];
	[sflag:s13] =	ssyncadd.s32 $0xFFFFE000  }
0x11c: {  	[hbm4b:s0+s2] =	stream.linear.scatter [tilespmem:s8], [sflag:$0x7], $0x2000, $0x38;
	[tilespmem:$0x8800] =	vst v63  }
0x11d: {  	_ =	swait.ge [sflag:s12], $0x2000  }
0x11e: {  	[sflag:s12] =	ssyncset.done $0x0  }
0x11f: {  	s0 =	rddreg [dreg:$0x13];
	[sflag:s12] =	ssyncadd.s32 $0xFFFFE000  }
0x120: {  	[hbm4b:s0+s2] =	stream.linear.scatter [tilespmem:s7], [sflag:$0x8], $0x2000, $0x38;
	[tilespmem:$0x8800] =	vst v63  }
0x121: {  	_ =	swait.ge [sflag:s4], $0x2000  }
0x122: {  	[sflag:s4] =	ssyncset.done $0x0  }
0x123: {  	[sflag:s4] =	ssyncadd.s32 $0xFFFFE000  }
0x124: {  	_ =	swait.ge [sflag:s5], $0x2000  }
0x125: {  	[sflag:s5] =	ssyncset.done $0x0  }
0x126: {  	p1 =	sne.s32 s1, $0x1;
	[sflag:s5] =	ssyncadd.s32 $0xFFFFE000  }
.Ltmp2:
0x127: {  	_ =	swait.ge [sflag:s6], $0x2000;
	(pc) =	sbr.rel @p1 .LBB2_2-.Ltmp2, $4  }
0x128: {  	[sflag:s6] =	ssyncset.done $0x0  }
0x129: {  	[sflag:s6] =	ssyncadd.s32 $0xFFFFE000  }
0x12a: {  	_ =	swait.ge [sflag:s3], $0x2000  }
0x12b: {  	s1 =	sadd.s32 $0xFFFFFFFF, s1;
	s0 =	rddreg [dreg:$0x3];
	[sflag:s3] =	ssyncset.done $0x0  }
.LBB2_3:
0x12c: {  	[sflag:s3] =	ssyncadd.s32 @p0 $0xFFFFE000  }
0x12d: {  	[tilespmem:s2], [sflag:$0x9] =	stream.linear.gather [hbm4b:s0+s2], $0x800, $0x38;
	[tilespmem:$0x8800] =	vst v63  }
0x12e: {  	_ =	swait.ge [sflag:s31], $0x800  }
0x12f: {  	[sflag:s31] =	ssyncset.done $0x0  }
0x130: {  	[sflag:s31] =	ssyncadd.s32 $0xFFFFF800  }
0x131: {  	[tilespmem:s15], [sflag:$0x1] =	stream.indirect.gather [hbm4b:s9+s11], $0x40, s2, s11, $0xb8;
	[tilespmem:$0x8800] =	vst v63  }
0x132: {  	_ = 	snop  }
0x133: {  	[tilespmem:s10], [sflag:$0x2] =	stream.indirect.gather [hbm4b:s9+s11], $0x40, s11, s11, $0xb8;
	[tilespmem:$0x8800] =	vst v63  }
0x134: {  	s31 =	rddreg [dreg:$0x14]  }
0x135: {  	[tilespmem:s8], [sflag:$0x3] =	stream.indirect.gather [hbm4b:s9+s11], $0x40, s31, s11, $0xb8;
	[tilespmem:$0x8800] =	vst v63  }
0x136: {  	_ =	swait.ge [sflag:s16], $0x2000  }
0x137: {  	[sflag:s16] =	ssyncset.done $0x0  }
0x138: {  	s1 =	rddreg [dreg:$0x4];
	[sflag:s16] =	ssyncadd.s32 $0xFFFFE000  }
0x139: {  	[hbm4b:s1+s2] =	stream.linear.scatter [tilespmem:s15], [sflag:$0x5], $0x2000, $0x38;
	[tilespmem:$0x8800] =	vst v63  }
0x13a: {  	_ = 	snop  }
0x13b: {  	[tilespmem:s7], [sflag:$0x4] =	stream.indirect.gather [hbm4b:s9+s11], $0x40, s30, s11, $0xb8;
	[tilespmem:$0x8800] =	vst v63  }
0x13c: {  	_ =	swait.ge [sflag:s14], $0x2000  }
0x13d: {  	[sflag:s14] =	ssyncset.done $0x0  }
0x13e: {  	s31 =	rddreg [dreg:$0x5];
	[sflag:s14] =	ssyncadd.s32 $0xFFFFE000  }
0x13f: {  	[hbm4b:s31+s2] =	stream.linear.scatter [tilespmem:s10], [sflag:$0x6], $0x2000, $0x38;
	[tilespmem:$0x8800] =	vst v63  }
0x140: {  	_ =	swait.ge [sflag:s4], $0x2000  }
0x141: {  	[sflag:s4] =	ssyncset.done $0x0  }
0x142: {  	[sflag:s4] =	ssyncadd.s32 $0xFFFFE000  }
0x143: {  	[tilespmem:s15], [sflag:$0x1] =	stream.indirect.gather [hbm4b:s9+s11], $0x40, s29, s11, $0xb8;
	[tilespmem:$0x8800] =	vst v63  }
0x144: {  	_ =	swait.ge [sflag:s13], $0x2000  }
0x145: {  	[sflag:s13] =	ssyncset.done $0x0  }
0x146: {  	s1 =	rddreg [dreg:$0x6];
	[sflag:s13] =	ssyncadd.s32 $0xFFFFE000  }
0x147: {  	[hbm4b:s1+s2] =	stream.linear.scatter [tilespmem:s8], [sflag:$0x7], $0x2000, $0x38;
	[tilespmem:$0x8800] =	vst v63  }
0x148: {  	_ =	swait.ge [sflag:s5], $0x2000  }
0x149: {  	[sflag:s5] =	ssyncset.done $0x0  }
0x14a: {  	[sflag:s5] =	ssyncadd.s32 $0xFFFFE000  }
0x14b: {  	[tilespmem:s10], [sflag:$0x2] =	stream.indirect.gather [hbm4b:s9+s11], $0x40, s28, s11, $0xb8;
	[tilespmem:$0x8800] =	vst v63  }
0x14c: {  	_ =	swait.ge [sflag:s12], $0x2000  }
0x14d: {  	[sflag:s12] =	ssyncset.done $0x0  }
0x14e: {  	s28 =	rddreg [dreg:$0x7];
	[sflag:s12] =	ssyncadd.s32 $0xFFFFE000  }
0x14f: {  	[hbm4b:s28+s2] =	stream.linear.scatter [tilespmem:s7], [sflag:$0x8], $0x2000, $0x38;
	[tilespmem:$0x8800] =	vst v63  }
0x150: {  	_ =	swait.ge [sflag:s6], $0x2000  }
0x151: {  	[sflag:s6] =	ssyncset.done $0x0  }
0x152: {  	[sflag:s6] =	ssyncadd.s32 $0xFFFFE000  }
0x153: {  	[tilespmem:s8], [sflag:$0x3] =	stream.indirect.gather [hbm4b:s9+s11], $0x40, s26, s11, $0xb8;
	[tilespmem:$0x8800] =	vst v63  }
0x154: {  	_ =	swait.ge [sflag:s16], $0x2000  }
0x155: {  	[sflag:s16] =	ssyncset.done $0x0  }
0x156: {  	s29 =	rddreg [dreg:$0x8];
	[sflag:s16] =	ssyncadd.s32 $0xFFFFE000  }
0x157: {  	[hbm4b:s29+s2] =	stream.linear.scatter [tilespmem:s15], [sflag:$0x5], $0x2000, $0x38;
	[tilespmem:$0x8800] =	vst v63  }
0x158: {  	_ =	swait.ge [sflag:s3], $0x2000  }
0x159: {  	[sflag:s3] =	ssyncset.done $0x0  }
0x15a: {  	[sflag:s3] =	ssyncadd.s32 $0xFFFFE000  }
0x15b: {  	[tilespmem:s7], [sflag:$0x4] =	stream.indirect.gather [hbm4b:s9+s11], $0x40, s25, s11, $0xb8;
	[tilespmem:$0x8800] =	vst v63  }
0x15c: {  	_ =	swait.ge [sflag:s14], $0x2000  }
0x15d: {  	[sflag:s14] =	ssyncset.done $0x0  }
0x15e: {  	s30 =	rddreg [dreg:$0x9];
	[sflag:s14] =	ssyncadd.s32 $0xFFFFE000  }
0x15f: {  	[hbm4b:s30+s2] =	stream.linear.scatter [tilespmem:s10], [sflag:$0x6], $0x2000, $0x38;
	[tilespmem:$0x8800] =	vst v63  }
0x160: {  	_ =	swait.ge [sflag:s4], $0x2000  }
0x161: {  	[sflag:s4] =	ssyncset.done $0x0  }
0x162: {  	[sflag:s4] =	ssyncadd.s32 $0xFFFFE000  }
0x163: {  	[tilespmem:s15], [sflag:$0x1] =	stream.indirect.gather [hbm4b:s9+s11], $0x40, s24, s11, $0xb8;
	[tilespmem:$0x8800] =	vst v63  }
0x164: {  	_ =	swait.ge [sflag:s13], $0x2000  }
0x165: {  	[sflag:s13] =	ssyncset.done $0x0  }
0x166: {  	s31 =	rddreg [dreg:$0xa];
	[sflag:s13] =	ssyncadd.s32 $0xFFFFE000  }
0x167: {  	[hbm4b:s31+s2] =	stream.linear.scatter [tilespmem:s8], [sflag:$0x7], $0x2000, $0x38;
	[tilespmem:$0x8800] =	vst v63  }
0x168: {  	_ =	swait.ge [sflag:s5], $0x2000  }
0x169: {  	[sflag:s5] =	ssyncset.done $0x0  }
0x16a: {  	[sflag:s5] =	ssyncadd.s32 $0xFFFFE000  }
0x16b: {  	[tilespmem:s10], [sflag:$0x2] =	stream.indirect.gather [hbm4b:s9+s11], $0x40, s23, s11, $0xb8;
	[tilespmem:$0x8800] =	vst v63  }
0x16c: {  	_ =	swait.ge [sflag:s12], $0x2000  }
0x16d: {  	[sflag:s12] =	ssyncset.done $0x0  }
0x16e: {  	s1 =	rddreg [dreg:$0xb];
	[sflag:s12] =	ssyncadd.s32 $0xFFFFE000  }
0x16f: {  	[hbm4b:s1+s2] =	stream.linear.scatter [tilespmem:s7], [sflag:$0x8], $0x2000, $0x38;
	[tilespmem:$0x8800] =	vst v63  }
0x170: {  	_ =	swait.ge [sflag:s6], $0x2000  }
0x171: {  	[sflag:s6] =	ssyncset.done $0x0  }
0x172: {  	[sflag:s6] =	ssyncadd.s32 $0xFFFFE000  }
0x173: {  	[tilespmem:s8], [sflag:$0x3] =	stream.indirect.gather [hbm4b:s9+s11], $0x40, s22, s11, $0xb8;
	[tilespmem:$0x8800] =	vst v63  }
0x174: {  	_ =	swait.ge [sflag:s16], $0x2000  }
0x175: {  	[sflag:s16] =	ssyncset.done $0x0  }
0x176: {  	s22 =	rddreg [dreg:$0xc];
	[sflag:s16] =	ssyncadd.s32 $0xFFFFE000  }
0x177: {  	[hbm4b:s22+s2] =	stream.linear.scatter [tilespmem:s15], [sflag:$0x5], $0x2000, $0x38;
	[tilespmem:$0x8800] =	vst v63  }
0x178: {  	_ =	swait.ge [sflag:s3], $0x2000  }
0x179: {  	[sflag:s3] =	ssyncset.done $0x0  }
0x17a: {  	[sflag:s3] =	ssyncadd.s32 $0xFFFFE000  }
0x17b: {  	[tilespmem:s7], [sflag:$0x4] =	stream.indirect.gather [hbm4b:s9+s11], $0x40, s21, s11, $0xb8;
	[tilespmem:$0x8800] =	vst v63  }
0x17c: {  	_ =	swait.ge [sflag:s14], $0x2000  }
0x17d: {  	[sflag:s14] =	ssyncset.done $0x0  }
0x17e: {  	s23 =	rddreg [dreg:$0xd];
	[sflag:s14] =	ssyncadd.s32 $0xFFFFE000  }
0x17f: {  	[hbm4b:s23+s2] =	stream.linear.scatter [tilespmem:s10], [sflag:$0x6], $0x2000, $0x38;
	[tilespmem:$0x8800] =	vst v63  }
0x180: {  	_ =	swait.ge [sflag:s4], $0x2000  }
0x181: {  	[sflag:s4] =	ssyncset.done $0x0  }
0x182: {  	[sflag:s4] =	ssyncadd.s32 $0xFFFFE000  }
0x183: {  	[tilespmem:s15], [sflag:$0x1] =	stream.indirect.gather [hbm4b:s9+s11], $0x40, s20, s11, $0xb8;
	[tilespmem:$0x8800] =	vst v63  }
0x184: {  	_ =	swait.ge [sflag:s13], $0x2000  }
0x185: {  	[sflag:s13] =	ssyncset.done $0x0  }
0x186: {  	s24 =	rddreg [dreg:$0xe];
	[sflag:s13] =	ssyncadd.s32 $0xFFFFE000  }
0x187: {  	[hbm4b:s24+s2] =	stream.linear.scatter [tilespmem:s8], [sflag:$0x7], $0x2000, $0x38;
	[tilespmem:$0x8800] =	vst v63  }
0x188: {  	_ =	swait.ge [sflag:s5], $0x2000  }
0x189: {  	[sflag:s5] =	ssyncset.done $0x0  }
0x18a: {  	[sflag:s5] =	ssyncadd.s32 $0xFFFFE000  }
0x18b: {  	[tilespmem:s10], [sflag:$0x2] =	stream.indirect.gather [hbm4b:s9+s11], $0x40, s19, s11, $0xb8;
	[tilespmem:$0x8800] =	vst v63  }
0x18c: {  	_ =	swait.ge [sflag:s12], $0x2000  }
0x18d: {  	[sflag:s12] =	ssyncset.done $0x0  }
0x18e: {  	s25 =	rddreg [dreg:$0xf];
	[sflag:s12] =	ssyncadd.s32 $0xFFFFE000  }
0x18f: {  	[hbm4b:s25+s2] =	stream.linear.scatter [tilespmem:s7], [sflag:$0x8], $0x2000, $0x38;
	[tilespmem:$0x8800] =	vst v63  }
0x190: {  	_ =	swait.ge [sflag:s6], $0x2000  }
0x191: {  	[sflag:s6] =	ssyncset.done $0x0  }
0x192: {  	[sflag:s6] =	ssyncadd.s32 $0xFFFFE000  }
0x193: {  	[tilespmem:s8], [sflag:$0x3] =	stream.indirect.gather [hbm4b:s9+s11], $0x40, s18, s11, $0xb8;
	[tilespmem:$0x8800] =	vst v63  }
0x194: {  	_ =	swait.ge [sflag:s16], $0x2000  }
0x195: {  	[sflag:s16] =	ssyncset.done $0x0  }
0x196: {  	s26 =	rddreg [dreg:$0x10];
	[sflag:s16] =	ssyncadd.s32 $0xFFFFE000  }
0x197: {  	[hbm4b:s26+s2] =	stream.linear.scatter [tilespmem:s15], [sflag:$0x5], $0x2000, $0x38;
	[tilespmem:$0x8800] =	vst v63  }
0x198: {  	_ =	swait.ge [sflag:s3], $0x2000  }
0x199: {  	[sflag:s3] =	ssyncset.done $0x0  }
0x19a: {  	[sflag:s3] =	ssyncadd.s32 $0xFFFFE000  }
0x19b: {  	[tilespmem:s7], [sflag:$0x4] =	stream.indirect.gather [hbm4b:s9+s11], $0x40, s17, s11, $0xb8;
	[tilespmem:$0x8800] =	vst v63  }
0x19c: {  	_ =	swait.ge [sflag:s14], $0x2000  }
0x19d: {  	[sflag:s14] =	ssyncset.done $0x0  }
0x19e: {  	s28 =	rddreg [dreg:$0x11];
	[sflag:s14] =	ssyncadd.s32 $0xFFFFE000  }
0x19f: {  	[hbm4b:s28+s2] =	stream.linear.scatter [tilespmem:s10], [sflag:$0x6], $0x2000, $0x38;
	[tilespmem:$0x8800] =	vst v63  }
0x1a0: {  	_ =	swait.ge [sflag:s13], $0x2000  }
0x1a1: {  	[sflag:s13] =	ssyncset.done $0x0  }
0x1a2: {  	s29 =	rddreg [dreg:$0x12];
	[sflag:s13] =	ssyncadd.s32 $0xFFFFE000  }
0x1a3: {  	[hbm4b:s29+s2] =	stream.linear.scatter [tilespmem:s8], [sflag:$0x7], $0x2000, $0x38;
	[tilespmem:$0x8800] =	vst v63  }
0x1a4: {  	_ =	swait.ge [sflag:s12], $0x2000  }
0x1a5: {  	[sflag:s12] =	ssyncset.done $0x0  }
0x1a6: {  	s30 =	rddreg [dreg:$0x13];
	[sflag:s12] =	ssyncadd.s32 $0xFFFFE000  }
0x1a7: {  	[hbm4b:s30+s2] =	stream.linear.scatter [tilespmem:s7], [sflag:$0x8], $0x2000, $0x38;
	[tilespmem:$0x8800] =	vst v63  }
0x1a8: {  	_ =	swait.ge [sflag:s4], $0x2000  }
0x1a9: {  	[sflag:s4] =	ssyncset.done $0x0  }
0x1aa: {  	[sflag:s4] =	ssyncadd.s32 $0xFFFFE000  }
0x1ab: {  	_ =	swait.ge [sflag:s5], $0x2000  }
0x1ac: {  	[sflag:s5] =	ssyncset.done $0x0  }
0x1ad: {  	[sflag:s5] =	ssyncadd.s32 $0xFFFFE000  }
0x1ae: {  	_ =	swait.ge [sflag:s6], $0x2000  }
0x1af: {  	[sflag:s6] =	ssyncset.done $0x0  }
0x1b0: {  	[sflag:s6] =	ssyncadd.s32 $0xFFFFE000  }
0x1b1: {  	_ =	swait.ge [sflag:s3], $0x2000  }
0x1b2: {  	[sflag:s3] =	ssyncset.done $0x0  }
0x1b3: {  	[sflag:s3] =	ssyncadd.s32 $0xFFFFE000  }
0x1b4: {  	_ =	sfence.sel $0x180000  }
0x1b5: {  	[bflag:$0x0] =	sbarrier.arrive $0xFFFF  }
0x1b6: {  	_ =	strace $0x9000004D  }
0x1b7: {  	s31 =	stileid.u32;
	[bflag:$0x2] =	sbarrier.arrive $0xFFFF  }
0x1b8: {  	p0 =	sne.s32 s31, $0x0;
	s0 =	rddreg [dreg:$0x2]  }
0x1b9: {  	s0 =	sadd.s32 @!p0 $0x100000, s0  }
0x1ba: {  	[sflag:s0] =	ssyncadd.tile.s32 @!p0 $0x1;
	_ =	shalt  }
.Lfunc_end2:
_tile_overlayer_lowered:
.L_overlay_start_2:
0x1bb: {  	(tag) =	ssettag $0x2  }
0x1bc: {  	s0 =	rddreg [dreg:$0x0];
	s2 =	stileid.u32  }
0x1bd: {  	s1 =	rddreg [dreg:$0x1];
	p0 =	sne.s32 s2, $0x0  }
0x1be: {  	s3 =	rddreg [dreg:$0x2];
	[bflag:$0x3] =	sbarrier.arrive $0xFFFF;
	s2 =	simm.s32 @!p0 $0x1C09  }
0x1bf: {  	[timem:s3], [sflag:s2] =	dma.local @!p0 [hbm:s0], s1  }
0x1c0: {  	s0 =	simm.s32 @!p0 $0x9  }
0x1c1: {  	_ =	swait.ge @!p0 [sflag:s0], s1  }
0x1c2: {  	s1 =	ssub.s32 @!p0 $0x0, s1;
	[sflag:s0] =	ssyncset.done @!p0 $0x0  }
0x1c3: {  	[sflag:s0] =	ssyncadd.s32 @!p0 s1  }
0x1c4: {  	[bflag:$0x3] =	sbarrier.arrive $0xFFFF  }
0x1c5: {  	_ =	shalt  }

</sc_bundles>
